<compile_context>
chip_gen: v7x
topology: tpu7x:2x2x1
jax: 0.10.2.dev20260603
libtpu: 0.0.44.dev20260713+nightly
codegen_flags: <defaults>
</compile_context>

<pallas_src>
import functools

import jax
import jax.numpy as jnp
from jax import lax
from jax.experimental import pallas as pl
from jax.experimental.pallas import tpu as pltpu
from jax.experimental.pallas import tpu_sc as plsc

VOCAB_ = 1000000
B_ = 16384
D_ = 64
PW_ = 128
NEG_ = 20
L_ = 16
NC_ = 2
NS_ = 16
NW_ = NC_ * NS_
CB_ = B_ // NW_
G_ = 16
NCHUNK_ = CB_ // G_
PAIRS_ = G_ * NEG_
SEGS_ = (128, 128, 64)
KD_ = D_ // L_

TRB_ = 7936
NTRB_ = 64
SSPLIT_ = TRB_ * NTRB_


def _tr_body(xa_ref, xb_ref, o_ref):
    ya = lax.transpose(xa_ref[...], (1, 0))
    yb = lax.transpose(xb_ref[...], (1, 0))
    o_ref[...] = jnp.concatenate([ya, yb], axis=1)


_tr = pl.pallas_call(
    _tr_body,
    grid=(NTRB_,),
    in_specs=[
        pl.BlockSpec((D_, TRB_), lambda i: (0, i)),
        pl.BlockSpec((D_, TRB_),
                     lambda i: (0, jnp.minimum(i + NTRB_, VOCAB_ // TRB_))),
    ],
    out_specs=pl.BlockSpec((TRB_, PW_), lambda i: (i, 0)),
    out_shape=jax.ShapeDtypeStruct((SSPLIT_, PW_), jnp.float32),
)


def _to_rows(table):
    tt = jnp.swapaxes(table, 0, 1)
    return _tr(tt, tt)


def _issue(g, in_hbm, out_hbm, row_w, row_c, row_n, wi, wo, wn, sem):
    cps = [
        pltpu.async_copy(in_hbm.at[row_w.at[pl.ds(g * G_, G_)]], wi, sem),
        pltpu.async_copy(out_hbm.at[row_c.at[pl.ds(g * G_, G_)]], wo, sem),
    ]
    off = 0
    for seg in SEGS_:
        cps.append(pltpu.async_copy(
            out_hbm.at[row_n.at[pl.ds(g * PAIRS_ + off, seg)]],
            wn.at[pl.ds(off, seg)], sem))
        off += seg
    return cps


def _sc_body(w_hbm, c_hbm, negs_hbm, in_hbm, out_hbm,
             pos_hbm, neg_hbm,
             idx_w, idx_c, idx_n, row_w, row_c, row_n,
             wi0, wo0, wn0, wi1, wo1, wn1,
             p_pos, p_neg, pos_buf, neg_buf, sem0, sem1):
    cid = lax.axis_index("c")
    sid = lax.axis_index("s")
    wid = sid * NC_ + cid
    base = wid * CB_
    nbase = wid * (CB_ * NEG_)

    bufs = ((wi0, wo0, wn0, sem0), (wi1, wo1, wn1, sem1))

    pltpu.sync_copy(w_hbm.at[pl.ds(base, CB_)], idx_w.at[pl.ds(0, CB_)])
    pltpu.sync_copy(c_hbm.at[pl.ds(base, CB_)], idx_c.at[pl.ds(0, CB_)])
    pltpu.sync_copy(negs_hbm.at[pl.ds(nbase, CB_ * NEG_)],
                    idx_n.at[pl.ds(0, CB_ * NEG_)])

    def mk_rows(i, c2):
        tw = idx_w[pl.ds(i * L_, L_)]
        row_w[pl.ds(i * L_, L_)] = (
            2 * tw - jnp.where(tw >= SSPLIT_, 2 * SSPLIT_ - 1, 0))
        tc = idx_c[pl.ds(i * L_, L_)]
        row_c[pl.ds(i * L_, L_)] = (
            2 * tc - jnp.where(tc >= SSPLIT_, 2 * SSPLIT_ - 1, 0))
        return c2
    lax.fori_loop(0, CB_ // L_, mk_rows, 0)

    def mk_rows_n(i, c2):
        tn = idx_n[pl.ds(i * L_, L_)]
        row_n[pl.ds(i * L_, L_)] = (
            2 * tn - jnp.where(tn >= SSPLIT_, 2 * SSPLIT_ - 1, 0))
        return c2
    lax.fori_loop(0, (CB_ * NEG_) // L_, mk_rows_n, 0)

    iota = lax.iota(jnp.int32, L_)

    def issue(g, s):
        wi, wo, wn, sem = bufs[s]
        _issue(g, in_hbm, out_hbm, row_w, row_c, row_n, wi, wo, wn, sem)

    def wait(g, s):
        wi, wo, wn, sem = bufs[s]
        pltpu.make_async_copy(
            in_hbm.at[row_w.at[pl.ds(g * G_, G_)]], wi, sem).wait()
        pltpu.make_async_copy(
            out_hbm.at[row_c.at[pl.ds(g * G_, G_)]], wo, sem).wait()
        off = 0
        for seg in SEGS_:
            pltpu.make_async_copy(
                out_hbm.at[row_n.at[pl.ds(g * PAIRS_ + off, seg)]],
                wn.at[pl.ds(off, seg)], sem).wait()
            off += seg

    def compute(g, s):
        wi_v, wo_v, wn_v, _ = bufs[s]

        def elem(j, carry2):
            acc_neg, acc_pos = carry2
            wis = [wi_v[j, pl.ds(k * L_, L_)] for k in range(KD_)]
            pacc = wo_v[j, pl.ds(0, L_)] * wis[0]
            for k in range(1, KD_):
                pacc = pacc + wo_v[j, pl.ds(k * L_, L_)] * wis[k]
            lane_p = j & (L_ - 1)
            acc_pos = jnp.where(iota == lane_p, jnp.sum(pacc), acc_pos)
            pos_buf[pl.ds(g * G_ + j - lane_p, L_)] = acc_pos
            for n in range(NEG_):
                p = j * NEG_ + n
                a = wn_v[p, pl.ds(0, L_)] * wis[0]
                for k in range(1, KD_):
                    a = a + wn_v[p, pl.ds(k * L_, L_)] * wis[k]
                lane = p & (L_ - 1)
                acc_neg = jnp.where(iota == lane, jnp.sum(a), acc_neg)
                neg_buf[pl.ds(g * PAIRS_ + p - lane, L_)] = acc_neg
            return (acc_neg, acc_pos)
        zero = jnp.zeros((L_,), jnp.float32)
        lax.fori_loop(0, G_, elem, (zero, zero))

    issue(0, 0)

    def outer(gg, c2):
        g = gg * 2
        issue(g + 1, 1)
        wait(g, 0)
        compute(g, 0)
        issue(g + 2, 0)
        wait(g + 1, 1)
        compute(g + 1, 1)
        return c2
    lax.fori_loop(0, NCHUNK_ // 2 - 1, outer, 0)

    g_last = NCHUNK_ - 2
    issue(g_last + 1, 1)
    wait(g_last, 0)
    compute(g_last, 0)
    wait(g_last + 1, 1)
    compute(g_last + 1, 1)

    def sig_pos(i, c2):
        v = pos_buf[pl.ds(i * L_, L_)]
        pos_buf[pl.ds(i * L_, L_)] = 1.0 / (1.0 + jnp.exp(-v))
        return c2
    lax.fori_loop(0, CB_ // L_, sig_pos, 0)

    def sig_neg(i, c2):
        v = neg_buf[pl.ds(i * L_, L_)]
        neg_buf[pl.ds(i * L_, L_)] = 1.0 / (1.0 + jnp.exp(v))
        return c2
    lax.fori_loop(0, (CB_ * NEG_) // L_, sig_neg, 0)

    pltpu.sync_copy(pos_buf, pos_hbm.at[pl.ds(base, CB_)])
    pltpu.sync_copy(neg_buf, neg_hbm.at[pl.ds(nbase, CB_ * NEG_)])


_sc_call = functools.partial(
    pl.kernel,
    out_type=(
        jax.ShapeDtypeStruct((B_,), jnp.float32),
        jax.ShapeDtypeStruct((B_ * NEG_,), jnp.float32),
    ),
    mesh=plsc.VectorSubcoreMesh(core_axis_name="c", subcore_axis_name="s"),
    compiler_params=pltpu.CompilerParams(
        needs_layout_passes=False, use_tc_tiling_on_sc=False),
    scratch_types=[
        pltpu.VMEM((CB_ + L_,), jnp.int32),
        pltpu.VMEM((CB_ + L_,), jnp.int32),
        pltpu.VMEM((CB_ * NEG_ + L_,), jnp.int32),
        pltpu.VMEM((CB_,), jnp.int32),
        pltpu.VMEM((CB_,), jnp.int32),
        pltpu.VMEM((CB_ * NEG_,), jnp.int32),
        pltpu.VMEM((G_, D_), jnp.float32),
        pltpu.VMEM((G_, D_), jnp.float32),
        pltpu.VMEM((PAIRS_, D_), jnp.float32),
        pltpu.VMEM((G_, D_), jnp.float32),
        pltpu.VMEM((G_, D_), jnp.float32),
        pltpu.VMEM((PAIRS_, D_), jnp.float32),
        pltpu.VMEM((G_ * L_,), jnp.float32),
        pltpu.VMEM((PAIRS_ * L_,), jnp.float32),
        pltpu.VMEM((CB_,), jnp.float32),
        pltpu.VMEM((CB_ * NEG_,), jnp.float32),
        pltpu.SemaphoreType.DMA,
        pltpu.SemaphoreType.DMA,
    ],
)(_sc_body)


@jax.jit
def kernel(w, c, negs, in_table, out_table):
    w32 = w.astype(jnp.int32)
    c32 = c.astype(jnp.int32)
    negs_flat = negs.astype(jnp.int32).reshape(B_ * NEG_)
    in_rows = _to_rows(in_table).reshape(2 * SSPLIT_, D_)
    out_rows = _to_rows(out_table).reshape(2 * SSPLIT_, D_)
    pos_flat, neg_flat = _sc_call(w32, c32, negs_flat, in_rows, out_rows)
    return (pos_flat.reshape(B_, 1), neg_flat.reshape(B_, NEG_, 1))

# --- scband reference (transcript-rebuilt; emitter-appended) ---
"""Pipeline reference for scband-word2-vec-6390911336468 (READ-ONLY COPY).

The authoritative reference and input builder live on the scoring server;
editing this copy changes nothing except your own understanding.
"""

import jax, jax.numpy as jnp
import numpy as np

VOCAB = 1000000
DIM = 64
B = 16384
NEG = 20

def setup_inputs(seed: int = 0) -> dict:
    key = jax.random.key(seed)
    k1, k2, k3, k4, k5 = jax.random.split(key, 5)
    w = jax.random.randint(k1, (B,), 0, VOCAB, dtype=jnp.int64) if jax.config.read('jax_enable_x64') else jax.random.randint(k1, (B,), 0, VOCAB).astype(jnp.int32)
    c = jax.random.randint(k2, (B,), 0, VOCAB).astype(w.dtype)
    negs = jax.random.randint(k3, (B, NEG), 0, VOCAB).astype(w.dtype)
    in_table = jax.random.normal(k4, (VOCAB, DIM), dtype=jnp.float32)
    out_table = jax.random.normal(k5, (VOCAB, DIM), dtype=jnp.float32)
    return {"w": w, "c": c, "negs": negs, "in_table": in_table, "out_table": out_table}

def reference(w, c, negs, in_table, out_table):
    # Embedding lookups (gathers)
    w_i = jnp.take(in_table, w, axis=0)          # [B, D]
    w_o = jnp.take(out_table, c, axis=0)         # [B, D]
    w_neg = jnp.take(out_table, negs, axis=0)    # [B, NEG, D]
    # pos_sim = sigmoid(bmm(w_o[:,None,:], w_i[:,:,None])) -> [B,1,1], squeeze(-1) -> [B,1]
    pos_logits = jnp.sum(w_o * w_i, axis=-1, keepdims=True)  # [B, 1]
    pos_sim = jax.nn.sigmoid(pos_logits)
    # neg_sim = sigmoid(bmm(-w_neg, w_i[:,:,None])) -> [B,NEG,1]; squeeze(1) is no-op since NEG>1
    neg_logits = -jnp.einsum('bnd,bd->bn', w_neg, w_i)[..., None]  # [B, NEG, 1]
    neg_sim = jax.nn.sigmoid(neg_logits)
    return (pos_sim, neg_sim)

if __name__ == "__main__":
    import jax
    _d = setup_inputs()
    print(jax.jit(kernel)(*tuple(_d.values())))

</pallas_src>

<mosaic_0001>
#map = affine_map<(d0, d1) -> (0)>
#map1 = affine_map<(d0, d1) -> (0, 0)>
module attributes {stable_mosaic.version = 14 : i64} {
  func.func @_sc_body(%arg0: i32, %arg1: i32, %arg2: memref<16384xi32, #tpu.memory_space<hbm>>, %arg3: memref<16384xi32, #tpu.memory_space<hbm>>, %arg4: memref<327680xi32, #tpu.memory_space<hbm>>, %arg5: memref<1015808x64xf32, #tpu.memory_space<hbm>>, %arg6: memref<1015808x64xf32, #tpu.memory_space<hbm>>, %arg7: memref<16384xf32, #tpu.memory_space<hbm>>, %arg8: memref<327680xf32, #tpu.memory_space<hbm>>, %arg9: memref<528xi32, #tpu.memory_space<vmem>>, %arg10: memref<528xi32, #tpu.memory_space<vmem>>, %arg11: memref<10256xi32, #tpu.memory_space<vmem>>, %arg12: memref<512xi32, #tpu.memory_space<vmem>>, %arg13: memref<512xi32, #tpu.memory_space<vmem>>, %arg14: memref<10240xi32, #tpu.memory_space<vmem>>, %arg15: memref<16x64xf32, #tpu.memory_space<vmem>>, %arg16: memref<16x64xf32, #tpu.memory_space<vmem>>, %arg17: memref<320x64xf32, #tpu.memory_space<vmem>>, %arg18: memref<16x64xf32, #tpu.memory_space<vmem>>, %arg19: memref<16x64xf32, #tpu.memory_space<vmem>>, %arg20: memref<320x64xf32, #tpu.memory_space<vmem>>, %arg21: memref<256xf32, #tpu.memory_space<vmem>>, %arg22: memref<5120xf32, #tpu.memory_space<vmem>>, %arg23: memref<512xf32, #tpu.memory_space<vmem>>, %arg24: memref<10240xf32, #tpu.memory_space<vmem>>, %arg25: memref<!tpu.dma_semaphore, #tpu.memory_space<semaphore_mem>>, %arg26: memref<!tpu.dma_semaphore, #tpu.memory_space<semaphore_mem>>) attributes {dimension_semantics = [#tpu.dimension_semantics<core_parallel>, #tpu.dimension_semantics<subcore_parallel>], iteration_bounds = array<i64: 2, 16>, scalar_prefetch = 0 : i64, scratch_operands = 18 : i64, tpu.core_type = #tpu.core_type<sc_vector_subcore>, window_params = [{transform_indices = #map}, {transform_indices = #map}, {transform_indices = #map}, {transform_indices = #map1}, {transform_indices = #map1}, {transform_indices = #map}, {transform_indices = #map}]} {
    %mul3A = arith.constant 2 : i32
    %mul3A_0 = arith.muli %arg1, %mul3A : i32
    %add3A = arith.addi %mul3A_0, %arg0 : i32
    %mul3A_1 = arith.constant 512 : i32
    %mul3A_2 = arith.muli %add3A, %mul3A_1 : i32
    %mul3A_3 = arith.constant 10240 : i32
    %mul3A_4 = arith.muli %add3A, %mul3A_3 : i32
    "tpu.region"() ({
      %run_scoped3A = tpu.sem_alloc : memref<!tpu.dma_semaphore, #tpu.memory_space<semaphore_mem>>
      %dma_start3A_183 = arith.constant 0 : i32
      %dma_start3A_184 = tpu.memref_slice %arg9[%dma_start3A_183] : memref<528xi32, #tpu.memory_space<vmem>> -> memref<512xi32, #tpu.memory_space<vmem>>
      %dma_start3A_185 = tpu.memref_slice %arg2[%mul3A_2] : memref<16384xi32, #tpu.memory_space<hbm>> -> memref<512xi32, #tpu.memory_space<hbm>>
      %dma_start3A_186 = arith.constant 0 : i32
      %dma_start3A_187 = tpu.memref_slice %arg9[%dma_start3A_186] : memref<528xi32, #tpu.memory_space<vmem>> -> memref<512xi32, #tpu.memory_space<vmem>>
      %dma_start3A_188 = tpu.memref_slice %arg2[%mul3A_2] : memref<16384xi32, #tpu.memory_space<hbm>> -> memref<512xi32, #tpu.memory_space<hbm>>
      tpu.enqueue_dma source(%dma_start3A_188 : memref<512xi32, #tpu.memory_space<hbm>>) target(%dma_start3A_187 : memref<512xi32, #tpu.memory_space<vmem>>) target_semaphore(%run_scoped3A : memref<!tpu.dma_semaphore, #tpu.memory_space<semaphore_mem>>)
      %dma_wait3A_189 = arith.constant 0 : i32
      %dma_wait3A_190 = tpu.memref_slice %arg9[%dma_wait3A_189] : memref<528xi32, #tpu.memory_space<vmem>> -> memref<512xi32, #tpu.memory_space<vmem>>
      %dma_wait3A_191 = tpu.memref_slice %arg2[%mul3A_2] : memref<16384xi32, #tpu.memory_space<hbm>> -> memref<512xi32, #tpu.memory_space<hbm>>
      %dma_wait3A_192 = arith.constant 0 : i32
      %dma_wait3A_193 = tpu.memref_slice %arg9[%dma_wait3A_192] : memref<528xi32, #tpu.memory_space<vmem>> -> memref<512xi32, #tpu.memory_space<vmem>>
      %dma_wait3A_194 = tpu.memref_slice %arg2[%mul3A_2] : memref<16384xi32, #tpu.memory_space<hbm>> -> memref<512xi32, #tpu.memory_space<hbm>>
      tpu.wait_dma2 semaphore(%run_scoped3A : memref<!tpu.dma_semaphore, #tpu.memory_space<semaphore_mem>>) src(%dma_wait3A_194 : memref<512xi32, #tpu.memory_space<hbm>>) dst(%dma_wait3A_193 : memref<512xi32, #tpu.memory_space<vmem>>)
      tpu.yield
    }) : () -> ()
    "tpu.region"() ({
      %run_scoped3A = tpu.sem_alloc : memref<!tpu.dma_semaphore, #tpu.memory_space<semaphore_mem>>
      %dma_start3A_183 = arith.constant 0 : i32
      %dma_start3A_184 = tpu.memref_slice %arg10[%dma_start3A_183] : memref<528xi32, #tpu.memory_space<vmem>> -> memref<512xi32, #tpu.memory_space<vmem>>
      %dma_start3A_185 = tpu.memref_slice %arg3[%mul3A_2] : memref<16384xi32, #tpu.memory_space<hbm>> -> memref<512xi32, #tpu.memory_space<hbm>>
      %dma_start3A_186 = arith.constant 0 : i32
      %dma_start3A_187 = tpu.memref_slice %arg10[%dma_start3A_186] : memref<528xi32, #tpu.memory_space<vmem>> -> memref<512xi32, #tpu.memory_space<vmem>>
      %dma_start3A_188 = tpu.memref_slice %arg3[%mul3A_2] : memref<16384xi32, #tpu.memory_space<hbm>> -> memref<512xi32, #tpu.memory_space<hbm>>
      tpu.enqueue_dma source(%dma_start3A_188 : memref<512xi32, #tpu.memory_space<hbm>>) target(%dma_start3A_187 : memref<512xi32, #tpu.memory_space<vmem>>) target_semaphore(%run_scoped3A : memref<!tpu.dma_semaphore, #tpu.memory_space<semaphore_mem>>)
      %dma_wait3A_189 = arith.constant 0 : i32
      %dma_wait3A_190 = tpu.memref_slice %arg10[%dma_wait3A_189] : memref<528xi32, #tpu.memory_space<vmem>> -> memref<512xi32, #tpu.memory_space<vmem>>
      %dma_wait3A_191 = tpu.memref_slice %arg3[%mul3A_2] : memref<16384xi32, #tpu.memory_space<hbm>> -> memref<512xi32, #tpu.memory_space<hbm>>
      %dma_wait3A_192 = arith.constant 0 : i32
      %dma_wait3A_193 = tpu.memref_slice %arg10[%dma_wait3A_192] : memref<528xi32, #tpu.memory_space<vmem>> -> memref<512xi32, #tpu.memory_space<vmem>>
      %dma_wait3A_194 = tpu.memref_slice %arg3[%mul3A_2] : memref<16384xi32, #tpu.memory_space<hbm>> -> memref<512xi32, #tpu.memory_space<hbm>>
      tpu.wait_dma2 semaphore(%run_scoped3A : memref<!tpu.dma_semaphore, #tpu.memory_space<semaphore_mem>>) src(%dma_wait3A_194 : memref<512xi32, #tpu.memory_space<hbm>>) dst(%dma_wait3A_193 : memref<512xi32, #tpu.memory_space<vmem>>)
      tpu.yield
    }) : () -> ()
    "tpu.region"() ({
      %run_scoped3A = tpu.sem_alloc : memref<!tpu.dma_semaphore, #tpu.memory_space<semaphore_mem>>
      %dma_start3A_183 = arith.constant 0 : i32
      %dma_start3A_184 = tpu.memref_slice %arg11[%dma_start3A_183] : memref<10256xi32, #tpu.memory_space<vmem>> -> memref<10240xi32, #tpu.memory_space<vmem>>
      %dma_start3A_185 = tpu.memref_slice %arg4[%mul3A_4] : memref<327680xi32, #tpu.memory_space<hbm>> -> memref<10240xi32, #tpu.memory_space<hbm>>
      %dma_start3A_186 = arith.constant 0 : i32
      %dma_start3A_187 = tpu.memref_slice %arg11[%dma_start3A_186] : memref<10256xi32, #tpu.memory_space<vmem>> -> memref<10240xi32, #tpu.memory_space<vmem>>
      %dma_start3A_188 = tpu.memref_slice %arg4[%mul3A_4] : memref<327680xi32, #tpu.memory_space<hbm>> -> memref<10240xi32, #tpu.memory_space<hbm>>
      tpu.enqueue_dma source(%dma_start3A_188 : memref<10240xi32, #tpu.memory_space<hbm>>) target(%dma_start3A_187 : memref<10240xi32, #tpu.memory_space<vmem>>) target_semaphore(%run_scoped3A : memref<!tpu.dma_semaphore, #tpu.memory_space<semaphore_mem>>)
      %dma_wait3A_189 = arith.constant 0 : i32
      %dma_wait3A_190 = tpu.memref_slice %arg11[%dma_wait3A_189] : memref<10256xi32, #tpu.memory_space<vmem>> -> memref<10240xi32, #tpu.memory_space<vmem>>
      %dma_wait3A_191 = tpu.memref_slice %arg4[%mul3A_4] : memref<327680xi32, #tpu.memory_space<hbm>> -> memref<10240xi32, #tpu.memory_space<hbm>>
      %dma_wait3A_192 = arith.constant 0 : i32
      %dma_wait3A_193 = tpu.memref_slice %arg11[%dma_wait3A_192] : memref<10256xi32, #tpu.memory_space<vmem>> -> memref<10240xi32, #tpu.memory_space<vmem>>
      %dma_wait3A_194 = tpu.memref_slice %arg4[%mul3A_4] : memref<327680xi32, #tpu.memory_space<hbm>> -> memref<10240xi32, #tpu.memory_space<hbm>>
      tpu.wait_dma2 semaphore(%run_scoped3A : memref<!tpu.dma_semaphore, #tpu.memory_space<semaphore_mem>>) src(%dma_wait3A_194 : memref<10240xi32, #tpu.memory_space<hbm>>) dst(%dma_wait3A_193 : memref<10240xi32, #tpu.memory_space<vmem>>)
      tpu.yield
    }) : () -> ()
    %scan3A = arith.constant 0 : i32
    %scan3A_5 = arith.constant 0 : i32
    %scan3A_6 = arith.constant 32 : i32
    %scan3A_7 = arith.addi %scan3A_5, %scan3A_6 : i32
    %scan3A_8 = arith.constant 1 : i32
    scf.for %scan3A_183 = %scan3A_5 to %scan3A_7 step %scan3A_8  : i32 {
      %mul3A_184 = arith.constant 16 : i32
      %mul3A_185 = arith.muli %scan3A_183, %mul3A_184 : i32
      %get3A = arith.index_cast %mul3A_185 : i32 to index
      %get3A_186 = tpu.vector_load %arg9[%get3A] {strides = array<i32>} : memref<528xi32, #tpu.memory_space<vmem>>, vector<16xi32>,
      %mul3A_187 = arith.constant 2 : i32
      %mul3A_188 = vector.broadcast %mul3A_187 : i32 to vector<16xi32>
      %mul3A_189 = arith.muli %mul3A_188, %get3A_186 : vector<16xi32>
      %ge3A = arith.constant 507904 : i32
      %ge3A_190 = vector.broadcast %ge3A : i32 to vector<16xi32>
      %ge3A_191 = arith.cmpi sge, %get3A_186, %ge3A_190 : vector<16xi32>
      %jit3A = arith.constant 1015807 : i32
      %jit3A_192 = arith.constant 0 : i32
      %broadcast_in_dim3A_193 = vector.broadcast %jit3A : i32 to vector<16xi32>
      %broadcast_in_dim3A_194 = vector.broadcast %jit3A_192 : i32 to vector<16xi32>
      %select_n3A = arith.select %ge3A_191, %broadcast_in_dim3A_193, %broadcast_in_dim3A_194 : vector<16xi1>, vector<16xi32>
      %sub3A = arith.subi %mul3A_189, %select_n3A : vector<16xi32>
      %mul3A_195 = arith.constant 16 : i32
      %mul3A_196 = arith.muli %scan3A_183, %mul3A_195 : i32
      %swap3A = arith.index_cast %mul3A_196 : i32 to index
      %swap3A_197 = tpu.vector_load %arg12[%swap3A] {strides = array<i32>} : memref<512xi32, #tpu.memory_space<vmem>>, vector<16xi32>,
      tpu.vector_store %arg12[%swap3A], %sub3A {strides = array<i32>} : memref<512xi32, #tpu.memory_space<vmem>>, vector<16xi32>,
      %mul3A_198 = arith.constant 16 : i32
      %mul3A_199 = arith.muli %scan3A_183, %mul3A_198 : i32
      %get3A_200 = arith.index_cast %mul3A_199 : i32 to index
      %get3A_201 = tpu.vector_load %arg10[%get3A_200] {strides = array<i32>} : memref<528xi32, #tpu.memory_space<vmem>>, vector<16xi32>,
      %mul3A_202 = arith.constant 2 : i32
      %mul3A_203 = vector.broadcast %mul3A_202 : i32 to vector<16xi32>
      %mul3A_204 = arith.muli %mul3A_203, %get3A_201 : vector<16xi32>
      %ge3A_205 = arith.constant 507904 : i32
      %ge3A_206 = vector.broadcast %ge3A_205 : i32 to vector<16xi32>
      %ge3A_207 = arith.cmpi sge, %get3A_201, %ge3A_206 : vector<16xi32>
      %jit3A_208 = arith.constant 1015807 : i32
      %jit3A_209 = arith.constant 0 : i32
      %broadcast_in_dim3A_210 = vector.broadcast %jit3A_208 : i32 to vector<16xi32>
      %broadcast_in_dim3A_211 = vector.broadcast %jit3A_209 : i32 to vector<16xi32>
      %select_n3A_212 = arith.select %ge3A_207, %broadcast_in_dim3A_210, %broadcast_in_dim3A_211 : vector<16xi1>, vector<16xi32>
      %sub3A_213 = arith.subi %mul3A_204, %select_n3A_212 : vector<16xi32>
      %mul3A_214 = arith.constant 16 : i32
      %mul3A_215 = arith.muli %scan3A_183, %mul3A_214 : i32
      %swap3A_216 = arith.index_cast %mul3A_215 : i32 to index
      %swap3A_217 = tpu.vector_load %arg13[%swap3A_216] {strides = array<i32>} : memref<512xi32, #tpu.memory_space<vmem>>, vector<16xi32>,
      tpu.vector_store %arg13[%swap3A_216], %sub3A_213 {strides = array<i32>} : memref<512xi32, #tpu.memory_space<vmem>>, vector<16xi32>,
    }
    %scan3A_9 = arith.constant 32 : i32
    %scan3A_10 = arith.constant 0 : i32
    %scan3A_11 = arith.constant 0 : i32
    %scan3A_12 = arith.constant 640 : i32
    %scan3A_13 = arith.addi %scan3A_11, %scan3A_12 : i32
    %scan3A_14 = arith.constant 1 : i32
    scf.for %scan3A_183 = %scan3A_11 to %scan3A_13 step %scan3A_14  : i32 {
      %mul3A_184 = arith.constant 16 : i32
      %mul3A_185 = arith.muli %scan3A_183, %mul3A_184 : i32
      %get3A = arith.index_cast %mul3A_185 : i32 to index
      %get3A_186 = tpu.vector_load %arg11[%get3A] {strides = array<i32>} : memref<10256xi32, #tpu.memory_space<vmem>>, vector<16xi32>,
      %mul3A_187 = arith.constant 2 : i32
      %mul3A_188 = vector.broadcast %mul3A_187 : i32 to vector<16xi32>
      %mul3A_189 = arith.muli %mul3A_188, %get3A_186 : vector<16xi32>
      %ge3A = arith.constant 507904 : i32
      %ge3A_190 = vector.broadcast %ge3A : i32 to vector<16xi32>
      %ge3A_191 = arith.cmpi sge, %get3A_186, %ge3A_190 : vector<16xi32>
      %jit3A = arith.constant 1015807 : i32
      %jit3A_192 = arith.constant 0 : i32
      %broadcast_in_dim3A_193 = vector.broadcast %jit3A : i32 to vector<16xi32>
      %broadcast_in_dim3A_194 = vector.broadcast %jit3A_192 : i32 to vector<16xi32>
      %select_n3A = arith.select %ge3A_191, %broadcast_in_dim3A_193, %broadcast_in_dim3A_194 : vector<16xi1>, vector<16xi32>
      %sub3A = arith.subi %mul3A_189, %select_n3A : vector<16xi32>
      %mul3A_195 = arith.constant 16 : i32
      %mul3A_196 = arith.muli %scan3A_183, %mul3A_195 : i32
      %swap3A = arith.index_cast %mul3A_196 : i32 to index
      %swap3A_197 = tpu.vector_load %arg14[%swap3A] {strides = array<i32>} : memref<10240xi32, #tpu.memory_space<vmem>>, vector<16xi32>,
      tpu.vector_store %arg14[%swap3A], %sub3A {strides = array<i32>} : memref<10240xi32, #tpu.memory_space<vmem>>, vector<16xi32>,
    }
    %scan3A_15 = arith.constant 640 : i32
    %iota3A = tpu.iota {dimensions = array<i32: 0>} : vector<16xi32>
    %dma_start3A = arith.constant 0 : i32
    %dma_start3A_16 = tpu.memref_slice %arg12[%dma_start3A] : memref<512xi32, #tpu.memory_space<vmem>> -> memref<16xi32, #tpu.memory_space<vmem>>
    %dma_start3A_17 = arith.constant 0 : i32
    %dma_start3A_18 = arith.constant 0 : i32
    %dma_start3A_19 = tpu.memref_slice %arg5[%dma_start3A_17, %dma_start3A_18] : memref<1015808x64xf32, #tpu.memory_space<hbm>> -> memref<1015808x64xf32, #tpu.memory_space<hbm>>
    tpu.enqueue_indirect_dma source(%dma_start3A_19 : memref<1015808x64xf32, #tpu.memory_space<hbm>>) target(%arg15 : memref<16x64xf32, #tpu.memory_space<vmem>>) offsets(%dma_start3A_16 : memref<16xi32, #tpu.memory_space<vmem>>) semaphore(%arg25 : memref<!tpu.dma_semaphore, #tpu.memory_space<semaphore_mem>>)
    %dma_start3A_20 = arith.constant 0 : i32
    %dma_start3A_21 = tpu.memref_slice %arg13[%dma_start3A_20] : memref<512xi32, #tpu.memory_space<vmem>> -> memref<16xi32, #tpu.memory_space<vmem>>
    %dma_start3A_22 = arith.constant 0 : i32
    %dma_start3A_23 = arith.constant 0 : i32
    %dma_start3A_24 = tpu.memref_slice %arg6[%dma_start3A_22, %dma_start3A_23] : memref<1015808x64xf32, #tpu.memory_space<hbm>> -> memref<1015808x64xf32, #tpu.memory_space<hbm>>
    tpu.enqueue_indirect_dma source(%dma_start3A_24 : memref<1015808x64xf32, #tpu.memory_space<hbm>>) target(%arg16 : memref<16x64xf32, #tpu.memory_space<vmem>>) offsets(%dma_start3A_21 : memref<16xi32, #tpu.memory_space<vmem>>) semaphore(%arg25 : memref<!tpu.dma_semaphore, #tpu.memory_space<semaphore_mem>>)
    %dma_start3A_25 = arith.constant 0 : i32
    %dma_start3A_26 = arith.constant 0 : i32
    %dma_start3A_27 = tpu.memref_slice %arg17[%dma_start3A_25, %dma_start3A_26] : memref<320x64xf32, #tpu.memory_space<vmem>> -> memref<128x64xf32, #tpu.memory_space<vmem>>
    %dma_start3A_28 = arith.constant 0 : i32
    %dma_start3A_29 = tpu.memref_slice %arg14[%dma_start3A_28] : memref<10240xi32, #tpu.memory_space<vmem>> -> memref<128xi32, #tpu.memory_space<vmem>>
    %dma_start3A_30 = arith.constant 0 : i32
    %dma_start3A_31 = arith.constant 0 : i32
    %dma_start3A_32 = tpu.memref_slice %arg6[%dma_start3A_30, %dma_start3A_31] : memref<1015808x64xf32, #tpu.memory_space<hbm>> -> memref<1015808x64xf32, #tpu.memory_space<hbm>>
    tpu.enqueue_indirect_dma source(%dma_start3A_32 : memref<1015808x64xf32, #tpu.memory_space<hbm>>) target(%dma_start3A_27 : memref<128x64xf32, #tpu.memory_space<vmem>>) offsets(%dma_start3A_29 : memref<128xi32, #tpu.memory_space<vmem>>) semaphore(%arg25 : memref<!tpu.dma_semaphore, #tpu.memory_space<semaphore_mem>>)
    %dma_start3A_33 = arith.constant 128 : i32
    %dma_start3A_34 = arith.constant 0 : i32
    %dma_start3A_35 = tpu.memref_slice %arg17[%dma_start3A_33, %dma_start3A_34] : memref<320x64xf32, #tpu.memory_space<vmem>> -> memref<128x64xf32, #tpu.memory_space<vmem>>
    %dma_start3A_36 = arith.constant 128 : i32
    %dma_start3A_37 = tpu.memref_slice %arg14[%dma_start3A_36] : memref<10240xi32, #tpu.memory_space<vmem>> -> memref<128xi32, #tpu.memory_space<vmem>>
    %dma_start3A_38 = arith.constant 0 : i32
    %dma_start3A_39 = arith.constant 0 : i32
    %dma_start3A_40 = tpu.memref_slice %arg6[%dma_start3A_38, %dma_start3A_39] : memref<1015808x64xf32, #tpu.memory_space<hbm>> -> memref<1015808x64xf32, #tpu.memory_space<hbm>>
    tpu.enqueue_indirect_dma source(%dma_start3A_40 : memref<1015808x64xf32, #tpu.memory_space<hbm>>) target(%dma_start3A_35 : memref<128x64xf32, #tpu.memory_space<vmem>>) offsets(%dma_start3A_37 : memref<128xi32, #tpu.memory_space<vmem>>) semaphore(%arg25 : memref<!tpu.dma_semaphore, #tpu.memory_space<semaphore_mem>>)
    %dma_start3A_41 = arith.constant 256 : i32
    %dma_start3A_42 = arith.constant 0 : i32
    %dma_start3A_43 = tpu.memref_slice %arg17[%dma_start3A_41, %dma_start3A_42] : memref<320x64xf32, #tpu.memory_space<vmem>> -> memref<64x64xf32, #tpu.memory_space<vmem>>
    %dma_start3A_44 = arith.constant 256 : i32
    %dma_start3A_45 = tpu.memref_slice %arg14[%dma_start3A_44] : memref<10240xi32, #tpu.memory_space<vmem>> -> memref<64xi32, #tpu.memory_space<vmem>>
    %dma_start3A_46 = arith.constant 0 : i32
    %dma_start3A_47 = arith.constant 0 : i32
    %dma_start3A_48 = tpu.memref_slice %arg6[%dma_start3A_46, %dma_start3A_47] : memref<1015808x64xf32, #tpu.memory_space<hbm>> -> memref<1015808x64xf32, #tpu.memory_space<hbm>>
    tpu.enqueue_indirect_dma source(%dma_start3A_48 : memref<1015808x64xf32, #tpu.memory_space<hbm>>) target(%dma_start3A_43 : memref<64x64xf32, #tpu.memory_space<vmem>>) offsets(%dma_start3A_45 : memref<64xi32, #tpu.memory_space<vmem>>) semaphore(%arg25 : memref<!tpu.dma_semaphore, #tpu.memory_space<semaphore_mem>>)
    %scan3A_49 = arith.constant 0 : i32
    %scan3A_50 = arith.constant 0 : i32
    %scan3A_51 = arith.constant 15 : i32
    %scan3A_52 = arith.addi %scan3A_50, %scan3A_51 : i32
    %scan3A_53 = arith.constant 1 : i32
    scf.for %scan3A_183 = %scan3A_50 to %scan3A_52 step %scan3A_53  : i32 {
      %mul3A_184 = arith.constant 2 : i32
      %mul3A_185 = arith.muli %scan3A_183, %mul3A_184 : i32
      %add3A_186 = arith.constant 1 : i32
      %add3A_187 = arith.addi %mul3A_185, %add3A_186 : i32
      %mul3A_188 = arith.constant 16 : i32
      %mul3A_189 = arith.muli %add3A_187, %mul3A_188 : i32
      %dma_start3A_190 = tpu.memref_slice %arg12[%mul3A_189] : memref<512xi32, #tpu.memory_space<vmem>> -> memref<16xi32, #tpu.memory_space<vmem>>
      %dma_start3A_191 = arith.constant 0 : i32
      %dma_start3A_192 = arith.constant 0 : i32
      %dma_start3A_193 = tpu.memref_slice %arg5[%dma_start3A_191, %dma_start3A_192] : memref<1015808x64xf32, #tpu.memory_space<hbm>> -> memref<1015808x64xf32, #tpu.memory_space<hbm>>
      tpu.enqueue_indirect_dma source(%dma_start3A_193 : memref<1015808x64xf32, #tpu.memory_space<hbm>>) target(%arg18 : memref<16x64xf32, #tpu.memory_space<vmem>>) offsets(%dma_start3A_190 : memref<16xi32, #tpu.memory_space<vmem>>) semaphore(%arg26 : memref<!tpu.dma_semaphore, #tpu.memory_space<semaphore_mem>>)
      %mul3A_194 = arith.constant 16 : i32
      %mul3A_195 = arith.muli %add3A_187, %mul3A_194 : i32
      %dma_start3A_196 = tpu.memref_slice %arg13[%mul3A_195] : memref<512xi32, #tpu.memory_space<vmem>> -> memref<16xi32, #tpu.memory_space<vmem>>
      %dma_start3A_197 = arith.constant 0 : i32
      %dma_start3A_198 = arith.constant 0 : i32
      %dma_start3A_199 = tpu.memref_slice %arg6[%dma_start3A_197, %dma_start3A_198] : memref<1015808x64xf32, #tpu.memory_space<hbm>> -> memref<1015808x64xf32, #tpu.memory_space<hbm>>
      tpu.enqueue_indirect_dma source(%dma_start3A_199 : memref<1015808x64xf32, #tpu.memory_space<hbm>>) target(%arg19 : memref<16x64xf32, #tpu.memory_space<vmem>>) offsets(%dma_start3A_196 : memref<16xi32, #tpu.memory_space<vmem>>) semaphore(%arg26 : memref<!tpu.dma_semaphore, #tpu.memory_space<semaphore_mem>>)
      %mul3A_200 = arith.constant 320 : i32
      %mul3A_201 = arith.muli %add3A_187, %mul3A_200 : i32
      %add3A_202 = arith.constant 0 : i32
      %add3A_203 = arith.addi %mul3A_201, %add3A_202 : i32
      %dma_start3A_204 = arith.constant 0 : i32
      %dma_start3A_205 = arith.constant 0 : i32
      %dma_start3A_206 = tpu.memref_slice %arg20[%dma_start3A_204, %dma_start3A_205] : memref<320x64xf32, #tpu.memory_space<vmem>> -> memref<128x64xf32, #tpu.memory_space<vmem>>
      %dma_start3A_207 = tpu.memref_slice %arg14[%add3A_203] : memref<10240xi32, #tpu.memory_space<vmem>> -> memref<128xi32, #tpu.memory_space<vmem>>
      %dma_start3A_208 = arith.constant 0 : i32
      %dma_start3A_209 = arith.constant 0 : i32
      %dma_start3A_210 = tpu.memref_slice %arg6[%dma_start3A_208, %dma_start3A_209] : memref<1015808x64xf32, #tpu.memory_space<hbm>> -> memref<1015808x64xf32, #tpu.memory_space<hbm>>
      tpu.enqueue_indirect_dma source(%dma_start3A_210 : memref<1015808x64xf32, #tpu.memory_space<hbm>>) target(%dma_start3A_206 : memref<128x64xf32, #tpu.memory_space<vmem>>) offsets(%dma_start3A_207 : memref<128xi32, #tpu.memory_space<vmem>>) semaphore(%arg26 : memref<!tpu.dma_semaphore, #tpu.memory_space<semaphore_mem>>)
      %mul3A_211 = arith.constant 320 : i32
      %mul3A_212 = arith.muli %add3A_187, %mul3A_211 : i32
      %add3A_213 = arith.constant 128 : i32
      %add3A_214 = arith.addi %mul3A_212, %add3A_213 : i32
      %dma_start3A_215 = arith.constant 128 : i32
      %dma_start3A_216 = arith.constant 0 : i32
      %dma_start3A_217 = tpu.memref_slice %arg20[%dma_start3A_215, %dma_start3A_216] : memref<320x64xf32, #tpu.memory_space<vmem>> -> memref<128x64xf32, #tpu.memory_space<vmem>>
      %dma_start3A_218 = tpu.memref_slice %arg14[%add3A_214] : memref<10240xi32, #tpu.memory_space<vmem>> -> memref<128xi32, #tpu.memory_space<vmem>>
      %dma_start3A_219 = arith.constant 0 : i32
      %dma_start3A_220 = arith.constant 0 : i32
      %dma_start3A_221 = tpu.memref_slice %arg6[%dma_start3A_219, %dma_start3A_220] : memref<1015808x64xf32, #tpu.memory_space<hbm>> -> memref<1015808x64xf32, #tpu.memory_space<hbm>>
      tpu.enqueue_indirect_dma source(%dma_start3A_221 : memref<1015808x64xf32, #tpu.memory_space<hbm>>) target(%dma_start3A_217 : memref<128x64xf32, #tpu.memory_space<vmem>>) offsets(%dma_start3A_218 : memref<128xi32, #tpu.memory_space<vmem>>) semaphore(%arg26 : memref<!tpu.dma_semaphore, #tpu.memory_space<semaphore_mem>>)
      %mul3A_222 = arith.constant 320 : i32
      %mul3A_223 = arith.muli %add3A_187, %mul3A_222 : i32
      %add3A_224 = arith.constant 256 : i32
      %add3A_225 = arith.addi %mul3A_223, %add3A_224 : i32
      %dma_start3A_226 = arith.constant 256 : i32
      %dma_start3A_227 = arith.constant 0 : i32
      %dma_start3A_228 = tpu.memref_slice %arg20[%dma_start3A_226, %dma_start3A_227] : memref<320x64xf32, #tpu.memory_space<vmem>> -> memref<64x64xf32, #tpu.memory_space<vmem>>
      %dma_start3A_229 = tpu.memref_slice %arg14[%add3A_225] : memref<10240xi32, #tpu.memory_space<vmem>> -> memref<64xi32, #tpu.memory_space<vmem>>
      %dma_start3A_230 = arith.constant 0 : i32
      %dma_start3A_231 = arith.constant 0 : i32
      %dma_start3A_232 = tpu.memref_slice %arg6[%dma_start3A_230, %dma_start3A_231] : memref<1015808x64xf32, #tpu.memory_space<hbm>> -> memref<1015808x64xf32, #tpu.memory_space<hbm>>
      tpu.enqueue_indirect_dma source(%dma_start3A_232 : memref<1015808x64xf32, #tpu.memory_space<hbm>>) target(%dma_start3A_228 : memref<64x64xf32, #tpu.memory_space<vmem>>) offsets(%dma_start3A_229 : memref<64xi32, #tpu.memory_space<vmem>>) semaphore(%arg26 : memref<!tpu.dma_semaphore, #tpu.memory_space<semaphore_mem>>)
      %mul3A_233 = arith.constant 16 : i32
      %mul3A_234 = arith.muli %mul3A_185, %mul3A_233 : i32
      %dma_wait3A_235 = tpu.memref_slice %arg12[%mul3A_234] : memref<512xi32, #tpu.memory_space<vmem>> -> memref<16xi32, #tpu.memory_space<vmem>>
      %dma_wait3A_236 = arith.constant 0 : i32
      %dma_wait3A_237 = arith.constant 0 : i32
      %dma_wait3A_238 = tpu.memref_slice %arg5[%dma_wait3A_236, %dma_wait3A_237] : memref<1015808x64xf32, #tpu.memory_space<hbm>> -> memref<1015808x64xf32, #tpu.memory_space<hbm>>
      tpu.wait_indirect_dma semaphore(%arg25 : memref<!tpu.dma_semaphore, #tpu.memory_space<semaphore_mem>>) src(%dma_wait3A_238 : memref<1015808x64xf32, #tpu.memory_space<hbm>>) dst(%arg15 : memref<16x64xf32, #tpu.memory_space<vmem>>)
      %mul3A_239 = arith.constant 16 : i32
      %mul3A_240 = arith.muli %mul3A_185, %mul3A_239 : i32
      %dma_wait3A_241 = tpu.memref_slice %arg13[%mul3A_240] : memref<512xi32, #tpu.memory_space<vmem>> -> memref<16xi32, #tpu.memory_space<vmem>>
      %dma_wait3A_242 = arith.constant 0 : i32
      %dma_wait3A_243 = arith.constant 0 : i32
      %dma_wait3A_244 = tpu.memref_slice %arg6[%dma_wait3A_242, %dma_wait3A_243] : memref<1015808x64xf32, #tpu.memory_space<hbm>> -> memref<1015808x64xf32, #tpu.memory_space<hbm>>
      tpu.wait_indirect_dma semaphore(%arg25 : memref<!tpu.dma_semaphore, #tpu.memory_space<semaphore_mem>>) src(%dma_wait3A_244 : memref<1015808x64xf32, #tpu.memory_space<hbm>>) dst(%arg16 : memref<16x64xf32, #tpu.memory_space<vmem>>)
      %mul3A_245 = arith.constant 320 : i32
      %mul3A_246 = arith.muli %mul3A_185, %mul3A_245 : i32
      %add3A_247 = arith.constant 0 : i32
      %add3A_248 = arith.addi %mul3A_246, %add3A_247 : i32
      %dma_wait3A_249 = arith.constant 0 : i32
      %dma_wait3A_250 = arith.constant 0 : i32
      %dma_wait3A_251 = tpu.memref_slice %arg17[%dma_wait3A_249, %dma_wait3A_250] : memref<320x64xf32, #tpu.memory_space<vmem>> -> memref<128x64xf32, #tpu.memory_space<vmem>>
      %dma_wait3A_252 = tpu.memref_slice %arg14[%add3A_248] : memref<10240xi32, #tpu.memory_space<vmem>> -> memref<128xi32, #tpu.memory_space<vmem>>
      %dma_wait3A_253 = arith.constant 0 : i32
      %dma_wait3A_254 = arith.constant 0 : i32
      %dma_wait3A_255 = tpu.memref_slice %arg6[%dma_wait3A_253, %dma_wait3A_254] : memref<1015808x64xf32, #tpu.memory_space<hbm>> -> memref<1015808x64xf32, #tpu.memory_space<hbm>>
      tpu.wait_indirect_dma semaphore(%arg25 : memref<!tpu.dma_semaphore, #tpu.memory_space<semaphore_mem>>) src(%dma_wait3A_255 : memref<1015808x64xf32, #tpu.memory_space<hbm>>) dst(%dma_wait3A_251 : memref<128x64xf32, #tpu.memory_space<vmem>>)
      %mul3A_256 = arith.constant 320 : i32
      %mul3A_257 = arith.muli %mul3A_185, %mul3A_256 : i32
      %add3A_258 = arith.constant 128 : i32
      %add3A_259 = arith.addi %mul3A_257, %add3A_258 : i32
      %dma_wait3A_260 = arith.constant 128 : i32
      %dma_wait3A_261 = arith.constant 0 : i32
      %dma_wait3A_262 = tpu.memref_slice %arg17[%dma_wait3A_260, %dma_wait3A_261] : memref<320x64xf32, #tpu.memory_space<vmem>> -> memref<128x64xf32, #tpu.memory_space<vmem>>
      %dma_wait3A_263 = tpu.memref_slice %arg14[%add3A_259] : memref<10240xi32, #tpu.memory_space<vmem>> -> memref<128xi32, #tpu.memory_space<vmem>>
      %dma_wait3A_264 = arith.constant 0 : i32
      %dma_wait3A_265 = arith.constant 0 : i32
      %dma_wait3A_266 = tpu.memref_slice %arg6[%dma_wait3A_264, %dma_wait3A_265] : memref<1015808x64xf32, #tpu.memory_space<hbm>> -> memref<1015808x64xf32, #tpu.memory_space<hbm>>
      tpu.wait_indirect_dma semaphore(%arg25 : memref<!tpu.dma_semaphore, #tpu.memory_space<semaphore_mem>>) src(%dma_wait3A_266 : memref<1015808x64xf32, #tpu.memory_space<hbm>>) dst(%dma_wait3A_262 : memref<128x64xf32, #tpu.memory_space<vmem>>)
      %mul3A_267 = arith.constant 320 : i32
      %mul3A_268 = arith.muli %mul3A_185, %mul3A_267 : i32
      %add3A_269 = arith.constant 256 : i32
      %add3A_270 = arith.addi %mul3A_268, %add3A_269 : i32
      %dma_wait3A_271 = arith.constant 256 : i32
      %dma_wait3A_272 = arith.constant 0 : i32
      %dma_wait3A_273 = tpu.memref_slice %arg17[%dma_wait3A_271, %dma_wait3A_272] : memref<320x64xf32, #tpu.memory_space<vmem>> -> memref<64x64xf32, #tpu.memory_space<vmem>>
      %dma_wait3A_274 = tpu.memref_slice %arg14[%add3A_270] : memref<10240xi32, #tpu.memory_space<vmem>> -> memref<64xi32, #tpu.memory_space<vmem>>
      %dma_wait3A_275 = arith.constant 0 : i32
      %dma_wait3A_276 = arith.constant 0 : i32
      %dma_wait3A_277 = tpu.memref_slice %arg6[%dma_wait3A_275, %dma_wait3A_276] : memref<1015808x64xf32, #tpu.memory_space<hbm>> -> memref<1015808x64xf32, #tpu.memory_space<hbm>>
      tpu.wait_indirect_dma semaphore(%arg25 : memref<!tpu.dma_semaphore, #tpu.memory_space<semaphore_mem>>) src(%dma_wait3A_277 : memref<1015808x64xf32, #tpu.memory_space<hbm>>) dst(%dma_wait3A_273 : memref<64x64xf32, #tpu.memory_space<vmem>>)
      %broadcast_in_dim3A_278 = arith.constant 0.000000e+00 : f32
      %broadcast_in_dim3A_279 = vector.broadcast %broadcast_in_dim3A_278 : f32 to vector<16xf32>
      %scan3A_280 = arith.constant 0 : i32
      %scan3A_281 = arith.constant 16 : i32
      %scan3A_282 = arith.addi %scan3A_280, %scan3A_281 : i32
      %scan3A_283 = arith.constant 1 : i32
      %scan3A_284:2 = scf.for %scan3A_390 = %scan3A_280 to %scan3A_282 step %scan3A_283 iter_args(%scan3A_391 = %broadcast_in_dim3A_279, %scan3A_392 = %broadcast_in_dim3A_279) -> (vector<16xf32>, vector<16xf32>)  : i32 {
        %get3A = arith.index_cast %scan3A_390 : i32 to index
        %get3A_393 = arith.constant 0 : index
        %get3A_394 = tpu.vector_load %arg15[%get3A, %get3A_393] {strides = array<i32>} : memref<16x64xf32, #tpu.memory_space<vmem>>, vector<16xf32>,
        %get3A_395 = arith.index_cast %scan3A_390 : i32 to index
        %get3A_396 = arith.constant 16 : index
        %get3A_397 = tpu.vector_load %arg15[%get3A_395, %get3A_396] {strides = array<i32>} : memref<16x64xf32, #tpu.memory_space<vmem>>, vector<16xf32>,
        %get3A_398 = arith.index_cast %scan3A_390 : i32 to index
        %get3A_399 = arith.constant 32 : index
        %get3A_400 = tpu.vector_load %arg15[%get3A_398, %get3A_399] {strides = array<i32>} : memref<16x64xf32, #tpu.memory_space<vmem>>, vector<16xf32>,
        %get3A_401 = arith.index_cast %scan3A_390 : i32 to index
        %get3A_402 = arith.constant 48 : index
        %get3A_403 = tpu.vector_load %arg15[%get3A_401, %get3A_402] {strides = array<i32>} : memref<16x64xf32, #tpu.memory_space<vmem>>, vector<16xf32>,
        %get3A_404 = arith.index_cast %scan3A_390 : i32 to index
        %get3A_405 = arith.constant 0 : index
        %get3A_406 = tpu.vector_load %arg16[%get3A_404, %get3A_405] {strides = array<i32>} : memref<16x64xf32, #tpu.memory_space<vmem>>, vector<16xf32>,
        %mul3A_407 = arith.mulf %get3A_406, %get3A_394 : vector<16xf32>
        %get3A_408 = arith.index_cast %scan3A_390 : i32 to index
        %get3A_409 = arith.constant 16 : index
        %get3A_410 = tpu.vector_load %arg16[%get3A_408, %get3A_409] {strides = array<i32>} : memref<16x64xf32, #tpu.memory_space<vmem>>, vector<16xf32>,
        %mul3A_411 = arith.mulf %get3A_410, %get3A_397 : vector<16xf32>
        %add3A_412 = arith.addf %mul3A_407, %mul3A_411 : vector<16xf32>
        %get3A_413 = arith.index_cast %scan3A_390 : i32 to index
        %get3A_414 = arith.constant 32 : index
        %get3A_415 = tpu.vector_load %arg16[%get3A_413, %get3A_414] {strides = array<i32>} : memref<16x64xf32, #tpu.memory_space<vmem>>, vector<16xf32>,
        %mul3A_416 = arith.mulf %get3A_415, %get3A_400 : vector<16xf32>
        %add3A_417 = arith.addf %add3A_412, %mul3A_416 : vector<16xf32>
        %get3A_418 = arith.index_cast %scan3A_390 : i32 to index
        %get3A_419 = arith.constant 48 : index
        %get3A_420 = tpu.vector_load %arg16[%get3A_418, %get3A_419] {strides = array<i32>} : memref<16x64xf32, #tpu.memory_space<vmem>>, vector<16xf32>,
        %mul3A_421 = arith.mulf %get3A_420, %get3A_403 : vector<16xf32>
        %add3A_422 = arith.addf %add3A_417, %mul3A_421 : vector<16xf32>
        %and3A = arith.constant 15 : i32
        %and3A_423 = arith.andi %scan3A_390, %and3A : i32
        %eq3A = vector.broadcast %and3A_423 : i32 to vector<16xi32>
        %eq3A_424 = arith.cmpi eq, %iota3A, %eq3A : vector<16xi32>
        %reduce_sum3A = arith.constant true
        %reduce_sum3A_425 = vector.broadcast %reduce_sum3A : i1 to vector<16xi1>
        %reduce_sum3A_426 = tpu.scan <sum>, %add3A_422 masked %reduce_sum3A_425 : vector<16xf32>, vector<16xi1> -> vector<16xf32>
        %reduce_sum3A_427 = vector.extract %reduce_sum3A_426[15] : f32 from vector<16xf32>
        %broadcast_in_dim3A_428 = vector.broadcast %reduce_sum3A_427 : f32 to vector<16xf32>
        %select_n3A = arith.select %eq3A_424, %broadcast_in_dim3A_428, %scan3A_392 : vector<16xi1>, vector<16xf32>
        %mul3A_429 = arith.constant 16 : i32
        %mul3A_430 = arith.muli %mul3A_185, %mul3A_429 : i32
        %add3A_431 = arith.addi %mul3A_430, %scan3A_390 : i32
        %sub3A = arith.subi %add3A_431, %and3A_423 : i32
        %swap3A = arith.index_cast %sub3A : i32 to index
        %swap3A_432 = tpu.vector_load %arg23[%swap3A] {strides = array<i32>} : memref<512xf32, #tpu.memory_space<vmem>>, vector<16xf32>,
        tpu.vector_store %arg23[%swap3A], %select_n3A {strides = array<i32>} : memref<512xf32, #tpu.memory_space<vmem>>, vector<16xf32>,
        %mul3A_433 = arith.constant 20 : i32
        %mul3A_434 = arith.muli %scan3A_390, %mul3A_433 : i32
        %add3A_435 = arith.constant 0 : i32
        %add3A_436 = arith.addi %mul3A_434, %add3A_435 : i32
        %get3A_437 = arith.index_cast %add3A_436 : i32 to index
        %get3A_438 = arith.constant 0 : index
        %get3A_439 = tpu.vector_load %arg17[%get3A_437, %get3A_438] {strides = array<i32>} : memref<320x64xf32, #tpu.memory_space<vmem>>, vector<16xf32>,
        %mul3A_440 = arith.mulf %get3A_439, %get3A_394 : vector<16xf32>
        %get3A_441 = arith.index_cast %add3A_436 : i32 to index
        %get3A_442 = arith.constant 16 : index
        %get3A_443 = tpu.vector_load %arg17[%get3A_441, %get3A_442] {strides = array<i32>} : memref<320x64xf32, #tpu.memory_space<vmem>>, vector<16xf32>,
        %mul3A_444 = arith.mulf %get3A_443, %get3A_397 : vector<16xf32>
        %add3A_445 = arith.addf %mul3A_440, %mul3A_444 : vector<16xf32>
        %get3A_446 = arith.index_cast %add3A_436 : i32 to index
        %get3A_447 = arith.constant 32 : index
        %get3A_448 = tpu.vector_load %arg17[%get3A_446, %get3A_447] {strides = array<i32>} : memref<320x64xf32, #tpu.memory_space<vmem>>, vector<16xf32>,
        %mul3A_449 = arith.mulf %get3A_448, %get3A_400 : vector<16xf32>
        %add3A_450 = arith.addf %add3A_445, %mul3A_449 : vector<16xf32>
        %get3A_451 = arith.index_cast %add3A_436 : i32 to index
        %get3A_452 = arith.constant 48 : index
        %get3A_453 = tpu.vector_load %arg17[%get3A_451, %get3A_452] {strides = array<i32>} : memref<320x64xf32, #tpu.memory_space<vmem>>, vector<16xf32>,
        %mul3A_454 = arith.mulf %get3A_453, %get3A_403 : vector<16xf32>
        %add3A_455 = arith.addf %add3A_450, %mul3A_454 : vector<16xf32>
        %and3A_456 = arith.constant 15 : i32
        %and3A_457 = arith.andi %add3A_436, %and3A_456 : i32
        %eq3A_458 = vector.broadcast %and3A_457 : i32 to vector<16xi32>
        %eq3A_459 = arith.cmpi eq, %iota3A, %eq3A_458 : vector<16xi32>
        %reduce_sum3A_460 = arith.constant true
        %reduce_sum3A_461 = vector.broadcast %reduce_sum3A_460 : i1 to vector<16xi1>
        %reduce_sum3A_462 = tpu.scan <sum>, %add3A_455 masked %reduce_sum3A_461 : vector<16xf32>, vector<16xi1> -> vector<16xf32>
        %reduce_sum3A_463 = vector.extract %reduce_sum3A_462[15] : f32 from vector<16xf32>
        %broadcast_in_dim3A_464 = vector.broadcast %reduce_sum3A_463 : f32 to vector<16xf32>
        %select_n3A_465 = arith.select %eq3A_459, %broadcast_in_dim3A_464, %scan3A_391 : vector<16xi1>, vector<16xf32>
        %mul3A_466 = arith.constant 320 : i32
        %mul3A_467 = arith.muli %mul3A_185, %mul3A_466 : i32
        %add3A_468 = arith.addi %mul3A_467, %add3A_436 : i32
        %sub3A_469 = arith.subi %add3A_468, %and3A_457 : i32
        %swap3A_470 = arith.index_cast %sub3A_469 : i32 to index
        %swap3A_471 = tpu.vector_load %arg24[%swap3A_470] {strides = array<i32>} : memref<10240xf32, #tpu.memory_space<vmem>>, vector<16xf32>,
        tpu.vector_store %arg24[%swap3A_470], %select_n3A_465 {strides = array<i32>} : memref<10240xf32, #tpu.memory_space<vmem>>, vector<16xf32>,
        %mul3A_472 = arith.constant 20 : i32
        %mul3A_473 = arith.muli %scan3A_390, %mul3A_472 : i32
        %add3A_474 = arith.constant 1 : i32
        %add3A_475 = arith.addi %mul3A_473, %add3A_474 : i32
        %get3A_476 = arith.index_cast %add3A_475 : i32 to index
        %get3A_477 = arith.constant 0 : index
        %get3A_478 = tpu.vector_load %arg17[%get3A_476, %get3A_477] {strides = array<i32>} : memref<320x64xf32, #tpu.memory_space<vmem>>, vector<16xf32>,
        %mul3A_479 = arith.mulf %get3A_478, %get3A_394 : vector<16xf32>
        %get3A_480 = arith.index_cast %add3A_475 : i32 to index
        %get3A_481 = arith.constant 16 : index
        %get3A_482 = tpu.vector_load %arg17[%get3A_480, %get3A_481] {strides = array<i32>} : memref<320x64xf32, #tpu.memory_space<vmem>>, vector<16xf32>,
        %mul3A_483 = arith.mulf %get3A_482, %get3A_397 : vector<16xf32>
        %add3A_484 = arith.addf %mul3A_479, %mul3A_483 : vector<16xf32>
        %get3A_485 = arith.index_cast %add3A_475 : i32 to index
        %get3A_486 = arith.constant 32 : index
        %get3A_487 = tpu.vector_load %arg17[%get3A_485, %get3A_486] {strides = array<i32>} : memref<320x64xf32, #tpu.memory_space<vmem>>, vector<16xf32>,
        %mul3A_488 = arith.mulf %get3A_487, %get3A_400 : vector<16xf32>
        %add3A_489 = arith.addf %add3A_484, %mul3A_488 : vector<16xf32>
        %get3A_490 = arith.index_cast %add3A_475 : i32 to index
        %get3A_491 = arith.constant 48 : index
        %get3A_492 = tpu.vector_load %arg17[%get3A_490, %get3A_491] {strides = array<i32>} : memref<320x64xf32, #tpu.memory_space<vmem>>, vector<16xf32>,
        %mul3A_493 = arith.mulf %get3A_492, %get3A_403 : vector<16xf32>
        %add3A_494 = arith.addf %add3A_489, %mul3A_493 : vector<16xf32>
        %and3A_495 = arith.constant 15 : i32
        %and3A_496 = arith.andi %add3A_475, %and3A_495 : i32
        %eq3A_497 = vector.broadcast %and3A_496 : i32 to vector<16xi32>
        %eq3A_498 = arith.cmpi eq, %iota3A, %eq3A_497 : vector<16xi32>
        %reduce_sum3A_499 = arith.constant true
        %reduce_sum3A_500 = vector.broadcast %reduce_sum3A_499 : i1 to vector<16xi1>
        %reduce_sum3A_501 = tpu.scan <sum>, %add3A_494 masked %reduce_sum3A_500 : vector<16xf32>, vector<16xi1> -> vector<16xf32>
        %reduce_sum3A_502 = vector.extract %reduce_sum3A_501[15] : f32 from vector<16xf32>
        %broadcast_in_dim3A_503 = vector.broadcast %reduce_sum3A_502 : f32 to vector<16xf32>
        %select_n3A_504 = arith.select %eq3A_498, %broadcast_in_dim3A_503, %select_n3A_465 : vector<16xi1>, vector<16xf32>
        %mul3A_505 = arith.constant 320 : i32
        %mul3A_506 = arith.muli %mul3A_185, %mul3A_505 : i32
        %add3A_507 = arith.addi %mul3A_506, %add3A_475 : i32
        %sub3A_508 = arith.subi %add3A_507, %and3A_496 : i32
        %swap3A_509 = arith.index_cast %sub3A_508 : i32 to index
        %swap3A_510 = tpu.vector_load %arg24[%swap3A_509] {strides = array<i32>} : memref<10240xf32, #tpu.memory_space<vmem>>, vector<16xf32>,
        tpu.vector_store %arg24[%swap3A_509], %select_n3A_504 {strides = array<i32>} : memref<10240xf32, #tpu.memory_space<vmem>>, vector<16xf32>,
        %mul3A_511 = arith.constant 20 : i32
        %mul3A_512 = arith.muli %scan3A_390, %mul3A_511 : i32
        %add3A_513 = arith.constant 2 : i32
        %add3A_514 = arith.addi %mul3A_512, %add3A_513 : i32
        %get3A_515 = arith.index_cast %add3A_514 : i32 to index
        %get3A_516 = arith.constant 0 : index
        %get3A_517 = tpu.vector_load %arg17[%get3A_515, %get3A_516] {strides = array<i32>} : memref<320x64xf32, #tpu.memory_space<vmem>>, vector<16xf32>,
        %mul3A_518 = arith.mulf %get3A_517, %get3A_394 : vector<16xf32>
        %get3A_519 = arith.index_cast %add3A_514 : i32 to index
        %get3A_520 = arith.constant 16 : index
        %get3A_521 = tpu.vector_load %arg17[%get3A_519, %get3A_520] {strides = array<i32>} : memref<320x64xf32, #tpu.memory_space<vmem>>, vector<16xf32>,
        %mul3A_522 = arith.mulf %get3A_521, %get3A_397 : vector<16xf32>
        %add3A_523 = arith.addf %mul3A_518, %mul3A_522 : vector<16xf32>
        %get3A_524 = arith.index_cast %add3A_514 : i32 to index
        %get3A_525 = arith.constant 32 : index
        %get3A_526 = tpu.vector_load %arg17[%get3A_524, %get3A_525] {strides = array<i32>} : memref<320x64xf32, #tpu.memory_space<vmem>>, vector<16xf32>,
        %mul3A_527 = arith.mulf %get3A_526, %get3A_400 : vector<16xf32>
        %add3A_528 = arith.addf %add3A_523, %mul3A_527 : vector<16xf32>
        %get3A_529 = arith.index_cast %add3A_514 : i32 to index
        %get3A_530 = arith.constant 48 : index
        %get3A_531 = tpu.vector_load %arg17[%get3A_529, %get3A_530] {strides = array<i32>} : memref<320x64xf32, #tpu.memory_space<vmem>>, vector<16xf32>,
        %mul3A_532 = arith.mulf %get3A_531, %get3A_403 : vector<16xf32>
        %add3A_533 = arith.addf %add3A_528, %mul3A_532 : vector<16xf32>
        %and3A_534 = arith.constant 15 : i32
        %and3A_535 = arith.andi %add3A_514, %and3A_534 : i32
        %eq3A_536 = vector.broadcast %and3A_535 : i32 to vector<16xi32>
        %eq3A_537 = arith.cmpi eq, %iota3A, %eq3A_536 : vector<16xi32>
        %reduce_sum3A_538 = arith.constant true
        %reduce_sum3A_539 = vector.broadcast %reduce_sum3A_538 : i1 to vector<16xi1>
        %reduce_sum3A_540 = tpu.scan <sum>, %add3A_533 masked %reduce_sum3A_539 : vector<16xf32>, vector<16xi1> -> vector<16xf32>
        %reduce_sum3A_541 = vector.extract %reduce_sum3A_540[15] : f32 from vector<16xf32>
        %broadcast_in_dim3A_542 = vector.broadcast %reduce_sum3A_541 : f32 to vector<16xf32>
        %select_n3A_543 = arith.select %eq3A_537, %broadcast_in_dim3A_542, %select_n3A_504 : vector<16xi1>, vector<16xf32>
        %mul3A_544 = arith.constant 320 : i32
        %mul3A_545 = arith.muli %mul3A_185, %mul3A_544 : i32
        %add3A_546 = arith.addi %mul3A_545, %add3A_514 : i32
        %sub3A_547 = arith.subi %add3A_546, %and3A_535 : i32
        %swap3A_548 = arith.index_cast %sub3A_547 : i32 to index
        %swap3A_549 = tpu.vector_load %arg24[%swap3A_548] {strides = array<i32>} : memref<10240xf32, #tpu.memory_space<vmem>>, vector<16xf32>,
        tpu.vector_store %arg24[%swap3A_548], %select_n3A_543 {strides = array<i32>} : memref<10240xf32, #tpu.memory_space<vmem>>, vector<16xf32>,
        %mul3A_550 = arith.constant 20 : i32
        %mul3A_551 = arith.muli %scan3A_390, %mul3A_550 : i32
        %add3A_552 = arith.constant 3 : i32
        %add3A_553 = arith.addi %mul3A_551, %add3A_552 : i32
        %get3A_554 = arith.index_cast %add3A_553 : i32 to index
        %get3A_555 = arith.constant 0 : index
        %get3A_556 = tpu.vector_load %arg17[%get3A_554, %get3A_555] {strides = array<i32>} : memref<320x64xf32, #tpu.memory_space<vmem>>, vector<16xf32>,
        %mul3A_557 = arith.mulf %get3A_556, %get3A_394 : vector<16xf32>
        %get3A_558 = arith.index_cast %add3A_553 : i32 to index
        %get3A_559 = arith.constant 16 : index
        %get3A_560 = tpu.vector_load %arg17[%get3A_558, %get3A_559] {strides = array<i32>} : memref<320x64xf32, #tpu.memory_space<vmem>>, vector<16xf32>,
        %mul3A_561 = arith.mulf %get3A_560, %get3A_397 : vector<16xf32>
        %add3A_562 = arith.addf %mul3A_557, %mul3A_561 : vector<16xf32>
        %get3A_563 = arith.index_cast %add3A_553 : i32 to index
        %get3A_564 = arith.constant 32 : index
        %get3A_565 = tpu.vector_load %arg17[%get3A_563, %get3A_564] {strides = array<i32>} : memref<320x64xf32, #tpu.memory_space<vmem>>, vector<16xf32>,
        %mul3A_566 = arith.mulf %get3A_565, %get3A_400 : vector<16xf32>
        %add3A_567 = arith.addf %add3A_562, %mul3A_566 : vector<16xf32>
        %get3A_568 = arith.index_cast %add3A_553 : i32 to index
        %get3A_569 = arith.constant 48 : index
        %get3A_570 = tpu.vector_load %arg17[%get3A_568, %get3A_569] {strides = array<i32>} : memref<320x64xf32, #tpu.memory_space<vmem>>, vector<16xf32>,
        %mul3A_571 = arith.mulf %get3A_570, %get3A_403 : vector<16xf32>
        %add3A_572 = arith.addf %add3A_567, %mul3A_571 : vector<16xf32>
        %and3A_573 = arith.constant 15 : i32
        %and3A_574 = arith.andi %add3A_553, %and3A_573 : i32
        %eq3A_575 = vector.broadcast %and3A_574 : i32 to vector<16xi32>
        %eq3A_576 = arith.cmpi eq, %iota3A, %eq3A_575 : vector<16xi32>
        %reduce_sum3A_577 = arith.constant true
        %reduce_sum3A_578 = vector.broadcast %reduce_sum3A_577 : i1 to vector<16xi1>
        %reduce_sum3A_579 = tpu.scan <sum>, %add3A_572 masked %reduce_sum3A_578 : vector<16xf32>, vector<16xi1> -> vector<16xf32>
        %reduce_sum3A_580 = vector.extract %reduce_sum3A_579[15] : f32 from vector<16xf32>
        %broadcast_in_dim3A_581 = vector.broadcast %reduce_sum3A_580 : f32 to vector<16xf32>
        %select_n3A_582 = arith.select %eq3A_576, %broadcast_in_dim3A_581, %select_n3A_543 : vector<16xi1>, vector<16xf32>
        %mul3A_583 = arith.constant 320 : i32
        %mul3A_584 = arith.muli %mul3A_185, %mul3A_583 : i32
        %add3A_585 = arith.addi %mul3A_584, %add3A_553 : i32
        %sub3A_586 = arith.subi %add3A_585, %and3A_574 : i32
        %swap3A_587 = arith.index_cast %sub3A_586 : i32 to index
        %swap3A_588 = tpu.vector_load %arg24[%swap3A_587] {strides = array<i32>} : memref<10240xf32, #tpu.memory_space<vmem>>, vector<16xf32>,
        tpu.vector_store %arg24[%swap3A_587], %select_n3A_582 {strides = array<i32>} : memref<10240xf32, #tpu.memory_space<vmem>>, vector<16xf32>,
        %mul3A_589 = arith.constant 20 : i32
        %mul3A_590 = arith.muli %scan3A_390, %mul3A_589 : i32
        %add3A_591 = arith.constant 4 : i32
        %add3A_592 = arith.addi %mul3A_590, %add3A_591 : i32
        %get3A_593 = arith.index_cast %add3A_592 : i32 to index
        %get3A_594 = arith.constant 0 : index
        %get3A_595 = tpu.vector_load %arg17[%get3A_593, %get3A_594] {strides = array<i32>} : memref<320x64xf32, #tpu.memory_space<vmem>>, vector<16xf32>,
        %mul3A_596 = arith.mulf %get3A_595, %get3A_394 : vector<16xf32>
        %get3A_597 = arith.index_cast %add3A_592 : i32 to index
        %get3A_598 = arith.constant 16 : index
        %get3A_599 = tpu.vector_load %arg17[%get3A_597, %get3A_598] {strides = array<i32>} : memref<320x64xf32, #tpu.memory_space<vmem>>, vector<16xf32>,
        %mul3A_600 = arith.mulf %get3A_599, %get3A_397 : vector<16xf32>
        %add3A_601 = arith.addf %mul3A_596, %mul3A_600 : vector<16xf32>
        %get3A_602 = arith.index_cast %add3A_592 : i32 to index
        %get3A_603 = arith.constant 32 : index
        %get3A_604 = tpu.vector_load %arg17[%get3A_602, %get3A_603] {strides = array<i32>} : memref<320x64xf32, #tpu.memory_space<vmem>>, vector<16xf32>,
        %mul3A_605 = arith.mulf %get3A_604, %get3A_400 : vector<16xf32>
        %add3A_606 = arith.addf %add3A_601, %mul3A_605 : vector<16xf32>
        %get3A_607 = arith.index_cast %add3A_592 : i32 to index
        %get3A_608 = arith.constant 48 : index
        %get3A_609 = tpu.vector_load %arg17[%get3A_607, %get3A_608] {strides = array<i32>} : memref<320x64xf32, #tpu.memory_space<vmem>>, vector<16xf32>,
        %mul3A_610 = arith.mulf %get3A_609, %get3A_403 : vector<16xf32>
        %add3A_611 = arith.addf %add3A_606, %mul3A_610 : vector<16xf32>
        %and3A_612 = arith.constant 15 : i32
        %and3A_613 = arith.andi %add3A_592, %and3A_612 : i32
        %eq3A_614 = vector.broadcast %and3A_613 : i32 to vector<16xi32>
        %eq3A_615 = arith.cmpi eq, %iota3A, %eq3A_614 : vector<16xi32>
        %reduce_sum3A_616 = arith.constant true
        %reduce_sum3A_617 = vector.broadcast %reduce_sum3A_616 : i1 to vector<16xi1>
        %reduce_sum3A_618 = tpu.scan <sum>, %add3A_611 masked %reduce_sum3A_617 : vector<16xf32>, vector<16xi1> -> vector<16xf32>
        %reduce_sum3A_619 = vector.extract %reduce_sum3A_618[15] : f32 from vector<16xf32>
        %broadcast_in_dim3A_620 = vector.broadcast %reduce_sum3A_619 : f32 to vector<16xf32>
        %select_n3A_621 = arith.select %eq3A_615, %broadcast_in_dim3A_620, %select_n3A_582 : vector<16xi1>, vector<16xf32>
        %mul3A_622 = arith.constant 320 : i32
        %mul3A_623 = arith.muli %mul3A_185, %mul3A_622 : i32
        %add3A_624 = arith.addi %mul3A_623, %add3A_592 : i32
        %sub3A_625 = arith.subi %add3A_624, %and3A_613 : i32
        %swap3A_626 = arith.index_cast %sub3A_625 : i32 to index
        %swap3A_627 = tpu.vector_load %arg24[%swap3A_626] {strides = array<i32>} : memref<10240xf32, #tpu.memory_space<vmem>>, vector<16xf32>,
        tpu.vector_store %arg24[%swap3A_626], %select_n3A_621 {strides = array<i32>} : memref<10240xf32, #tpu.memory_space<vmem>>, vector<16xf32>,
        %mul3A_628 = arith.constant 20 : i32
        %mul3A_629 = arith.muli %scan3A_390, %mul3A_628 : i32
        %add3A_630 = arith.constant 5 : i32
        %add3A_631 = arith.addi %mul3A_629, %add3A_630 : i32
        %get3A_632 = arith.index_cast %add3A_631 : i32 to index
        %get3A_633 = arith.constant 0 : index
        %get3A_634 = tpu.vector_load %arg17[%get3A_632, %get3A_633] {strides = array<i32>} : memref<320x64xf32, #tpu.memory_space<vmem>>, vector<16xf32>,
        %mul3A_635 = arith.mulf %get3A_634, %get3A_394 : vector<16xf32>
        %get3A_636 = arith.index_cast %add3A_631 : i32 to index
        %get3A_637 = arith.constant 16 : index
        %get3A_638 = tpu.vector_load %arg17[%get3A_636, %get3A_637] {strides = array<i32>} : memref<320x64xf32, #tpu.memory_space<vmem>>, vector<16xf32>,
        %mul3A_639 = arith.mulf %get3A_638, %get3A_397 : vector<16xf32>
        %add3A_640 = arith.addf %mul3A_635, %mul3A_639 : vector<16xf32>
        %get3A_641 = arith.index_cast %add3A_631 : i32 to index
        %get3A_642 = arith.constant 32 : index
        %get3A_643 = tpu.vector_load %arg17[%get3A_641, %get3A_642] {strides = array<i32>} : memref<320x64xf32, #tpu.memory_space<vmem>>, vector<16xf32>,
        %mul3A_644 = arith.mulf %get3A_643, %get3A_400 : vector<16xf32>
        %add3A_645 = arith.addf %add3A_640, %mul3A_644 : vector<16xf32>
        %get3A_646 = arith.index_cast %add3A_631 : i32 to index
        %get3A_647 = arith.constant 48 : index
        %get3A_648 = tpu.vector_load %arg17[%get3A_646, %get3A_647] {strides = array<i32>} : memref<320x64xf32, #tpu.memory_space<vmem>>, vector<16xf32>,
        %mul3A_649 = arith.mulf %get3A_648, %get3A_403 : vector<16xf32>
        %add3A_650 = arith.addf %add3A_645, %mul3A_649 : vector<16xf32>
        %and3A_651 = arith.constant 15 : i32
        %and3A_652 = arith.andi %add3A_631, %and3A_651 : i32
        %eq3A_653 = vector.broadcast %and3A_652 : i32 to vector<16xi32>
        %eq3A_654 = arith.cmpi eq, %iota3A, %eq3A_653 : vector<16xi32>
        %reduce_sum3A_655 = arith.constant true
        %reduce_sum3A_656 = vector.broadcast %reduce_sum3A_655 : i1 to vector<16xi1>
        %reduce_sum3A_657 = tpu.scan <sum>, %add3A_650 masked %reduce_sum3A_656 : vector<16xf32>, vector<16xi1> -> vector<16xf32>
        %reduce_sum3A_658 = vector.extract %reduce_sum3A_657[15] : f32 from vector<16xf32>
        %broadcast_in_dim3A_659 = vector.broadcast %reduce_sum3A_658 : f32 to vector<16xf32>
        %select_n3A_660 = arith.select %eq3A_654, %broadcast_in_dim3A_659, %select_n3A_621 : vector<16xi1>, vector<16xf32>
        %mul3A_661 = arith.constant 320 : i32
        %mul3A_662 = arith.muli %mul3A_185, %mul3A_661 : i32
        %add3A_663 = arith.addi %mul3A_662, %add3A_631 : i32
        %sub3A_664 = arith.subi %add3A_663, %and3A_652 : i32
        %swap3A_665 = arith.index_cast %sub3A_664 : i32 to index
        %swap3A_666 = tpu.vector_load %arg24[%swap3A_665] {strides = array<i32>} : memref<10240xf32, #tpu.memory_space<vmem>>, vector<16xf32>,
        tpu.vector_store %arg24[%swap3A_665], %select_n3A_660 {strides = array<i32>} : memref<10240xf32, #tpu.memory_space<vmem>>, vector<16xf32>,
        %mul3A_667 = arith.constant 20 : i32
        %mul3A_668 = arith.muli %scan3A_390, %mul3A_667 : i32
        %add3A_669 = arith.constant 6 : i32
        %add3A_670 = arith.addi %mul3A_668, %add3A_669 : i32
        %get3A_671 = arith.index_cast %add3A_670 : i32 to index
        %get3A_672 = arith.constant 0 : index
        %get3A_673 = tpu.vector_load %arg17[%get3A_671, %get3A_672] {strides = array<i32>} : memref<320x64xf32, #tpu.memory_space<vmem>>, vector<16xf32>,
        %mul3A_674 = arith.mulf %get3A_673, %get3A_394 : vector<16xf32>
        %get3A_675 = arith.index_cast %add3A_670 : i32 to index
        %get3A_676 = arith.constant 16 : index
        %get3A_677 = tpu.vector_load %arg17[%get3A_675, %get3A_676] {strides = array<i32>} : memref<320x64xf32, #tpu.memory_space<vmem>>, vector<16xf32>,
        %mul3A_678 = arith.mulf %get3A_677, %get3A_397 : vector<16xf32>
        %add3A_679 = arith.addf %mul3A_674, %mul3A_678 : vector<16xf32>
        %get3A_680 = arith.index_cast %add3A_670 : i32 to index
        %get3A_681 = arith.constant 32 : index
        %get3A_682 = tpu.vector_load %arg17[%get3A_680, %get3A_681] {strides = array<i32>} : memref<320x64xf32, #tpu.memory_space<vmem>>, vector<16xf32>,
        %mul3A_683 = arith.mulf %get3A_682, %get3A_400 : vector<16xf32>
        %add3A_684 = arith.addf %add3A_679, %mul3A_683 : vector<16xf32>
        %get3A_685 = arith.index_cast %add3A_670 : i32 to index
        %get3A_686 = arith.constant 48 : index
        %get3A_687 = tpu.vector_load %arg17[%get3A_685, %get3A_686] {strides = array<i32>} : memref<320x64xf32, #tpu.memory_space<vmem>>, vector<16xf32>,
        %mul3A_688 = arith.mulf %get3A_687, %get3A_403 : vector<16xf32>
        %add3A_689 = arith.addf %add3A_684, %mul3A_688 : vector<16xf32>
        %and3A_690 = arith.constant 15 : i32
        %and3A_691 = arith.andi %add3A_670, %and3A_690 : i32
        %eq3A_692 = vector.broadcast %and3A_691 : i32 to vector<16xi32>
        %eq3A_693 = arith.cmpi eq, %iota3A, %eq3A_692 : vector<16xi32>
        %reduce_sum3A_694 = arith.constant true
        %reduce_sum3A_695 = vector.broadcast %reduce_sum3A_694 : i1 to vector<16xi1>
        %reduce_sum3A_696 = tpu.scan <sum>, %add3A_689 masked %reduce_sum3A_695 : vector<16xf32>, vector<16xi1> -> vector<16xf32>
        %reduce_sum3A_697 = vector.extract %reduce_sum3A_696[15] : f32 from vector<16xf32>
        %broadcast_in_dim3A_698 = vector.broadcast %reduce_sum3A_697 : f32 to vector<16xf32>
        %select_n3A_699 = arith.select %eq3A_693, %broadcast_in_dim3A_698, %select_n3A_660 : vector<16xi1>, vector<16xf32>
        %mul3A_700 = arith.constant 320 : i32
        %mul3A_701 = arith.muli %mul3A_185, %mul3A_700 : i32
        %add3A_702 = arith.addi %mul3A_701, %add3A_670 : i32
        %sub3A_703 = arith.subi %add3A_702, %and3A_691 : i32
        %swap3A_704 = arith.index_cast %sub3A_703 : i32 to index
        %swap3A_705 = tpu.vector_load %arg24[%swap3A_704] {strides = array<i32>} : memref<10240xf32, #tpu.memory_space<vmem>>, vector<16xf32>,
        tpu.vector_store %arg24[%swap3A_704], %select_n3A_699 {strides = array<i32>} : memref<10240xf32, #tpu.memory_space<vmem>>, vector<16xf32>,
        %mul3A_706 = arith.constant 20 : i32
        %mul3A_707 = arith.muli %scan3A_390, %mul3A_706 : i32
        %add3A_708 = arith.constant 7 : i32
        %add3A_709 = arith.addi %mul3A_707, %add3A_708 : i32
        %get3A_710 = arith.index_cast %add3A_709 : i32 to index
        %get3A_711 = arith.constant 0 : index
        %get3A_712 = tpu.vector_load %arg17[%get3A_710, %get3A_711] {strides = array<i32>} : memref<320x64xf32, #tpu.memory_space<vmem>>, vector<16xf32>,
        %mul3A_713 = arith.mulf %get3A_712, %get3A_394 : vector<16xf32>
        %get3A_714 = arith.index_cast %add3A_709 : i32 to index
        %get3A_715 = arith.constant 16 : index
        %get3A_716 = tpu.vector_load %arg17[%get3A_714, %get3A_715] {strides = array<i32>} : memref<320x64xf32, #tpu.memory_space<vmem>>, vector<16xf32>,
        %mul3A_717 = arith.mulf %get3A_716, %get3A_397 : vector<16xf32>
        %add3A_718 = arith.addf %mul3A_713, %mul3A_717 : vector<16xf32>
        %get3A_719 = arith.index_cast %add3A_709 : i32 to index
        %get3A_720 = arith.constant 32 : index
        %get3A_721 = tpu.vector_load %arg17[%get3A_719, %get3A_720] {strides = array<i32>} : memref<320x64xf32, #tpu.memory_space<vmem>>, vector<16xf32>,
        %mul3A_722 = arith.mulf %get3A_721, %get3A_400 : vector<16xf32>
        %add3A_723 = arith.addf %add3A_718, %mul3A_722 : vector<16xf32>
        %get3A_724 = arith.index_cast %add3A_709 : i32 to index
        %get3A_725 = arith.constant 48 : index
        %get3A_726 = tpu.vector_load %arg17[%get3A_724, %get3A_725] {strides = array<i32>} : memref<320x64xf32, #tpu.memory_space<vmem>>, vector<16xf32>,
        %mul3A_727 = arith.mulf %get3A_726, %get3A_403 : vector<16xf32>
        %add3A_728 = arith.addf %add3A_723, %mul3A_727 : vector<16xf32>
        %and3A_729 = arith.constant 15 : i32
        %and3A_730 = arith.andi %add3A_709, %and3A_729 : i32
        %eq3A_731 = vector.broadcast %and3A_730 : i32 to vector<16xi32>
        %eq3A_732 = arith.cmpi eq, %iota3A, %eq3A_731 : vector<16xi32>
        %reduce_sum3A_733 = arith.constant true
        %reduce_sum3A_734 = vector.broadcast %reduce_sum3A_733 : i1 to vector<16xi1>
        %reduce_sum3A_735 = tpu.scan <sum>, %add3A_728 masked %reduce_sum3A_734 : vector<16xf32>, vector<16xi1> -> vector<16xf32>
        %reduce_sum3A_736 = vector.extract %reduce_sum3A_735[15] : f32 from vector<16xf32>
        %broadcast_in_dim3A_737 = vector.broadcast %reduce_sum3A_736 : f32 to vector<16xf32>
        %select_n3A_738 = arith.select %eq3A_732, %broadcast_in_dim3A_737, %select_n3A_699 : vector<16xi1>, vector<16xf32>
        %mul3A_739 = arith.constant 320 : i32
        %mul3A_740 = arith.muli %mul3A_185, %mul3A_739 : i32
        %add3A_741 = arith.addi %mul3A_740, %add3A_709 : i32
        %sub3A_742 = arith.subi %add3A_741, %and3A_730 : i32
        %swap3A_743 = arith.index_cast %sub3A_742 : i32 to index
        %swap3A_744 = tpu.vector_load %arg24[%swap3A_743] {strides = array<i32>} : memref<10240xf32, #tpu.memory_space<vmem>>, vector<16xf32>,
        tpu.vector_store %arg24[%swap3A_743], %select_n3A_738 {strides = array<i32>} : memref<10240xf32, #tpu.memory_space<vmem>>, vector<16xf32>,
        %mul3A_745 = arith.constant 20 : i32
        %mul3A_746 = arith.muli %scan3A_390, %mul3A_745 : i32
        %add3A_747 = arith.constant 8 : i32
        %add3A_748 = arith.addi %mul3A_746, %add3A_747 : i32
        %get3A_749 = arith.index_cast %add3A_748 : i32 to index
        %get3A_750 = arith.constant 0 : index
        %get3A_751 = tpu.vector_load %arg17[%get3A_749, %get3A_750] {strides = array<i32>} : memref<320x64xf32, #tpu.memory_space<vmem>>, vector<16xf32>,
        %mul3A_752 = arith.mulf %get3A_751, %get3A_394 : vector<16xf32>
        %get3A_753 = arith.index_cast %add3A_748 : i32 to index
        %get3A_754 = arith.constant 16 : index
        %get3A_755 = tpu.vector_load %arg17[%get3A_753, %get3A_754] {strides = array<i32>} : memref<320x64xf32, #tpu.memory_space<vmem>>, vector<16xf32>,
        %mul3A_756 = arith.mulf %get3A_755, %get3A_397 : vector<16xf32>
        %add3A_757 = arith.addf %mul3A_752, %mul3A_756 : vector<16xf32>
        %get3A_758 = arith.index_cast %add3A_748 : i32 to index
        %get3A_759 = arith.constant 32 : index
        %get3A_760 = tpu.vector_load %arg17[%get3A_758, %get3A_759] {strides = array<i32>} : memref<320x64xf32, #tpu.memory_space<vmem>>, vector<16xf32>,
        %mul3A_761 = arith.mulf %get3A_760, %get3A_400 : vector<16xf32>
        %add3A_762 = arith.addf %add3A_757, %mul3A_761 : vector<16xf32>
        %get3A_763 = arith.index_cast %add3A_748 : i32 to index
        %get3A_764 = arith.constant 48 : index
        %get3A_765 = tpu.vector_load %arg17[%get3A_763, %get3A_764] {strides = array<i32>} : memref<320x64xf32, #tpu.memory_space<vmem>>, vector<16xf32>,
        %mul3A_766 = arith.mulf %get3A_765, %get3A_403 : vector<16xf32>
        %add3A_767 = arith.addf %add3A_762, %mul3A_766 : vector<16xf32>
        %and3A_768 = arith.constant 15 : i32
        %and3A_769 = arith.andi %add3A_748, %and3A_768 : i32
        %eq3A_770 = vector.broadcast %and3A_769 : i32 to vector<16xi32>
        %eq3A_771 = arith.cmpi eq, %iota3A, %eq3A_770 : vector<16xi32>
        %reduce_sum3A_772 = arith.constant true
        %reduce_sum3A_773 = vector.broadcast %reduce_sum3A_772 : i1 to vector<16xi1>
        %reduce_sum3A_774 = tpu.scan <sum>, %add3A_767 masked %reduce_sum3A_773 : vector<16xf32>, vector<16xi1> -> vector<16xf32>
        %reduce_sum3A_775 = vector.extract %reduce_sum3A_774[15] : f32 from vector<16xf32>
        %broadcast_in_dim3A_776 = vector.broadcast %reduce_sum3A_775 : f32 to vector<16xf32>
        %select_n3A_777 = arith.select %eq3A_771, %broadcast_in_dim3A_776, %select_n3A_738 : vector<16xi1>, vector<16xf32>
        %mul3A_778 = arith.constant 320 : i32
        %mul3A_779 = arith.muli %mul3A_185, %mul3A_778 : i32
        %add3A_780 = arith.addi %mul3A_779, %add3A_748 : i32
        %sub3A_781 = arith.subi %add3A_780, %and3A_769 : i32
        %swap3A_782 = arith.index_cast %sub3A_781 : i32 to index
        %swap3A_783 = tpu.vector_load %arg24[%swap3A_782] {strides = array<i32>} : memref<10240xf32, #tpu.memory_space<vmem>>, vector<16xf32>,
        tpu.vector_store %arg24[%swap3A_782], %select_n3A_777 {strides = array<i32>} : memref<10240xf32, #tpu.memory_space<vmem>>, vector<16xf32>,
        %mul3A_784 = arith.constant 20 : i32
        %mul3A_785 = arith.muli %scan3A_390, %mul3A_784 : i32
        %add3A_786 = arith.constant 9 : i32
        %add3A_787 = arith.addi %mul3A_785, %add3A_786 : i32
        %get3A_788 = arith.index_cast %add3A_787 : i32 to index
        %get3A_789 = arith.constant 0 : index
        %get3A_790 = tpu.vector_load %arg17[%get3A_788, %get3A_789] {strides = array<i32>} : memref<320x64xf32, #tpu.memory_space<vmem>>, vector<16xf32>,
        %mul3A_791 = arith.mulf %get3A_790, %get3A_394 : vector<16xf32>
        %get3A_792 = arith.index_cast %add3A_787 : i32 to index
        %get3A_793 = arith.constant 16 : index
        %get3A_794 = tpu.vector_load %arg17[%get3A_792, %get3A_793] {strides = array<i32>} : memref<320x64xf32, #tpu.memory_space<vmem>>, vector<16xf32>,
        %mul3A_795 = arith.mulf %get3A_794, %get3A_397 : vector<16xf32>
        %add3A_796 = arith.addf %mul3A_791, %mul3A_795 : vector<16xf32>
        %get3A_797 = arith.index_cast %add3A_787 : i32 to index
        %get3A_798 = arith.constant 32 : index
        %get3A_799 = tpu.vector_load %arg17[%get3A_797, %get3A_798] {strides = array<i32>} : memref<320x64xf32, #tpu.memory_space<vmem>>, vector<16xf32>,
        %mul3A_800 = arith.mulf %get3A_799, %get3A_400 : vector<16xf32>
        %add3A_801 = arith.addf %add3A_796, %mul3A_800 : vector<16xf32>
        %get3A_802 = arith.index_cast %add3A_787 : i32 to index
        %get3A_803 = arith.constant 48 : index
        %get3A_804 = tpu.vector_load %arg17[%get3A_802, %get3A_803] {strides = array<i32>} : memref<320x64xf32, #tpu.memory_space<vmem>>, vector<16xf32>,
        %mul3A_805 = arith.mulf %get3A_804, %get3A_403 : vector<16xf32>
        %add3A_806 = arith.addf %add3A_801, %mul3A_805 : vector<16xf32>
        %and3A_807 = arith.constant 15 : i32
        %and3A_808 = arith.andi %add3A_787, %and3A_807 : i32
        %eq3A_809 = vector.broadcast %and3A_808 : i32 to vector<16xi32>
        %eq3A_810 = arith.cmpi eq, %iota3A, %eq3A_809 : vector<16xi32>
        %reduce_sum3A_811 = arith.constant true
        %reduce_sum3A_812 = vector.broadcast %reduce_sum3A_811 : i1 to vector<16xi1>
        %reduce_sum3A_813 = tpu.scan <sum>, %add3A_806 masked %reduce_sum3A_812 : vector<16xf32>, vector<16xi1> -> vector<16xf32>
        %reduce_sum3A_814 = vector.extract %reduce_sum3A_813[15] : f32 from vector<16xf32>
        %broadcast_in_dim3A_815 = vector.broadcast %reduce_sum3A_814 : f32 to vector<16xf32>
        %select_n3A_816 = arith.select %eq3A_810, %broadcast_in_dim3A_815, %select_n3A_777 : vector<16xi1>, vector<16xf32>
        %mul3A_817 = arith.constant 320 : i32
        %mul3A_818 = arith.muli %mul3A_185, %mul3A_817 : i32
        %add3A_819 = arith.addi %mul3A_818, %add3A_787 : i32
        %sub3A_820 = arith.subi %add3A_819, %and3A_808 : i32
        %swap3A_821 = arith.index_cast %sub3A_820 : i32 to index
        %swap3A_822 = tpu.vector_load %arg24[%swap3A_821] {strides = array<i32>} : memref<10240xf32, #tpu.memory_space<vmem>>, vector<16xf32>,
        tpu.vector_store %arg24[%swap3A_821], %select_n3A_816 {strides = array<i32>} : memref<10240xf32, #tpu.memory_space<vmem>>, vector<16xf32>,
        %mul3A_823 = arith.constant 20 : i32
        %mul3A_824 = arith.muli %scan3A_390, %mul3A_823 : i32
        %add3A_825 = arith.constant 10 : i32
        %add3A_826 = arith.addi %mul3A_824, %add3A_825 : i32
        %get3A_827 = arith.index_cast %add3A_826 : i32 to index
        %get3A_828 = arith.constant 0 : index
        %get3A_829 = tpu.vector_load %arg17[%get3A_827, %get3A_828] {strides = array<i32>} : memref<320x64xf32, #tpu.memory_space<vmem>>, vector<16xf32>,
        %mul3A_830 = arith.mulf %get3A_829, %get3A_394 : vector<16xf32>
        %get3A_831 = arith.index_cast %add3A_826 : i32 to index
        %get3A_832 = arith.constant 16 : index
        %get3A_833 = tpu.vector_load %arg17[%get3A_831, %get3A_832] {strides = array<i32>} : memref<320x64xf32, #tpu.memory_space<vmem>>, vector<16xf32>,
        %mul3A_834 = arith.mulf %get3A_833, %get3A_397 : vector<16xf32>
        %add3A_835 = arith.addf %mul3A_830, %mul3A_834 : vector<16xf32>
        %get3A_836 = arith.index_cast %add3A_826 : i32 to index
        %get3A_837 = arith.constant 32 : index
        %get3A_838 = tpu.vector_load %arg17[%get3A_836, %get3A_837] {strides = array<i32>} : memref<320x64xf32, #tpu.memory_space<vmem>>, vector<16xf32>,
        %mul3A_839 = arith.mulf %get3A_838, %get3A_400 : vector<16xf32>
        %add3A_840 = arith.addf %add3A_835, %mul3A_839 : vector<16xf32>
        %get3A_841 = arith.index_cast %add3A_826 : i32 to index
        %get3A_842 = arith.constant 48 : index
        %get3A_843 = tpu.vector_load %arg17[%get3A_841, %get3A_842] {strides = array<i32>} : memref<320x64xf32, #tpu.memory_space<vmem>>, vector<16xf32>,
        %mul3A_844 = arith.mulf %get3A_843, %get3A_403 : vector<16xf32>
        %add3A_845 = arith.addf %add3A_840, %mul3A_844 : vector<16xf32>
        %and3A_846 = arith.constant 15 : i32
        %and3A_847 = arith.andi %add3A_826, %and3A_846 : i32
        %eq3A_848 = vector.broadcast %and3A_847 : i32 to vector<16xi32>
        %eq3A_849 = arith.cmpi eq, %iota3A, %eq3A_848 : vector<16xi32>
        %reduce_sum3A_850 = arith.constant true
        %reduce_sum3A_851 = vector.broadcast %reduce_sum3A_850 : i1 to vector<16xi1>
        %reduce_sum3A_852 = tpu.scan <sum>, %add3A_845 masked %reduce_sum3A_851 : vector<16xf32>, vector<16xi1> -> vector<16xf32>
        %reduce_sum3A_853 = vector.extract %reduce_sum3A_852[15] : f32 from vector<16xf32>
        %broadcast_in_dim3A_854 = vector.broadcast %reduce_sum3A_853 : f32 to vector<16xf32>
        %select_n3A_855 = arith.select %eq3A_849, %broadcast_in_dim3A_854, %select_n3A_816 : vector<16xi1>, vector<16xf32>
        %mul3A_856 = arith.constant 320 : i32
        %mul3A_857 = arith.muli %mul3A_185, %mul3A_856 : i32
        %add3A_858 = arith.addi %mul3A_857, %add3A_826 : i32
        %sub3A_859 = arith.subi %add3A_858, %and3A_847 : i32
        %swap3A_860 = arith.index_cast %sub3A_859 : i32 to index
        %swap3A_861 = tpu.vector_load %arg24[%swap3A_860] {strides = array<i32>} : memref<10240xf32, #tpu.memory_space<vmem>>, vector<16xf32>,
        tpu.vector_store %arg24[%swap3A_860], %select_n3A_855 {strides = array<i32>} : memref<10240xf32, #tpu.memory_space<vmem>>, vector<16xf32>,
        %mul3A_862 = arith.constant 20 : i32
        %mul3A_863 = arith.muli %scan3A_390, %mul3A_862 : i32
        %add3A_864 = arith.constant 11 : i32
        %add3A_865 = arith.addi %mul3A_863, %add3A_864 : i32
        %get3A_866 = arith.index_cast %add3A_865 : i32 to index
        %get3A_867 = arith.constant 0 : index
        %get3A_868 = tpu.vector_load %arg17[%get3A_866, %get3A_867] {strides = array<i32>} : memref<320x64xf32, #tpu.memory_space<vmem>>, vector<16xf32>,
        %mul3A_869 = arith.mulf %get3A_868, %get3A_394 : vector<16xf32>
        %get3A_870 = arith.index_cast %add3A_865 : i32 to index
        %get3A_871 = arith.constant 16 : index
        %get3A_872 = tpu.vector_load %arg17[%get3A_870, %get3A_871] {strides = array<i32>} : memref<320x64xf32, #tpu.memory_space<vmem>>, vector<16xf32>,
        %mul3A_873 = arith.mulf %get3A_872, %get3A_397 : vector<16xf32>
        %add3A_874 = arith.addf %mul3A_869, %mul3A_873 : vector<16xf32>
        %get3A_875 = arith.index_cast %add3A_865 : i32 to index
        %get3A_876 = arith.constant 32 : index
        %get3A_877 = tpu.vector_load %arg17[%get3A_875, %get3A_876] {strides = array<i32>} : memref<320x64xf32, #tpu.memory_space<vmem>>, vector<16xf32>,
        %mul3A_878 = arith.mulf %get3A_877, %get3A_400 : vector<16xf32>
        %add3A_879 = arith.addf %add3A_874, %mul3A_878 : vector<16xf32>
        %get3A_880 = arith.index_cast %add3A_865 : i32 to index
        %get3A_881 = arith.constant 48 : index
        %get3A_882 = tpu.vector_load %arg17[%get3A_880, %get3A_881] {strides = array<i32>} : memref<320x64xf32, #tpu.memory_space<vmem>>, vector<16xf32>,
        %mul3A_883 = arith.mulf %get3A_882, %get3A_403 : vector<16xf32>
        %add3A_884 = arith.addf %add3A_879, %mul3A_883 : vector<16xf32>
        %and3A_885 = arith.constant 15 : i32
        %and3A_886 = arith.andi %add3A_865, %and3A_885 : i32
        %eq3A_887 = vector.broadcast %and3A_886 : i32 to vector<16xi32>
        %eq3A_888 = arith.cmpi eq, %iota3A, %eq3A_887 : vector<16xi32>
        %reduce_sum3A_889 = arith.constant true
        %reduce_sum3A_890 = vector.broadcast %reduce_sum3A_889 : i1 to vector<16xi1>
        %reduce_sum3A_891 = tpu.scan <sum>, %add3A_884 masked %reduce_sum3A_890 : vector<16xf32>, vector<16xi1> -> vector<16xf32>
        %reduce_sum3A_892 = vector.extract %reduce_sum3A_891[15] : f32 from vector<16xf32>
        %broadcast_in_dim3A_893 = vector.broadcast %reduce_sum3A_892 : f32 to vector<16xf32>
        %select_n3A_894 = arith.select %eq3A_888, %broadcast_in_dim3A_893, %select_n3A_855 : vector<16xi1>, vector<16xf32>
        %mul3A_895 = arith.constant 320 : i32
        %mul3A_896 = arith.muli %mul3A_185, %mul3A_895 : i32
        %add3A_897 = arith.addi %mul3A_896, %add3A_865 : i32
        %sub3A_898 = arith.subi %add3A_897, %and3A_886 : i32
        %swap3A_899 = arith.index_cast %sub3A_898 : i32 to index
        %swap3A_900 = tpu.vector_load %arg24[%swap3A_899] {strides = array<i32>} : memref<10240xf32, #tpu.memory_space<vmem>>, vector<16xf32>,
        tpu.vector_store %arg24[%swap3A_899], %select_n3A_894 {strides = array<i32>} : memref<10240xf32, #tpu.memory_space<vmem>>, vector<16xf32>,
        %mul3A_901 = arith.constant 20 : i32
        %mul3A_902 = arith.muli %scan3A_390, %mul3A_901 : i32
        %add3A_903 = arith.constant 12 : i32
        %add3A_904 = arith.addi %mul3A_902, %add3A_903 : i32
        %get3A_905 = arith.index_cast %add3A_904 : i32 to index
        %get3A_906 = arith.constant 0 : index
        %get3A_907 = tpu.vector_load %arg17[%get3A_905, %get3A_906] {strides = array<i32>} : memref<320x64xf32, #tpu.memory_space<vmem>>, vector<16xf32>,
        %mul3A_908 = arith.mulf %get3A_907, %get3A_394 : vector<16xf32>
        %get3A_909 = arith.index_cast %add3A_904 : i32 to index
        %get3A_910 = arith.constant 16 : index
        %get3A_911 = tpu.vector_load %arg17[%get3A_909, %get3A_910] {strides = array<i32>} : memref<320x64xf32, #tpu.memory_space<vmem>>, vector<16xf32>,
        %mul3A_912 = arith.mulf %get3A_911, %get3A_397 : vector<16xf32>
        %add3A_913 = arith.addf %mul3A_908, %mul3A_912 : vector<16xf32>
        %get3A_914 = arith.index_cast %add3A_904 : i32 to index
        %get3A_915 = arith.constant 32 : index
        %get3A_916 = tpu.vector_load %arg17[%get3A_914, %get3A_915] {strides = array<i32>} : memref<320x64xf32, #tpu.memory_space<vmem>>, vector<16xf32>,
        %mul3A_917 = arith.mulf %get3A_916, %get3A_400 : vector<16xf32>
        %add3A_918 = arith.addf %add3A_913, %mul3A_917 : vector<16xf32>
        %get3A_919 = arith.index_cast %add3A_904 : i32 to index
        %get3A_920 = arith.constant 48 : index
        %get3A_921 = tpu.vector_load %arg17[%get3A_919, %get3A_920] {strides = array<i32>} : memref<320x64xf32, #tpu.memory_space<vmem>>, vector<16xf32>,
        %mul3A_922 = arith.mulf %get3A_921, %get3A_403 : vector<16xf32>
        %add3A_923 = arith.addf %add3A_918, %mul3A_922 : vector<16xf32>
        %and3A_924 = arith.constant 15 : i32
        %and3A_925 = arith.andi %add3A_904, %and3A_924 : i32
        %eq3A_926 = vector.broadcast %and3A_925 : i32 to vector<16xi32>
        %eq3A_927 = arith.cmpi eq, %iota3A, %eq3A_926 : vector<16xi32>
        %reduce_sum3A_928 = arith.constant true
        %reduce_sum3A_929 = vector.broadcast %reduce_sum3A_928 : i1 to vector<16xi1>
        %reduce_sum3A_930 = tpu.scan <sum>, %add3A_923 masked %reduce_sum3A_929 : vector<16xf32>, vector<16xi1> -> vector<16xf32>
        %reduce_sum3A_931 = vector.extract %reduce_sum3A_930[15] : f32 from vector<16xf32>
        %broadcast_in_dim3A_932 = vector.broadcast %reduce_sum3A_931 : f32 to vector<16xf32>
        %select_n3A_933 = arith.select %eq3A_927, %broadcast_in_dim3A_932, %select_n3A_894 : vector<16xi1>, vector<16xf32>
        %mul3A_934 = arith.constant 320 : i32
        %mul3A_935 = arith.muli %mul3A_185, %mul3A_934 : i32
        %add3A_936 = arith.addi %mul3A_935, %add3A_904 : i32
        %sub3A_937 = arith.subi %add3A_936, %and3A_925 : i32
        %swap3A_938 = arith.index_cast %sub3A_937 : i32 to index
        %swap3A_939 = tpu.vector_load %arg24[%swap3A_938] {strides = array<i32>} : memref<10240xf32, #tpu.memory_space<vmem>>, vector<16xf32>,
        tpu.vector_store %arg24[%swap3A_938], %select_n3A_933 {strides = array<i32>} : memref<10240xf32, #tpu.memory_space<vmem>>, vector<16xf32>,
        %mul3A_940 = arith.constant 20 : i32
        %mul3A_941 = arith.muli %scan3A_390, %mul3A_940 : i32
        %add3A_942 = arith.constant 13 : i32
        %add3A_943 = arith.addi %mul3A_941, %add3A_942 : i32
        %get3A_944 = arith.index_cast %add3A_943 : i32 to index
        %get3A_945 = arith.constant 0 : index
        %get3A_946 = tpu.vector_load %arg17[%get3A_944, %get3A_945] {strides = array<i32>} : memref<320x64xf32, #tpu.memory_space<vmem>>, vector<16xf32>,
        %mul3A_947 = arith.mulf %get3A_946, %get3A_394 : vector<16xf32>
        %get3A_948 = arith.index_cast %add3A_943 : i32 to index
        %get3A_949 = arith.constant 16 : index
        %get3A_950 = tpu.vector_load %arg17[%get3A_948, %get3A_949] {strides = array<i32>} : memref<320x64xf32, #tpu.memory_space<vmem>>, vector<16xf32>,
        %mul3A_951 = arith.mulf %get3A_950, %get3A_397 : vector<16xf32>
        %add3A_952 = arith.addf %mul3A_947, %mul3A_951 : vector<16xf32>
        %get3A_953 = arith.index_cast %add3A_943 : i32 to index
        %get3A_954 = arith.constant 32 : index
        %get3A_955 = tpu.vector_load %arg17[%get3A_953, %get3A_954] {strides = array<i32>} : memref<320x64xf32, #tpu.memory_space<vmem>>, vector<16xf32>,
        %mul3A_956 = arith.mulf %get3A_955, %get3A_400 : vector<16xf32>
        %add3A_957 = arith.addf %add3A_952, %mul3A_956 : vector<16xf32>
        %get3A_958 = arith.index_cast %add3A_943 : i32 to index
        %get3A_959 = arith.constant 48 : index
        %get3A_960 = tpu.vector_load %arg17[%get3A_958, %get3A_959] {strides = array<i32>} : memref<320x64xf32, #tpu.memory_space<vmem>>, vector<16xf32>,
        %mul3A_961 = arith.mulf %get3A_960, %get3A_403 : vector<16xf32>
        %add3A_962 = arith.addf %add3A_957, %mul3A_961 : vector<16xf32>
        %and3A_963 = arith.constant 15 : i32
        %and3A_964 = arith.andi %add3A_943, %and3A_963 : i32
        %eq3A_965 = vector.broadcast %and3A_964 : i32 to vector<16xi32>
        %eq3A_966 = arith.cmpi eq, %iota3A, %eq3A_965 : vector<16xi32>
        %reduce_sum3A_967 = arith.constant true
        %reduce_sum3A_968 = vector.broadcast %reduce_sum3A_967 : i1 to vector<16xi1>
        %reduce_sum3A_969 = tpu.scan <sum>, %add3A_962 masked %reduce_sum3A_968 : vector<16xf32>, vector<16xi1> -> vector<16xf32>
        %reduce_sum3A_970 = vector.extract %reduce_sum3A_969[15] : f32 from vector<16xf32>
        %broadcast_in_dim3A_971 = vector.broadcast %reduce_sum3A_970 : f32 to vector<16xf32>
        %select_n3A_972 = arith.select %eq3A_966, %broadcast_in_dim3A_971, %select_n3A_933 : vector<16xi1>, vector<16xf32>
        %mul3A_973 = arith.constant 320 : i32
        %mul3A_974 = arith.muli %mul3A_185, %mul3A_973 : i32
        %add3A_975 = arith.addi %mul3A_974, %add3A_943 : i32
        %sub3A_976 = arith.subi %add3A_975, %and3A_964 : i32
        %swap3A_977 = arith.index_cast %sub3A_976 : i32 to index
        %swap3A_978 = tpu.vector_load %arg24[%swap3A_977] {strides = array<i32>} : memref<10240xf32, #tpu.memory_space<vmem>>, vector<16xf32>,
        tpu.vector_store %arg24[%swap3A_977], %select_n3A_972 {strides = array<i32>} : memref<10240xf32, #tpu.memory_space<vmem>>, vector<16xf32>,
        %mul3A_979 = arith.constant 20 : i32
        %mul3A_980 = arith.muli %scan3A_390, %mul3A_979 : i32
        %add3A_981 = arith.constant 14 : i32
        %add3A_982 = arith.addi %mul3A_980, %add3A_981 : i32
        %get3A_983 = arith.index_cast %add3A_982 : i32 to index
        %get3A_984 = arith.constant 0 : index
        %get3A_985 = tpu.vector_load %arg17[%get3A_983, %get3A_984] {strides = array<i32>} : memref<320x64xf32, #tpu.memory_space<vmem>>, vector<16xf32>,
        %mul3A_986 = arith.mulf %get3A_985, %get3A_394 : vector<16xf32>
        %get3A_987 = arith.index_cast %add3A_982 : i32 to index
        %get3A_988 = arith.constant 16 : index
        %get3A_989 = tpu.vector_load %arg17[%get3A_987, %get3A_988] {strides = array<i32>} : memref<320x64xf32, #tpu.memory_space<vmem>>, vector<16xf32>,
        %mul3A_990 = arith.mulf %get3A_989, %get3A_397 : vector<16xf32>
        %add3A_991 = arith.addf %mul3A_986, %mul3A_990 : vector<16xf32>
        %get3A_992 = arith.index_cast %add3A_982 : i32 to index
        %get3A_993 = arith.constant 32 : index
        %get3A_994 = tpu.vector_load %arg17[%get3A_992, %get3A_993] {strides = array<i32>} : memref<320x64xf32, #tpu.memory_space<vmem>>, vector<16xf32>,
        %mul3A_995 = arith.mulf %get3A_994, %get3A_400 : vector<16xf32>
        %add3A_996 = arith.addf %add3A_991, %mul3A_995 : vector<16xf32>
        %get3A_997 = arith.index_cast %add3A_982 : i32 to index
        %get3A_998 = arith.constant 48 : index
        %get3A_999 = tpu.vector_load %arg17[%get3A_997, %get3A_998] {strides = array<i32>} : memref<320x64xf32, #tpu.memory_space<vmem>>, vector<16xf32>,
        %mul3A_1000 = arith.mulf %get3A_999, %get3A_403 : vector<16xf32>
        %add3A_1001 = arith.addf %add3A_996, %mul3A_1000 : vector<16xf32>
        %and3A_1002 = arith.constant 15 : i32
        %and3A_1003 = arith.andi %add3A_982, %and3A_1002 : i32
        %eq3A_1004 = vector.broadcast %and3A_1003 : i32 to vector<16xi32>
        %eq3A_1005 = arith.cmpi eq, %iota3A, %eq3A_1004 : vector<16xi32>
        %reduce_sum3A_1006 = arith.constant true
        %reduce_sum3A_1007 = vector.broadcast %reduce_sum3A_1006 : i1 to vector<16xi1>
        %reduce_sum3A_1008 = tpu.scan <sum>, %add3A_1001 masked %reduce_sum3A_1007 : vector<16xf32>, vector<16xi1> -> vector<16xf32>
        %reduce_sum3A_1009 = vector.extract %reduce_sum3A_1008[15] : f32 from vector<16xf32>
        %broadcast_in_dim3A_1010 = vector.broadcast %reduce_sum3A_1009 : f32 to vector<16xf32>
        %select_n3A_1011 = arith.select %eq3A_1005, %broadcast_in_dim3A_1010, %select_n3A_972 : vector<16xi1>, vector<16xf32>
        %mul3A_1012 = arith.constant 320 : i32
        %mul3A_1013 = arith.muli %mul3A_185, %mul3A_1012 : i32
        %add3A_1014 = arith.addi %mul3A_1013, %add3A_982 : i32
        %sub3A_1015 = arith.subi %add3A_1014, %and3A_1003 : i32
        %swap3A_1016 = arith.index_cast %sub3A_1015 : i32 to index
        %swap3A_1017 = tpu.vector_load %arg24[%swap3A_1016] {strides = array<i32>} : memref<10240xf32, #tpu.memory_space<vmem>>, vector<16xf32>,
        tpu.vector_store %arg24[%swap3A_1016], %select_n3A_1011 {strides = array<i32>} : memref<10240xf32, #tpu.memory_space<vmem>>, vector<16xf32>,
        %mul3A_1018 = arith.constant 20 : i32
        %mul3A_1019 = arith.muli %scan3A_390, %mul3A_1018 : i32
        %add3A_1020 = arith.constant 15 : i32
        %add3A_1021 = arith.addi %mul3A_1019, %add3A_1020 : i32
        %get3A_1022 = arith.index_cast %add3A_1021 : i32 to index
        %get3A_1023 = arith.constant 0 : index
        %get3A_1024 = tpu.vector_load %arg17[%get3A_1022, %get3A_1023] {strides = array<i32>} : memref<320x64xf32, #tpu.memory_space<vmem>>, vector<16xf32>,
        %mul3A_1025 = arith.mulf %get3A_1024, %get3A_394 : vector<16xf32>
        %get3A_1026 = arith.index_cast %add3A_1021 : i32 to index
        %get3A_1027 = arith.constant 16 : index
        %get3A_1028 = tpu.vector_load %arg17[%get3A_1026, %get3A_1027] {strides = array<i32>} : memref<320x64xf32, #tpu.memory_space<vmem>>, vector<16xf32>,
        %mul3A_1029 = arith.mulf %get3A_1028, %get3A_397 : vector<16xf32>
        %add3A_1030 = arith.addf %mul3A_1025, %mul3A_1029 : vector<16xf32>
        %get3A_1031 = arith.index_cast %add3A_1021 : i32 to index
        %get3A_1032 = arith.constant 32 : index
        %get3A_1033 = tpu.vector_load %arg17[%get3A_1031, %get3A_1032] {strides = array<i32>} : memref<320x64xf32, #tpu.memory_space<vmem>>, vector<16xf32>,
        %mul3A_1034 = arith.mulf %get3A_1033, %get3A_400 : vector<16xf32>
        %add3A_1035 = arith.addf %add3A_1030, %mul3A_1034 : vector<16xf32>
        %get3A_1036 = arith.index_cast %add3A_1021 : i32 to index
        %get3A_1037 = arith.constant 48 : index
        %get3A_1038 = tpu.vector_load %arg17[%get3A_1036, %get3A_1037] {strides = array<i32>} : memref<320x64xf32, #tpu.memory_space<vmem>>, vector<16xf32>,
        %mul3A_1039 = arith.mulf %get3A_1038, %get3A_403 : vector<16xf32>
        %add3A_1040 = arith.addf %add3A_1035, %mul3A_1039 : vector<16xf32>
        %and3A_1041 = arith.constant 15 : i32
        %and3A_1042 = arith.andi %add3A_1021, %and3A_1041 : i32
        %eq3A_1043 = vector.broadcast %and3A_1042 : i32 to vector<16xi32>
        %eq3A_1044 = arith.cmpi eq, %iota3A, %eq3A_1043 : vector<16xi32>
        %reduce_sum3A_1045 = arith.constant true
        %reduce_sum3A_1046 = vector.broadcast %reduce_sum3A_1045 : i1 to vector<16xi1>
        %reduce_sum3A_1047 = tpu.scan <sum>, %add3A_1040 masked %reduce_sum3A_1046 : vector<16xf32>, vector<16xi1> -> vector<16xf32>
        %reduce_sum3A_1048 = vector.extract %reduce_sum3A_1047[15] : f32 from vector<16xf32>
        %broadcast_in_dim3A_1049 = vector.broadcast %reduce_sum3A_1048 : f32 to vector<16xf32>
        %select_n3A_1050 = arith.select %eq3A_1044, %broadcast_in_dim3A_1049, %select_n3A_1011 : vector<16xi1>, vector<16xf32>
        %mul3A_1051 = arith.constant 320 : i32
        %mul3A_1052 = arith.muli %mul3A_185, %mul3A_1051 : i32
        %add3A_1053 = arith.addi %mul3A_1052, %add3A_1021 : i32
        %sub3A_1054 = arith.subi %add3A_1053, %and3A_1042 : i32
        %swap3A_1055 = arith.index_cast %sub3A_1054 : i32 to index
        %swap3A_1056 = tpu.vector_load %arg24[%swap3A_1055] {strides = array<i32>} : memref<10240xf32, #tpu.memory_space<vmem>>, vector<16xf32>,
        tpu.vector_store %arg24[%swap3A_1055], %select_n3A_1050 {strides = array<i32>} : memref<10240xf32, #tpu.memory_space<vmem>>, vector<16xf32>,
        %mul3A_1057 = arith.constant 20 : i32
        %mul3A_1058 = arith.muli %scan3A_390, %mul3A_1057 : i32
        %add3A_1059 = arith.constant 16 : i32
        %add3A_1060 = arith.addi %mul3A_1058, %add3A_1059 : i32
        %get3A_1061 = arith.index_cast %add3A_1060 : i32 to index
        %get3A_1062 = arith.constant 0 : index
        %get3A_1063 = tpu.vector_load %arg17[%get3A_1061, %get3A_1062] {strides = array<i32>} : memref<320x64xf32, #tpu.memory_space<vmem>>, vector<16xf32>,
        %mul3A_1064 = arith.mulf %get3A_1063, %get3A_394 : vector<16xf32>
        %get3A_1065 = arith.index_cast %add3A_1060 : i32 to index
        %get3A_1066 = arith.constant 16 : index
        %get3A_1067 = tpu.vector_load %arg17[%get3A_1065, %get3A_1066] {strides = array<i32>} : memref<320x64xf32, #tpu.memory_space<vmem>>, vector<16xf32>,
        %mul3A_1068 = arith.mulf %get3A_1067, %get3A_397 : vector<16xf32>
        %add3A_1069 = arith.addf %mul3A_1064, %mul3A_1068 : vector<16xf32>
        %get3A_1070 = arith.index_cast %add3A_1060 : i32 to index
        %get3A_1071 = arith.constant 32 : index
        %get3A_1072 = tpu.vector_load %arg17[%get3A_1070, %get3A_1071] {strides = array<i32>} : memref<320x64xf32, #tpu.memory_space<vmem>>, vector<16xf32>,
        %mul3A_1073 = arith.mulf %get3A_1072, %get3A_400 : vector<16xf32>
        %add3A_1074 = arith.addf %add3A_1069, %mul3A_1073 : vector<16xf32>
        %get3A_1075 = arith.index_cast %add3A_1060 : i32 to index
        %get3A_1076 = arith.constant 48 : index
        %get3A_1077 = tpu.vector_load %arg17[%get3A_1075, %get3A_1076] {strides = array<i32>} : memref<320x64xf32, #tpu.memory_space<vmem>>, vector<16xf32>,
        %mul3A_1078 = arith.mulf %get3A_1077, %get3A_403 : vector<16xf32>
        %add3A_1079 = arith.addf %add3A_1074, %mul3A_1078 : vector<16xf32>
        %and3A_1080 = arith.constant 15 : i32
        %and3A_1081 = arith.andi %add3A_1060, %and3A_1080 : i32
        %eq3A_1082 = vector.broadcast %and3A_1081 : i32 to vector<16xi32>
        %eq3A_1083 = arith.cmpi eq, %iota3A, %eq3A_1082 : vector<16xi32>
        %reduce_sum3A_1084 = arith.constant true
        %reduce_sum3A_1085 = vector.broadcast %reduce_sum3A_1084 : i1 to vector<16xi1>
        %reduce_sum3A_1086 = tpu.scan <sum>, %add3A_1079 masked %reduce_sum3A_1085 : vector<16xf32>, vector<16xi1> -> vector<16xf32>
        %reduce_sum3A_1087 = vector.extract %reduce_sum3A_1086[15] : f32 from vector<16xf32>
        %broadcast_in_dim3A_1088 = vector.broadcast %reduce_sum3A_1087 : f32 to vector<16xf32>
        %select_n3A_1089 = arith.select %eq3A_1083, %broadcast_in_dim3A_1088, %select_n3A_1050 : vector<16xi1>, vector<16xf32>
        %mul3A_1090 = arith.constant 320 : i32
        %mul3A_1091 = arith.muli %mul3A_185, %mul3A_1090 : i32
        %add3A_1092 = arith.addi %mul3A_1091, %add3A_1060 : i32
        %sub3A_1093 = arith.subi %add3A_1092, %and3A_1081 : i32
        %swap3A_1094 = arith.index_cast %sub3A_1093 : i32 to index
        %swap3A_1095 = tpu.vector_load %arg24[%swap3A_1094] {strides = array<i32>} : memref<10240xf32, #tpu.memory_space<vmem>>, vector<16xf32>,
        tpu.vector_store %arg24[%swap3A_1094], %select_n3A_1089 {strides = array<i32>} : memref<10240xf32, #tpu.memory_space<vmem>>, vector<16xf32>,
        %mul3A_1096 = arith.constant 20 : i32
        %mul3A_1097 = arith.muli %scan3A_390, %mul3A_1096 : i32
        %add3A_1098 = arith.constant 17 : i32
        %add3A_1099 = arith.addi %mul3A_1097, %add3A_1098 : i32
        %get3A_1100 = arith.index_cast %add3A_1099 : i32 to index
        %get3A_1101 = arith.constant 0 : index
        %get3A_1102 = tpu.vector_load %arg17[%get3A_1100, %get3A_1101] {strides = array<i32>} : memref<320x64xf32, #tpu.memory_space<vmem>>, vector<16xf32>,
        %mul3A_1103 = arith.mulf %get3A_1102, %get3A_394 : vector<16xf32>
        %get3A_1104 = arith.index_cast %add3A_1099 : i32 to index
        %get3A_1105 = arith.constant 16 : index
        %get3A_1106 = tpu.vector_load %arg17[%get3A_1104, %get3A_1105] {strides = array<i32>} : memref<320x64xf32, #tpu.memory_space<vmem>>, vector<16xf32>,
        %mul3A_1107 = arith.mulf %get3A_1106, %get3A_397 : vector<16xf32>
        %add3A_1108 = arith.addf %mul3A_1103, %mul3A_1107 : vector<16xf32>
        %get3A_1109 = arith.index_cast %add3A_1099 : i32 to index
        %get3A_1110 = arith.constant 32 : index
        %get3A_1111 = tpu.vector_load %arg17[%get3A_1109, %get3A_1110] {strides = array<i32>} : memref<320x64xf32, #tpu.memory_space<vmem>>, vector<16xf32>,
        %mul3A_1112 = arith.mulf %get3A_1111, %get3A_400 : vector<16xf32>
        %add3A_1113 = arith.addf %add3A_1108, %mul3A_1112 : vector<16xf32>
        %get3A_1114 = arith.index_cast %add3A_1099 : i32 to index
        %get3A_1115 = arith.constant 48 : index
        %get3A_1116 = tpu.vector_load %arg17[%get3A_1114, %get3A_1115] {strides = array<i32>} : memref<320x64xf32, #tpu.memory_space<vmem>>, vector<16xf32>,
        %mul3A_1117 = arith.mulf %get3A_1116, %get3A_403 : vector<16xf32>
        %add3A_1118 = arith.addf %add3A_1113, %mul3A_1117 : vector<16xf32>
        %and3A_1119 = arith.constant 15 : i32
        %and3A_1120 = arith.andi %add3A_1099, %and3A_1119 : i32
        %eq3A_1121 = vector.broadcast %and3A_1120 : i32 to vector<16xi32>
        %eq3A_1122 = arith.cmpi eq, %iota3A, %eq3A_1121 : vector<16xi32>
        %reduce_sum3A_1123 = arith.constant true
        %reduce_sum3A_1124 = vector.broadcast %reduce_sum3A_1123 : i1 to vector<16xi1>
        %reduce_sum3A_1125 = tpu.scan <sum>, %add3A_1118 masked %reduce_sum3A_1124 : vector<16xf32>, vector<16xi1> -> vector<16xf32>
        %reduce_sum3A_1126 = vector.extract %reduce_sum3A_1125[15] : f32 from vector<16xf32>
        %broadcast_in_dim3A_1127 = vector.broadcast %reduce_sum3A_1126 : f32 to vector<16xf32>
        %select_n3A_1128 = arith.select %eq3A_1122, %broadcast_in_dim3A_1127, %select_n3A_1089 : vector<16xi1>, vector<16xf32>
        %mul3A_1129 = arith.constant 320 : i32
        %mul3A_1130 = arith.muli %mul3A_185, %mul3A_1129 : i32
        %add3A_1131 = arith.addi %mul3A_1130, %add3A_1099 : i32
        %sub3A_1132 = arith.subi %add3A_1131, %and3A_1120 : i32
        %swap3A_1133 = arith.index_cast %sub3A_1132 : i32 to index
        %swap3A_1134 = tpu.vector_load %arg24[%swap3A_1133] {strides = array<i32>} : memref<10240xf32, #tpu.memory_space<vmem>>, vector<16xf32>,
        tpu.vector_store %arg24[%swap3A_1133], %select_n3A_1128 {strides = array<i32>} : memref<10240xf32, #tpu.memory_space<vmem>>, vector<16xf32>,
        %mul3A_1135 = arith.constant 20 : i32
        %mul3A_1136 = arith.muli %scan3A_390, %mul3A_1135 : i32
        %add3A_1137 = arith.constant 18 : i32
        %add3A_1138 = arith.addi %mul3A_1136, %add3A_1137 : i32
        %get3A_1139 = arith.index_cast %add3A_1138 : i32 to index
        %get3A_1140 = arith.constant 0 : index
        %get3A_1141 = tpu.vector_load %arg17[%get3A_1139, %get3A_1140] {strides = array<i32>} : memref<320x64xf32, #tpu.memory_space<vmem>>, vector<16xf32>,
        %mul3A_1142 = arith.mulf %get3A_1141, %get3A_394 : vector<16xf32>
        %get3A_1143 = arith.index_cast %add3A_1138 : i32 to index
        %get3A_1144 = arith.constant 16 : index
        %get3A_1145 = tpu.vector_load %arg17[%get3A_1143, %get3A_1144] {strides = array<i32>} : memref<320x64xf32, #tpu.memory_space<vmem>>, vector<16xf32>,
        %mul3A_1146 = arith.mulf %get3A_1145, %get3A_397 : vector<16xf32>
        %add3A_1147 = arith.addf %mul3A_1142, %mul3A_1146 : vector<16xf32>
        %get3A_1148 = arith.index_cast %add3A_1138 : i32 to index
        %get3A_1149 = arith.constant 32 : index
        %get3A_1150 = tpu.vector_load %arg17[%get3A_1148, %get3A_1149] {strides = array<i32>} : memref<320x64xf32, #tpu.memory_space<vmem>>, vector<16xf32>,
        %mul3A_1151 = arith.mulf %get3A_1150, %get3A_400 : vector<16xf32>
        %add3A_1152 = arith.addf %add3A_1147, %mul3A_1151 : vector<16xf32>
        %get3A_1153 = arith.index_cast %add3A_1138 : i32 to index
        %get3A_1154 = arith.constant 48 : index
        %get3A_1155 = tpu.vector_load %arg17[%get3A_1153, %get3A_1154] {strides = array<i32>} : memref<320x64xf32, #tpu.memory_space<vmem>>, vector<16xf32>,
        %mul3A_1156 = arith.mulf %get3A_1155, %get3A_403 : vector<16xf32>
        %add3A_1157 = arith.addf %add3A_1152, %mul3A_1156 : vector<16xf32>
        %and3A_1158 = arith.constant 15 : i32
        %and3A_1159 = arith.andi %add3A_1138, %and3A_1158 : i32
        %eq3A_1160 = vector.broadcast %and3A_1159 : i32 to vector<16xi32>
        %eq3A_1161 = arith.cmpi eq, %iota3A, %eq3A_1160 : vector<16xi32>
        %reduce_sum3A_1162 = arith.constant true
        %reduce_sum3A_1163 = vector.broadcast %reduce_sum3A_1162 : i1 to vector<16xi1>
        %reduce_sum3A_1164 = tpu.scan <sum>, %add3A_1157 masked %reduce_sum3A_1163 : vector<16xf32>, vector<16xi1> -> vector<16xf32>
        %reduce_sum3A_1165 = vector.extract %reduce_sum3A_1164[15] : f32 from vector<16xf32>
        %broadcast_in_dim3A_1166 = vector.broadcast %reduce_sum3A_1165 : f32 to vector<16xf32>
        %select_n3A_1167 = arith.select %eq3A_1161, %broadcast_in_dim3A_1166, %select_n3A_1128 : vector<16xi1>, vector<16xf32>
        %mul3A_1168 = arith.constant 320 : i32
        %mul3A_1169 = arith.muli %mul3A_185, %mul3A_1168 : i32
        %add3A_1170 = arith.addi %mul3A_1169, %add3A_1138 : i32
        %sub3A_1171 = arith.subi %add3A_1170, %and3A_1159 : i32
        %swap3A_1172 = arith.index_cast %sub3A_1171 : i32 to index
        %swap3A_1173 = tpu.vector_load %arg24[%swap3A_1172] {strides = array<i32>} : memref<10240xf32, #tpu.memory_space<vmem>>, vector<16xf32>,
        tpu.vector_store %arg24[%swap3A_1172], %select_n3A_1167 {strides = array<i32>} : memref<10240xf32, #tpu.memory_space<vmem>>, vector<16xf32>,
        %mul3A_1174 = arith.constant 20 : i32
        %mul3A_1175 = arith.muli %scan3A_390, %mul3A_1174 : i32
        %add3A_1176 = arith.constant 19 : i32
        %add3A_1177 = arith.addi %mul3A_1175, %add3A_1176 : i32
        %get3A_1178 = arith.index_cast %add3A_1177 : i32 to index
        %get3A_1179 = arith.constant 0 : index
        %get3A_1180 = tpu.vector_load %arg17[%get3A_1178, %get3A_1179] {strides = array<i32>} : memref<320x64xf32, #tpu.memory_space<vmem>>, vector<16xf32>,
        %mul3A_1181 = arith.mulf %get3A_1180, %get3A_394 : vector<16xf32>
        %get3A_1182 = arith.index_cast %add3A_1177 : i32 to index
        %get3A_1183 = arith.constant 16 : index
        %get3A_1184 = tpu.vector_load %arg17[%get3A_1182, %get3A_1183] {strides = array<i32>} : memref<320x64xf32, #tpu.memory_space<vmem>>, vector<16xf32>,
        %mul3A_1185 = arith.mulf %get3A_1184, %get3A_397 : vector<16xf32>
        %add3A_1186 = arith.addf %mul3A_1181, %mul3A_1185 : vector<16xf32>
        %get3A_1187 = arith.index_cast %add3A_1177 : i32 to index
        %get3A_1188 = arith.constant 32 : index
        %get3A_1189 = tpu.vector_load %arg17[%get3A_1187, %get3A_1188] {strides = array<i32>} : memref<320x64xf32, #tpu.memory_space<vmem>>, vector<16xf32>,
        %mul3A_1190 = arith.mulf %get3A_1189, %get3A_400 : vector<16xf32>
        %add3A_1191 = arith.addf %add3A_1186, %mul3A_1190 : vector<16xf32>
        %get3A_1192 = arith.index_cast %add3A_1177 : i32 to index
        %get3A_1193 = arith.constant 48 : index
        %get3A_1194 = tpu.vector_load %arg17[%get3A_1192, %get3A_1193] {strides = array<i32>} : memref<320x64xf32, #tpu.memory_space<vmem>>, vector<16xf32>,
        %mul3A_1195 = arith.mulf %get3A_1194, %get3A_403 : vector<16xf32>
        %add3A_1196 = arith.addf %add3A_1191, %mul3A_1195 : vector<16xf32>
        %and3A_1197 = arith.constant 15 : i32
        %and3A_1198 = arith.andi %add3A_1177, %and3A_1197 : i32
        %eq3A_1199 = vector.broadcast %and3A_1198 : i32 to vector<16xi32>
        %eq3A_1200 = arith.cmpi eq, %iota3A, %eq3A_1199 : vector<16xi32>
        %reduce_sum3A_1201 = arith.constant true
        %reduce_sum3A_1202 = vector.broadcast %reduce_sum3A_1201 : i1 to vector<16xi1>
        %reduce_sum3A_1203 = tpu.scan <sum>, %add3A_1196 masked %reduce_sum3A_1202 : vector<16xf32>, vector<16xi1> -> vector<16xf32>
        %reduce_sum3A_1204 = vector.extract %reduce_sum3A_1203[15] : f32 from vector<16xf32>
        %broadcast_in_dim3A_1205 = vector.broadcast %reduce_sum3A_1204 : f32 to vector<16xf32>
        %select_n3A_1206 = arith.select %eq3A_1200, %broadcast_in_dim3A_1205, %select_n3A_1167 : vector<16xi1>, vector<16xf32>
        %mul3A_1207 = arith.constant 320 : i32
        %mul3A_1208 = arith.muli %mul3A_185, %mul3A_1207 : i32
        %add3A_1209 = arith.addi %mul3A_1208, %add3A_1177 : i32
        %sub3A_1210 = arith.subi %add3A_1209, %and3A_1198 : i32
        %swap3A_1211 = arith.index_cast %sub3A_1210 : i32 to index
        %swap3A_1212 = tpu.vector_load %arg24[%swap3A_1211] {strides = array<i32>} : memref<10240xf32, #tpu.memory_space<vmem>>, vector<16xf32>,
        tpu.vector_store %arg24[%swap3A_1211], %select_n3A_1206 {strides = array<i32>} : memref<10240xf32, #tpu.memory_space<vmem>>, vector<16xf32>,
        scf.yield %select_n3A_1206, %select_n3A : vector<16xf32>, vector<16xf32>
      }
      %scan3A_285 = arith.constant 16 : i32
      %add3A_286 = arith.constant 2 : i32
      %add3A_287 = arith.addi %mul3A_185, %add3A_286 : i32
      %mul3A_288 = arith.constant 16 : i32
      %mul3A_289 = arith.muli %add3A_287, %mul3A_288 : i32
      %dma_start3A_290 = tpu.memref_slice %arg12[%mul3A_289] : memref<512xi32, #tpu.memory_space<vmem>> -> memref<16xi32, #tpu.memory_space<vmem>>
      %dma_start3A_291 = arith.constant 0 : i32
      %dma_start3A_292 = arith.constant 0 : i32
      %dma_start3A_293 = tpu.memref_slice %arg5[%dma_start3A_291, %dma_start3A_292] : memref<1015808x64xf32, #tpu.memory_space<hbm>> -> memref<1015808x64xf32, #tpu.memory_space<hbm>>
      tpu.enqueue_indirect_dma source(%dma_start3A_293 : memref<1015808x64xf32, #tpu.memory_space<hbm>>) target(%arg15 : memref<16x64xf32, #tpu.memory_space<vmem>>) offsets(%dma_start3A_290 : memref<16xi32, #tpu.memory_space<vmem>>) semaphore(%arg25 : memref<!tpu.dma_semaphore, #tpu.memory_space<semaphore_mem>>)
      %mul3A_294 = arith.constant 16 : i32
      %mul3A_295 = arith.muli %add3A_287, %mul3A_294 : i32
      %dma_start3A_296 = tpu.memref_slice %arg13[%mul3A_295] : memref<512xi32, #tpu.memory_space<vmem>> -> memref<16xi32, #tpu.memory_space<vmem>>
      %dma_start3A_297 = arith.constant 0 : i32
      %dma_start3A_298 = arith.constant 0 : i32
      %dma_start3A_299 = tpu.memref_slice %arg6[%dma_start3A_297, %dma_start3A_298] : memref<1015808x64xf32, #tpu.memory_space<hbm>> -> memref<1015808x64xf32, #tpu.memory_space<hbm>>
      tpu.enqueue_indirect_dma source(%dma_start3A_299 : memref<1015808x64xf32, #tpu.memory_space<hbm>>) target(%arg16 : memref<16x64xf32, #tpu.memory_space<vmem>>) offsets(%dma_start3A_296 : memref<16xi32, #tpu.memory_space<vmem>>) semaphore(%arg25 : memref<!tpu.dma_semaphore, #tpu.memory_space<semaphore_mem>>)
      %mul3A_300 = arith.constant 320 : i32
      %mul3A_301 = arith.muli %add3A_287, %mul3A_300 : i32
      %add3A_302 = arith.constant 0 : i32
      %add3A_303 = arith.addi %mul3A_301, %add3A_302 : i32
      %dma_start3A_304 = arith.constant 0 : i32
      %dma_start3A_305 = arith.constant 0 : i32
      %dma_start3A_306 = tpu.memref_slice %arg17[%dma_start3A_304, %dma_start3A_305] : memref<320x64xf32, #tpu.memory_space<vmem>> -> memref<128x64xf32, #tpu.memory_space<vmem>>
      %dma_start3A_307 = tpu.memref_slice %arg14[%add3A_303] : memref<10240xi32, #tpu.memory_space<vmem>> -> memref<128xi32, #tpu.memory_space<vmem>>
      %dma_start3A_308 = arith.constant 0 : i32
      %dma_start3A_309 = arith.constant 0 : i32
      %dma_start3A_310 = tpu.memref_slice %arg6[%dma_start3A_308, %dma_start3A_309] : memref<1015808x64xf32, #tpu.memory_space<hbm>> -> memref<1015808x64xf32, #tpu.memory_space<hbm>>
      tpu.enqueue_indirect_dma source(%dma_start3A_310 : memref<1015808x64xf32, #tpu.memory_space<hbm>>) target(%dma_start3A_306 : memref<128x64xf32, #tpu.memory_space<vmem>>) offsets(%dma_start3A_307 : memref<128xi32, #tpu.memory_space<vmem>>) semaphore(%arg25 : memref<!tpu.dma_semaphore, #tpu.memory_space<semaphore_mem>>)
      %mul3A_311 = arith.constant 320 : i32
      %mul3A_312 = arith.muli %add3A_287, %mul3A_311 : i32
      %add3A_313 = arith.constant 128 : i32
      %add3A_314 = arith.addi %mul3A_312, %add3A_313 : i32
      %dma_start3A_315 = arith.constant 128 : i32
      %dma_start3A_316 = arith.constant 0 : i32
      %dma_start3A_317 = tpu.memref_slice %arg17[%dma_start3A_315, %dma_start3A_316] : memref<320x64xf32, #tpu.memory_space<vmem>> -> memref<128x64xf32, #tpu.memory_space<vmem>>
      %dma_start3A_318 = tpu.memref_slice %arg14[%add3A_314] : memref<10240xi32, #tpu.memory_space<vmem>> -> memref<128xi32, #tpu.memory_space<vmem>>
      %dma_start3A_319 = arith.constant 0 : i32
      %dma_start3A_320 = arith.constant 0 : i32
      %dma_start3A_321 = tpu.memref_slice %arg6[%dma_start3A_319, %dma_start3A_320] : memref<1015808x64xf32, #tpu.memory_space<hbm>> -> memref<1015808x64xf32, #tpu.memory_space<hbm>>
      tpu.enqueue_indirect_dma source(%dma_start3A_321 : memref<1015808x64xf32, #tpu.memory_space<hbm>>) target(%dma_start3A_317 : memref<128x64xf32, #tpu.memory_space<vmem>>) offsets(%dma_start3A_318 : memref<128xi32, #tpu.memory_space<vmem>>) semaphore(%arg25 : memref<!tpu.dma_semaphore, #tpu.memory_space<semaphore_mem>>)
      %mul3A_322 = arith.constant 320 : i32
      %mul3A_323 = arith.muli %add3A_287, %mul3A_322 : i32
      %add3A_324 = arith.constant 256 : i32
      %add3A_325 = arith.addi %mul3A_323, %add3A_324 : i32
      %dma_start3A_326 = arith.constant 256 : i32
      %dma_start3A_327 = arith.constant 0 : i32
      %dma_start3A_328 = tpu.memref_slice %arg17[%dma_start3A_326, %dma_start3A_327] : memref<320x64xf32, #tpu.memory_space<vmem>> -> memref<64x64xf32, #tpu.memory_space<vmem>>
      %dma_start3A_329 = tpu.memref_slice %arg14[%add3A_325] : memref<10240xi32, #tpu.memory_space<vmem>> -> memref<64xi32, #tpu.memory_space<vmem>>
      %dma_start3A_330 = arith.constant 0 : i32
      %dma_start3A_331 = arith.constant 0 : i32
      %dma_start3A_332 = tpu.memref_slice %arg6[%dma_start3A_330, %dma_start3A_331] : memref<1015808x64xf32, #tpu.memory_space<hbm>> -> memref<1015808x64xf32, #tpu.memory_space<hbm>>
      tpu.enqueue_indirect_dma source(%dma_start3A_332 : memref<1015808x64xf32, #tpu.memory_space<hbm>>) target(%dma_start3A_328 : memref<64x64xf32, #tpu.memory_space<vmem>>) offsets(%dma_start3A_329 : memref<64xi32, #tpu.memory_space<vmem>>) semaphore(%arg25 : memref<!tpu.dma_semaphore, #tpu.memory_space<semaphore_mem>>)
      %add3A_333 = arith.constant 1 : i32
      %add3A_334 = arith.addi %mul3A_185, %add3A_333 : i32
      %mul3A_335 = arith.constant 16 : i32
      %mul3A_336 = arith.muli %add3A_334, %mul3A_335 : i32
      %dma_wait3A_337 = tpu.memref_slice %arg12[%mul3A_336] : memref<512xi32, #tpu.memory_space<vmem>> -> memref<16xi32, #tpu.memory_space<vmem>>
      %dma_wait3A_338 = arith.constant 0 : i32
      %dma_wait3A_339 = arith.constant 0 : i32
      %dma_wait3A_340 = tpu.memref_slice %arg5[%dma_wait3A_338, %dma_wait3A_339] : memref<1015808x64xf32, #tpu.memory_space<hbm>> -> memref<1015808x64xf32, #tpu.memory_space<hbm>>
      tpu.wait_indirect_dma semaphore(%arg26 : memref<!tpu.dma_semaphore, #tpu.memory_space<semaphore_mem>>) src(%dma_wait3A_340 : memref<1015808x64xf32, #tpu.memory_space<hbm>>) dst(%arg18 : memref<16x64xf32, #tpu.memory_space<vmem>>)
      %mul3A_341 = arith.constant 16 : i32
      %mul3A_342 = arith.muli %add3A_334, %mul3A_341 : i32
      %dma_wait3A_343 = tpu.memref_slice %arg13[%mul3A_342] : memref<512xi32, #tpu.memory_space<vmem>> -> memref<16xi32, #tpu.memory_space<vmem>>
      %dma_wait3A_344 = arith.constant 0 : i32
      %dma_wait3A_345 = arith.constant 0 : i32
      %dma_wait3A_346 = tpu.memref_slice %arg6[%dma_wait3A_344, %dma_wait3A_345] : memref<1015808x64xf32, #tpu.memory_space<hbm>> -> memref<1015808x64xf32, #tpu.memory_space<hbm>>
      tpu.wait_indirect_dma semaphore(%arg26 : memref<!tpu.dma_semaphore, #tpu.memory_space<semaphore_mem>>) src(%dma_wait3A_346 : memref<1015808x64xf32, #tpu.memory_space<hbm>>) dst(%arg19 : memref<16x64xf32, #tpu.memory_space<vmem>>)
      %mul3A_347 = arith.constant 320 : i32
      %mul3A_348 = arith.muli %add3A_334, %mul3A_347 : i32
      %add3A_349 = arith.constant 0 : i32
      %add3A_350 = arith.addi %mul3A_348, %add3A_349 : i32
      %dma_wait3A_351 = arith.constant 0 : i32
      %dma_wait3A_352 = arith.constant 0 : i32
      %dma_wait3A_353 = tpu.memref_slice %arg20[%dma_wait3A_351, %dma_wait3A_352] : memref<320x64xf32, #tpu.memory_space<vmem>> -> memref<128x64xf32, #tpu.memory_space<vmem>>
      %dma_wait3A_354 = tpu.memref_slice %arg14[%add3A_350] : memref<10240xi32, #tpu.memory_space<vmem>> -> memref<128xi32, #tpu.memory_space<vmem>>
      %dma_wait3A_355 = arith.constant 0 : i32
      %dma_wait3A_356 = arith.constant 0 : i32
      %dma_wait3A_357 = tpu.memref_slice %arg6[%dma_wait3A_355, %dma_wait3A_356] : memref<1015808x64xf32, #tpu.memory_space<hbm>> -> memref<1015808x64xf32, #tpu.memory_space<hbm>>
      tpu.wait_indirect_dma semaphore(%arg26 : memref<!tpu.dma_semaphore, #tpu.memory_space<semaphore_mem>>) src(%dma_wait3A_357 : memref<1015808x64xf32, #tpu.memory_space<hbm>>) dst(%dma_wait3A_353 : memref<128x64xf32, #tpu.memory_space<vmem>>)
      %mul3A_358 = arith.constant 320 : i32
      %mul3A_359 = arith.muli %add3A_334, %mul3A_358 : i32
      %add3A_360 = arith.constant 128 : i32
      %add3A_361 = arith.addi %mul3A_359, %add3A_360 : i32
      %dma_wait3A_362 = arith.constant 128 : i32
      %dma_wait3A_363 = arith.constant 0 : i32
      %dma_wait3A_364 = tpu.memref_slice %arg20[%dma_wait3A_362, %dma_wait3A_363] : memref<320x64xf32, #tpu.memory_space<vmem>> -> memref<128x64xf32, #tpu.memory_space<vmem>>
      %dma_wait3A_365 = tpu.memref_slice %arg14[%add3A_361] : memref<10240xi32, #tpu.memory_space<vmem>> -> memref<128xi32, #tpu.memory_space<vmem>>
      %dma_wait3A_366 = arith.constant 0 : i32
      %dma_wait3A_367 = arith.constant 0 : i32
      %dma_wait3A_368 = tpu.memref_slice %arg6[%dma_wait3A_366, %dma_wait3A_367] : memref<1015808x64xf32, #tpu.memory_space<hbm>> -> memref<1015808x64xf32, #tpu.memory_space<hbm>>
      tpu.wait_indirect_dma semaphore(%arg26 : memref<!tpu.dma_semaphore, #tpu.memory_space<semaphore_mem>>) src(%dma_wait3A_368 : memref<1015808x64xf32, #tpu.memory_space<hbm>>) dst(%dma_wait3A_364 : memref<128x64xf32, #tpu.memory_space<vmem>>)
      %mul3A_369 = arith.constant 320 : i32
      %mul3A_370 = arith.muli %add3A_334, %mul3A_369 : i32
      %add3A_371 = arith.constant 256 : i32
      %add3A_372 = arith.addi %mul3A_370, %add3A_371 : i32
      %dma_wait3A_373 = arith.constant 256 : i32
      %dma_wait3A_374 = arith.constant 0 : i32
      %dma_wait3A_375 = tpu.memref_slice %arg20[%dma_wait3A_373, %dma_wait3A_374] : memref<320x64xf32, #tpu.memory_space<vmem>> -> memref<64x64xf32, #tpu.memory_space<vmem>>
      %dma_wait3A_376 = tpu.memref_slice %arg14[%add3A_372] : memref<10240xi32, #tpu.memory_space<vmem>> -> memref<64xi32, #tpu.memory_space<vmem>>
      %dma_wait3A_377 = arith.constant 0 : i32
      %dma_wait3A_378 = arith.constant 0 : i32
      %dma_wait3A_379 = tpu.memref_slice %arg6[%dma_wait3A_377, %dma_wait3A_378] : memref<1015808x64xf32, #tpu.memory_space<hbm>> -> memref<1015808x64xf32, #tpu.memory_space<hbm>>
      tpu.wait_indirect_dma semaphore(%arg26 : memref<!tpu.dma_semaphore, #tpu.memory_space<semaphore_mem>>) src(%dma_wait3A_379 : memref<1015808x64xf32, #tpu.memory_space<hbm>>) dst(%dma_wait3A_375 : memref<64x64xf32, #tpu.memory_space<vmem>>)
      %add3A_380 = arith.constant 1 : i32
      %add3A_381 = arith.addi %mul3A_185, %add3A_380 : i32
      %broadcast_in_dim3A_382 = arith.constant 0.000000e+00 : f32
      %broadcast_in_dim3A_383 = vector.broadcast %broadcast_in_dim3A_382 : f32 to vector<16xf32>
      %scan3A_384 = arith.constant 0 : i32
      %scan3A_385 = arith.constant 16 : i32
      %scan3A_386 = arith.addi %scan3A_384, %scan3A_385 : i32
      %scan3A_387 = arith.constant 1 : i32
      %scan3A_388:2 = scf.for %scan3A_390 = %scan3A_384 to %scan3A_386 step %scan3A_387 iter_args(%scan3A_391 = %broadcast_in_dim3A_383, %scan3A_392 = %broadcast_in_dim3A_383) -> (vector<16xf32>, vector<16xf32>)  : i32 {
        %get3A = arith.index_cast %scan3A_390 : i32 to index
        %get3A_393 = arith.constant 0 : index
        %get3A_394 = tpu.vector_load %arg18[%get3A, %get3A_393] {strides = array<i32>} : memref<16x64xf32, #tpu.memory_space<vmem>>, vector<16xf32>,
        %get3A_395 = arith.index_cast %scan3A_390 : i32 to index
        %get3A_396 = arith.constant 16 : index
        %get3A_397 = tpu.vector_load %arg18[%get3A_395, %get3A_396] {strides = array<i32>} : memref<16x64xf32, #tpu.memory_space<vmem>>, vector<16xf32>,
        %get3A_398 = arith.index_cast %scan3A_390 : i32 to index
        %get3A_399 = arith.constant 32 : index
        %get3A_400 = tpu.vector_load %arg18[%get3A_398, %get3A_399] {strides = array<i32>} : memref<16x64xf32, #tpu.memory_space<vmem>>, vector<16xf32>,
        %get3A_401 = arith.index_cast %scan3A_390 : i32 to index
        %get3A_402 = arith.constant 48 : index
        %get3A_403 = tpu.vector_load %arg18[%get3A_401, %get3A_402] {strides = array<i32>} : memref<16x64xf32, #tpu.memory_space<vmem>>, vector<16xf32>,
        %get3A_404 = arith.index_cast %scan3A_390 : i32 to index
        %get3A_405 = arith.constant 0 : index
        %get3A_406 = tpu.vector_load %arg19[%get3A_404, %get3A_405] {strides = array<i32>} : memref<16x64xf32, #tpu.memory_space<vmem>>, vector<16xf32>,
        %mul3A_407 = arith.mulf %get3A_406, %get3A_394 : vector<16xf32>
        %get3A_408 = arith.index_cast %scan3A_390 : i32 to index
        %get3A_409 = arith.constant 16 : index
        %get3A_410 = tpu.vector_load %arg19[%get3A_408, %get3A_409] {strides = array<i32>} : memref<16x64xf32, #tpu.memory_space<vmem>>, vector<16xf32>,
        %mul3A_411 = arith.mulf %get3A_410, %get3A_397 : vector<16xf32>
        %add3A_412 = arith.addf %mul3A_407, %mul3A_411 : vector<16xf32>
        %get3A_413 = arith.index_cast %scan3A_390 : i32 to index
        %get3A_414 = arith.constant 32 : index
        %get3A_415 = tpu.vector_load %arg19[%get3A_413, %get3A_414] {strides = array<i32>} : memref<16x64xf32, #tpu.memory_space<vmem>>, vector<16xf32>,
        %mul3A_416 = arith.mulf %get3A_415, %get3A_400 : vector<16xf32>
        %add3A_417 = arith.addf %add3A_412, %mul3A_416 : vector<16xf32>
        %get3A_418 = arith.index_cast %scan3A_390 : i32 to index
        %get3A_419 = arith.constant 48 : index
        %get3A_420 = tpu.vector_load %arg19[%get3A_418, %get3A_419] {strides = array<i32>} : memref<16x64xf32, #tpu.memory_space<vmem>>, vector<16xf32>,
        %mul3A_421 = arith.mulf %get3A_420, %get3A_403 : vector<16xf32>
        %add3A_422 = arith.addf %add3A_417, %mul3A_421 : vector<16xf32>
        %and3A = arith.constant 15 : i32
        %and3A_423 = arith.andi %scan3A_390, %and3A : i32
        %eq3A = vector.broadcast %and3A_423 : i32 to vector<16xi32>
        %eq3A_424 = arith.cmpi eq, %iota3A, %eq3A : vector<16xi32>
        %reduce_sum3A = arith.constant true
        %reduce_sum3A_425 = vector.broadcast %reduce_sum3A : i1 to vector<16xi1>
        %reduce_sum3A_426 = tpu.scan <sum>, %add3A_422 masked %reduce_sum3A_425 : vector<16xf32>, vector<16xi1> -> vector<16xf32>
        %reduce_sum3A_427 = vector.extract %reduce_sum3A_426[15] : f32 from vector<16xf32>
        %broadcast_in_dim3A_428 = vector.broadcast %reduce_sum3A_427 : f32 to vector<16xf32>
        %select_n3A = arith.select %eq3A_424, %broadcast_in_dim3A_428, %scan3A_392 : vector<16xi1>, vector<16xf32>
        %mul3A_429 = arith.constant 16 : i32
        %mul3A_430 = arith.muli %add3A_381, %mul3A_429 : i32
        %add3A_431 = arith.addi %mul3A_430, %scan3A_390 : i32
        %sub3A = arith.subi %add3A_431, %and3A_423 : i32
        %swap3A = arith.index_cast %sub3A : i32 to index
        %swap3A_432 = tpu.vector_load %arg23[%swap3A] {strides = array<i32>} : memref<512xf32, #tpu.memory_space<vmem>>, vector<16xf32>,
        tpu.vector_store %arg23[%swap3A], %select_n3A {strides = array<i32>} : memref<512xf32, #tpu.memory_space<vmem>>, vector<16xf32>,
        %mul3A_433 = arith.constant 20 : i32
        %mul3A_434 = arith.muli %scan3A_390, %mul3A_433 : i32
        %add3A_435 = arith.constant 0 : i32
        %add3A_436 = arith.addi %mul3A_434, %add3A_435 : i32
        %get3A_437 = arith.index_cast %add3A_436 : i32 to index
        %get3A_438 = arith.constant 0 : index
        %get3A_439 = tpu.vector_load %arg20[%get3A_437, %get3A_438] {strides = array<i32>} : memref<320x64xf32, #tpu.memory_space<vmem>>, vector<16xf32>,
        %mul3A_440 = arith.mulf %get3A_439, %get3A_394 : vector<16xf32>
        %get3A_441 = arith.index_cast %add3A_436 : i32 to index
        %get3A_442 = arith.constant 16 : index
        %get3A_443 = tpu.vector_load %arg20[%get3A_441, %get3A_442] {strides = array<i32>} : memref<320x64xf32, #tpu.memory_space<vmem>>, vector<16xf32>,
        %mul3A_444 = arith.mulf %get3A_443, %get3A_397 : vector<16xf32>
        %add3A_445 = arith.addf %mul3A_440, %mul3A_444 : vector<16xf32>
        %get3A_446 = arith.index_cast %add3A_436 : i32 to index
        %get3A_447 = arith.constant 32 : index
        %get3A_448 = tpu.vector_load %arg20[%get3A_446, %get3A_447] {strides = array<i32>} : memref<320x64xf32, #tpu.memory_space<vmem>>, vector<16xf32>,
        %mul3A_449 = arith.mulf %get3A_448, %get3A_400 : vector<16xf32>
        %add3A_450 = arith.addf %add3A_445, %mul3A_449 : vector<16xf32>
        %get3A_451 = arith.index_cast %add3A_436 : i32 to index
        %get3A_452 = arith.constant 48 : index
        %get3A_453 = tpu.vector_load %arg20[%get3A_451, %get3A_452] {strides = array<i32>} : memref<320x64xf32, #tpu.memory_space<vmem>>, vector<16xf32>,
        %mul3A_454 = arith.mulf %get3A_453, %get3A_403 : vector<16xf32>
        %add3A_455 = arith.addf %add3A_450, %mul3A_454 : vector<16xf32>
        %and3A_456 = arith.constant 15 : i32
        %and3A_457 = arith.andi %add3A_436, %and3A_456 : i32
        %eq3A_458 = vector.broadcast %and3A_457 : i32 to vector<16xi32>
        %eq3A_459 = arith.cmpi eq, %iota3A, %eq3A_458 : vector<16xi32>
        %reduce_sum3A_460 = arith.constant true
        %reduce_sum3A_461 = vector.broadcast %reduce_sum3A_460 : i1 to vector<16xi1>
        %reduce_sum3A_462 = tpu.scan <sum>, %add3A_455 masked %reduce_sum3A_461 : vector<16xf32>, vector<16xi1> -> vector<16xf32>
        %reduce_sum3A_463 = vector.extract %reduce_sum3A_462[15] : f32 from vector<16xf32>
        %broadcast_in_dim3A_464 = vector.broadcast %reduce_sum3A_463 : f32 to vector<16xf32>
        %select_n3A_465 = arith.select %eq3A_459, %broadcast_in_dim3A_464, %scan3A_391 : vector<16xi1>, vector<16xf32>
        %mul3A_466 = arith.constant 320 : i32
        %mul3A_467 = arith.muli %add3A_381, %mul3A_466 : i32
        %add3A_468 = arith.addi %mul3A_467, %add3A_436 : i32
        %sub3A_469 = arith.subi %add3A_468, %and3A_457 : i32
        %swap3A_470 = arith.index_cast %sub3A_469 : i32 to index
        %swap3A_471 = tpu.vector_load %arg24[%swap3A_470] {strides = array<i32>} : memref<10240xf32, #tpu.memory_space<vmem>>, vector<16xf32>,
        tpu.vector_store %arg24[%swap3A_470], %select_n3A_465 {strides = array<i32>} : memref<10240xf32, #tpu.memory_space<vmem>>, vector<16xf32>,
        %mul3A_472 = arith.constant 20 : i32
        %mul3A_473 = arith.muli %scan3A_390, %mul3A_472 : i32
        %add3A_474 = arith.constant 1 : i32
        %add3A_475 = arith.addi %mul3A_473, %add3A_474 : i32
        %get3A_476 = arith.index_cast %add3A_475 : i32 to index
        %get3A_477 = arith.constant 0 : index
        %get3A_478 = tpu.vector_load %arg20[%get3A_476, %get3A_477] {strides = array<i32>} : memref<320x64xf32, #tpu.memory_space<vmem>>, vector<16xf32>,
        %mul3A_479 = arith.mulf %get3A_478, %get3A_394 : vector<16xf32>
        %get3A_480 = arith.index_cast %add3A_475 : i32 to index
        %get3A_481 = arith.constant 16 : index
        %get3A_482 = tpu.vector_load %arg20[%get3A_480, %get3A_481] {strides = array<i32>} : memref<320x64xf32, #tpu.memory_space<vmem>>, vector<16xf32>,
        %mul3A_483 = arith.mulf %get3A_482, %get3A_397 : vector<16xf32>
        %add3A_484 = arith.addf %mul3A_479, %mul3A_483 : vector<16xf32>
        %get3A_485 = arith.index_cast %add3A_475 : i32 to index
        %get3A_486 = arith.constant 32 : index
        %get3A_487 = tpu.vector_load %arg20[%get3A_485, %get3A_486] {strides = array<i32>} : memref<320x64xf32, #tpu.memory_space<vmem>>, vector<16xf32>,
        %mul3A_488 = arith.mulf %get3A_487, %get3A_400 : vector<16xf32>
        %add3A_489 = arith.addf %add3A_484, %mul3A_488 : vector<16xf32>
        %get3A_490 = arith.index_cast %add3A_475 : i32 to index
        %get3A_491 = arith.constant 48 : index
        %get3A_492 = tpu.vector_load %arg20[%get3A_490, %get3A_491] {strides = array<i32>} : memref<320x64xf32, #tpu.memory_space<vmem>>, vector<16xf32>,
        %mul3A_493 = arith.mulf %get3A_492, %get3A_403 : vector<16xf32>
        %add3A_494 = arith.addf %add3A_489, %mul3A_493 : vector<16xf32>
        %and3A_495 = arith.constant 15 : i32
        %and3A_496 = arith.andi %add3A_475, %and3A_495 : i32
        %eq3A_497 = vector.broadcast %and3A_496 : i32 to vector<16xi32>
        %eq3A_498 = arith.cmpi eq, %iota3A, %eq3A_497 : vector<16xi32>
        %reduce_sum3A_499 = arith.constant true
        %reduce_sum3A_500 = vector.broadcast %reduce_sum3A_499 : i1 to vector<16xi1>
        %reduce_sum3A_501 = tpu.scan <sum>, %add3A_494 masked %reduce_sum3A_500 : vector<16xf32>, vector<16xi1> -> vector<16xf32>
        %reduce_sum3A_502 = vector.extract %reduce_sum3A_501[15] : f32 from vector<16xf32>
        %broadcast_in_dim3A_503 = vector.broadcast %reduce_sum3A_502 : f32 to vector<16xf32>
        %select_n3A_504 = arith.select %eq3A_498, %broadcast_in_dim3A_503, %select_n3A_465 : vector<16xi1>, vector<16xf32>
        %mul3A_505 = arith.constant 320 : i32
        %mul3A_506 = arith.muli %add3A_381, %mul3A_505 : i32
        %add3A_507 = arith.addi %mul3A_506, %add3A_475 : i32
        %sub3A_508 = arith.subi %add3A_507, %and3A_496 : i32
        %swap3A_509 = arith.index_cast %sub3A_508 : i32 to index
        %swap3A_510 = tpu.vector_load %arg24[%swap3A_509] {strides = array<i32>} : memref<10240xf32, #tpu.memory_space<vmem>>, vector<16xf32>,
        tpu.vector_store %arg24[%swap3A_509], %select_n3A_504 {strides = array<i32>} : memref<10240xf32, #tpu.memory_space<vmem>>, vector<16xf32>,
        %mul3A_511 = arith.constant 20 : i32
        %mul3A_512 = arith.muli %scan3A_390, %mul3A_511 : i32
        %add3A_513 = arith.constant 2 : i32
        %add3A_514 = arith.addi %mul3A_512, %add3A_513 : i32
        %get3A_515 = arith.index_cast %add3A_514 : i32 to index
        %get3A_516 = arith.constant 0 : index
        %get3A_517 = tpu.vector_load %arg20[%get3A_515, %get3A_516] {strides = array<i32>} : memref<320x64xf32, #tpu.memory_space<vmem>>, vector<16xf32>,
        %mul3A_518 = arith.mulf %get3A_517, %get3A_394 : vector<16xf32>
        %get3A_519 = arith.index_cast %add3A_514 : i32 to index
        %get3A_520 = arith.constant 16 : index
        %get3A_521 = tpu.vector_load %arg20[%get3A_519, %get3A_520] {strides = array<i32>} : memref<320x64xf32, #tpu.memory_space<vmem>>, vector<16xf32>,
        %mul3A_522 = arith.mulf %get3A_521, %get3A_397 : vector<16xf32>
        %add3A_523 = arith.addf %mul3A_518, %mul3A_522 : vector<16xf32>
        %get3A_524 = arith.index_cast %add3A_514 : i32 to index
        %get3A_525 = arith.constant 32 : index
        %get3A_526 = tpu.vector_load %arg20[%get3A_524, %get3A_525] {strides = array<i32>} : memref<320x64xf32, #tpu.memory_space<vmem>>, vector<16xf32>,
        %mul3A_527 = arith.mulf %get3A_526, %get3A_400 : vector<16xf32>
        %add3A_528 = arith.addf %add3A_523, %mul3A_527 : vector<16xf32>
        %get3A_529 = arith.index_cast %add3A_514 : i32 to index
        %get3A_530 = arith.constant 48 : index
        %get3A_531 = tpu.vector_load %arg20[%get3A_529, %get3A_530] {strides = array<i32>} : memref<320x64xf32, #tpu.memory_space<vmem>>, vector<16xf32>,
        %mul3A_532 = arith.mulf %get3A_531, %get3A_403 : vector<16xf32>
        %add3A_533 = arith.addf %add3A_528, %mul3A_532 : vector<16xf32>
        %and3A_534 = arith.constant 15 : i32
        %and3A_535 = arith.andi %add3A_514, %and3A_534 : i32
        %eq3A_536 = vector.broadcast %and3A_535 : i32 to vector<16xi32>
        %eq3A_537 = arith.cmpi eq, %iota3A, %eq3A_536 : vector<16xi32>
        %reduce_sum3A_538 = arith.constant true
        %reduce_sum3A_539 = vector.broadcast %reduce_sum3A_538 : i1 to vector<16xi1>
        %reduce_sum3A_540 = tpu.scan <sum>, %add3A_533 masked %reduce_sum3A_539 : vector<16xf32>, vector<16xi1> -> vector<16xf32>
        %reduce_sum3A_541 = vector.extract %reduce_sum3A_540[15] : f32 from vector<16xf32>
        %broadcast_in_dim3A_542 = vector.broadcast %reduce_sum3A_541 : f32 to vector<16xf32>
        %select_n3A_543 = arith.select %eq3A_537, %broadcast_in_dim3A_542, %select_n3A_504 : vector<16xi1>, vector<16xf32>
        %mul3A_544 = arith.constant 320 : i32
        %mul3A_545 = arith.muli %add3A_381, %mul3A_544 : i32
        %add3A_546 = arith.addi %mul3A_545, %add3A_514 : i32
        %sub3A_547 = arith.subi %add3A_546, %and3A_535 : i32
        %swap3A_548 = arith.index_cast %sub3A_547 : i32 to index
        %swap3A_549 = tpu.vector_load %arg24[%swap3A_548] {strides = array<i32>} : memref<10240xf32, #tpu.memory_space<vmem>>, vector<16xf32>,
        tpu.vector_store %arg24[%swap3A_548], %select_n3A_543 {strides = array<i32>} : memref<10240xf32, #tpu.memory_space<vmem>>, vector<16xf32>,
        %mul3A_550 = arith.constant 20 : i32
        %mul3A_551 = arith.muli %scan3A_390, %mul3A_550 : i32
        %add3A_552 = arith.constant 3 : i32
        %add3A_553 = arith.addi %mul3A_551, %add3A_552 : i32
        %get3A_554 = arith.index_cast %add3A_553 : i32 to index
        %get3A_555 = arith.constant 0 : index
        %get3A_556 = tpu.vector_load %arg20[%get3A_554, %get3A_555] {strides = array<i32>} : memref<320x64xf32, #tpu.memory_space<vmem>>, vector<16xf32>,
        %mul3A_557 = arith.mulf %get3A_556, %get3A_394 : vector<16xf32>
        %get3A_558 = arith.index_cast %add3A_553 : i32 to index
        %get3A_559 = arith.constant 16 : index
        %get3A_560 = tpu.vector_load %arg20[%get3A_558, %get3A_559] {strides = array<i32>} : memref<320x64xf32, #tpu.memory_space<vmem>>, vector<16xf32>,
        %mul3A_561 = arith.mulf %get3A_560, %get3A_397 : vector<16xf32>
        %add3A_562 = arith.addf %mul3A_557, %mul3A_561 : vector<16xf32>
        %get3A_563 = arith.index_cast %add3A_553 : i32 to index
        %get3A_564 = arith.constant 32 : index
        %get3A_565 = tpu.vector_load %arg20[%get3A_563, %get3A_564] {strides = array<i32>} : memref<320x64xf32, #tpu.memory_space<vmem>>, vector<16xf32>,
        %mul3A_566 = arith.mulf %get3A_565, %get3A_400 : vector<16xf32>
        %add3A_567 = arith.addf %add3A_562, %mul3A_566 : vector<16xf32>
        %get3A_568 = arith.index_cast %add3A_553 : i32 to index
        %get3A_569 = arith.constant 48 : index
        %get3A_570 = tpu.vector_load %arg20[%get3A_568, %get3A_569] {strides = array<i32>} : memref<320x64xf32, #tpu.memory_space<vmem>>, vector<16xf32>,
        %mul3A_571 = arith.mulf %get3A_570, %get3A_403 : vector<16xf32>
        %add3A_572 = arith.addf %add3A_567, %mul3A_571 : vector<16xf32>
        %and3A_573 = arith.constant 15 : i32
        %and3A_574 = arith.andi %add3A_553, %and3A_573 : i32
        %eq3A_575 = vector.broadcast %and3A_574 : i32 to vector<16xi32>
        %eq3A_576 = arith.cmpi eq, %iota3A, %eq3A_575 : vector<16xi32>
        %reduce_sum3A_577 = arith.constant true
        %reduce_sum3A_578 = vector.broadcast %reduce_sum3A_577 : i1 to vector<16xi1>
        %reduce_sum3A_579 = tpu.scan <sum>, %add3A_572 masked %reduce_sum3A_578 : vector<16xf32>, vector<16xi1> -> vector<16xf32>
        %reduce_sum3A_580 = vector.extract %reduce_sum3A_579[15] : f32 from vector<16xf32>
        %broadcast_in_dim3A_581 = vector.broadcast %reduce_sum3A_580 : f32 to vector<16xf32>
        %select_n3A_582 = arith.select %eq3A_576, %broadcast_in_dim3A_581, %select_n3A_543 : vector<16xi1>, vector<16xf32>
        %mul3A_583 = arith.constant 320 : i32
        %mul3A_584 = arith.muli %add3A_381, %mul3A_583 : i32
        %add3A_585 = arith.addi %mul3A_584, %add3A_553 : i32
        %sub3A_586 = arith.subi %add3A_585, %and3A_574 : i32
        %swap3A_587 = arith.index_cast %sub3A_586 : i32 to index
        %swap3A_588 = tpu.vector_load %arg24[%swap3A_587] {strides = array<i32>} : memref<10240xf32, #tpu.memory_space<vmem>>, vector<16xf32>,
        tpu.vector_store %arg24[%swap3A_587], %select_n3A_582 {strides = array<i32>} : memref<10240xf32, #tpu.memory_space<vmem>>, vector<16xf32>,
        %mul3A_589 = arith.constant 20 : i32
        %mul3A_590 = arith.muli %scan3A_390, %mul3A_589 : i32
        %add3A_591 = arith.constant 4 : i32
        %add3A_592 = arith.addi %mul3A_590, %add3A_591 : i32
        %get3A_593 = arith.index_cast %add3A_592 : i32 to index
        %get3A_594 = arith.constant 0 : index
        %get3A_595 = tpu.vector_load %arg20[%get3A_593, %get3A_594] {strides = array<i32>} : memref<320x64xf32, #tpu.memory_space<vmem>>, vector<16xf32>,
        %mul3A_596 = arith.mulf %get3A_595, %get3A_394 : vector<16xf32>
        %get3A_597 = arith.index_cast %add3A_592 : i32 to index
        %get3A_598 = arith.constant 16 : index
        %get3A_599 = tpu.vector_load %arg20[%get3A_597, %get3A_598] {strides = array<i32>} : memref<320x64xf32, #tpu.memory_space<vmem>>, vector<16xf32>,
        %mul3A_600 = arith.mulf %get3A_599, %get3A_397 : vector<16xf32>
        %add3A_601 = arith.addf %mul3A_596, %mul3A_600 : vector<16xf32>
        %get3A_602 = arith.index_cast %add3A_592 : i32 to index
        %get3A_603 = arith.constant 32 : index
        %get3A_604 = tpu.vector_load %arg20[%get3A_602, %get3A_603] {strides = array<i32>} : memref<320x64xf32, #tpu.memory_space<vmem>>, vector<16xf32>,
        %mul3A_605 = arith.mulf %get3A_604, %get3A_400 : vector<16xf32>
        %add3A_606 = arith.addf %add3A_601, %mul3A_605 : vector<16xf32>
        %get3A_607 = arith.index_cast %add3A_592 : i32 to index
        %get3A_608 = arith.constant 48 : index
        %get3A_609 = tpu.vector_load %arg20[%get3A_607, %get3A_608] {strides = array<i32>} : memref<320x64xf32, #tpu.memory_space<vmem>>, vector<16xf32>,
        %mul3A_610 = arith.mulf %get3A_609, %get3A_403 : vector<16xf32>
        %add3A_611 = arith.addf %add3A_606, %mul3A_610 : vector<16xf32>
        %and3A_612 = arith.constant 15 : i32
        %and3A_613 = arith.andi %add3A_592, %and3A_612 : i32
        %eq3A_614 = vector.broadcast %and3A_613 : i32 to vector<16xi32>
        %eq3A_615 = arith.cmpi eq, %iota3A, %eq3A_614 : vector<16xi32>
        %reduce_sum3A_616 = arith.constant true
        %reduce_sum3A_617 = vector.broadcast %reduce_sum3A_616 : i1 to vector<16xi1>
        %reduce_sum3A_618 = tpu.scan <sum>, %add3A_611 masked %reduce_sum3A_617 : vector<16xf32>, vector<16xi1> -> vector<16xf32>
        %reduce_sum3A_619 = vector.extract %reduce_sum3A_618[15] : f32 from vector<16xf32>
        %broadcast_in_dim3A_620 = vector.broadcast %reduce_sum3A_619 : f32 to vector<16xf32>
        %select_n3A_621 = arith.select %eq3A_615, %broadcast_in_dim3A_620, %select_n3A_582 : vector<16xi1>, vector<16xf32>
        %mul3A_622 = arith.constant 320 : i32
        %mul3A_623 = arith.muli %add3A_381, %mul3A_622 : i32
        %add3A_624 = arith.addi %mul3A_623, %add3A_592 : i32
        %sub3A_625 = arith.subi %add3A_624, %and3A_613 : i32
        %swap3A_626 = arith.index_cast %sub3A_625 : i32 to index
        %swap3A_627 = tpu.vector_load %arg24[%swap3A_626] {strides = array<i32>} : memref<10240xf32, #tpu.memory_space<vmem>>, vector<16xf32>,
        tpu.vector_store %arg24[%swap3A_626], %select_n3A_621 {strides = array<i32>} : memref<10240xf32, #tpu.memory_space<vmem>>, vector<16xf32>,
        %mul3A_628 = arith.constant 20 : i32
        %mul3A_629 = arith.muli %scan3A_390, %mul3A_628 : i32
        %add3A_630 = arith.constant 5 : i32
        %add3A_631 = arith.addi %mul3A_629, %add3A_630 : i32
        %get3A_632 = arith.index_cast %add3A_631 : i32 to index
        %get3A_633 = arith.constant 0 : index
        %get3A_634 = tpu.vector_load %arg20[%get3A_632, %get3A_633] {strides = array<i32>} : memref<320x64xf32, #tpu.memory_space<vmem>>, vector<16xf32>,
        %mul3A_635 = arith.mulf %get3A_634, %get3A_394 : vector<16xf32>
        %get3A_636 = arith.index_cast %add3A_631 : i32 to index
        %get3A_637 = arith.constant 16 : index
        %get3A_638 = tpu.vector_load %arg20[%get3A_636, %get3A_637] {strides = array<i32>} : memref<320x64xf32, #tpu.memory_space<vmem>>, vector<16xf32>,
        %mul3A_639 = arith.mulf %get3A_638, %get3A_397 : vector<16xf32>
        %add3A_640 = arith.addf %mul3A_635, %mul3A_639 : vector<16xf32>
        %get3A_641 = arith.index_cast %add3A_631 : i32 to index
        %get3A_642 = arith.constant 32 : index
        %get3A_643 = tpu.vector_load %arg20[%get3A_641, %get3A_642] {strides = array<i32>} : memref<320x64xf32, #tpu.memory_space<vmem>>, vector<16xf32>,
        %mul3A_644 = arith.mulf %get3A_643, %get3A_400 : vector<16xf32>
        %add3A_645 = arith.addf %add3A_640, %mul3A_644 : vector<16xf32>
        %get3A_646 = arith.index_cast %add3A_631 : i32 to index
        %get3A_647 = arith.constant 48 : index
        %get3A_648 = tpu.vector_load %arg20[%get3A_646, %get3A_647] {strides = array<i32>} : memref<320x64xf32, #tpu.memory_space<vmem>>, vector<16xf32>,
        %mul3A_649 = arith.mulf %get3A_648, %get3A_403 : vector<16xf32>
        %add3A_650 = arith.addf %add3A_645, %mul3A_649 : vector<16xf32>
        %and3A_651 = arith.constant 15 : i32
        %and3A_652 = arith.andi %add3A_631, %and3A_651 : i32
        %eq3A_653 = vector.broadcast %and3A_652 : i32 to vector<16xi32>
        %eq3A_654 = arith.cmpi eq, %iota3A, %eq3A_653 : vector<16xi32>
        %reduce_sum3A_655 = arith.constant true
        %reduce_sum3A_656 = vector.broadcast %reduce_sum3A_655 : i1 to vector<16xi1>
        %reduce_sum3A_657 = tpu.scan <sum>, %add3A_650 masked %reduce_sum3A_656 : vector<16xf32>, vector<16xi1> -> vector<16xf32>
        %reduce_sum3A_658 = vector.extract %reduce_sum3A_657[15] : f32 from vector<16xf32>
        %broadcast_in_dim3A_659 = vector.broadcast %reduce_sum3A_658 : f32 to vector<16xf32>
        %select_n3A_660 = arith.select %eq3A_654, %broadcast_in_dim3A_659, %select_n3A_621 : vector<16xi1>, vector<16xf32>
        %mul3A_661 = arith.constant 320 : i32
        %mul3A_662 = arith.muli %add3A_381, %mul3A_661 : i32
        %add3A_663 = arith.addi %mul3A_662, %add3A_631 : i32
        %sub3A_664 = arith.subi %add3A_663, %and3A_652 : i32
        %swap3A_665 = arith.index_cast %sub3A_664 : i32 to index
        %swap3A_666 = tpu.vector_load %arg24[%swap3A_665] {strides = array<i32>} : memref<10240xf32, #tpu.memory_space<vmem>>, vector<16xf32>,
        tpu.vector_store %arg24[%swap3A_665], %select_n3A_660 {strides = array<i32>} : memref<10240xf32, #tpu.memory_space<vmem>>, vector<16xf32>,
        %mul3A_667 = arith.constant 20 : i32
        %mul3A_668 = arith.muli %scan3A_390, %mul3A_667 : i32
        %add3A_669 = arith.constant 6 : i32
        %add3A_670 = arith.addi %mul3A_668, %add3A_669 : i32
        %get3A_671 = arith.index_cast %add3A_670 : i32 to index
        %get3A_672 = arith.constant 0 : index
        %get3A_673 = tpu.vector_load %arg20[%get3A_671, %get3A_672] {strides = array<i32>} : memref<320x64xf32, #tpu.memory_space<vmem>>, vector<16xf32>,
        %mul3A_674 = arith.mulf %get3A_673, %get3A_394 : vector<16xf32>
        %get3A_675 = arith.index_cast %add3A_670 : i32 to index
        %get3A_676 = arith.constant 16 : index
        %get3A_677 = tpu.vector_load %arg20[%get3A_675, %get3A_676] {strides = array<i32>} : memref<320x64xf32, #tpu.memory_space<vmem>>, vector<16xf32>,
        %mul3A_678 = arith.mulf %get3A_677, %get3A_397 : vector<16xf32>
        %add3A_679 = arith.addf %mul3A_674, %mul3A_678 : vector<16xf32>
        %get3A_680 = arith.index_cast %add3A_670 : i32 to index
        %get3A_681 = arith.constant 32 : index
        %get3A_682 = tpu.vector_load %arg20[%get3A_680, %get3A_681] {strides = array<i32>} : memref<320x64xf32, #tpu.memory_space<vmem>>, vector<16xf32>,
        %mul3A_683 = arith.mulf %get3A_682, %get3A_400 : vector<16xf32>
        %add3A_684 = arith.addf %add3A_679, %mul3A_683 : vector<16xf32>
        %get3A_685 = arith.index_cast %add3A_670 : i32 to index
        %get3A_686 = arith.constant 48 : index
        %get3A_687 = tpu.vector_load %arg20[%get3A_685, %get3A_686] {strides = array<i32>} : memref<320x64xf32, #tpu.memory_space<vmem>>, vector<16xf32>,
        %mul3A_688 = arith.mulf %get3A_687, %get3A_403 : vector<16xf32>
        %add3A_689 = arith.addf %add3A_684, %mul3A_688 : vector<16xf32>
        %and3A_690 = arith.constant 15 : i32
        %and3A_691 = arith.andi %add3A_670, %and3A_690 : i32
        %eq3A_692 = vector.broadcast %and3A_691 : i32 to vector<16xi32>
        %eq3A_693 = arith.cmpi eq, %iota3A, %eq3A_692 : vector<16xi32>
        %reduce_sum3A_694 = arith.constant true
        %reduce_sum3A_695 = vector.broadcast %reduce_sum3A_694 : i1 to vector<16xi1>
        %reduce_sum3A_696 = tpu.scan <sum>, %add3A_689 masked %reduce_sum3A_695 : vector<16xf32>, vector<16xi1> -> vector<16xf32>
        %reduce_sum3A_697 = vector.extract %reduce_sum3A_696[15] : f32 from vector<16xf32>
        %broadcast_in_dim3A_698 = vector.broadcast %reduce_sum3A_697 : f32 to vector<16xf32>
        %select_n3A_699 = arith.select %eq3A_693, %broadcast_in_dim3A_698, %select_n3A_660 : vector<16xi1>, vector<16xf32>
        %mul3A_700 = arith.constant 320 : i32
        %mul3A_701 = arith.muli %add3A_381, %mul3A_700 : i32
        %add3A_702 = arith.addi %mul3A_701, %add3A_670 : i32
        %sub3A_703 = arith.subi %add3A_702, %and3A_691 : i32
        %swap3A_704 = arith.index_cast %sub3A_703 : i32 to index
        %swap3A_705 = tpu.vector_load %arg24[%swap3A_704] {strides = array<i32>} : memref<10240xf32, #tpu.memory_space<vmem>>, vector<16xf32>,
        tpu.vector_store %arg24[%swap3A_704], %select_n3A_699 {strides = array<i32>} : memref<10240xf32, #tpu.memory_space<vmem>>, vector<16xf32>,
        %mul3A_706 = arith.constant 20 : i32
        %mul3A_707 = arith.muli %scan3A_390, %mul3A_706 : i32
        %add3A_708 = arith.constant 7 : i32
        %add3A_709 = arith.addi %mul3A_707, %add3A_708 : i32
        %get3A_710 = arith.index_cast %add3A_709 : i32 to index
        %get3A_711 = arith.constant 0 : index
        %get3A_712 = tpu.vector_load %arg20[%get3A_710, %get3A_711] {strides = array<i32>} : memref<320x64xf32, #tpu.memory_space<vmem>>, vector<16xf32>,
        %mul3A_713 = arith.mulf %get3A_712, %get3A_394 : vector<16xf32>
        %get3A_714 = arith.index_cast %add3A_709 : i32 to index
        %get3A_715 = arith.constant 16 : index
        %get3A_716 = tpu.vector_load %arg20[%get3A_714, %get3A_715] {strides = array<i32>} : memref<320x64xf32, #tpu.memory_space<vmem>>, vector<16xf32>,
        %mul3A_717 = arith.mulf %get3A_716, %get3A_397 : vector<16xf32>
        %add3A_718 = arith.addf %mul3A_713, %mul3A_717 : vector<16xf32>
        %get3A_719 = arith.index_cast %add3A_709 : i32 to index
        %get3A_720 = arith.constant 32 : index
        %get3A_721 = tpu.vector_load %arg20[%get3A_719, %get3A_720] {strides = array<i32>} : memref<320x64xf32, #tpu.memory_space<vmem>>, vector<16xf32>,
        %mul3A_722 = arith.mulf %get3A_721, %get3A_400 : vector<16xf32>
        %add3A_723 = arith.addf %add3A_718, %mul3A_722 : vector<16xf32>
        %get3A_724 = arith.index_cast %add3A_709 : i32 to index
        %get3A_725 = arith.constant 48 : index
        %get3A_726 = tpu.vector_load %arg20[%get3A_724, %get3A_725] {strides = array<i32>} : memref<320x64xf32, #tpu.memory_space<vmem>>, vector<16xf32>,
        %mul3A_727 = arith.mulf %get3A_726, %get3A_403 : vector<16xf32>
        %add3A_728 = arith.addf %add3A_723, %mul3A_727 : vector<16xf32>
        %and3A_729 = arith.constant 15 : i32
        %and3A_730 = arith.andi %add3A_709, %and3A_729 : i32
        %eq3A_731 = vector.broadcast %and3A_730 : i32 to vector<16xi32>
        %eq3A_732 = arith.cmpi eq, %iota3A, %eq3A_731 : vector<16xi32>
        %reduce_sum3A_733 = arith.constant true
        %reduce_sum3A_734 = vector.broadcast %reduce_sum3A_733 : i1 to vector<16xi1>
        %reduce_sum3A_735 = tpu.scan <sum>, %add3A_728 masked %reduce_sum3A_734 : vector<16xf32>, vector<16xi1> -> vector<16xf32>
        %reduce_sum3A_736 = vector.extract %reduce_sum3A_735[15] : f32 from vector<16xf32>
        %broadcast_in_dim3A_737 = vector.broadcast %reduce_sum3A_736 : f32 to vector<16xf32>
        %select_n3A_738 = arith.select %eq3A_732, %broadcast_in_dim3A_737, %select_n3A_699 : vector<16xi1>, vector<16xf32>
        %mul3A_739 = arith.constant 320 : i32
        %mul3A_740 = arith.muli %add3A_381, %mul3A_739 : i32
        %add3A_741 = arith.addi %mul3A_740, %add3A_709 : i32
        %sub3A_742 = arith.subi %add3A_741, %and3A_730 : i32
        %swap3A_743 = arith.index_cast %sub3A_742 : i32 to index
        %swap3A_744 = tpu.vector_load %arg24[%swap3A_743] {strides = array<i32>} : memref<10240xf32, #tpu.memory_space<vmem>>, vector<16xf32>,
        tpu.vector_store %arg24[%swap3A_743], %select_n3A_738 {strides = array<i32>} : memref<10240xf32, #tpu.memory_space<vmem>>, vector<16xf32>,
        %mul3A_745 = arith.constant 20 : i32
        %mul3A_746 = arith.muli %scan3A_390, %mul3A_745 : i32
        %add3A_747 = arith.constant 8 : i32
        %add3A_748 = arith.addi %mul3A_746, %add3A_747 : i32
        %get3A_749 = arith.index_cast %add3A_748 : i32 to index
        %get3A_750 = arith.constant 0 : index
        %get3A_751 = tpu.vector_load %arg20[%get3A_749, %get3A_750] {strides = array<i32>} : memref<320x64xf32, #tpu.memory_space<vmem>>, vector<16xf32>,
        %mul3A_752 = arith.mulf %get3A_751, %get3A_394 : vector<16xf32>
        %get3A_753 = arith.index_cast %add3A_748 : i32 to index
        %get3A_754 = arith.constant 16 : index
        %get3A_755 = tpu.vector_load %arg20[%get3A_753, %get3A_754] {strides = array<i32>} : memref<320x64xf32, #tpu.memory_space<vmem>>, vector<16xf32>,
        %mul3A_756 = arith.mulf %get3A_755, %get3A_397 : vector<16xf32>
        %add3A_757 = arith.addf %mul3A_752, %mul3A_756 : vector<16xf32>
        %get3A_758 = arith.index_cast %add3A_748 : i32 to index
        %get3A_759 = arith.constant 32 : index
        %get3A_760 = tpu.vector_load %arg20[%get3A_758, %get3A_759] {strides = array<i32>} : memref<320x64xf32, #tpu.memory_space<vmem>>, vector<16xf32>,
        %mul3A_761 = arith.mulf %get3A_760, %get3A_400 : vector<16xf32>
        %add3A_762 = arith.addf %add3A_757, %mul3A_761 : vector<16xf32>
        %get3A_763 = arith.index_cast %add3A_748 : i32 to index
        %get3A_764 = arith.constant 48 : index
        %get3A_765 = tpu.vector_load %arg20[%get3A_763, %get3A_764] {strides = array<i32>} : memref<320x64xf32, #tpu.memory_space<vmem>>, vector<16xf32>,
        %mul3A_766 = arith.mulf %get3A_765, %get3A_403 : vector<16xf32>
        %add3A_767 = arith.addf %add3A_762, %mul3A_766 : vector<16xf32>
        %and3A_768 = arith.constant 15 : i32
        %and3A_769 = arith.andi %add3A_748, %and3A_768 : i32
        %eq3A_770 = vector.broadcast %and3A_769 : i32 to vector<16xi32>
        %eq3A_771 = arith.cmpi eq, %iota3A, %eq3A_770 : vector<16xi32>
        %reduce_sum3A_772 = arith.constant true
        %reduce_sum3A_773 = vector.broadcast %reduce_sum3A_772 : i1 to vector<16xi1>
        %reduce_sum3A_774 = tpu.scan <sum>, %add3A_767 masked %reduce_sum3A_773 : vector<16xf32>, vector<16xi1> -> vector<16xf32>
        %reduce_sum3A_775 = vector.extract %reduce_sum3A_774[15] : f32 from vector<16xf32>
        %broadcast_in_dim3A_776 = vector.broadcast %reduce_sum3A_775 : f32 to vector<16xf32>
        %select_n3A_777 = arith.select %eq3A_771, %broadcast_in_dim3A_776, %select_n3A_738 : vector<16xi1>, vector<16xf32>
        %mul3A_778 = arith.constant 320 : i32
        %mul3A_779 = arith.muli %add3A_381, %mul3A_778 : i32
        %add3A_780 = arith.addi %mul3A_779, %add3A_748 : i32
        %sub3A_781 = arith.subi %add3A_780, %and3A_769 : i32
        %swap3A_782 = arith.index_cast %sub3A_781 : i32 to index
        %swap3A_783 = tpu.vector_load %arg24[%swap3A_782] {strides = array<i32>} : memref<10240xf32, #tpu.memory_space<vmem>>, vector<16xf32>,
        tpu.vector_store %arg24[%swap3A_782], %select_n3A_777 {strides = array<i32>} : memref<10240xf32, #tpu.memory_space<vmem>>, vector<16xf32>,
        %mul3A_784 = arith.constant 20 : i32
        %mul3A_785 = arith.muli %scan3A_390, %mul3A_784 : i32
        %add3A_786 = arith.constant 9 : i32
        %add3A_787 = arith.addi %mul3A_785, %add3A_786 : i32
        %get3A_788 = arith.index_cast %add3A_787 : i32 to index
        %get3A_789 = arith.constant 0 : index
        %get3A_790 = tpu.vector_load %arg20[%get3A_788, %get3A_789] {strides = array<i32>} : memref<320x64xf32, #tpu.memory_space<vmem>>, vector<16xf32>,
        %mul3A_791 = arith.mulf %get3A_790, %get3A_394 : vector<16xf32>
        %get3A_792 = arith.index_cast %add3A_787 : i32 to index
        %get3A_793 = arith.constant 16 : index
        %get3A_794 = tpu.vector_load %arg20[%get3A_792, %get3A_793] {strides = array<i32>} : memref<320x64xf32, #tpu.memory_space<vmem>>, vector<16xf32>,
        %mul3A_795 = arith.mulf %get3A_794, %get3A_397 : vector<16xf32>
        %add3A_796 = arith.addf %mul3A_791, %mul3A_795 : vector<16xf32>
        %get3A_797 = arith.index_cast %add3A_787 : i32 to index
        %get3A_798 = arith.constant 32 : index
        %get3A_799 = tpu.vector_load %arg20[%get3A_797, %get3A_798] {strides = array<i32>} : memref<320x64xf32, #tpu.memory_space<vmem>>, vector<16xf32>,
        %mul3A_800 = arith.mulf %get3A_799, %get3A_400 : vector<16xf32>
        %add3A_801 = arith.addf %add3A_796, %mul3A_800 : vector<16xf32>
        %get3A_802 = arith.index_cast %add3A_787 : i32 to index
        %get3A_803 = arith.constant 48 : index
        %get3A_804 = tpu.vector_load %arg20[%get3A_802, %get3A_803] {strides = array<i32>} : memref<320x64xf32, #tpu.memory_space<vmem>>, vector<16xf32>,
        %mul3A_805 = arith.mulf %get3A_804, %get3A_403 : vector<16xf32>
        %add3A_806 = arith.addf %add3A_801, %mul3A_805 : vector<16xf32>
        %and3A_807 = arith.constant 15 : i32
        %and3A_808 = arith.andi %add3A_787, %and3A_807 : i32
        %eq3A_809 = vector.broadcast %and3A_808 : i32 to vector<16xi32>
        %eq3A_810 = arith.cmpi eq, %iota3A, %eq3A_809 : vector<16xi32>
        %reduce_sum3A_811 = arith.constant true
        %reduce_sum3A_812 = vector.broadcast %reduce_sum3A_811 : i1 to vector<16xi1>
        %reduce_sum3A_813 = tpu.scan <sum>, %add3A_806 masked %reduce_sum3A_812 : vector<16xf32>, vector<16xi1> -> vector<16xf32>
        %reduce_sum3A_814 = vector.extract %reduce_sum3A_813[15] : f32 from vector<16xf32>
        %broadcast_in_dim3A_815 = vector.broadcast %reduce_sum3A_814 : f32 to vector<16xf32>
        %select_n3A_816 = arith.select %eq3A_810, %broadcast_in_dim3A_815, %select_n3A_777 : vector<16xi1>, vector<16xf32>
        %mul3A_817 = arith.constant 320 : i32
        %mul3A_818 = arith.muli %add3A_381, %mul3A_817 : i32
        %add3A_819 = arith.addi %mul3A_818, %add3A_787 : i32
        %sub3A_820 = arith.subi %add3A_819, %and3A_808 : i32
        %swap3A_821 = arith.index_cast %sub3A_820 : i32 to index
        %swap3A_822 = tpu.vector_load %arg24[%swap3A_821] {strides = array<i32>} : memref<10240xf32, #tpu.memory_space<vmem>>, vector<16xf32>,
        tpu.vector_store %arg24[%swap3A_821], %select_n3A_816 {strides = array<i32>} : memref<10240xf32, #tpu.memory_space<vmem>>, vector<16xf32>,
        %mul3A_823 = arith.constant 20 : i32
        %mul3A_824 = arith.muli %scan3A_390, %mul3A_823 : i32
        %add3A_825 = arith.constant 10 : i32
        %add3A_826 = arith.addi %mul3A_824, %add3A_825 : i32
        %get3A_827 = arith.index_cast %add3A_826 : i32 to index
        %get3A_828 = arith.constant 0 : index
        %get3A_829 = tpu.vector_load %arg20[%get3A_827, %get3A_828] {strides = array<i32>} : memref<320x64xf32, #tpu.memory_space<vmem>>, vector<16xf32>,
        %mul3A_830 = arith.mulf %get3A_829, %get3A_394 : vector<16xf32>
        %get3A_831 = arith.index_cast %add3A_826 : i32 to index
        %get3A_832 = arith.constant 16 : index
        %get3A_833 = tpu.vector_load %arg20[%get3A_831, %get3A_832] {strides = array<i32>} : memref<320x64xf32, #tpu.memory_space<vmem>>, vector<16xf32>,
        %mul3A_834 = arith.mulf %get3A_833, %get3A_397 : vector<16xf32>
        %add3A_835 = arith.addf %mul3A_830, %mul3A_834 : vector<16xf32>
        %get3A_836 = arith.index_cast %add3A_826 : i32 to index
        %get3A_837 = arith.constant 32 : index
        %get3A_838 = tpu.vector_load %arg20[%get3A_836, %get3A_837] {strides = array<i32>} : memref<320x64xf32, #tpu.memory_space<vmem>>, vector<16xf32>,
        %mul3A_839 = arith.mulf %get3A_838, %get3A_400 : vector<16xf32>
        %add3A_840 = arith.addf %add3A_835, %mul3A_839 : vector<16xf32>
        %get3A_841 = arith.index_cast %add3A_826 : i32 to index
        %get3A_842 = arith.constant 48 : index
        %get3A_843 = tpu.vector_load %arg20[%get3A_841, %get3A_842] {strides = array<i32>} : memref<320x64xf32, #tpu.memory_space<vmem>>, vector<16xf32>,
        %mul3A_844 = arith.mulf %get3A_843, %get3A_403 : vector<16xf32>
        %add3A_845 = arith.addf %add3A_840, %mul3A_844 : vector<16xf32>
        %and3A_846 = arith.constant 15 : i32
        %and3A_847 = arith.andi %add3A_826, %and3A_846 : i32
        %eq3A_848 = vector.broadcast %and3A_847 : i32 to vector<16xi32>
        %eq3A_849 = arith.cmpi eq, %iota3A, %eq3A_848 : vector<16xi32>
        %reduce_sum3A_850 = arith.constant true
        %reduce_sum3A_851 = vector.broadcast %reduce_sum3A_850 : i1 to vector<16xi1>
        %reduce_sum3A_852 = tpu.scan <sum>, %add3A_845 masked %reduce_sum3A_851 : vector<16xf32>, vector<16xi1> -> vector<16xf32>
        %reduce_sum3A_853 = vector.extract %reduce_sum3A_852[15] : f32 from vector<16xf32>
        %broadcast_in_dim3A_854 = vector.broadcast %reduce_sum3A_853 : f32 to vector<16xf32>
        %select_n3A_855 = arith.select %eq3A_849, %broadcast_in_dim3A_854, %select_n3A_816 : vector<16xi1>, vector<16xf32>
        %mul3A_856 = arith.constant 320 : i32
        %mul3A_857 = arith.muli %add3A_381, %mul3A_856 : i32
        %add3A_858 = arith.addi %mul3A_857, %add3A_826 : i32
        %sub3A_859 = arith.subi %add3A_858, %and3A_847 : i32
        %swap3A_860 = arith.index_cast %sub3A_859 : i32 to index
        %swap3A_861 = tpu.vector_load %arg24[%swap3A_860] {strides = array<i32>} : memref<10240xf32, #tpu.memory_space<vmem>>, vector<16xf32>,
        tpu.vector_store %arg24[%swap3A_860], %select_n3A_855 {strides = array<i32>} : memref<10240xf32, #tpu.memory_space<vmem>>, vector<16xf32>,
        %mul3A_862 = arith.constant 20 : i32
        %mul3A_863 = arith.muli %scan3A_390, %mul3A_862 : i32
        %add3A_864 = arith.constant 11 : i32
        %add3A_865 = arith.addi %mul3A_863, %add3A_864 : i32
        %get3A_866 = arith.index_cast %add3A_865 : i32 to index
        %get3A_867 = arith.constant 0 : index
        %get3A_868 = tpu.vector_load %arg20[%get3A_866, %get3A_867] {strides = array<i32>} : memref<320x64xf32, #tpu.memory_space<vmem>>, vector<16xf32>,
        %mul3A_869 = arith.mulf %get3A_868, %get3A_394 : vector<16xf32>
        %get3A_870 = arith.index_cast %add3A_865 : i32 to index
        %get3A_871 = arith.constant 16 : index
        %get3A_872 = tpu.vector_load %arg20[%get3A_870, %get3A_871] {strides = array<i32>} : memref<320x64xf32, #tpu.memory_space<vmem>>, vector<16xf32>,
        %mul3A_873 = arith.mulf %get3A_872, %get3A_397 : vector<16xf32>
        %add3A_874 = arith.addf %mul3A_869, %mul3A_873 : vector<16xf32>
        %get3A_875 = arith.index_cast %add3A_865 : i32 to index
        %get3A_876 = arith.constant 32 : index
        %get3A_877 = tpu.vector_load %arg20[%get3A_875, %get3A_876] {strides = array<i32>} : memref<320x64xf32, #tpu.memory_space<vmem>>, vector<16xf32>,
        %mul3A_878 = arith.mulf %get3A_877, %get3A_400 : vector<16xf32>
        %add3A_879 = arith.addf %add3A_874, %mul3A_878 : vector<16xf32>
        %get3A_880 = arith.index_cast %add3A_865 : i32 to index
        %get3A_881 = arith.constant 48 : index
        %get3A_882 = tpu.vector_load %arg20[%get3A_880, %get3A_881] {strides = array<i32>} : memref<320x64xf32, #tpu.memory_space<vmem>>, vector<16xf32>,
        %mul3A_883 = arith.mulf %get3A_882, %get3A_403 : vector<16xf32>
        %add3A_884 = arith.addf %add3A_879, %mul3A_883 : vector<16xf32>
        %and3A_885 = arith.constant 15 : i32
        %and3A_886 = arith.andi %add3A_865, %and3A_885 : i32
        %eq3A_887 = vector.broadcast %and3A_886 : i32 to vector<16xi32>
        %eq3A_888 = arith.cmpi eq, %iota3A, %eq3A_887 : vector<16xi32>
        %reduce_sum3A_889 = arith.constant true
        %reduce_sum3A_890 = vector.broadcast %reduce_sum3A_889 : i1 to vector<16xi1>
        %reduce_sum3A_891 = tpu.scan <sum>, %add3A_884 masked %reduce_sum3A_890 : vector<16xf32>, vector<16xi1> -> vector<16xf32>
        %reduce_sum3A_892 = vector.extract %reduce_sum3A_891[15] : f32 from vector<16xf32>
        %broadcast_in_dim3A_893 = vector.broadcast %reduce_sum3A_892 : f32 to vector<16xf32>
        %select_n3A_894 = arith.select %eq3A_888, %broadcast_in_dim3A_893, %select_n3A_855 : vector<16xi1>, vector<16xf32>
        %mul3A_895 = arith.constant 320 : i32
        %mul3A_896 = arith.muli %add3A_381, %mul3A_895 : i32
        %add3A_897 = arith.addi %mul3A_896, %add3A_865 : i32
        %sub3A_898 = arith.subi %add3A_897, %and3A_886 : i32
        %swap3A_899 = arith.index_cast %sub3A_898 : i32 to index
        %swap3A_900 = tpu.vector_load %arg24[%swap3A_899] {strides = array<i32>} : memref<10240xf32, #tpu.memory_space<vmem>>, vector<16xf32>,
        tpu.vector_store %arg24[%swap3A_899], %select_n3A_894 {strides = array<i32>} : memref<10240xf32, #tpu.memory_space<vmem>>, vector<16xf32>,
        %mul3A_901 = arith.constant 20 : i32
        %mul3A_902 = arith.muli %scan3A_390, %mul3A_901 : i32
        %add3A_903 = arith.constant 12 : i32
        %add3A_904 = arith.addi %mul3A_902, %add3A_903 : i32
        %get3A_905 = arith.index_cast %add3A_904 : i32 to index
        %get3A_906 = arith.constant 0 : index
        %get3A_907 = tpu.vector_load %arg20[%get3A_905, %get3A_906] {strides = array<i32>} : memref<320x64xf32, #tpu.memory_space<vmem>>, vector<16xf32>,
        %mul3A_908 = arith.mulf %get3A_907, %get3A_394 : vector<16xf32>
        %get3A_909 = arith.index_cast %add3A_904 : i32 to index
        %get3A_910 = arith.constant 16 : index
        %get3A_911 = tpu.vector_load %arg20[%get3A_909, %get3A_910] {strides = array<i32>} : memref<320x64xf32, #tpu.memory_space<vmem>>, vector<16xf32>,
        %mul3A_912 = arith.mulf %get3A_911, %get3A_397 : vector<16xf32>
        %add3A_913 = arith.addf %mul3A_908, %mul3A_912 : vector<16xf32>
        %get3A_914 = arith.index_cast %add3A_904 : i32 to index
        %get3A_915 = arith.constant 32 : index
        %get3A_916 = tpu.vector_load %arg20[%get3A_914, %get3A_915] {strides = array<i32>} : memref<320x64xf32, #tpu.memory_space<vmem>>, vector<16xf32>,
        %mul3A_917 = arith.mulf %get3A_916, %get3A_400 : vector<16xf32>
        %add3A_918 = arith.addf %add3A_913, %mul3A_917 : vector<16xf32>
        %get3A_919 = arith.index_cast %add3A_904 : i32 to index
        %get3A_920 = arith.constant 48 : index
        %get3A_921 = tpu.vector_load %arg20[%get3A_919, %get3A_920] {strides = array<i32>} : memref<320x64xf32, #tpu.memory_space<vmem>>, vector<16xf32>,
        %mul3A_922 = arith.mulf %get3A_921, %get3A_403 : vector<16xf32>
        %add3A_923 = arith.addf %add3A_918, %mul3A_922 : vector<16xf32>
        %and3A_924 = arith.constant 15 : i32
        %and3A_925 = arith.andi %add3A_904, %and3A_924 : i32
        %eq3A_926 = vector.broadcast %and3A_925 : i32 to vector<16xi32>
        %eq3A_927 = arith.cmpi eq, %iota3A, %eq3A_926 : vector<16xi32>
        %reduce_sum3A_928 = arith.constant true
        %reduce_sum3A_929 = vector.broadcast %reduce_sum3A_928 : i1 to vector<16xi1>
        %reduce_sum3A_930 = tpu.scan <sum>, %add3A_923 masked %reduce_sum3A_929 : vector<16xf32>, vector<16xi1> -> vector<16xf32>
        %reduce_sum3A_931 = vector.extract %reduce_sum3A_930[15] : f32 from vector<16xf32>
        %broadcast_in_dim3A_932 = vector.broadcast %reduce_sum3A_931 : f32 to vector<16xf32>
        %select_n3A_933 = arith.select %eq3A_927, %broadcast_in_dim3A_932, %select_n3A_894 : vector<16xi1>, vector<16xf32>
        %mul3A_934 = arith.constant 320 : i32
        %mul3A_935 = arith.muli %add3A_381, %mul3A_934 : i32
        %add3A_936 = arith.addi %mul3A_935, %add3A_904 : i32
        %sub3A_937 = arith.subi %add3A_936, %and3A_925 : i32
        %swap3A_938 = arith.index_cast %sub3A_937 : i32 to index
        %swap3A_939 = tpu.vector_load %arg24[%swap3A_938] {strides = array<i32>} : memref<10240xf32, #tpu.memory_space<vmem>>, vector<16xf32>,
        tpu.vector_store %arg24[%swap3A_938], %select_n3A_933 {strides = array<i32>} : memref<10240xf32, #tpu.memory_space<vmem>>, vector<16xf32>,
        %mul3A_940 = arith.constant 20 : i32
        %mul3A_941 = arith.muli %scan3A_390, %mul3A_940 : i32
        %add3A_942 = arith.constant 13 : i32
        %add3A_943 = arith.addi %mul3A_941, %add3A_942 : i32
        %get3A_944 = arith.index_cast %add3A_943 : i32 to index
        %get3A_945 = arith.constant 0 : index
        %get3A_946 = tpu.vector_load %arg20[%get3A_944, %get3A_945] {strides = array<i32>} : memref<320x64xf32, #tpu.memory_space<vmem>>, vector<16xf32>,
        %mul3A_947 = arith.mulf %get3A_946, %get3A_394 : vector<16xf32>
        %get3A_948 = arith.index_cast %add3A_943 : i32 to index
        %get3A_949 = arith.constant 16 : index
        %get3A_950 = tpu.vector_load %arg20[%get3A_948, %get3A_949] {strides = array<i32>} : memref<320x64xf32, #tpu.memory_space<vmem>>, vector<16xf32>,
        %mul3A_951 = arith.mulf %get3A_950, %get3A_397 : vector<16xf32>
        %add3A_952 = arith.addf %mul3A_947, %mul3A_951 : vector<16xf32>
        %get3A_953 = arith.index_cast %add3A_943 : i32 to index
        %get3A_954 = arith.constant 32 : index
        %get3A_955 = tpu.vector_load %arg20[%get3A_953, %get3A_954] {strides = array<i32>} : memref<320x64xf32, #tpu.memory_space<vmem>>, vector<16xf32>,
        %mul3A_956 = arith.mulf %get3A_955, %get3A_400 : vector<16xf32>
        %add3A_957 = arith.addf %add3A_952, %mul3A_956 : vector<16xf32>
        %get3A_958 = arith.index_cast %add3A_943 : i32 to index
        %get3A_959 = arith.constant 48 : index
        %get3A_960 = tpu.vector_load %arg20[%get3A_958, %get3A_959] {strides = array<i32>} : memref<320x64xf32, #tpu.memory_space<vmem>>, vector<16xf32>,
        %mul3A_961 = arith.mulf %get3A_960, %get3A_403 : vector<16xf32>
        %add3A_962 = arith.addf %add3A_957, %mul3A_961 : vector<16xf32>
        %and3A_963 = arith.constant 15 : i32
        %and3A_964 = arith.andi %add3A_943, %and3A_963 : i32
        %eq3A_965 = vector.broadcast %and3A_964 : i32 to vector<16xi32>
        %eq3A_966 = arith.cmpi eq, %iota3A, %eq3A_965 : vector<16xi32>
        %reduce_sum3A_967 = arith.constant true
        %reduce_sum3A_968 = vector.broadcast %reduce_sum3A_967 : i1 to vector<16xi1>
        %reduce_sum3A_969 = tpu.scan <sum>, %add3A_962 masked %reduce_sum3A_968 : vector<16xf32>, vector<16xi1> -> vector<16xf32>
        %reduce_sum3A_970 = vector.extract %reduce_sum3A_969[15] : f32 from vector<16xf32>
        %broadcast_in_dim3A_971 = vector.broadcast %reduce_sum3A_970 : f32 to vector<16xf32>
        %select_n3A_972 = arith.select %eq3A_966, %broadcast_in_dim3A_971, %select_n3A_933 : vector<16xi1>, vector<16xf32>
        %mul3A_973 = arith.constant 320 : i32
        %mul3A_974 = arith.muli %add3A_381, %mul3A_973 : i32
        %add3A_975 = arith.addi %mul3A_974, %add3A_943 : i32
        %sub3A_976 = arith.subi %add3A_975, %and3A_964 : i32
        %swap3A_977 = arith.index_cast %sub3A_976 : i32 to index
        %swap3A_978 = tpu.vector_load %arg24[%swap3A_977] {strides = array<i32>} : memref<10240xf32, #tpu.memory_space<vmem>>, vector<16xf32>,
        tpu.vector_store %arg24[%swap3A_977], %select_n3A_972 {strides = array<i32>} : memref<10240xf32, #tpu.memory_space<vmem>>, vector<16xf32>,
        %mul3A_979 = arith.constant 20 : i32
        %mul3A_980 = arith.muli %scan3A_390, %mul3A_979 : i32
        %add3A_981 = arith.constant 14 : i32
        %add3A_982 = arith.addi %mul3A_980, %add3A_981 : i32
        %get3A_983 = arith.index_cast %add3A_982 : i32 to index
        %get3A_984 = arith.constant 0 : index
        %get3A_985 = tpu.vector_load %arg20[%get3A_983, %get3A_984] {strides = array<i32>} : memref<320x64xf32, #tpu.memory_space<vmem>>, vector<16xf32>,
        %mul3A_986 = arith.mulf %get3A_985, %get3A_394 : vector<16xf32>
        %get3A_987 = arith.index_cast %add3A_982 : i32 to index
        %get3A_988 = arith.constant 16 : index
        %get3A_989 = tpu.vector_load %arg20[%get3A_987, %get3A_988] {strides = array<i32>} : memref<320x64xf32, #tpu.memory_space<vmem>>, vector<16xf32>,
        %mul3A_990 = arith.mulf %get3A_989, %get3A_397 : vector<16xf32>
        %add3A_991 = arith.addf %mul3A_986, %mul3A_990 : vector<16xf32>
        %get3A_992 = arith.index_cast %add3A_982 : i32 to index
        %get3A_993 = arith.constant 32 : index
        %get3A_994 = tpu.vector_load %arg20[%get3A_992, %get3A_993] {strides = array<i32>} : memref<320x64xf32, #tpu.memory_space<vmem>>, vector<16xf32>,
        %mul3A_995 = arith.mulf %get3A_994, %get3A_400 : vector<16xf32>
        %add3A_996 = arith.addf %add3A_991, %mul3A_995 : vector<16xf32>
        %get3A_997 = arith.index_cast %add3A_982 : i32 to index
        %get3A_998 = arith.constant 48 : index
        %get3A_999 = tpu.vector_load %arg20[%get3A_997, %get3A_998] {strides = array<i32>} : memref<320x64xf32, #tpu.memory_space<vmem>>, vector<16xf32>,
        %mul3A_1000 = arith.mulf %get3A_999, %get3A_403 : vector<16xf32>
        %add3A_1001 = arith.addf %add3A_996, %mul3A_1000 : vector<16xf32>
        %and3A_1002 = arith.constant 15 : i32
        %and3A_1003 = arith.andi %add3A_982, %and3A_1002 : i32
        %eq3A_1004 = vector.broadcast %and3A_1003 : i32 to vector<16xi32>
        %eq3A_1005 = arith.cmpi eq, %iota3A, %eq3A_1004 : vector<16xi32>
        %reduce_sum3A_1006 = arith.constant true
        %reduce_sum3A_1007 = vector.broadcast %reduce_sum3A_1006 : i1 to vector<16xi1>
        %reduce_sum3A_1008 = tpu.scan <sum>, %add3A_1001 masked %reduce_sum3A_1007 : vector<16xf32>, vector<16xi1> -> vector<16xf32>
        %reduce_sum3A_1009 = vector.extract %reduce_sum3A_1008[15] : f32 from vector<16xf32>
        %broadcast_in_dim3A_1010 = vector.broadcast %reduce_sum3A_1009 : f32 to vector<16xf32>
        %select_n3A_1011 = arith.select %eq3A_1005, %broadcast_in_dim3A_1010, %select_n3A_972 : vector<16xi1>, vector<16xf32>
        %mul3A_1012 = arith.constant 320 : i32
        %mul3A_1013 = arith.muli %add3A_381, %mul3A_1012 : i32
        %add3A_1014 = arith.addi %mul3A_1013, %add3A_982 : i32
        %sub3A_1015 = arith.subi %add3A_1014, %and3A_1003 : i32
        %swap3A_1016 = arith.index_cast %sub3A_1015 : i32 to index
        %swap3A_1017 = tpu.vector_load %arg24[%swap3A_1016] {strides = array<i32>} : memref<10240xf32, #tpu.memory_space<vmem>>, vector<16xf32>,
        tpu.vector_store %arg24[%swap3A_1016], %select_n3A_1011 {strides = array<i32>} : memref<10240xf32, #tpu.memory_space<vmem>>, vector<16xf32>,
        %mul3A_1018 = arith.constant 20 : i32
        %mul3A_1019 = arith.muli %scan3A_390, %mul3A_1018 : i32
        %add3A_1020 = arith.constant 15 : i32
        %add3A_1021 = arith.addi %mul3A_1019, %add3A_1020 : i32
        %get3A_1022 = arith.index_cast %add3A_1021 : i32 to index
        %get3A_1023 = arith.constant 0 : index
        %get3A_1024 = tpu.vector_load %arg20[%get3A_1022, %get3A_1023] {strides = array<i32>} : memref<320x64xf32, #tpu.memory_space<vmem>>, vector<16xf32>,
        %mul3A_1025 = arith.mulf %get3A_1024, %get3A_394 : vector<16xf32>
        %get3A_1026 = arith.index_cast %add3A_1021 : i32 to index
        %get3A_1027 = arith.constant 16 : index
        %get3A_1028 = tpu.vector_load %arg20[%get3A_1026, %get3A_1027] {strides = array<i32>} : memref<320x64xf32, #tpu.memory_space<vmem>>, vector<16xf32>,
        %mul3A_1029 = arith.mulf %get3A_1028, %get3A_397 : vector<16xf32>
        %add3A_1030 = arith.addf %mul3A_1025, %mul3A_1029 : vector<16xf32>
        %get3A_1031 = arith.index_cast %add3A_1021 : i32 to index
        %get3A_1032 = arith.constant 32 : index
        %get3A_1033 = tpu.vector_load %arg20[%get3A_1031, %get3A_1032] {strides = array<i32>} : memref<320x64xf32, #tpu.memory_space<vmem>>, vector<16xf32>,
        %mul3A_1034 = arith.mulf %get3A_1033, %get3A_400 : vector<16xf32>
        %add3A_1035 = arith.addf %add3A_1030, %mul3A_1034 : vector<16xf32>
        %get3A_1036 = arith.index_cast %add3A_1021 : i32 to index
        %get3A_1037 = arith.constant 48 : index
        %get3A_1038 = tpu.vector_load %arg20[%get3A_1036, %get3A_1037] {strides = array<i32>} : memref<320x64xf32, #tpu.memory_space<vmem>>, vector<16xf32>,
        %mul3A_1039 = arith.mulf %get3A_1038, %get3A_403 : vector<16xf32>
        %add3A_1040 = arith.addf %add3A_1035, %mul3A_1039 : vector<16xf32>
        %and3A_1041 = arith.constant 15 : i32
        %and3A_1042 = arith.andi %add3A_1021, %and3A_1041 : i32
        %eq3A_1043 = vector.broadcast %and3A_1042 : i32 to vector<16xi32>
        %eq3A_1044 = arith.cmpi eq, %iota3A, %eq3A_1043 : vector<16xi32>
        %reduce_sum3A_1045 = arith.constant true
        %reduce_sum3A_1046 = vector.broadcast %reduce_sum3A_1045 : i1 to vector<16xi1>
        %reduce_sum3A_1047 = tpu.scan <sum>, %add3A_1040 masked %reduce_sum3A_1046 : vector<16xf32>, vector<16xi1> -> vector<16xf32>
        %reduce_sum3A_1048 = vector.extract %reduce_sum3A_1047[15] : f32 from vector<16xf32>
        %broadcast_in_dim3A_1049 = vector.broadcast %reduce_sum3A_1048 : f32 to vector<16xf32>
        %select_n3A_1050 = arith.select %eq3A_1044, %broadcast_in_dim3A_1049, %select_n3A_1011 : vector<16xi1>, vector<16xf32>
        %mul3A_1051 = arith.constant 320 : i32
        %mul3A_1052 = arith.muli %add3A_381, %mul3A_1051 : i32
        %add3A_1053 = arith.addi %mul3A_1052, %add3A_1021 : i32
        %sub3A_1054 = arith.subi %add3A_1053, %and3A_1042 : i32
        %swap3A_1055 = arith.index_cast %sub3A_1054 : i32 to index
        %swap3A_1056 = tpu.vector_load %arg24[%swap3A_1055] {strides = array<i32>} : memref<10240xf32, #tpu.memory_space<vmem>>, vector<16xf32>,
        tpu.vector_store %arg24[%swap3A_1055], %select_n3A_1050 {strides = array<i32>} : memref<10240xf32, #tpu.memory_space<vmem>>, vector<16xf32>,
        %mul3A_1057 = arith.constant 20 : i32
        %mul3A_1058 = arith.muli %scan3A_390, %mul3A_1057 : i32
        %add3A_1059 = arith.constant 16 : i32
        %add3A_1060 = arith.addi %mul3A_1058, %add3A_1059 : i32
        %get3A_1061 = arith.index_cast %add3A_1060 : i32 to index
        %get3A_1062 = arith.constant 0 : index
        %get3A_1063 = tpu.vector_load %arg20[%get3A_1061, %get3A_1062] {strides = array<i32>} : memref<320x64xf32, #tpu.memory_space<vmem>>, vector<16xf32>,
        %mul3A_1064 = arith.mulf %get3A_1063, %get3A_394 : vector<16xf32>
        %get3A_1065 = arith.index_cast %add3A_1060 : i32 to index
        %get3A_1066 = arith.constant 16 : index
        %get3A_1067 = tpu.vector_load %arg20[%get3A_1065, %get3A_1066] {strides = array<i32>} : memref<320x64xf32, #tpu.memory_space<vmem>>, vector<16xf32>,
        %mul3A_1068 = arith.mulf %get3A_1067, %get3A_397 : vector<16xf32>
        %add3A_1069 = arith.addf %mul3A_1064, %mul3A_1068 : vector<16xf32>
        %get3A_1070 = arith.index_cast %add3A_1060 : i32 to index
        %get3A_1071 = arith.constant 32 : index
        %get3A_1072 = tpu.vector_load %arg20[%get3A_1070, %get3A_1071] {strides = array<i32>} : memref<320x64xf32, #tpu.memory_space<vmem>>, vector<16xf32>,
        %mul3A_1073 = arith.mulf %get3A_1072, %get3A_400 : vector<16xf32>
        %add3A_1074 = arith.addf %add3A_1069, %mul3A_1073 : vector<16xf32>
        %get3A_1075 = arith.index_cast %add3A_1060 : i32 to index
        %get3A_1076 = arith.constant 48 : index
        %get3A_1077 = tpu.vector_load %arg20[%get3A_1075, %get3A_1076] {strides = array<i32>} : memref<320x64xf32, #tpu.memory_space<vmem>>, vector<16xf32>,
        %mul3A_1078 = arith.mulf %get3A_1077, %get3A_403 : vector<16xf32>
        %add3A_1079 = arith.addf %add3A_1074, %mul3A_1078 : vector<16xf32>
        %and3A_1080 = arith.constant 15 : i32
        %and3A_1081 = arith.andi %add3A_1060, %and3A_1080 : i32
        %eq3A_1082 = vector.broadcast %and3A_1081 : i32 to vector<16xi32>
        %eq3A_1083 = arith.cmpi eq, %iota3A, %eq3A_1082 : vector<16xi32>
        %reduce_sum3A_1084 = arith.constant true
        %reduce_sum3A_1085 = vector.broadcast %reduce_sum3A_1084 : i1 to vector<16xi1>
        %reduce_sum3A_1086 = tpu.scan <sum>, %add3A_1079 masked %reduce_sum3A_1085 : vector<16xf32>, vector<16xi1> -> vector<16xf32>
        %reduce_sum3A_1087 = vector.extract %reduce_sum3A_1086[15] : f32 from vector<16xf32>
        %broadcast_in_dim3A_1088 = vector.broadcast %reduce_sum3A_1087 : f32 to vector<16xf32>
        %select_n3A_1089 = arith.select %eq3A_1083, %broadcast_in_dim3A_1088, %select_n3A_1050 : vector<16xi1>, vector<16xf32>
        %mul3A_1090 = arith.constant 320 : i32
        %mul3A_1091 = arith.muli %add3A_381, %mul3A_1090 : i32
        %add3A_1092 = arith.addi %mul3A_1091, %add3A_1060 : i32
        %sub3A_1093 = arith.subi %add3A_1092, %and3A_1081 : i32
        %swap3A_1094 = arith.index_cast %sub3A_1093 : i32 to index
        %swap3A_1095 = tpu.vector_load %arg24[%swap3A_1094] {strides = array<i32>} : memref<10240xf32, #tpu.memory_space<vmem>>, vector<16xf32>,
        tpu.vector_store %arg24[%swap3A_1094], %select_n3A_1089 {strides = array<i32>} : memref<10240xf32, #tpu.memory_space<vmem>>, vector<16xf32>,
        %mul3A_1096 = arith.constant 20 : i32
        %mul3A_1097 = arith.muli %scan3A_390, %mul3A_1096 : i32
        %add3A_1098 = arith.constant 17 : i32
        %add3A_1099 = arith.addi %mul3A_1097, %add3A_1098 : i32
        %get3A_1100 = arith.index_cast %add3A_1099 : i32 to index
        %get3A_1101 = arith.constant 0 : index
        %get3A_1102 = tpu.vector_load %arg20[%get3A_1100, %get3A_1101] {strides = array<i32>} : memref<320x64xf32, #tpu.memory_space<vmem>>, vector<16xf32>,
        %mul3A_1103 = arith.mulf %get3A_1102, %get3A_394 : vector<16xf32>
        %get3A_1104 = arith.index_cast %add3A_1099 : i32 to index
        %get3A_1105 = arith.constant 16 : index
        %get3A_1106 = tpu.vector_load %arg20[%get3A_1104, %get3A_1105] {strides = array<i32>} : memref<320x64xf32, #tpu.memory_space<vmem>>, vector<16xf32>,
        %mul3A_1107 = arith.mulf %get3A_1106, %get3A_397 : vector<16xf32>
        %add3A_1108 = arith.addf %mul3A_1103, %mul3A_1107 : vector<16xf32>
        %get3A_1109 = arith.index_cast %add3A_1099 : i32 to index
        %get3A_1110 = arith.constant 32 : index
        %get3A_1111 = tpu.vector_load %arg20[%get3A_1109, %get3A_1110] {strides = array<i32>} : memref<320x64xf32, #tpu.memory_space<vmem>>, vector<16xf32>,
        %mul3A_1112 = arith.mulf %get3A_1111, %get3A_400 : vector<16xf32>
        %add3A_1113 = arith.addf %add3A_1108, %mul3A_1112 : vector<16xf32>
        %get3A_1114 = arith.index_cast %add3A_1099 : i32 to index
        %get3A_1115 = arith.constant 48 : index
        %get3A_1116 = tpu.vector_load %arg20[%get3A_1114, %get3A_1115] {strides = array<i32>} : memref<320x64xf32, #tpu.memory_space<vmem>>, vector<16xf32>,
        %mul3A_1117 = arith.mulf %get3A_1116, %get3A_403 : vector<16xf32>
        %add3A_1118 = arith.addf %add3A_1113, %mul3A_1117 : vector<16xf32>
        %and3A_1119 = arith.constant 15 : i32
        %and3A_1120 = arith.andi %add3A_1099, %and3A_1119 : i32
        %eq3A_1121 = vector.broadcast %and3A_1120 : i32 to vector<16xi32>
        %eq3A_1122 = arith.cmpi eq, %iota3A, %eq3A_1121 : vector<16xi32>
        %reduce_sum3A_1123 = arith.constant true
        %reduce_sum3A_1124 = vector.broadcast %reduce_sum3A_1123 : i1 to vector<16xi1>
        %reduce_sum3A_1125 = tpu.scan <sum>, %add3A_1118 masked %reduce_sum3A_1124 : vector<16xf32>, vector<16xi1> -> vector<16xf32>
        %reduce_sum3A_1126 = vector.extract %reduce_sum3A_1125[15] : f32 from vector<16xf32>
        %broadcast_in_dim3A_1127 = vector.broadcast %reduce_sum3A_1126 : f32 to vector<16xf32>
        %select_n3A_1128 = arith.select %eq3A_1122, %broadcast_in_dim3A_1127, %select_n3A_1089 : vector<16xi1>, vector<16xf32>
        %mul3A_1129 = arith.constant 320 : i32
        %mul3A_1130 = arith.muli %add3A_381, %mul3A_1129 : i32
        %add3A_1131 = arith.addi %mul3A_1130, %add3A_1099 : i32
        %sub3A_1132 = arith.subi %add3A_1131, %and3A_1120 : i32
        %swap3A_1133 = arith.index_cast %sub3A_1132 : i32 to index
        %swap3A_1134 = tpu.vector_load %arg24[%swap3A_1133] {strides = array<i32>} : memref<10240xf32, #tpu.memory_space<vmem>>, vector<16xf32>,
        tpu.vector_store %arg24[%swap3A_1133], %select_n3A_1128 {strides = array<i32>} : memref<10240xf32, #tpu.memory_space<vmem>>, vector<16xf32>,
        %mul3A_1135 = arith.constant 20 : i32
        %mul3A_1136 = arith.muli %scan3A_390, %mul3A_1135 : i32
        %add3A_1137 = arith.constant 18 : i32
        %add3A_1138 = arith.addi %mul3A_1136, %add3A_1137 : i32
        %get3A_1139 = arith.index_cast %add3A_1138 : i32 to index
        %get3A_1140 = arith.constant 0 : index
        %get3A_1141 = tpu.vector_load %arg20[%get3A_1139, %get3A_1140] {strides = array<i32>} : memref<320x64xf32, #tpu.memory_space<vmem>>, vector<16xf32>,
        %mul3A_1142 = arith.mulf %get3A_1141, %get3A_394 : vector<16xf32>
        %get3A_1143 = arith.index_cast %add3A_1138 : i32 to index
        %get3A_1144 = arith.constant 16 : index
        %get3A_1145 = tpu.vector_load %arg20[%get3A_1143, %get3A_1144] {strides = array<i32>} : memref<320x64xf32, #tpu.memory_space<vmem>>, vector<16xf32>,
        %mul3A_1146 = arith.mulf %get3A_1145, %get3A_397 : vector<16xf32>
        %add3A_1147 = arith.addf %mul3A_1142, %mul3A_1146 : vector<16xf32>
        %get3A_1148 = arith.index_cast %add3A_1138 : i32 to index
        %get3A_1149 = arith.constant 32 : index
        %get3A_1150 = tpu.vector_load %arg20[%get3A_1148, %get3A_1149] {strides = array<i32>} : memref<320x64xf32, #tpu.memory_space<vmem>>, vector<16xf32>,
        %mul3A_1151 = arith.mulf %get3A_1150, %get3A_400 : vector<16xf32>
        %add3A_1152 = arith.addf %add3A_1147, %mul3A_1151 : vector<16xf32>
        %get3A_1153 = arith.index_cast %add3A_1138 : i32 to index
        %get3A_1154 = arith.constant 48 : index
        %get3A_1155 = tpu.vector_load %arg20[%get3A_1153, %get3A_1154] {strides = array<i32>} : memref<320x64xf32, #tpu.memory_space<vmem>>, vector<16xf32>,
        %mul3A_1156 = arith.mulf %get3A_1155, %get3A_403 : vector<16xf32>
        %add3A_1157 = arith.addf %add3A_1152, %mul3A_1156 : vector<16xf32>
        %and3A_1158 = arith.constant 15 : i32
        %and3A_1159 = arith.andi %add3A_1138, %and3A_1158 : i32
        %eq3A_1160 = vector.broadcast %and3A_1159 : i32 to vector<16xi32>
        %eq3A_1161 = arith.cmpi eq, %iota3A, %eq3A_1160 : vector<16xi32>
        %reduce_sum3A_1162 = arith.constant true
        %reduce_sum3A_1163 = vector.broadcast %reduce_sum3A_1162 : i1 to vector<16xi1>
        %reduce_sum3A_1164 = tpu.scan <sum>, %add3A_1157 masked %reduce_sum3A_1163 : vector<16xf32>, vector<16xi1> -> vector<16xf32>
        %reduce_sum3A_1165 = vector.extract %reduce_sum3A_1164[15] : f32 from vector<16xf32>
        %broadcast_in_dim3A_1166 = vector.broadcast %reduce_sum3A_1165 : f32 to vector<16xf32>
        %select_n3A_1167 = arith.select %eq3A_1161, %broadcast_in_dim3A_1166, %select_n3A_1128 : vector<16xi1>, vector<16xf32>
        %mul3A_1168 = arith.constant 320 : i32
        %mul3A_1169 = arith.muli %add3A_381, %mul3A_1168 : i32
        %add3A_1170 = arith.addi %mul3A_1169, %add3A_1138 : i32
        %sub3A_1171 = arith.subi %add3A_1170, %and3A_1159 : i32
        %swap3A_1172 = arith.index_cast %sub3A_1171 : i32 to index
        %swap3A_1173 = tpu.vector_load %arg24[%swap3A_1172] {strides = array<i32>} : memref<10240xf32, #tpu.memory_space<vmem>>, vector<16xf32>,
        tpu.vector_store %arg24[%swap3A_1172], %select_n3A_1167 {strides = array<i32>} : memref<10240xf32, #tpu.memory_space<vmem>>, vector<16xf32>,
        %mul3A_1174 = arith.constant 20 : i32
        %mul3A_1175 = arith.muli %scan3A_390, %mul3A_1174 : i32
        %add3A_1176 = arith.constant 19 : i32
        %add3A_1177 = arith.addi %mul3A_1175, %add3A_1176 : i32
        %get3A_1178 = arith.index_cast %add3A_1177 : i32 to index
        %get3A_1179 = arith.constant 0 : index
        %get3A_1180 = tpu.vector_load %arg20[%get3A_1178, %get3A_1179] {strides = array<i32>} : memref<320x64xf32, #tpu.memory_space<vmem>>, vector<16xf32>,
        %mul3A_1181 = arith.mulf %get3A_1180, %get3A_394 : vector<16xf32>
        %get3A_1182 = arith.index_cast %add3A_1177 : i32 to index
        %get3A_1183 = arith.constant 16 : index
        %get3A_1184 = tpu.vector_load %arg20[%get3A_1182, %get3A_1183] {strides = array<i32>} : memref<320x64xf32, #tpu.memory_space<vmem>>, vector<16xf32>,
        %mul3A_1185 = arith.mulf %get3A_1184, %get3A_397 : vector<16xf32>
        %add3A_1186 = arith.addf %mul3A_1181, %mul3A_1185 : vector<16xf32>
        %get3A_1187 = arith.index_cast %add3A_1177 : i32 to index
        %get3A_1188 = arith.constant 32 : index
        %get3A_1189 = tpu.vector_load %arg20[%get3A_1187, %get3A_1188] {strides = array<i32>} : memref<320x64xf32, #tpu.memory_space<vmem>>, vector<16xf32>,
        %mul3A_1190 = arith.mulf %get3A_1189, %get3A_400 : vector<16xf32>
        %add3A_1191 = arith.addf %add3A_1186, %mul3A_1190 : vector<16xf32>
        %get3A_1192 = arith.index_cast %add3A_1177 : i32 to index
        %get3A_1193 = arith.constant 48 : index
        %get3A_1194 = tpu.vector_load %arg20[%get3A_1192, %get3A_1193] {strides = array<i32>} : memref<320x64xf32, #tpu.memory_space<vmem>>, vector<16xf32>,
        %mul3A_1195 = arith.mulf %get3A_1194, %get3A_403 : vector<16xf32>
        %add3A_1196 = arith.addf %add3A_1191, %mul3A_1195 : vector<16xf32>
        %and3A_1197 = arith.constant 15 : i32
        %and3A_1198 = arith.andi %add3A_1177, %and3A_1197 : i32
        %eq3A_1199 = vector.broadcast %and3A_1198 : i32 to vector<16xi32>
        %eq3A_1200 = arith.cmpi eq, %iota3A, %eq3A_1199 : vector<16xi32>
        %reduce_sum3A_1201 = arith.constant true
        %reduce_sum3A_1202 = vector.broadcast %reduce_sum3A_1201 : i1 to vector<16xi1>
        %reduce_sum3A_1203 = tpu.scan <sum>, %add3A_1196 masked %reduce_sum3A_1202 : vector<16xf32>, vector<16xi1> -> vector<16xf32>
        %reduce_sum3A_1204 = vector.extract %reduce_sum3A_1203[15] : f32 from vector<16xf32>
        %broadcast_in_dim3A_1205 = vector.broadcast %reduce_sum3A_1204 : f32 to vector<16xf32>
        %select_n3A_1206 = arith.select %eq3A_1200, %broadcast_in_dim3A_1205, %select_n3A_1167 : vector<16xi1>, vector<16xf32>
        %mul3A_1207 = arith.constant 320 : i32
        %mul3A_1208 = arith.muli %add3A_381, %mul3A_1207 : i32
        %add3A_1209 = arith.addi %mul3A_1208, %add3A_1177 : i32
        %sub3A_1210 = arith.subi %add3A_1209, %and3A_1198 : i32
        %swap3A_1211 = arith.index_cast %sub3A_1210 : i32 to index
        %swap3A_1212 = tpu.vector_load %arg24[%swap3A_1211] {strides = array<i32>} : memref<10240xf32, #tpu.memory_space<vmem>>, vector<16xf32>,
        tpu.vector_store %arg24[%swap3A_1211], %select_n3A_1206 {strides = array<i32>} : memref<10240xf32, #tpu.memory_space<vmem>>, vector<16xf32>,
        scf.yield %select_n3A_1206, %select_n3A : vector<16xf32>, vector<16xf32>
      }
      %scan3A_389 = arith.constant 16 : i32
    }
    %scan3A_54 = arith.constant 15 : i32
    %dma_start3A_55 = arith.constant 496 : i32
    %dma_start3A_56 = tpu.memref_slice %arg12[%dma_start3A_55] : memref<512xi32, #tpu.memory_space<vmem>> -> memref<16xi32, #tpu.memory_space<vmem>>
    %dma_start3A_57 = arith.constant 0 : i32
    %dma_start3A_58 = arith.constant 0 : i32
    %dma_start3A_59 = tpu.memref_slice %arg5[%dma_start3A_57, %dma_start3A_58] : memref<1015808x64xf32, #tpu.memory_space<hbm>> -> memref<1015808x64xf32, #tpu.memory_space<hbm>>
    tpu.enqueue_indirect_dma source(%dma_start3A_59 : memref<1015808x64xf32, #tpu.memory_space<hbm>>) target(%arg18 : memref<16x64xf32, #tpu.memory_space<vmem>>) offsets(%dma_start3A_56 : memref<16xi32, #tpu.memory_space<vmem>>) semaphore(%arg26 : memref<!tpu.dma_semaphore, #tpu.memory_space<semaphore_mem>>)
    %dma_start3A_60 = arith.constant 496 : i32
    %dma_start3A_61 = tpu.memref_slice %arg13[%dma_start3A_60] : memref<512xi32, #tpu.memory_space<vmem>> -> memref<16xi32, #tpu.memory_space<vmem>>
    %dma_start3A_62 = arith.constant 0 : i32
    %dma_start3A_63 = arith.constant 0 : i32
    %dma_start3A_64 = tpu.memref_slice %arg6[%dma_start3A_62, %dma_start3A_63] : memref<1015808x64xf32, #tpu.memory_space<hbm>> -> memref<1015808x64xf32, #tpu.memory_space<hbm>>
    tpu.enqueue_indirect_dma source(%dma_start3A_64 : memref<1015808x64xf32, #tpu.memory_space<hbm>>) target(%arg19 : memref<16x64xf32, #tpu.memory_space<vmem>>) offsets(%dma_start3A_61 : memref<16xi32, #tpu.memory_space<vmem>>) semaphore(%arg26 : memref<!tpu.dma_semaphore, #tpu.memory_space<semaphore_mem>>)
    %dma_start3A_65 = arith.constant 0 : i32
    %dma_start3A_66 = arith.constant 0 : i32
    %dma_start3A_67 = tpu.memref_slice %arg20[%dma_start3A_65, %dma_start3A_66] : memref<320x64xf32, #tpu.memory_space<vmem>> -> memref<128x64xf32, #tpu.memory_space<vmem>>
    %dma_start3A_68 = arith.constant 9920 : i32
    %dma_start3A_69 = tpu.memref_slice %arg14[%dma_start3A_68] : memref<10240xi32, #tpu.memory_space<vmem>> -> memref<128xi32, #tpu.memory_space<vmem>>
    %dma_start3A_70 = arith.constant 0 : i32
    %dma_start3A_71 = arith.constant 0 : i32
    %dma_start3A_72 = tpu.memref_slice %arg6[%dma_start3A_70, %dma_start3A_71] : memref<1015808x64xf32, #tpu.memory_space<hbm>> -> memref<1015808x64xf32, #tpu.memory_space<hbm>>
    tpu.enqueue_indirect_dma source(%dma_start3A_72 : memref<1015808x64xf32, #tpu.memory_space<hbm>>) target(%dma_start3A_67 : memref<128x64xf32, #tpu.memory_space<vmem>>) offsets(%dma_start3A_69 : memref<128xi32, #tpu.memory_space<vmem>>) semaphore(%arg26 : memref<!tpu.dma_semaphore, #tpu.memory_space<semaphore_mem>>)
    %dma_start3A_73 = arith.constant 128 : i32
    %dma_start3A_74 = arith.constant 0 : i32
    %dma_start3A_75 = tpu.memref_slice %arg20[%dma_start3A_73, %dma_start3A_74] : memref<320x64xf32, #tpu.memory_space<vmem>> -> memref<128x64xf32, #tpu.memory_space<vmem>>
    %dma_start3A_76 = arith.constant 10048 : i32
    %dma_start3A_77 = tpu.memref_slice %arg14[%dma_start3A_76] : memref<10240xi32, #tpu.memory_space<vmem>> -> memref<128xi32, #tpu.memory_space<vmem>>
    %dma_start3A_78 = arith.constant 0 : i32
    %dma_start3A_79 = arith.constant 0 : i32
    %dma_start3A_80 = tpu.memref_slice %arg6[%dma_start3A_78, %dma_start3A_79] : memref<1015808x64xf32, #tpu.memory_space<hbm>> -> memref<1015808x64xf32, #tpu.memory_space<hbm>>
    tpu.enqueue_indirect_dma source(%dma_start3A_80 : memref<1015808x64xf32, #tpu.memory_space<hbm>>) target(%dma_start3A_75 : memref<128x64xf32, #tpu.memory_space<vmem>>) offsets(%dma_start3A_77 : memref<128xi32, #tpu.memory_space<vmem>>) semaphore(%arg26 : memref<!tpu.dma_semaphore, #tpu.memory_space<semaphore_mem>>)
    %dma_start3A_81 = arith.constant 256 : i32
    %dma_start3A_82 = arith.constant 0 : i32
    %dma_start3A_83 = tpu.memref_slice %arg20[%dma_start3A_81, %dma_start3A_82] : memref<320x64xf32, #tpu.memory_space<vmem>> -> memref<64x64xf32, #tpu.memory_space<vmem>>
    %dma_start3A_84 = arith.constant 10176 : i32
    %dma_start3A_85 = tpu.memref_slice %arg14[%dma_start3A_84] : memref<10240xi32, #tpu.memory_space<vmem>> -> memref<64xi32, #tpu.memory_space<vmem>>
    %dma_start3A_86 = arith.constant 0 : i32
    %dma_start3A_87 = arith.constant 0 : i32
    %dma_start3A_88 = tpu.memref_slice %arg6[%dma_start3A_86, %dma_start3A_87] : memref<1015808x64xf32, #tpu.memory_space<hbm>> -> memref<1015808x64xf32, #tpu.memory_space<hbm>>
    tpu.enqueue_indirect_dma source(%dma_start3A_88 : memref<1015808x64xf32, #tpu.memory_space<hbm>>) target(%dma_start3A_83 : memref<64x64xf32, #tpu.memory_space<vmem>>) offsets(%dma_start3A_85 : memref<64xi32, #tpu.memory_space<vmem>>) semaphore(%arg26 : memref<!tpu.dma_semaphore, #tpu.memory_space<semaphore_mem>>)
    %dma_wait3A = arith.constant 480 : i32
    %dma_wait3A_89 = tpu.memref_slice %arg12[%dma_wait3A] : memref<512xi32, #tpu.memory_space<vmem>> -> memref<16xi32, #tpu.memory_space<vmem>>
    %dma_wait3A_90 = arith.constant 0 : i32
    %dma_wait3A_91 = arith.constant 0 : i32
    %dma_wait3A_92 = tpu.memref_slice %arg5[%dma_wait3A_90, %dma_wait3A_91] : memref<1015808x64xf32, #tpu.memory_space<hbm>> -> memref<1015808x64xf32, #tpu.memory_space<hbm>>
    tpu.wait_indirect_dma semaphore(%arg25 : memref<!tpu.dma_semaphore, #tpu.memory_space<semaphore_mem>>) src(%dma_wait3A_92 : memref<1015808x64xf32, #tpu.memory_space<hbm>>) dst(%arg15 : memref<16x64xf32, #tpu.memory_space<vmem>>)
    %dma_wait3A_93 = arith.constant 480 : i32
    %dma_wait3A_94 = tpu.memref_slice %arg13[%dma_wait3A_93] : memref<512xi32, #tpu.memory_space<vmem>> -> memref<16xi32, #tpu.memory_space<vmem>>
    %dma_wait3A_95 = arith.constant 0 : i32
    %dma_wait3A_96 = arith.constant 0 : i32
    %dma_wait3A_97 = tpu.memref_slice %arg6[%dma_wait3A_95, %dma_wait3A_96] : memref<1015808x64xf32, #tpu.memory_space<hbm>> -> memref<1015808x64xf32, #tpu.memory_space<hbm>>
    tpu.wait_indirect_dma semaphore(%arg25 : memref<!tpu.dma_semaphore, #tpu.memory_space<semaphore_mem>>) src(%dma_wait3A_97 : memref<1015808x64xf32, #tpu.memory_space<hbm>>) dst(%arg16 : memref<16x64xf32, #tpu.memory_space<vmem>>)
    %dma_wait3A_98 = arith.constant 0 : i32
    %dma_wait3A_99 = arith.constant 0 : i32
    %dma_wait3A_100 = tpu.memref_slice %arg17[%dma_wait3A_98, %dma_wait3A_99] : memref<320x64xf32, #tpu.memory_space<vmem>> -> memref<128x64xf32, #tpu.memory_space<vmem>>
    %dma_wait3A_101 = arith.constant 9600 : i32
    %dma_wait3A_102 = tpu.memref_slice %arg14[%dma_wait3A_101] : memref<10240xi32, #tpu.memory_space<vmem>> -> memref<128xi32, #tpu.memory_space<vmem>>
    %dma_wait3A_103 = arith.constant 0 : i32
    %dma_wait3A_104 = arith.constant 0 : i32
    %dma_wait3A_105 = tpu.memref_slice %arg6[%dma_wait3A_103, %dma_wait3A_104] : memref<1015808x64xf32, #tpu.memory_space<hbm>> -> memref<1015808x64xf32, #tpu.memory_space<hbm>>
    tpu.wait_indirect_dma semaphore(%arg25 : memref<!tpu.dma_semaphore, #tpu.memory_space<semaphore_mem>>) src(%dma_wait3A_105 : memref<1015808x64xf32, #tpu.memory_space<hbm>>) dst(%dma_wait3A_100 : memref<128x64xf32, #tpu.memory_space<vmem>>)
    %dma_wait3A_106 = arith.constant 128 : i32
    %dma_wait3A_107 = arith.constant 0 : i32
    %dma_wait3A_108 = tpu.memref_slice %arg17[%dma_wait3A_106, %dma_wait3A_107] : memref<320x64xf32, #tpu.memory_space<vmem>> -> memref<128x64xf32, #tpu.memory_space<vmem>>
    %dma_wait3A_109 = arith.constant 9728 : i32
    %dma_wait3A_110 = tpu.memref_slice %arg14[%dma_wait3A_109] : memref<10240xi32, #tpu.memory_space<vmem>> -> memref<128xi32, #tpu.memory_space<vmem>>
    %dma_wait3A_111 = arith.constant 0 : i32
    %dma_wait3A_112 = arith.constant 0 : i32
    %dma_wait3A_113 = tpu.memref_slice %arg6[%dma_wait3A_111, %dma_wait3A_112] : memref<1015808x64xf32, #tpu.memory_space<hbm>> -> memref<1015808x64xf32, #tpu.memory_space<hbm>>
    tpu.wait_indirect_dma semaphore(%arg25 : memref<!tpu.dma_semaphore, #tpu.memory_space<semaphore_mem>>) src(%dma_wait3A_113 : memref<1015808x64xf32, #tpu.memory_space<hbm>>) dst(%dma_wait3A_108 : memref<128x64xf32, #tpu.memory_space<vmem>>)
    %dma_wait3A_114 = arith.constant 256 : i32
    %dma_wait3A_115 = arith.constant 0 : i32
    %dma_wait3A_116 = tpu.memref_slice %arg17[%dma_wait3A_114, %dma_wait3A_115] : memref<320x64xf32, #tpu.memory_space<vmem>> -> memref<64x64xf32, #tpu.memory_space<vmem>>
    %dma_wait3A_117 = arith.constant 9856 : i32
    %dma_wait3A_118 = tpu.memref_slice %arg14[%dma_wait3A_117] : memref<10240xi32, #tpu.memory_space<vmem>> -> memref<64xi32, #tpu.memory_space<vmem>>
    %dma_wait3A_119 = arith.constant 0 : i32
    %dma_wait3A_120 = arith.constant 0 : i32
    %dma_wait3A_121 = tpu.memref_slice %arg6[%dma_wait3A_119, %dma_wait3A_120] : memref<1015808x64xf32, #tpu.memory_space<hbm>> -> memref<1015808x64xf32, #tpu.memory_space<hbm>>
    tpu.wait_indirect_dma semaphore(%arg25 : memref<!tpu.dma_semaphore, #tpu.memory_space<semaphore_mem>>) src(%dma_wait3A_121 : memref<1015808x64xf32, #tpu.memory_space<hbm>>) dst(%dma_wait3A_116 : memref<64x64xf32, #tpu.memory_space<vmem>>)
    %broadcast_in_dim3A = arith.constant 0.000000e+00 : f32
    %broadcast_in_dim3A_122 = vector.broadcast %broadcast_in_dim3A : f32 to vector<16xf32>
    %scan3A_123 = arith.constant 0 : i32
    %scan3A_124 = arith.constant 16 : i32
    %scan3A_125 = arith.addi %scan3A_123, %scan3A_124 : i32
    %scan3A_126 = arith.constant 1 : i32
    %scan3A_127:2 = scf.for %scan3A_183 = %scan3A_123 to %scan3A_125 step %scan3A_126 iter_args(%scan3A_184 = %broadcast_in_dim3A_122, %scan3A_185 = %broadcast_in_dim3A_122) -> (vector<16xf32>, vector<16xf32>)  : i32 {
      %get3A = arith.index_cast %scan3A_183 : i32 to index
      %get3A_186 = arith.constant 0 : index
      %get3A_187 = tpu.vector_load %arg15[%get3A, %get3A_186] {strides = array<i32>} : memref<16x64xf32, #tpu.memory_space<vmem>>, vector<16xf32>,
      %get3A_188 = arith.index_cast %scan3A_183 : i32 to index
      %get3A_189 = arith.constant 16 : index
      %get3A_190 = tpu.vector_load %arg15[%get3A_188, %get3A_189] {strides = array<i32>} : memref<16x64xf32, #tpu.memory_space<vmem>>, vector<16xf32>,
      %get3A_191 = arith.index_cast %scan3A_183 : i32 to index
      %get3A_192 = arith.constant 32 : index
      %get3A_193 = tpu.vector_load %arg15[%get3A_191, %get3A_192] {strides = array<i32>} : memref<16x64xf32, #tpu.memory_space<vmem>>, vector<16xf32>,
      %get3A_194 = arith.index_cast %scan3A_183 : i32 to index
      %get3A_195 = arith.constant 48 : index
      %get3A_196 = tpu.vector_load %arg15[%get3A_194, %get3A_195] {strides = array<i32>} : memref<16x64xf32, #tpu.memory_space<vmem>>, vector<16xf32>,
      %get3A_197 = arith.index_cast %scan3A_183 : i32 to index
      %get3A_198 = arith.constant 0 : index
      %get3A_199 = tpu.vector_load %arg16[%get3A_197, %get3A_198] {strides = array<i32>} : memref<16x64xf32, #tpu.memory_space<vmem>>, vector<16xf32>,
      %mul3A_200 = arith.mulf %get3A_199, %get3A_187 : vector<16xf32>
      %get3A_201 = arith.index_cast %scan3A_183 : i32 to index
      %get3A_202 = arith.constant 16 : index
      %get3A_203 = tpu.vector_load %arg16[%get3A_201, %get3A_202] {strides = array<i32>} : memref<16x64xf32, #tpu.memory_space<vmem>>, vector<16xf32>,
      %mul3A_204 = arith.mulf %get3A_203, %get3A_190 : vector<16xf32>
      %add3A_205 = arith.addf %mul3A_200, %mul3A_204 : vector<16xf32>
      %get3A_206 = arith.index_cast %scan3A_183 : i32 to index
      %get3A_207 = arith.constant 32 : index
      %get3A_208 = tpu.vector_load %arg16[%get3A_206, %get3A_207] {strides = array<i32>} : memref<16x64xf32, #tpu.memory_space<vmem>>, vector<16xf32>,
      %mul3A_209 = arith.mulf %get3A_208, %get3A_193 : vector<16xf32>
      %add3A_210 = arith.addf %add3A_205, %mul3A_209 : vector<16xf32>
      %get3A_211 = arith.index_cast %scan3A_183 : i32 to index
      %get3A_212 = arith.constant 48 : index
      %get3A_213 = tpu.vector_load %arg16[%get3A_211, %get3A_212] {strides = array<i32>} : memref<16x64xf32, #tpu.memory_space<vmem>>, vector<16xf32>,
      %mul3A_214 = arith.mulf %get3A_213, %get3A_196 : vector<16xf32>
      %add3A_215 = arith.addf %add3A_210, %mul3A_214 : vector<16xf32>
      %and3A = arith.constant 15 : i32
      %and3A_216 = arith.andi %scan3A_183, %and3A : i32
      %eq3A = vector.broadcast %and3A_216 : i32 to vector<16xi32>
      %eq3A_217 = arith.cmpi eq, %iota3A, %eq3A : vector<16xi32>
      %reduce_sum3A = arith.constant true
      %reduce_sum3A_218 = vector.broadcast %reduce_sum3A : i1 to vector<16xi1>
      %reduce_sum3A_219 = tpu.scan <sum>, %add3A_215 masked %reduce_sum3A_218 : vector<16xf32>, vector<16xi1> -> vector<16xf32>
      %reduce_sum3A_220 = vector.extract %reduce_sum3A_219[15] : f32 from vector<16xf32>
      %broadcast_in_dim3A_221 = vector.broadcast %reduce_sum3A_220 : f32 to vector<16xf32>
      %select_n3A = arith.select %eq3A_217, %broadcast_in_dim3A_221, %scan3A_185 : vector<16xi1>, vector<16xf32>
      %add3A_222 = arith.constant 480 : i32
      %add3A_223 = arith.addi %add3A_222, %scan3A_183 : i32
      %sub3A = arith.subi %add3A_223, %and3A_216 : i32
      %swap3A = arith.index_cast %sub3A : i32 to index
      %swap3A_224 = tpu.vector_load %arg23[%swap3A] {strides = array<i32>} : memref<512xf32, #tpu.memory_space<vmem>>, vector<16xf32>,
      tpu.vector_store %arg23[%swap3A], %select_n3A {strides = array<i32>} : memref<512xf32, #tpu.memory_space<vmem>>, vector<16xf32>,
      %mul3A_225 = arith.constant 20 : i32
      %mul3A_226 = arith.muli %scan3A_183, %mul3A_225 : i32
      %add3A_227 = arith.constant 0 : i32
      %add3A_228 = arith.addi %mul3A_226, %add3A_227 : i32
      %get3A_229 = arith.index_cast %add3A_228 : i32 to index
      %get3A_230 = arith.constant 0 : index
      %get3A_231 = tpu.vector_load %arg17[%get3A_229, %get3A_230] {strides = array<i32>} : memref<320x64xf32, #tpu.memory_space<vmem>>, vector<16xf32>,
      %mul3A_232 = arith.mulf %get3A_231, %get3A_187 : vector<16xf32>
      %get3A_233 = arith.index_cast %add3A_228 : i32 to index
      %get3A_234 = arith.constant 16 : index
      %get3A_235 = tpu.vector_load %arg17[%get3A_233, %get3A_234] {strides = array<i32>} : memref<320x64xf32, #tpu.memory_space<vmem>>, vector<16xf32>,
      %mul3A_236 = arith.mulf %get3A_235, %get3A_190 : vector<16xf32>
      %add3A_237 = arith.addf %mul3A_232, %mul3A_236 : vector<16xf32>
      %get3A_238 = arith.index_cast %add3A_228 : i32 to index
      %get3A_239 = arith.constant 32 : index
      %get3A_240 = tpu.vector_load %arg17[%get3A_238, %get3A_239] {strides = array<i32>} : memref<320x64xf32, #tpu.memory_space<vmem>>, vector<16xf32>,
      %mul3A_241 = arith.mulf %get3A_240, %get3A_193 : vector<16xf32>
      %add3A_242 = arith.addf %add3A_237, %mul3A_241 : vector<16xf32>
      %get3A_243 = arith.index_cast %add3A_228 : i32 to index
      %get3A_244 = arith.constant 48 : index
      %get3A_245 = tpu.vector_load %arg17[%get3A_243, %get3A_244] {strides = array<i32>} : memref<320x64xf32, #tpu.memory_space<vmem>>, vector<16xf32>,
      %mul3A_246 = arith.mulf %get3A_245, %get3A_196 : vector<16xf32>
      %add3A_247 = arith.addf %add3A_242, %mul3A_246 : vector<16xf32>
      %and3A_248 = arith.constant 15 : i32
      %and3A_249 = arith.andi %add3A_228, %and3A_248 : i32
      %eq3A_250 = vector.broadcast %and3A_249 : i32 to vector<16xi32>
      %eq3A_251 = arith.cmpi eq, %iota3A, %eq3A_250 : vector<16xi32>
      %reduce_sum3A_252 = arith.constant true
      %reduce_sum3A_253 = vector.broadcast %reduce_sum3A_252 : i1 to vector<16xi1>
      %reduce_sum3A_254 = tpu.scan <sum>, %add3A_247 masked %reduce_sum3A_253 : vector<16xf32>, vector<16xi1> -> vector<16xf32>
      %reduce_sum3A_255 = vector.extract %reduce_sum3A_254[15] : f32 from vector<16xf32>
      %broadcast_in_dim3A_256 = vector.broadcast %reduce_sum3A_255 : f32 to vector<16xf32>
      %select_n3A_257 = arith.select %eq3A_251, %broadcast_in_dim3A_256, %scan3A_184 : vector<16xi1>, vector<16xf32>
      %add3A_258 = arith.constant 9600 : i32
      %add3A_259 = arith.addi %add3A_258, %add3A_228 : i32
      %sub3A_260 = arith.subi %add3A_259, %and3A_249 : i32
      %swap3A_261 = arith.index_cast %sub3A_260 : i32 to index
      %swap3A_262 = tpu.vector_load %arg24[%swap3A_261] {strides = array<i32>} : memref<10240xf32, #tpu.memory_space<vmem>>, vector<16xf32>,
      tpu.vector_store %arg24[%swap3A_261], %select_n3A_257 {strides = array<i32>} : memref<10240xf32, #tpu.memory_space<vmem>>, vector<16xf32>,
      %mul3A_263 = arith.constant 20 : i32
      %mul3A_264 = arith.muli %scan3A_183, %mul3A_263 : i32
      %add3A_265 = arith.constant 1 : i32
      %add3A_266 = arith.addi %mul3A_264, %add3A_265 : i32
      %get3A_267 = arith.index_cast %add3A_266 : i32 to index
      %get3A_268 = arith.constant 0 : index
      %get3A_269 = tpu.vector_load %arg17[%get3A_267, %get3A_268] {strides = array<i32>} : memref<320x64xf32, #tpu.memory_space<vmem>>, vector<16xf32>,
      %mul3A_270 = arith.mulf %get3A_269, %get3A_187 : vector<16xf32>
      %get3A_271 = arith.index_cast %add3A_266 : i32 to index
      %get3A_272 = arith.constant 16 : index
      %get3A_273 = tpu.vector_load %arg17[%get3A_271, %get3A_272] {strides = array<i32>} : memref<320x64xf32, #tpu.memory_space<vmem>>, vector<16xf32>,
      %mul3A_274 = arith.mulf %get3A_273, %get3A_190 : vector<16xf32>
      %add3A_275 = arith.addf %mul3A_270, %mul3A_274 : vector<16xf32>
      %get3A_276 = arith.index_cast %add3A_266 : i32 to index
      %get3A_277 = arith.constant 32 : index
      %get3A_278 = tpu.vector_load %arg17[%get3A_276, %get3A_277] {strides = array<i32>} : memref<320x64xf32, #tpu.memory_space<vmem>>, vector<16xf32>,
      %mul3A_279 = arith.mulf %get3A_278, %get3A_193 : vector<16xf32>
      %add3A_280 = arith.addf %add3A_275, %mul3A_279 : vector<16xf32>
      %get3A_281 = arith.index_cast %add3A_266 : i32 to index
      %get3A_282 = arith.constant 48 : index
      %get3A_283 = tpu.vector_load %arg17[%get3A_281, %get3A_282] {strides = array<i32>} : memref<320x64xf32, #tpu.memory_space<vmem>>, vector<16xf32>,
      %mul3A_284 = arith.mulf %get3A_283, %get3A_196 : vector<16xf32>
      %add3A_285 = arith.addf %add3A_280, %mul3A_284 : vector<16xf32>
      %and3A_286 = arith.constant 15 : i32
      %and3A_287 = arith.andi %add3A_266, %and3A_286 : i32
      %eq3A_288 = vector.broadcast %and3A_287 : i32 to vector<16xi32>
      %eq3A_289 = arith.cmpi eq, %iota3A, %eq3A_288 : vector<16xi32>
      %reduce_sum3A_290 = arith.constant true
      %reduce_sum3A_291 = vector.broadcast %reduce_sum3A_290 : i1 to vector<16xi1>
      %reduce_sum3A_292 = tpu.scan <sum>, %add3A_285 masked %reduce_sum3A_291 : vector<16xf32>, vector<16xi1> -> vector<16xf32>
      %reduce_sum3A_293 = vector.extract %reduce_sum3A_292[15] : f32 from vector<16xf32>
      %broadcast_in_dim3A_294 = vector.broadcast %reduce_sum3A_293 : f32 to vector<16xf32>
      %select_n3A_295 = arith.select %eq3A_289, %broadcast_in_dim3A_294, %select_n3A_257 : vector<16xi1>, vector<16xf32>
      %add3A_296 = arith.constant 9600 : i32
      %add3A_297 = arith.addi %add3A_296, %add3A_266 : i32
      %sub3A_298 = arith.subi %add3A_297, %and3A_287 : i32
      %swap3A_299 = arith.index_cast %sub3A_298 : i32 to index
      %swap3A_300 = tpu.vector_load %arg24[%swap3A_299] {strides = array<i32>} : memref<10240xf32, #tpu.memory_space<vmem>>, vector<16xf32>,
      tpu.vector_store %arg24[%swap3A_299], %select_n3A_295 {strides = array<i32>} : memref<10240xf32, #tpu.memory_space<vmem>>, vector<16xf32>,
      %mul3A_301 = arith.constant 20 : i32
      %mul3A_302 = arith.muli %scan3A_183, %mul3A_301 : i32
      %add3A_303 = arith.constant 2 : i32
      %add3A_304 = arith.addi %mul3A_302, %add3A_303 : i32
      %get3A_305 = arith.index_cast %add3A_304 : i32 to index
      %get3A_306 = arith.constant 0 : index
      %get3A_307 = tpu.vector_load %arg17[%get3A_305, %get3A_306] {strides = array<i32>} : memref<320x64xf32, #tpu.memory_space<vmem>>, vector<16xf32>,
      %mul3A_308 = arith.mulf %get3A_307, %get3A_187 : vector<16xf32>
      %get3A_309 = arith.index_cast %add3A_304 : i32 to index
      %get3A_310 = arith.constant 16 : index
      %get3A_311 = tpu.vector_load %arg17[%get3A_309, %get3A_310] {strides = array<i32>} : memref<320x64xf32, #tpu.memory_space<vmem>>, vector<16xf32>,
      %mul3A_312 = arith.mulf %get3A_311, %get3A_190 : vector<16xf32>
      %add3A_313 = arith.addf %mul3A_308, %mul3A_312 : vector<16xf32>
      %get3A_314 = arith.index_cast %add3A_304 : i32 to index
      %get3A_315 = arith.constant 32 : index
      %get3A_316 = tpu.vector_load %arg17[%get3A_314, %get3A_315] {strides = array<i32>} : memref<320x64xf32, #tpu.memory_space<vmem>>, vector<16xf32>,
      %mul3A_317 = arith.mulf %get3A_316, %get3A_193 : vector<16xf32>
      %add3A_318 = arith.addf %add3A_313, %mul3A_317 : vector<16xf32>
      %get3A_319 = arith.index_cast %add3A_304 : i32 to index
      %get3A_320 = arith.constant 48 : index
      %get3A_321 = tpu.vector_load %arg17[%get3A_319, %get3A_320] {strides = array<i32>} : memref<320x64xf32, #tpu.memory_space<vmem>>, vector<16xf32>,
      %mul3A_322 = arith.mulf %get3A_321, %get3A_196 : vector<16xf32>
      %add3A_323 = arith.addf %add3A_318, %mul3A_322 : vector<16xf32>
      %and3A_324 = arith.constant 15 : i32
      %and3A_325 = arith.andi %add3A_304, %and3A_324 : i32
      %eq3A_326 = vector.broadcast %and3A_325 : i32 to vector<16xi32>
      %eq3A_327 = arith.cmpi eq, %iota3A, %eq3A_326 : vector<16xi32>
      %reduce_sum3A_328 = arith.constant true
      %reduce_sum3A_329 = vector.broadcast %reduce_sum3A_328 : i1 to vector<16xi1>
      %reduce_sum3A_330 = tpu.scan <sum>, %add3A_323 masked %reduce_sum3A_329 : vector<16xf32>, vector<16xi1> -> vector<16xf32>
      %reduce_sum3A_331 = vector.extract %reduce_sum3A_330[15] : f32 from vector<16xf32>
      %broadcast_in_dim3A_332 = vector.broadcast %reduce_sum3A_331 : f32 to vector<16xf32>
      %select_n3A_333 = arith.select %eq3A_327, %broadcast_in_dim3A_332, %select_n3A_295 : vector<16xi1>, vector<16xf32>
      %add3A_334 = arith.constant 9600 : i32
      %add3A_335 = arith.addi %add3A_334, %add3A_304 : i32
      %sub3A_336 = arith.subi %add3A_335, %and3A_325 : i32
      %swap3A_337 = arith.index_cast %sub3A_336 : i32 to index
      %swap3A_338 = tpu.vector_load %arg24[%swap3A_337] {strides = array<i32>} : memref<10240xf32, #tpu.memory_space<vmem>>, vector<16xf32>,
      tpu.vector_store %arg24[%swap3A_337], %select_n3A_333 {strides = array<i32>} : memref<10240xf32, #tpu.memory_space<vmem>>, vector<16xf32>,
      %mul3A_339 = arith.constant 20 : i32
      %mul3A_340 = arith.muli %scan3A_183, %mul3A_339 : i32
      %add3A_341 = arith.constant 3 : i32
      %add3A_342 = arith.addi %mul3A_340, %add3A_341 : i32
      %get3A_343 = arith.index_cast %add3A_342 : i32 to index
      %get3A_344 = arith.constant 0 : index
      %get3A_345 = tpu.vector_load %arg17[%get3A_343, %get3A_344] {strides = array<i32>} : memref<320x64xf32, #tpu.memory_space<vmem>>, vector<16xf32>,
      %mul3A_346 = arith.mulf %get3A_345, %get3A_187 : vector<16xf32>
      %get3A_347 = arith.index_cast %add3A_342 : i32 to index
      %get3A_348 = arith.constant 16 : index
      %get3A_349 = tpu.vector_load %arg17[%get3A_347, %get3A_348] {strides = array<i32>} : memref<320x64xf32, #tpu.memory_space<vmem>>, vector<16xf32>,
      %mul3A_350 = arith.mulf %get3A_349, %get3A_190 : vector<16xf32>
      %add3A_351 = arith.addf %mul3A_346, %mul3A_350 : vector<16xf32>
      %get3A_352 = arith.index_cast %add3A_342 : i32 to index
      %get3A_353 = arith.constant 32 : index
      %get3A_354 = tpu.vector_load %arg17[%get3A_352, %get3A_353] {strides = array<i32>} : memref<320x64xf32, #tpu.memory_space<vmem>>, vector<16xf32>,
      %mul3A_355 = arith.mulf %get3A_354, %get3A_193 : vector<16xf32>
      %add3A_356 = arith.addf %add3A_351, %mul3A_355 : vector<16xf32>
      %get3A_357 = arith.index_cast %add3A_342 : i32 to index
      %get3A_358 = arith.constant 48 : index
      %get3A_359 = tpu.vector_load %arg17[%get3A_357, %get3A_358] {strides = array<i32>} : memref<320x64xf32, #tpu.memory_space<vmem>>, vector<16xf32>,
      %mul3A_360 = arith.mulf %get3A_359, %get3A_196 : vector<16xf32>
      %add3A_361 = arith.addf %add3A_356, %mul3A_360 : vector<16xf32>
      %and3A_362 = arith.constant 15 : i32
      %and3A_363 = arith.andi %add3A_342, %and3A_362 : i32
      %eq3A_364 = vector.broadcast %and3A_363 : i32 to vector<16xi32>
      %eq3A_365 = arith.cmpi eq, %iota3A, %eq3A_364 : vector<16xi32>
      %reduce_sum3A_366 = arith.constant true
      %reduce_sum3A_367 = vector.broadcast %reduce_sum3A_366 : i1 to vector<16xi1>
      %reduce_sum3A_368 = tpu.scan <sum>, %add3A_361 masked %reduce_sum3A_367 : vector<16xf32>, vector<16xi1> -> vector<16xf32>
      %reduce_sum3A_369 = vector.extract %reduce_sum3A_368[15] : f32 from vector<16xf32>
      %broadcast_in_dim3A_370 = vector.broadcast %reduce_sum3A_369 : f32 to vector<16xf32>
      %select_n3A_371 = arith.select %eq3A_365, %broadcast_in_dim3A_370, %select_n3A_333 : vector<16xi1>, vector<16xf32>
      %add3A_372 = arith.constant 9600 : i32
      %add3A_373 = arith.addi %add3A_372, %add3A_342 : i32
      %sub3A_374 = arith.subi %add3A_373, %and3A_363 : i32
      %swap3A_375 = arith.index_cast %sub3A_374 : i32 to index
      %swap3A_376 = tpu.vector_load %arg24[%swap3A_375] {strides = array<i32>} : memref<10240xf32, #tpu.memory_space<vmem>>, vector<16xf32>,
      tpu.vector_store %arg24[%swap3A_375], %select_n3A_371 {strides = array<i32>} : memref<10240xf32, #tpu.memory_space<vmem>>, vector<16xf32>,
      %mul3A_377 = arith.constant 20 : i32
      %mul3A_378 = arith.muli %scan3A_183, %mul3A_377 : i32
      %add3A_379 = arith.constant 4 : i32
      %add3A_380 = arith.addi %mul3A_378, %add3A_379 : i32
      %get3A_381 = arith.index_cast %add3A_380 : i32 to index
      %get3A_382 = arith.constant 0 : index
      %get3A_383 = tpu.vector_load %arg17[%get3A_381, %get3A_382] {strides = array<i32>} : memref<320x64xf32, #tpu.memory_space<vmem>>, vector<16xf32>,
      %mul3A_384 = arith.mulf %get3A_383, %get3A_187 : vector<16xf32>
      %get3A_385 = arith.index_cast %add3A_380 : i32 to index
      %get3A_386 = arith.constant 16 : index
      %get3A_387 = tpu.vector_load %arg17[%get3A_385, %get3A_386] {strides = array<i32>} : memref<320x64xf32, #tpu.memory_space<vmem>>, vector<16xf32>,
      %mul3A_388 = arith.mulf %get3A_387, %get3A_190 : vector<16xf32>
      %add3A_389 = arith.addf %mul3A_384, %mul3A_388 : vector<16xf32>
      %get3A_390 = arith.index_cast %add3A_380 : i32 to index
      %get3A_391 = arith.constant 32 : index
      %get3A_392 = tpu.vector_load %arg17[%get3A_390, %get3A_391] {strides = array<i32>} : memref<320x64xf32, #tpu.memory_space<vmem>>, vector<16xf32>,
      %mul3A_393 = arith.mulf %get3A_392, %get3A_193 : vector<16xf32>
      %add3A_394 = arith.addf %add3A_389, %mul3A_393 : vector<16xf32>
      %get3A_395 = arith.index_cast %add3A_380 : i32 to index
      %get3A_396 = arith.constant 48 : index
      %get3A_397 = tpu.vector_load %arg17[%get3A_395, %get3A_396] {strides = array<i32>} : memref<320x64xf32, #tpu.memory_space<vmem>>, vector<16xf32>,
      %mul3A_398 = arith.mulf %get3A_397, %get3A_196 : vector<16xf32>
      %add3A_399 = arith.addf %add3A_394, %mul3A_398 : vector<16xf32>
      %and3A_400 = arith.constant 15 : i32
      %and3A_401 = arith.andi %add3A_380, %and3A_400 : i32
      %eq3A_402 = vector.broadcast %and3A_401 : i32 to vector<16xi32>
      %eq3A_403 = arith.cmpi eq, %iota3A, %eq3A_402 : vector<16xi32>
      %reduce_sum3A_404 = arith.constant true
      %reduce_sum3A_405 = vector.broadcast %reduce_sum3A_404 : i1 to vector<16xi1>
      %reduce_sum3A_406 = tpu.scan <sum>, %add3A_399 masked %reduce_sum3A_405 : vector<16xf32>, vector<16xi1> -> vector<16xf32>
      %reduce_sum3A_407 = vector.extract %reduce_sum3A_406[15] : f32 from vector<16xf32>
      %broadcast_in_dim3A_408 = vector.broadcast %reduce_sum3A_407 : f32 to vector<16xf32>
      %select_n3A_409 = arith.select %eq3A_403, %broadcast_in_dim3A_408, %select_n3A_371 : vector<16xi1>, vector<16xf32>
      %add3A_410 = arith.constant 9600 : i32
      %add3A_411 = arith.addi %add3A_410, %add3A_380 : i32
      %sub3A_412 = arith.subi %add3A_411, %and3A_401 : i32
      %swap3A_413 = arith.index_cast %sub3A_412 : i32 to index
      %swap3A_414 = tpu.vector_load %arg24[%swap3A_413] {strides = array<i32>} : memref<10240xf32, #tpu.memory_space<vmem>>, vector<16xf32>,
      tpu.vector_store %arg24[%swap3A_413], %select_n3A_409 {strides = array<i32>} : memref<10240xf32, #tpu.memory_space<vmem>>, vector<16xf32>,
      %mul3A_415 = arith.constant 20 : i32
      %mul3A_416 = arith.muli %scan3A_183, %mul3A_415 : i32
      %add3A_417 = arith.constant 5 : i32
      %add3A_418 = arith.addi %mul3A_416, %add3A_417 : i32
      %get3A_419 = arith.index_cast %add3A_418 : i32 to index
      %get3A_420 = arith.constant 0 : index
      %get3A_421 = tpu.vector_load %arg17[%get3A_419, %get3A_420] {strides = array<i32>} : memref<320x64xf32, #tpu.memory_space<vmem>>, vector<16xf32>,
      %mul3A_422 = arith.mulf %get3A_421, %get3A_187 : vector<16xf32>
      %get3A_423 = arith.index_cast %add3A_418 : i32 to index
      %get3A_424 = arith.constant 16 : index
      %get3A_425 = tpu.vector_load %arg17[%get3A_423, %get3A_424] {strides = array<i32>} : memref<320x64xf32, #tpu.memory_space<vmem>>, vector<16xf32>,
      %mul3A_426 = arith.mulf %get3A_425, %get3A_190 : vector<16xf32>
      %add3A_427 = arith.addf %mul3A_422, %mul3A_426 : vector<16xf32>
      %get3A_428 = arith.index_cast %add3A_418 : i32 to index
      %get3A_429 = arith.constant 32 : index
      %get3A_430 = tpu.vector_load %arg17[%get3A_428, %get3A_429] {strides = array<i32>} : memref<320x64xf32, #tpu.memory_space<vmem>>, vector<16xf32>,
      %mul3A_431 = arith.mulf %get3A_430, %get3A_193 : vector<16xf32>
      %add3A_432 = arith.addf %add3A_427, %mul3A_431 : vector<16xf32>
      %get3A_433 = arith.index_cast %add3A_418 : i32 to index
      %get3A_434 = arith.constant 48 : index
      %get3A_435 = tpu.vector_load %arg17[%get3A_433, %get3A_434] {strides = array<i32>} : memref<320x64xf32, #tpu.memory_space<vmem>>, vector<16xf32>,
      %mul3A_436 = arith.mulf %get3A_435, %get3A_196 : vector<16xf32>
      %add3A_437 = arith.addf %add3A_432, %mul3A_436 : vector<16xf32>
      %and3A_438 = arith.constant 15 : i32
      %and3A_439 = arith.andi %add3A_418, %and3A_438 : i32
      %eq3A_440 = vector.broadcast %and3A_439 : i32 to vector<16xi32>
      %eq3A_441 = arith.cmpi eq, %iota3A, %eq3A_440 : vector<16xi32>
      %reduce_sum3A_442 = arith.constant true
      %reduce_sum3A_443 = vector.broadcast %reduce_sum3A_442 : i1 to vector<16xi1>
      %reduce_sum3A_444 = tpu.scan <sum>, %add3A_437 masked %reduce_sum3A_443 : vector<16xf32>, vector<16xi1> -> vector<16xf32>
      %reduce_sum3A_445 = vector.extract %reduce_sum3A_444[15] : f32 from vector<16xf32>
      %broadcast_in_dim3A_446 = vector.broadcast %reduce_sum3A_445 : f32 to vector<16xf32>
      %select_n3A_447 = arith.select %eq3A_441, %broadcast_in_dim3A_446, %select_n3A_409 : vector<16xi1>, vector<16xf32>
      %add3A_448 = arith.constant 9600 : i32
      %add3A_449 = arith.addi %add3A_448, %add3A_418 : i32
      %sub3A_450 = arith.subi %add3A_449, %and3A_439 : i32
      %swap3A_451 = arith.index_cast %sub3A_450 : i32 to index
      %swap3A_452 = tpu.vector_load %arg24[%swap3A_451] {strides = array<i32>} : memref<10240xf32, #tpu.memory_space<vmem>>, vector<16xf32>,
      tpu.vector_store %arg24[%swap3A_451], %select_n3A_447 {strides = array<i32>} : memref<10240xf32, #tpu.memory_space<vmem>>, vector<16xf32>,
      %mul3A_453 = arith.constant 20 : i32
      %mul3A_454 = arith.muli %scan3A_183, %mul3A_453 : i32
      %add3A_455 = arith.constant 6 : i32
      %add3A_456 = arith.addi %mul3A_454, %add3A_455 : i32
      %get3A_457 = arith.index_cast %add3A_456 : i32 to index
      %get3A_458 = arith.constant 0 : index
      %get3A_459 = tpu.vector_load %arg17[%get3A_457, %get3A_458] {strides = array<i32>} : memref<320x64xf32, #tpu.memory_space<vmem>>, vector<16xf32>,
      %mul3A_460 = arith.mulf %get3A_459, %get3A_187 : vector<16xf32>
      %get3A_461 = arith.index_cast %add3A_456 : i32 to index
      %get3A_462 = arith.constant 16 : index
      %get3A_463 = tpu.vector_load %arg17[%get3A_461, %get3A_462] {strides = array<i32>} : memref<320x64xf32, #tpu.memory_space<vmem>>, vector<16xf32>,
      %mul3A_464 = arith.mulf %get3A_463, %get3A_190 : vector<16xf32>
      %add3A_465 = arith.addf %mul3A_460, %mul3A_464 : vector<16xf32>
      %get3A_466 = arith.index_cast %add3A_456 : i32 to index
      %get3A_467 = arith.constant 32 : index
      %get3A_468 = tpu.vector_load %arg17[%get3A_466, %get3A_467] {strides = array<i32>} : memref<320x64xf32, #tpu.memory_space<vmem>>, vector<16xf32>,
      %mul3A_469 = arith.mulf %get3A_468, %get3A_193 : vector<16xf32>
      %add3A_470 = arith.addf %add3A_465, %mul3A_469 : vector<16xf32>
      %get3A_471 = arith.index_cast %add3A_456 : i32 to index
      %get3A_472 = arith.constant 48 : index
      %get3A_473 = tpu.vector_load %arg17[%get3A_471, %get3A_472] {strides = array<i32>} : memref<320x64xf32, #tpu.memory_space<vmem>>, vector<16xf32>,
      %mul3A_474 = arith.mulf %get3A_473, %get3A_196 : vector<16xf32>
      %add3A_475 = arith.addf %add3A_470, %mul3A_474 : vector<16xf32>
      %and3A_476 = arith.constant 15 : i32
      %and3A_477 = arith.andi %add3A_456, %and3A_476 : i32
      %eq3A_478 = vector.broadcast %and3A_477 : i32 to vector<16xi32>
      %eq3A_479 = arith.cmpi eq, %iota3A, %eq3A_478 : vector<16xi32>
      %reduce_sum3A_480 = arith.constant true
      %reduce_sum3A_481 = vector.broadcast %reduce_sum3A_480 : i1 to vector<16xi1>
      %reduce_sum3A_482 = tpu.scan <sum>, %add3A_475 masked %reduce_sum3A_481 : vector<16xf32>, vector<16xi1> -> vector<16xf32>
      %reduce_sum3A_483 = vector.extract %reduce_sum3A_482[15] : f32 from vector<16xf32>
      %broadcast_in_dim3A_484 = vector.broadcast %reduce_sum3A_483 : f32 to vector<16xf32>
      %select_n3A_485 = arith.select %eq3A_479, %broadcast_in_dim3A_484, %select_n3A_447 : vector<16xi1>, vector<16xf32>
      %add3A_486 = arith.constant 9600 : i32
      %add3A_487 = arith.addi %add3A_486, %add3A_456 : i32
      %sub3A_488 = arith.subi %add3A_487, %and3A_477 : i32
      %swap3A_489 = arith.index_cast %sub3A_488 : i32 to index
      %swap3A_490 = tpu.vector_load %arg24[%swap3A_489] {strides = array<i32>} : memref<10240xf32, #tpu.memory_space<vmem>>, vector<16xf32>,
      tpu.vector_store %arg24[%swap3A_489], %select_n3A_485 {strides = array<i32>} : memref<10240xf32, #tpu.memory_space<vmem>>, vector<16xf32>,
      %mul3A_491 = arith.constant 20 : i32
      %mul3A_492 = arith.muli %scan3A_183, %mul3A_491 : i32
      %add3A_493 = arith.constant 7 : i32
      %add3A_494 = arith.addi %mul3A_492, %add3A_493 : i32
      %get3A_495 = arith.index_cast %add3A_494 : i32 to index
      %get3A_496 = arith.constant 0 : index
      %get3A_497 = tpu.vector_load %arg17[%get3A_495, %get3A_496] {strides = array<i32>} : memref<320x64xf32, #tpu.memory_space<vmem>>, vector<16xf32>,
      %mul3A_498 = arith.mulf %get3A_497, %get3A_187 : vector<16xf32>
      %get3A_499 = arith.index_cast %add3A_494 : i32 to index
      %get3A_500 = arith.constant 16 : index
      %get3A_501 = tpu.vector_load %arg17[%get3A_499, %get3A_500] {strides = array<i32>} : memref<320x64xf32, #tpu.memory_space<vmem>>, vector<16xf32>,
      %mul3A_502 = arith.mulf %get3A_501, %get3A_190 : vector<16xf32>
      %add3A_503 = arith.addf %mul3A_498, %mul3A_502 : vector<16xf32>
      %get3A_504 = arith.index_cast %add3A_494 : i32 to index
      %get3A_505 = arith.constant 32 : index
      %get3A_506 = tpu.vector_load %arg17[%get3A_504, %get3A_505] {strides = array<i32>} : memref<320x64xf32, #tpu.memory_space<vmem>>, vector<16xf32>,
      %mul3A_507 = arith.mulf %get3A_506, %get3A_193 : vector<16xf32>
      %add3A_508 = arith.addf %add3A_503, %mul3A_507 : vector<16xf32>
      %get3A_509 = arith.index_cast %add3A_494 : i32 to index
      %get3A_510 = arith.constant 48 : index
      %get3A_511 = tpu.vector_load %arg17[%get3A_509, %get3A_510] {strides = array<i32>} : memref<320x64xf32, #tpu.memory_space<vmem>>, vector<16xf32>,
      %mul3A_512 = arith.mulf %get3A_511, %get3A_196 : vector<16xf32>
      %add3A_513 = arith.addf %add3A_508, %mul3A_512 : vector<16xf32>
      %and3A_514 = arith.constant 15 : i32
      %and3A_515 = arith.andi %add3A_494, %and3A_514 : i32
      %eq3A_516 = vector.broadcast %and3A_515 : i32 to vector<16xi32>
      %eq3A_517 = arith.cmpi eq, %iota3A, %eq3A_516 : vector<16xi32>
      %reduce_sum3A_518 = arith.constant true
      %reduce_sum3A_519 = vector.broadcast %reduce_sum3A_518 : i1 to vector<16xi1>
      %reduce_sum3A_520 = tpu.scan <sum>, %add3A_513 masked %reduce_sum3A_519 : vector<16xf32>, vector<16xi1> -> vector<16xf32>
      %reduce_sum3A_521 = vector.extract %reduce_sum3A_520[15] : f32 from vector<16xf32>
      %broadcast_in_dim3A_522 = vector.broadcast %reduce_sum3A_521 : f32 to vector<16xf32>
      %select_n3A_523 = arith.select %eq3A_517, %broadcast_in_dim3A_522, %select_n3A_485 : vector<16xi1>, vector<16xf32>
      %add3A_524 = arith.constant 9600 : i32
      %add3A_525 = arith.addi %add3A_524, %add3A_494 : i32
      %sub3A_526 = arith.subi %add3A_525, %and3A_515 : i32
      %swap3A_527 = arith.index_cast %sub3A_526 : i32 to index
      %swap3A_528 = tpu.vector_load %arg24[%swap3A_527] {strides = array<i32>} : memref<10240xf32, #tpu.memory_space<vmem>>, vector<16xf32>,
      tpu.vector_store %arg24[%swap3A_527], %select_n3A_523 {strides = array<i32>} : memref<10240xf32, #tpu.memory_space<vmem>>, vector<16xf32>,
      %mul3A_529 = arith.constant 20 : i32
      %mul3A_530 = arith.muli %scan3A_183, %mul3A_529 : i32
      %add3A_531 = arith.constant 8 : i32
      %add3A_532 = arith.addi %mul3A_530, %add3A_531 : i32
      %get3A_533 = arith.index_cast %add3A_532 : i32 to index
      %get3A_534 = arith.constant 0 : index
      %get3A_535 = tpu.vector_load %arg17[%get3A_533, %get3A_534] {strides = array<i32>} : memref<320x64xf32, #tpu.memory_space<vmem>>, vector<16xf32>,
      %mul3A_536 = arith.mulf %get3A_535, %get3A_187 : vector<16xf32>
      %get3A_537 = arith.index_cast %add3A_532 : i32 to index
      %get3A_538 = arith.constant 16 : index
      %get3A_539 = tpu.vector_load %arg17[%get3A_537, %get3A_538] {strides = array<i32>} : memref<320x64xf32, #tpu.memory_space<vmem>>, vector<16xf32>,
      %mul3A_540 = arith.mulf %get3A_539, %get3A_190 : vector<16xf32>
      %add3A_541 = arith.addf %mul3A_536, %mul3A_540 : vector<16xf32>
      %get3A_542 = arith.index_cast %add3A_532 : i32 to index
      %get3A_543 = arith.constant 32 : index
      %get3A_544 = tpu.vector_load %arg17[%get3A_542, %get3A_543] {strides = array<i32>} : memref<320x64xf32, #tpu.memory_space<vmem>>, vector<16xf32>,
      %mul3A_545 = arith.mulf %get3A_544, %get3A_193 : vector<16xf32>
      %add3A_546 = arith.addf %add3A_541, %mul3A_545 : vector<16xf32>
      %get3A_547 = arith.index_cast %add3A_532 : i32 to index
      %get3A_548 = arith.constant 48 : index
      %get3A_549 = tpu.vector_load %arg17[%get3A_547, %get3A_548] {strides = array<i32>} : memref<320x64xf32, #tpu.memory_space<vmem>>, vector<16xf32>,
      %mul3A_550 = arith.mulf %get3A_549, %get3A_196 : vector<16xf32>
      %add3A_551 = arith.addf %add3A_546, %mul3A_550 : vector<16xf32>
      %and3A_552 = arith.constant 15 : i32
      %and3A_553 = arith.andi %add3A_532, %and3A_552 : i32
      %eq3A_554 = vector.broadcast %and3A_553 : i32 to vector<16xi32>
      %eq3A_555 = arith.cmpi eq, %iota3A, %eq3A_554 : vector<16xi32>
      %reduce_sum3A_556 = arith.constant true
      %reduce_sum3A_557 = vector.broadcast %reduce_sum3A_556 : i1 to vector<16xi1>
      %reduce_sum3A_558 = tpu.scan <sum>, %add3A_551 masked %reduce_sum3A_557 : vector<16xf32>, vector<16xi1> -> vector<16xf32>
      %reduce_sum3A_559 = vector.extract %reduce_sum3A_558[15] : f32 from vector<16xf32>
      %broadcast_in_dim3A_560 = vector.broadcast %reduce_sum3A_559 : f32 to vector<16xf32>
      %select_n3A_561 = arith.select %eq3A_555, %broadcast_in_dim3A_560, %select_n3A_523 : vector<16xi1>, vector<16xf32>
      %add3A_562 = arith.constant 9600 : i32
      %add3A_563 = arith.addi %add3A_562, %add3A_532 : i32
      %sub3A_564 = arith.subi %add3A_563, %and3A_553 : i32
      %swap3A_565 = arith.index_cast %sub3A_564 : i32 to index
      %swap3A_566 = tpu.vector_load %arg24[%swap3A_565] {strides = array<i32>} : memref<10240xf32, #tpu.memory_space<vmem>>, vector<16xf32>,
      tpu.vector_store %arg24[%swap3A_565], %select_n3A_561 {strides = array<i32>} : memref<10240xf32, #tpu.memory_space<vmem>>, vector<16xf32>,
      %mul3A_567 = arith.constant 20 : i32
      %mul3A_568 = arith.muli %scan3A_183, %mul3A_567 : i32
      %add3A_569 = arith.constant 9 : i32
      %add3A_570 = arith.addi %mul3A_568, %add3A_569 : i32
      %get3A_571 = arith.index_cast %add3A_570 : i32 to index
      %get3A_572 = arith.constant 0 : index
      %get3A_573 = tpu.vector_load %arg17[%get3A_571, %get3A_572] {strides = array<i32>} : memref<320x64xf32, #tpu.memory_space<vmem>>, vector<16xf32>,
      %mul3A_574 = arith.mulf %get3A_573, %get3A_187 : vector<16xf32>
      %get3A_575 = arith.index_cast %add3A_570 : i32 to index
      %get3A_576 = arith.constant 16 : index
      %get3A_577 = tpu.vector_load %arg17[%get3A_575, %get3A_576] {strides = array<i32>} : memref<320x64xf32, #tpu.memory_space<vmem>>, vector<16xf32>,
      %mul3A_578 = arith.mulf %get3A_577, %get3A_190 : vector<16xf32>
      %add3A_579 = arith.addf %mul3A_574, %mul3A_578 : vector<16xf32>
      %get3A_580 = arith.index_cast %add3A_570 : i32 to index
      %get3A_581 = arith.constant 32 : index
      %get3A_582 = tpu.vector_load %arg17[%get3A_580, %get3A_581] {strides = array<i32>} : memref<320x64xf32, #tpu.memory_space<vmem>>, vector<16xf32>,
      %mul3A_583 = arith.mulf %get3A_582, %get3A_193 : vector<16xf32>
      %add3A_584 = arith.addf %add3A_579, %mul3A_583 : vector<16xf32>
      %get3A_585 = arith.index_cast %add3A_570 : i32 to index
      %get3A_586 = arith.constant 48 : index
      %get3A_587 = tpu.vector_load %arg17[%get3A_585, %get3A_586] {strides = array<i32>} : memref<320x64xf32, #tpu.memory_space<vmem>>, vector<16xf32>,
      %mul3A_588 = arith.mulf %get3A_587, %get3A_196 : vector<16xf32>
      %add3A_589 = arith.addf %add3A_584, %mul3A_588 : vector<16xf32>
      %and3A_590 = arith.constant 15 : i32
      %and3A_591 = arith.andi %add3A_570, %and3A_590 : i32
      %eq3A_592 = vector.broadcast %and3A_591 : i32 to vector<16xi32>
      %eq3A_593 = arith.cmpi eq, %iota3A, %eq3A_592 : vector<16xi32>
      %reduce_sum3A_594 = arith.constant true
      %reduce_sum3A_595 = vector.broadcast %reduce_sum3A_594 : i1 to vector<16xi1>
      %reduce_sum3A_596 = tpu.scan <sum>, %add3A_589 masked %reduce_sum3A_595 : vector<16xf32>, vector<16xi1> -> vector<16xf32>
      %reduce_sum3A_597 = vector.extract %reduce_sum3A_596[15] : f32 from vector<16xf32>
      %broadcast_in_dim3A_598 = vector.broadcast %reduce_sum3A_597 : f32 to vector<16xf32>
      %select_n3A_599 = arith.select %eq3A_593, %broadcast_in_dim3A_598, %select_n3A_561 : vector<16xi1>, vector<16xf32>
      %add3A_600 = arith.constant 9600 : i32
      %add3A_601 = arith.addi %add3A_600, %add3A_570 : i32
      %sub3A_602 = arith.subi %add3A_601, %and3A_591 : i32
      %swap3A_603 = arith.index_cast %sub3A_602 : i32 to index
      %swap3A_604 = tpu.vector_load %arg24[%swap3A_603] {strides = array<i32>} : memref<10240xf32, #tpu.memory_space<vmem>>, vector<16xf32>,
      tpu.vector_store %arg24[%swap3A_603], %select_n3A_599 {strides = array<i32>} : memref<10240xf32, #tpu.memory_space<vmem>>, vector<16xf32>,
      %mul3A_605 = arith.constant 20 : i32
      %mul3A_606 = arith.muli %scan3A_183, %mul3A_605 : i32
      %add3A_607 = arith.constant 10 : i32
      %add3A_608 = arith.addi %mul3A_606, %add3A_607 : i32
      %get3A_609 = arith.index_cast %add3A_608 : i32 to index
      %get3A_610 = arith.constant 0 : index
      %get3A_611 = tpu.vector_load %arg17[%get3A_609, %get3A_610] {strides = array<i32>} : memref<320x64xf32, #tpu.memory_space<vmem>>, vector<16xf32>,
      %mul3A_612 = arith.mulf %get3A_611, %get3A_187 : vector<16xf32>
      %get3A_613 = arith.index_cast %add3A_608 : i32 to index
      %get3A_614 = arith.constant 16 : index
      %get3A_615 = tpu.vector_load %arg17[%get3A_613, %get3A_614] {strides = array<i32>} : memref<320x64xf32, #tpu.memory_space<vmem>>, vector<16xf32>,
      %mul3A_616 = arith.mulf %get3A_615, %get3A_190 : vector<16xf32>
      %add3A_617 = arith.addf %mul3A_612, %mul3A_616 : vector<16xf32>
      %get3A_618 = arith.index_cast %add3A_608 : i32 to index
      %get3A_619 = arith.constant 32 : index
      %get3A_620 = tpu.vector_load %arg17[%get3A_618, %get3A_619] {strides = array<i32>} : memref<320x64xf32, #tpu.memory_space<vmem>>, vector<16xf32>,
      %mul3A_621 = arith.mulf %get3A_620, %get3A_193 : vector<16xf32>
      %add3A_622 = arith.addf %add3A_617, %mul3A_621 : vector<16xf32>
      %get3A_623 = arith.index_cast %add3A_608 : i32 to index
      %get3A_624 = arith.constant 48 : index
      %get3A_625 = tpu.vector_load %arg17[%get3A_623, %get3A_624] {strides = array<i32>} : memref<320x64xf32, #tpu.memory_space<vmem>>, vector<16xf32>,
      %mul3A_626 = arith.mulf %get3A_625, %get3A_196 : vector<16xf32>
      %add3A_627 = arith.addf %add3A_622, %mul3A_626 : vector<16xf32>
      %and3A_628 = arith.constant 15 : i32
      %and3A_629 = arith.andi %add3A_608, %and3A_628 : i32
      %eq3A_630 = vector.broadcast %and3A_629 : i32 to vector<16xi32>
      %eq3A_631 = arith.cmpi eq, %iota3A, %eq3A_630 : vector<16xi32>
      %reduce_sum3A_632 = arith.constant true
      %reduce_sum3A_633 = vector.broadcast %reduce_sum3A_632 : i1 to vector<16xi1>
      %reduce_sum3A_634 = tpu.scan <sum>, %add3A_627 masked %reduce_sum3A_633 : vector<16xf32>, vector<16xi1> -> vector<16xf32>
      %reduce_sum3A_635 = vector.extract %reduce_sum3A_634[15] : f32 from vector<16xf32>
      %broadcast_in_dim3A_636 = vector.broadcast %reduce_sum3A_635 : f32 to vector<16xf32>
      %select_n3A_637 = arith.select %eq3A_631, %broadcast_in_dim3A_636, %select_n3A_599 : vector<16xi1>, vector<16xf32>
      %add3A_638 = arith.constant 9600 : i32
      %add3A_639 = arith.addi %add3A_638, %add3A_608 : i32
      %sub3A_640 = arith.subi %add3A_639, %and3A_629 : i32
      %swap3A_641 = arith.index_cast %sub3A_640 : i32 to index
      %swap3A_642 = tpu.vector_load %arg24[%swap3A_641] {strides = array<i32>} : memref<10240xf32, #tpu.memory_space<vmem>>, vector<16xf32>,
      tpu.vector_store %arg24[%swap3A_641], %select_n3A_637 {strides = array<i32>} : memref<10240xf32, #tpu.memory_space<vmem>>, vector<16xf32>,
      %mul3A_643 = arith.constant 20 : i32
      %mul3A_644 = arith.muli %scan3A_183, %mul3A_643 : i32
      %add3A_645 = arith.constant 11 : i32
      %add3A_646 = arith.addi %mul3A_644, %add3A_645 : i32
      %get3A_647 = arith.index_cast %add3A_646 : i32 to index
      %get3A_648 = arith.constant 0 : index
      %get3A_649 = tpu.vector_load %arg17[%get3A_647, %get3A_648] {strides = array<i32>} : memref<320x64xf32, #tpu.memory_space<vmem>>, vector<16xf32>,
      %mul3A_650 = arith.mulf %get3A_649, %get3A_187 : vector<16xf32>
      %get3A_651 = arith.index_cast %add3A_646 : i32 to index
      %get3A_652 = arith.constant 16 : index
      %get3A_653 = tpu.vector_load %arg17[%get3A_651, %get3A_652] {strides = array<i32>} : memref<320x64xf32, #tpu.memory_space<vmem>>, vector<16xf32>,
      %mul3A_654 = arith.mulf %get3A_653, %get3A_190 : vector<16xf32>
      %add3A_655 = arith.addf %mul3A_650, %mul3A_654 : vector<16xf32>
      %get3A_656 = arith.index_cast %add3A_646 : i32 to index
      %get3A_657 = arith.constant 32 : index
      %get3A_658 = tpu.vector_load %arg17[%get3A_656, %get3A_657] {strides = array<i32>} : memref<320x64xf32, #tpu.memory_space<vmem>>, vector<16xf32>,
      %mul3A_659 = arith.mulf %get3A_658, %get3A_193 : vector<16xf32>
      %add3A_660 = arith.addf %add3A_655, %mul3A_659 : vector<16xf32>
      %get3A_661 = arith.index_cast %add3A_646 : i32 to index
      %get3A_662 = arith.constant 48 : index
      %get3A_663 = tpu.vector_load %arg17[%get3A_661, %get3A_662] {strides = array<i32>} : memref<320x64xf32, #tpu.memory_space<vmem>>, vector<16xf32>,
      %mul3A_664 = arith.mulf %get3A_663, %get3A_196 : vector<16xf32>
      %add3A_665 = arith.addf %add3A_660, %mul3A_664 : vector<16xf32>
      %and3A_666 = arith.constant 15 : i32
      %and3A_667 = arith.andi %add3A_646, %and3A_666 : i32
      %eq3A_668 = vector.broadcast %and3A_667 : i32 to vector<16xi32>
      %eq3A_669 = arith.cmpi eq, %iota3A, %eq3A_668 : vector<16xi32>
      %reduce_sum3A_670 = arith.constant true
      %reduce_sum3A_671 = vector.broadcast %reduce_sum3A_670 : i1 to vector<16xi1>
      %reduce_sum3A_672 = tpu.scan <sum>, %add3A_665 masked %reduce_sum3A_671 : vector<16xf32>, vector<16xi1> -> vector<16xf32>
      %reduce_sum3A_673 = vector.extract %reduce_sum3A_672[15] : f32 from vector<16xf32>
      %broadcast_in_dim3A_674 = vector.broadcast %reduce_sum3A_673 : f32 to vector<16xf32>
      %select_n3A_675 = arith.select %eq3A_669, %broadcast_in_dim3A_674, %select_n3A_637 : vector<16xi1>, vector<16xf32>
      %add3A_676 = arith.constant 9600 : i32
      %add3A_677 = arith.addi %add3A_676, %add3A_646 : i32
      %sub3A_678 = arith.subi %add3A_677, %and3A_667 : i32
      %swap3A_679 = arith.index_cast %sub3A_678 : i32 to index
      %swap3A_680 = tpu.vector_load %arg24[%swap3A_679] {strides = array<i32>} : memref<10240xf32, #tpu.memory_space<vmem>>, vector<16xf32>,
      tpu.vector_store %arg24[%swap3A_679], %select_n3A_675 {strides = array<i32>} : memref<10240xf32, #tpu.memory_space<vmem>>, vector<16xf32>,
      %mul3A_681 = arith.constant 20 : i32
      %mul3A_682 = arith.muli %scan3A_183, %mul3A_681 : i32
      %add3A_683 = arith.constant 12 : i32
      %add3A_684 = arith.addi %mul3A_682, %add3A_683 : i32
      %get3A_685 = arith.index_cast %add3A_684 : i32 to index
      %get3A_686 = arith.constant 0 : index
      %get3A_687 = tpu.vector_load %arg17[%get3A_685, %get3A_686] {strides = array<i32>} : memref<320x64xf32, #tpu.memory_space<vmem>>, vector<16xf32>,
      %mul3A_688 = arith.mulf %get3A_687, %get3A_187 : vector<16xf32>
      %get3A_689 = arith.index_cast %add3A_684 : i32 to index
      %get3A_690 = arith.constant 16 : index
      %get3A_691 = tpu.vector_load %arg17[%get3A_689, %get3A_690] {strides = array<i32>} : memref<320x64xf32, #tpu.memory_space<vmem>>, vector<16xf32>,
      %mul3A_692 = arith.mulf %get3A_691, %get3A_190 : vector<16xf32>
      %add3A_693 = arith.addf %mul3A_688, %mul3A_692 : vector<16xf32>
      %get3A_694 = arith.index_cast %add3A_684 : i32 to index
      %get3A_695 = arith.constant 32 : index
      %get3A_696 = tpu.vector_load %arg17[%get3A_694, %get3A_695] {strides = array<i32>} : memref<320x64xf32, #tpu.memory_space<vmem>>, vector<16xf32>,
      %mul3A_697 = arith.mulf %get3A_696, %get3A_193 : vector<16xf32>
      %add3A_698 = arith.addf %add3A_693, %mul3A_697 : vector<16xf32>
      %get3A_699 = arith.index_cast %add3A_684 : i32 to index
      %get3A_700 = arith.constant 48 : index
      %get3A_701 = tpu.vector_load %arg17[%get3A_699, %get3A_700] {strides = array<i32>} : memref<320x64xf32, #tpu.memory_space<vmem>>, vector<16xf32>,
      %mul3A_702 = arith.mulf %get3A_701, %get3A_196 : vector<16xf32>
      %add3A_703 = arith.addf %add3A_698, %mul3A_702 : vector<16xf32>
      %and3A_704 = arith.constant 15 : i32
      %and3A_705 = arith.andi %add3A_684, %and3A_704 : i32
      %eq3A_706 = vector.broadcast %and3A_705 : i32 to vector<16xi32>
      %eq3A_707 = arith.cmpi eq, %iota3A, %eq3A_706 : vector<16xi32>
      %reduce_sum3A_708 = arith.constant true
      %reduce_sum3A_709 = vector.broadcast %reduce_sum3A_708 : i1 to vector<16xi1>
      %reduce_sum3A_710 = tpu.scan <sum>, %add3A_703 masked %reduce_sum3A_709 : vector<16xf32>, vector<16xi1> -> vector<16xf32>
      %reduce_sum3A_711 = vector.extract %reduce_sum3A_710[15] : f32 from vector<16xf32>
      %broadcast_in_dim3A_712 = vector.broadcast %reduce_sum3A_711 : f32 to vector<16xf32>
      %select_n3A_713 = arith.select %eq3A_707, %broadcast_in_dim3A_712, %select_n3A_675 : vector<16xi1>, vector<16xf32>
      %add3A_714 = arith.constant 9600 : i32
      %add3A_715 = arith.addi %add3A_714, %add3A_684 : i32
      %sub3A_716 = arith.subi %add3A_715, %and3A_705 : i32
      %swap3A_717 = arith.index_cast %sub3A_716 : i32 to index
      %swap3A_718 = tpu.vector_load %arg24[%swap3A_717] {strides = array<i32>} : memref<10240xf32, #tpu.memory_space<vmem>>, vector<16xf32>,
      tpu.vector_store %arg24[%swap3A_717], %select_n3A_713 {strides = array<i32>} : memref<10240xf32, #tpu.memory_space<vmem>>, vector<16xf32>,
      %mul3A_719 = arith.constant 20 : i32
      %mul3A_720 = arith.muli %scan3A_183, %mul3A_719 : i32
      %add3A_721 = arith.constant 13 : i32
      %add3A_722 = arith.addi %mul3A_720, %add3A_721 : i32
      %get3A_723 = arith.index_cast %add3A_722 : i32 to index
      %get3A_724 = arith.constant 0 : index
      %get3A_725 = tpu.vector_load %arg17[%get3A_723, %get3A_724] {strides = array<i32>} : memref<320x64xf32, #tpu.memory_space<vmem>>, vector<16xf32>,
      %mul3A_726 = arith.mulf %get3A_725, %get3A_187 : vector<16xf32>
      %get3A_727 = arith.index_cast %add3A_722 : i32 to index
      %get3A_728 = arith.constant 16 : index
      %get3A_729 = tpu.vector_load %arg17[%get3A_727, %get3A_728] {strides = array<i32>} : memref<320x64xf32, #tpu.memory_space<vmem>>, vector<16xf32>,
      %mul3A_730 = arith.mulf %get3A_729, %get3A_190 : vector<16xf32>
      %add3A_731 = arith.addf %mul3A_726, %mul3A_730 : vector<16xf32>
      %get3A_732 = arith.index_cast %add3A_722 : i32 to index
      %get3A_733 = arith.constant 32 : index
      %get3A_734 = tpu.vector_load %arg17[%get3A_732, %get3A_733] {strides = array<i32>} : memref<320x64xf32, #tpu.memory_space<vmem>>, vector<16xf32>,
      %mul3A_735 = arith.mulf %get3A_734, %get3A_193 : vector<16xf32>
      %add3A_736 = arith.addf %add3A_731, %mul3A_735 : vector<16xf32>
      %get3A_737 = arith.index_cast %add3A_722 : i32 to index
      %get3A_738 = arith.constant 48 : index
      %get3A_739 = tpu.vector_load %arg17[%get3A_737, %get3A_738] {strides = array<i32>} : memref<320x64xf32, #tpu.memory_space<vmem>>, vector<16xf32>,
      %mul3A_740 = arith.mulf %get3A_739, %get3A_196 : vector<16xf32>
      %add3A_741 = arith.addf %add3A_736, %mul3A_740 : vector<16xf32>
      %and3A_742 = arith.constant 15 : i32
      %and3A_743 = arith.andi %add3A_722, %and3A_742 : i32
      %eq3A_744 = vector.broadcast %and3A_743 : i32 to vector<16xi32>
      %eq3A_745 = arith.cmpi eq, %iota3A, %eq3A_744 : vector<16xi32>
      %reduce_sum3A_746 = arith.constant true
      %reduce_sum3A_747 = vector.broadcast %reduce_sum3A_746 : i1 to vector<16xi1>
      %reduce_sum3A_748 = tpu.scan <sum>, %add3A_741 masked %reduce_sum3A_747 : vector<16xf32>, vector<16xi1> -> vector<16xf32>
      %reduce_sum3A_749 = vector.extract %reduce_sum3A_748[15] : f32 from vector<16xf32>
      %broadcast_in_dim3A_750 = vector.broadcast %reduce_sum3A_749 : f32 to vector<16xf32>
      %select_n3A_751 = arith.select %eq3A_745, %broadcast_in_dim3A_750, %select_n3A_713 : vector<16xi1>, vector<16xf32>
      %add3A_752 = arith.constant 9600 : i32
      %add3A_753 = arith.addi %add3A_752, %add3A_722 : i32
      %sub3A_754 = arith.subi %add3A_753, %and3A_743 : i32
      %swap3A_755 = arith.index_cast %sub3A_754 : i32 to index
      %swap3A_756 = tpu.vector_load %arg24[%swap3A_755] {strides = array<i32>} : memref<10240xf32, #tpu.memory_space<vmem>>, vector<16xf32>,
      tpu.vector_store %arg24[%swap3A_755], %select_n3A_751 {strides = array<i32>} : memref<10240xf32, #tpu.memory_space<vmem>>, vector<16xf32>,
      %mul3A_757 = arith.constant 20 : i32
      %mul3A_758 = arith.muli %scan3A_183, %mul3A_757 : i32
      %add3A_759 = arith.constant 14 : i32
      %add3A_760 = arith.addi %mul3A_758, %add3A_759 : i32
      %get3A_761 = arith.index_cast %add3A_760 : i32 to index
      %get3A_762 = arith.constant 0 : index
      %get3A_763 = tpu.vector_load %arg17[%get3A_761, %get3A_762] {strides = array<i32>} : memref<320x64xf32, #tpu.memory_space<vmem>>, vector<16xf32>,
      %mul3A_764 = arith.mulf %get3A_763, %get3A_187 : vector<16xf32>
      %get3A_765 = arith.index_cast %add3A_760 : i32 to index
      %get3A_766 = arith.constant 16 : index
      %get3A_767 = tpu.vector_load %arg17[%get3A_765, %get3A_766] {strides = array<i32>} : memref<320x64xf32, #tpu.memory_space<vmem>>, vector<16xf32>,
      %mul3A_768 = arith.mulf %get3A_767, %get3A_190 : vector<16xf32>
      %add3A_769 = arith.addf %mul3A_764, %mul3A_768 : vector<16xf32>
      %get3A_770 = arith.index_cast %add3A_760 : i32 to index
      %get3A_771 = arith.constant 32 : index
      %get3A_772 = tpu.vector_load %arg17[%get3A_770, %get3A_771] {strides = array<i32>} : memref<320x64xf32, #tpu.memory_space<vmem>>, vector<16xf32>,
      %mul3A_773 = arith.mulf %get3A_772, %get3A_193 : vector<16xf32>
      %add3A_774 = arith.addf %add3A_769, %mul3A_773 : vector<16xf32>
      %get3A_775 = arith.index_cast %add3A_760 : i32 to index
      %get3A_776 = arith.constant 48 : index
      %get3A_777 = tpu.vector_load %arg17[%get3A_775, %get3A_776] {strides = array<i32>} : memref<320x64xf32, #tpu.memory_space<vmem>>, vector<16xf32>,
      %mul3A_778 = arith.mulf %get3A_777, %get3A_196 : vector<16xf32>
      %add3A_779 = arith.addf %add3A_774, %mul3A_778 : vector<16xf32>
      %and3A_780 = arith.constant 15 : i32
      %and3A_781 = arith.andi %add3A_760, %and3A_780 : i32
      %eq3A_782 = vector.broadcast %and3A_781 : i32 to vector<16xi32>
      %eq3A_783 = arith.cmpi eq, %iota3A, %eq3A_782 : vector<16xi32>
      %reduce_sum3A_784 = arith.constant true
      %reduce_sum3A_785 = vector.broadcast %reduce_sum3A_784 : i1 to vector<16xi1>
      %reduce_sum3A_786 = tpu.scan <sum>, %add3A_779 masked %reduce_sum3A_785 : vector<16xf32>, vector<16xi1> -> vector<16xf32>
      %reduce_sum3A_787 = vector.extract %reduce_sum3A_786[15] : f32 from vector<16xf32>
      %broadcast_in_dim3A_788 = vector.broadcast %reduce_sum3A_787 : f32 to vector<16xf32>
      %select_n3A_789 = arith.select %eq3A_783, %broadcast_in_dim3A_788, %select_n3A_751 : vector<16xi1>, vector<16xf32>
      %add3A_790 = arith.constant 9600 : i32
      %add3A_791 = arith.addi %add3A_790, %add3A_760 : i32
      %sub3A_792 = arith.subi %add3A_791, %and3A_781 : i32
      %swap3A_793 = arith.index_cast %sub3A_792 : i32 to index
      %swap3A_794 = tpu.vector_load %arg24[%swap3A_793] {strides = array<i32>} : memref<10240xf32, #tpu.memory_space<vmem>>, vector<16xf32>,
      tpu.vector_store %arg24[%swap3A_793], %select_n3A_789 {strides = array<i32>} : memref<10240xf32, #tpu.memory_space<vmem>>, vector<16xf32>,
      %mul3A_795 = arith.constant 20 : i32
      %mul3A_796 = arith.muli %scan3A_183, %mul3A_795 : i32
      %add3A_797 = arith.constant 15 : i32
      %add3A_798 = arith.addi %mul3A_796, %add3A_797 : i32
      %get3A_799 = arith.index_cast %add3A_798 : i32 to index
      %get3A_800 = arith.constant 0 : index
      %get3A_801 = tpu.vector_load %arg17[%get3A_799, %get3A_800] {strides = array<i32>} : memref<320x64xf32, #tpu.memory_space<vmem>>, vector<16xf32>,
      %mul3A_802 = arith.mulf %get3A_801, %get3A_187 : vector<16xf32>
      %get3A_803 = arith.index_cast %add3A_798 : i32 to index
      %get3A_804 = arith.constant 16 : index
      %get3A_805 = tpu.vector_load %arg17[%get3A_803, %get3A_804] {strides = array<i32>} : memref<320x64xf32, #tpu.memory_space<vmem>>, vector<16xf32>,
      %mul3A_806 = arith.mulf %get3A_805, %get3A_190 : vector<16xf32>
      %add3A_807 = arith.addf %mul3A_802, %mul3A_806 : vector<16xf32>
      %get3A_808 = arith.index_cast %add3A_798 : i32 to index
      %get3A_809 = arith.constant 32 : index
      %get3A_810 = tpu.vector_load %arg17[%get3A_808, %get3A_809] {strides = array<i32>} : memref<320x64xf32, #tpu.memory_space<vmem>>, vector<16xf32>,
      %mul3A_811 = arith.mulf %get3A_810, %get3A_193 : vector<16xf32>
      %add3A_812 = arith.addf %add3A_807, %mul3A_811 : vector<16xf32>
      %get3A_813 = arith.index_cast %add3A_798 : i32 to index
      %get3A_814 = arith.constant 48 : index
      %get3A_815 = tpu.vector_load %arg17[%get3A_813, %get3A_814] {strides = array<i32>} : memref<320x64xf32, #tpu.memory_space<vmem>>, vector<16xf32>,
      %mul3A_816 = arith.mulf %get3A_815, %get3A_196 : vector<16xf32>
      %add3A_817 = arith.addf %add3A_812, %mul3A_816 : vector<16xf32>
      %and3A_818 = arith.constant 15 : i32
      %and3A_819 = arith.andi %add3A_798, %and3A_818 : i32
      %eq3A_820 = vector.broadcast %and3A_819 : i32 to vector<16xi32>
      %eq3A_821 = arith.cmpi eq, %iota3A, %eq3A_820 : vector<16xi32>
      %reduce_sum3A_822 = arith.constant true
      %reduce_sum3A_823 = vector.broadcast %reduce_sum3A_822 : i1 to vector<16xi1>
      %reduce_sum3A_824 = tpu.scan <sum>, %add3A_817 masked %reduce_sum3A_823 : vector<16xf32>, vector<16xi1> -> vector<16xf32>
      %reduce_sum3A_825 = vector.extract %reduce_sum3A_824[15] : f32 from vector<16xf32>
      %broadcast_in_dim3A_826 = vector.broadcast %reduce_sum3A_825 : f32 to vector<16xf32>
      %select_n3A_827 = arith.select %eq3A_821, %broadcast_in_dim3A_826, %select_n3A_789 : vector<16xi1>, vector<16xf32>
      %add3A_828 = arith.constant 9600 : i32
      %add3A_829 = arith.addi %add3A_828, %add3A_798 : i32
      %sub3A_830 = arith.subi %add3A_829, %and3A_819 : i32
      %swap3A_831 = arith.index_cast %sub3A_830 : i32 to index
      %swap3A_832 = tpu.vector_load %arg24[%swap3A_831] {strides = array<i32>} : memref<10240xf32, #tpu.memory_space<vmem>>, vector<16xf32>,
      tpu.vector_store %arg24[%swap3A_831], %select_n3A_827 {strides = array<i32>} : memref<10240xf32, #tpu.memory_space<vmem>>, vector<16xf32>,
      %mul3A_833 = arith.constant 20 : i32
      %mul3A_834 = arith.muli %scan3A_183, %mul3A_833 : i32
      %add3A_835 = arith.constant 16 : i32
      %add3A_836 = arith.addi %mul3A_834, %add3A_835 : i32
      %get3A_837 = arith.index_cast %add3A_836 : i32 to index
      %get3A_838 = arith.constant 0 : index
      %get3A_839 = tpu.vector_load %arg17[%get3A_837, %get3A_838] {strides = array<i32>} : memref<320x64xf32, #tpu.memory_space<vmem>>, vector<16xf32>,
      %mul3A_840 = arith.mulf %get3A_839, %get3A_187 : vector<16xf32>
      %get3A_841 = arith.index_cast %add3A_836 : i32 to index
      %get3A_842 = arith.constant 16 : index
      %get3A_843 = tpu.vector_load %arg17[%get3A_841, %get3A_842] {strides = array<i32>} : memref<320x64xf32, #tpu.memory_space<vmem>>, vector<16xf32>,
      %mul3A_844 = arith.mulf %get3A_843, %get3A_190 : vector<16xf32>
      %add3A_845 = arith.addf %mul3A_840, %mul3A_844 : vector<16xf32>
      %get3A_846 = arith.index_cast %add3A_836 : i32 to index
      %get3A_847 = arith.constant 32 : index
      %get3A_848 = tpu.vector_load %arg17[%get3A_846, %get3A_847] {strides = array<i32>} : memref<320x64xf32, #tpu.memory_space<vmem>>, vector<16xf32>,
      %mul3A_849 = arith.mulf %get3A_848, %get3A_193 : vector<16xf32>
      %add3A_850 = arith.addf %add3A_845, %mul3A_849 : vector<16xf32>
      %get3A_851 = arith.index_cast %add3A_836 : i32 to index
      %get3A_852 = arith.constant 48 : index
      %get3A_853 = tpu.vector_load %arg17[%get3A_851, %get3A_852] {strides = array<i32>} : memref<320x64xf32, #tpu.memory_space<vmem>>, vector<16xf32>,
      %mul3A_854 = arith.mulf %get3A_853, %get3A_196 : vector<16xf32>
      %add3A_855 = arith.addf %add3A_850, %mul3A_854 : vector<16xf32>
      %and3A_856 = arith.constant 15 : i32
      %and3A_857 = arith.andi %add3A_836, %and3A_856 : i32
      %eq3A_858 = vector.broadcast %and3A_857 : i32 to vector<16xi32>
      %eq3A_859 = arith.cmpi eq, %iota3A, %eq3A_858 : vector<16xi32>
      %reduce_sum3A_860 = arith.constant true
      %reduce_sum3A_861 = vector.broadcast %reduce_sum3A_860 : i1 to vector<16xi1>
      %reduce_sum3A_862 = tpu.scan <sum>, %add3A_855 masked %reduce_sum3A_861 : vector<16xf32>, vector<16xi1> -> vector<16xf32>
      %reduce_sum3A_863 = vector.extract %reduce_sum3A_862[15] : f32 from vector<16xf32>
      %broadcast_in_dim3A_864 = vector.broadcast %reduce_sum3A_863 : f32 to vector<16xf32>
      %select_n3A_865 = arith.select %eq3A_859, %broadcast_in_dim3A_864, %select_n3A_827 : vector<16xi1>, vector<16xf32>
      %add3A_866 = arith.constant 9600 : i32
      %add3A_867 = arith.addi %add3A_866, %add3A_836 : i32
      %sub3A_868 = arith.subi %add3A_867, %and3A_857 : i32
      %swap3A_869 = arith.index_cast %sub3A_868 : i32 to index
      %swap3A_870 = tpu.vector_load %arg24[%swap3A_869] {strides = array<i32>} : memref<10240xf32, #tpu.memory_space<vmem>>, vector<16xf32>,
      tpu.vector_store %arg24[%swap3A_869], %select_n3A_865 {strides = array<i32>} : memref<10240xf32, #tpu.memory_space<vmem>>, vector<16xf32>,
      %mul3A_871 = arith.constant 20 : i32
      %mul3A_872 = arith.muli %scan3A_183, %mul3A_871 : i32
      %add3A_873 = arith.constant 17 : i32
      %add3A_874 = arith.addi %mul3A_872, %add3A_873 : i32
      %get3A_875 = arith.index_cast %add3A_874 : i32 to index
      %get3A_876 = arith.constant 0 : index
      %get3A_877 = tpu.vector_load %arg17[%get3A_875, %get3A_876] {strides = array<i32>} : memref<320x64xf32, #tpu.memory_space<vmem>>, vector<16xf32>,
      %mul3A_878 = arith.mulf %get3A_877, %get3A_187 : vector<16xf32>
      %get3A_879 = arith.index_cast %add3A_874 : i32 to index
      %get3A_880 = arith.constant 16 : index
      %get3A_881 = tpu.vector_load %arg17[%get3A_879, %get3A_880] {strides = array<i32>} : memref<320x64xf32, #tpu.memory_space<vmem>>, vector<16xf32>,
      %mul3A_882 = arith.mulf %get3A_881, %get3A_190 : vector<16xf32>
      %add3A_883 = arith.addf %mul3A_878, %mul3A_882 : vector<16xf32>
      %get3A_884 = arith.index_cast %add3A_874 : i32 to index
      %get3A_885 = arith.constant 32 : index
      %get3A_886 = tpu.vector_load %arg17[%get3A_884, %get3A_885] {strides = array<i32>} : memref<320x64xf32, #tpu.memory_space<vmem>>, vector<16xf32>,
      %mul3A_887 = arith.mulf %get3A_886, %get3A_193 : vector<16xf32>
      %add3A_888 = arith.addf %add3A_883, %mul3A_887 : vector<16xf32>
      %get3A_889 = arith.index_cast %add3A_874 : i32 to index
      %get3A_890 = arith.constant 48 : index
      %get3A_891 = tpu.vector_load %arg17[%get3A_889, %get3A_890] {strides = array<i32>} : memref<320x64xf32, #tpu.memory_space<vmem>>, vector<16xf32>,
      %mul3A_892 = arith.mulf %get3A_891, %get3A_196 : vector<16xf32>
      %add3A_893 = arith.addf %add3A_888, %mul3A_892 : vector<16xf32>
      %and3A_894 = arith.constant 15 : i32
      %and3A_895 = arith.andi %add3A_874, %and3A_894 : i32
      %eq3A_896 = vector.broadcast %and3A_895 : i32 to vector<16xi32>
      %eq3A_897 = arith.cmpi eq, %iota3A, %eq3A_896 : vector<16xi32>
      %reduce_sum3A_898 = arith.constant true
      %reduce_sum3A_899 = vector.broadcast %reduce_sum3A_898 : i1 to vector<16xi1>
      %reduce_sum3A_900 = tpu.scan <sum>, %add3A_893 masked %reduce_sum3A_899 : vector<16xf32>, vector<16xi1> -> vector<16xf32>
      %reduce_sum3A_901 = vector.extract %reduce_sum3A_900[15] : f32 from vector<16xf32>
      %broadcast_in_dim3A_902 = vector.broadcast %reduce_sum3A_901 : f32 to vector<16xf32>
      %select_n3A_903 = arith.select %eq3A_897, %broadcast_in_dim3A_902, %select_n3A_865 : vector<16xi1>, vector<16xf32>
      %add3A_904 = arith.constant 9600 : i32
      %add3A_905 = arith.addi %add3A_904, %add3A_874 : i32
      %sub3A_906 = arith.subi %add3A_905, %and3A_895 : i32
      %swap3A_907 = arith.index_cast %sub3A_906 : i32 to index
      %swap3A_908 = tpu.vector_load %arg24[%swap3A_907] {strides = array<i32>} : memref<10240xf32, #tpu.memory_space<vmem>>, vector<16xf32>,
      tpu.vector_store %arg24[%swap3A_907], %select_n3A_903 {strides = array<i32>} : memref<10240xf32, #tpu.memory_space<vmem>>, vector<16xf32>,
      %mul3A_909 = arith.constant 20 : i32
      %mul3A_910 = arith.muli %scan3A_183, %mul3A_909 : i32
      %add3A_911 = arith.constant 18 : i32
      %add3A_912 = arith.addi %mul3A_910, %add3A_911 : i32
      %get3A_913 = arith.index_cast %add3A_912 : i32 to index
      %get3A_914 = arith.constant 0 : index
      %get3A_915 = tpu.vector_load %arg17[%get3A_913, %get3A_914] {strides = array<i32>} : memref<320x64xf32, #tpu.memory_space<vmem>>, vector<16xf32>,
      %mul3A_916 = arith.mulf %get3A_915, %get3A_187 : vector<16xf32>
      %get3A_917 = arith.index_cast %add3A_912 : i32 to index
      %get3A_918 = arith.constant 16 : index
      %get3A_919 = tpu.vector_load %arg17[%get3A_917, %get3A_918] {strides = array<i32>} : memref<320x64xf32, #tpu.memory_space<vmem>>, vector<16xf32>,
      %mul3A_920 = arith.mulf %get3A_919, %get3A_190 : vector<16xf32>
      %add3A_921 = arith.addf %mul3A_916, %mul3A_920 : vector<16xf32>
      %get3A_922 = arith.index_cast %add3A_912 : i32 to index
      %get3A_923 = arith.constant 32 : index
      %get3A_924 = tpu.vector_load %arg17[%get3A_922, %get3A_923] {strides = array<i32>} : memref<320x64xf32, #tpu.memory_space<vmem>>, vector<16xf32>,
      %mul3A_925 = arith.mulf %get3A_924, %get3A_193 : vector<16xf32>
      %add3A_926 = arith.addf %add3A_921, %mul3A_925 : vector<16xf32>
      %get3A_927 = arith.index_cast %add3A_912 : i32 to index
      %get3A_928 = arith.constant 48 : index
      %get3A_929 = tpu.vector_load %arg17[%get3A_927, %get3A_928] {strides = array<i32>} : memref<320x64xf32, #tpu.memory_space<vmem>>, vector<16xf32>,
      %mul3A_930 = arith.mulf %get3A_929, %get3A_196 : vector<16xf32>
      %add3A_931 = arith.addf %add3A_926, %mul3A_930 : vector<16xf32>
      %and3A_932 = arith.constant 15 : i32
      %and3A_933 = arith.andi %add3A_912, %and3A_932 : i32
      %eq3A_934 = vector.broadcast %and3A_933 : i32 to vector<16xi32>
      %eq3A_935 = arith.cmpi eq, %iota3A, %eq3A_934 : vector<16xi32>
      %reduce_sum3A_936 = arith.constant true
      %reduce_sum3A_937 = vector.broadcast %reduce_sum3A_936 : i1 to vector<16xi1>
      %reduce_sum3A_938 = tpu.scan <sum>, %add3A_931 masked %reduce_sum3A_937 : vector<16xf32>, vector<16xi1> -> vector<16xf32>
      %reduce_sum3A_939 = vector.extract %reduce_sum3A_938[15] : f32 from vector<16xf32>
      %broadcast_in_dim3A_940 = vector.broadcast %reduce_sum3A_939 : f32 to vector<16xf32>
      %select_n3A_941 = arith.select %eq3A_935, %broadcast_in_dim3A_940, %select_n3A_903 : vector<16xi1>, vector<16xf32>
      %add3A_942 = arith.constant 9600 : i32
      %add3A_943 = arith.addi %add3A_942, %add3A_912 : i32
      %sub3A_944 = arith.subi %add3A_943, %and3A_933 : i32
      %swap3A_945 = arith.index_cast %sub3A_944 : i32 to index
      %swap3A_946 = tpu.vector_load %arg24[%swap3A_945] {strides = array<i32>} : memref<10240xf32, #tpu.memory_space<vmem>>, vector<16xf32>,
      tpu.vector_store %arg24[%swap3A_945], %select_n3A_941 {strides = array<i32>} : memref<10240xf32, #tpu.memory_space<vmem>>, vector<16xf32>,
      %mul3A_947 = arith.constant 20 : i32
      %mul3A_948 = arith.muli %scan3A_183, %mul3A_947 : i32
      %add3A_949 = arith.constant 19 : i32
      %add3A_950 = arith.addi %mul3A_948, %add3A_949 : i32
      %get3A_951 = arith.index_cast %add3A_950 : i32 to index
      %get3A_952 = arith.constant 0 : index
      %get3A_953 = tpu.vector_load %arg17[%get3A_951, %get3A_952] {strides = array<i32>} : memref<320x64xf32, #tpu.memory_space<vmem>>, vector<16xf32>,
      %mul3A_954 = arith.mulf %get3A_953, %get3A_187 : vector<16xf32>
      %get3A_955 = arith.index_cast %add3A_950 : i32 to index
      %get3A_956 = arith.constant 16 : index
      %get3A_957 = tpu.vector_load %arg17[%get3A_955, %get3A_956] {strides = array<i32>} : memref<320x64xf32, #tpu.memory_space<vmem>>, vector<16xf32>,
      %mul3A_958 = arith.mulf %get3A_957, %get3A_190 : vector<16xf32>
      %add3A_959 = arith.addf %mul3A_954, %mul3A_958 : vector<16xf32>
      %get3A_960 = arith.index_cast %add3A_950 : i32 to index
      %get3A_961 = arith.constant 32 : index
      %get3A_962 = tpu.vector_load %arg17[%get3A_960, %get3A_961] {strides = array<i32>} : memref<320x64xf32, #tpu.memory_space<vmem>>, vector<16xf32>,
      %mul3A_963 = arith.mulf %get3A_962, %get3A_193 : vector<16xf32>
      %add3A_964 = arith.addf %add3A_959, %mul3A_963 : vector<16xf32>
      %get3A_965 = arith.index_cast %add3A_950 : i32 to index
      %get3A_966 = arith.constant 48 : index
      %get3A_967 = tpu.vector_load %arg17[%get3A_965, %get3A_966] {strides = array<i32>} : memref<320x64xf32, #tpu.memory_space<vmem>>, vector<16xf32>,
      %mul3A_968 = arith.mulf %get3A_967, %get3A_196 : vector<16xf32>
      %add3A_969 = arith.addf %add3A_964, %mul3A_968 : vector<16xf32>
      %and3A_970 = arith.constant 15 : i32
      %and3A_971 = arith.andi %add3A_950, %and3A_970 : i32
      %eq3A_972 = vector.broadcast %and3A_971 : i32 to vector<16xi32>
      %eq3A_973 = arith.cmpi eq, %iota3A, %eq3A_972 : vector<16xi32>
      %reduce_sum3A_974 = arith.constant true
      %reduce_sum3A_975 = vector.broadcast %reduce_sum3A_974 : i1 to vector<16xi1>
      %reduce_sum3A_976 = tpu.scan <sum>, %add3A_969 masked %reduce_sum3A_975 : vector<16xf32>, vector<16xi1> -> vector<16xf32>
      %reduce_sum3A_977 = vector.extract %reduce_sum3A_976[15] : f32 from vector<16xf32>
      %broadcast_in_dim3A_978 = vector.broadcast %reduce_sum3A_977 : f32 to vector<16xf32>
      %select_n3A_979 = arith.select %eq3A_973, %broadcast_in_dim3A_978, %select_n3A_941 : vector<16xi1>, vector<16xf32>
      %add3A_980 = arith.constant 9600 : i32
      %add3A_981 = arith.addi %add3A_980, %add3A_950 : i32
      %sub3A_982 = arith.subi %add3A_981, %and3A_971 : i32
      %swap3A_983 = arith.index_cast %sub3A_982 : i32 to index
      %swap3A_984 = tpu.vector_load %arg24[%swap3A_983] {strides = array<i32>} : memref<10240xf32, #tpu.memory_space<vmem>>, vector<16xf32>,
      tpu.vector_store %arg24[%swap3A_983], %select_n3A_979 {strides = array<i32>} : memref<10240xf32, #tpu.memory_space<vmem>>, vector<16xf32>,
      scf.yield %select_n3A_979, %select_n3A : vector<16xf32>, vector<16xf32>
    }
    %scan3A_128 = arith.constant 16 : i32
    %dma_wait3A_129 = arith.constant 496 : i32
    %dma_wait3A_130 = tpu.memref_slice %arg12[%dma_wait3A_129] : memref<512xi32, #tpu.memory_space<vmem>> -> memref<16xi32, #tpu.memory_space<vmem>>
    %dma_wait3A_131 = arith.constant 0 : i32
    %dma_wait3A_132 = arith.constant 0 : i32
    %dma_wait3A_133 = tpu.memref_slice %arg5[%dma_wait3A_131, %dma_wait3A_132] : memref<1015808x64xf32, #tpu.memory_space<hbm>> -> memref<1015808x64xf32, #tpu.memory_space<hbm>>
    tpu.wait_indirect_dma semaphore(%arg26 : memref<!tpu.dma_semaphore, #tpu.memory_space<semaphore_mem>>) src(%dma_wait3A_133 : memref<1015808x64xf32, #tpu.memory_space<hbm>>) dst(%arg18 : memref<16x64xf32, #tpu.memory_space<vmem>>)
    %dma_wait3A_134 = arith.constant 496 : i32
    %dma_wait3A_135 = tpu.memref_slice %arg13[%dma_wait3A_134] : memref<512xi32, #tpu.memory_space<vmem>> -> memref<16xi32, #tpu.memory_space<vmem>>
    %dma_wait3A_136 = arith.constant 0 : i32
    %dma_wait3A_137 = arith.constant 0 : i32
    %dma_wait3A_138 = tpu.memref_slice %arg6[%dma_wait3A_136, %dma_wait3A_137] : memref<1015808x64xf32, #tpu.memory_space<hbm>> -> memref<1015808x64xf32, #tpu.memory_space<hbm>>
    tpu.wait_indirect_dma semaphore(%arg26 : memref<!tpu.dma_semaphore, #tpu.memory_space<semaphore_mem>>) src(%dma_wait3A_138 : memref<1015808x64xf32, #tpu.memory_space<hbm>>) dst(%arg19 : memref<16x64xf32, #tpu.memory_space<vmem>>)
    %dma_wait3A_139 = arith.constant 0 : i32
    %dma_wait3A_140 = arith.constant 0 : i32
    %dma_wait3A_141 = tpu.memref_slice %arg20[%dma_wait3A_139, %dma_wait3A_140] : memref<320x64xf32, #tpu.memory_space<vmem>> -> memref<128x64xf32, #tpu.memory_space<vmem>>
    %dma_wait3A_142 = arith.constant 9920 : i32
    %dma_wait3A_143 = tpu.memref_slice %arg14[%dma_wait3A_142] : memref<10240xi32, #tpu.memory_space<vmem>> -> memref<128xi32, #tpu.memory_space<vmem>>
    %dma_wait3A_144 = arith.constant 0 : i32
    %dma_wait3A_145 = arith.constant 0 : i32
    %dma_wait3A_146 = tpu.memref_slice %arg6[%dma_wait3A_144, %dma_wait3A_145] : memref<1015808x64xf32, #tpu.memory_space<hbm>> -> memref<1015808x64xf32, #tpu.memory_space<hbm>>
    tpu.wait_indirect_dma semaphore(%arg26 : memref<!tpu.dma_semaphore, #tpu.memory_space<semaphore_mem>>) src(%dma_wait3A_146 : memref<1015808x64xf32, #tpu.memory_space<hbm>>) dst(%dma_wait3A_141 : memref<128x64xf32, #tpu.memory_space<vmem>>)
    %dma_wait3A_147 = arith.constant 128 : i32
    %dma_wait3A_148 = arith.constant 0 : i32
    %dma_wait3A_149 = tpu.memref_slice %arg20[%dma_wait3A_147, %dma_wait3A_148] : memref<320x64xf32, #tpu.memory_space<vmem>> -> memref<128x64xf32, #tpu.memory_space<vmem>>
    %dma_wait3A_150 = arith.constant 10048 : i32
    %dma_wait3A_151 = tpu.memref_slice %arg14[%dma_wait3A_150] : memref<10240xi32, #tpu.memory_space<vmem>> -> memref<128xi32, #tpu.memory_space<vmem>>
    %dma_wait3A_152 = arith.constant 0 : i32
    %dma_wait3A_153 = arith.constant 0 : i32
    %dma_wait3A_154 = tpu.memref_slice %arg6[%dma_wait3A_152, %dma_wait3A_153] : memref<1015808x64xf32, #tpu.memory_space<hbm>> -> memref<1015808x64xf32, #tpu.memory_space<hbm>>
    tpu.wait_indirect_dma semaphore(%arg26 : memref<!tpu.dma_semaphore, #tpu.memory_space<semaphore_mem>>) src(%dma_wait3A_154 : memref<1015808x64xf32, #tpu.memory_space<hbm>>) dst(%dma_wait3A_149 : memref<128x64xf32, #tpu.memory_space<vmem>>)
    %dma_wait3A_155 = arith.constant 256 : i32
    %dma_wait3A_156 = arith.constant 0 : i32
    %dma_wait3A_157 = tpu.memref_slice %arg20[%dma_wait3A_155, %dma_wait3A_156] : memref<320x64xf32, #tpu.memory_space<vmem>> -> memref<64x64xf32, #tpu.memory_space<vmem>>
    %dma_wait3A_158 = arith.constant 10176 : i32
    %dma_wait3A_159 = tpu.memref_slice %arg14[%dma_wait3A_158] : memref<10240xi32, #tpu.memory_space<vmem>> -> memref<64xi32, #tpu.memory_space<vmem>>
    %dma_wait3A_160 = arith.constant 0 : i32
    %dma_wait3A_161 = arith.constant 0 : i32
    %dma_wait3A_162 = tpu.memref_slice %arg6[%dma_wait3A_160, %dma_wait3A_161] : memref<1015808x64xf32, #tpu.memory_space<hbm>> -> memref<1015808x64xf32, #tpu.memory_space<hbm>>
    tpu.wait_indirect_dma semaphore(%arg26 : memref<!tpu.dma_semaphore, #tpu.memory_space<semaphore_mem>>) src(%dma_wait3A_162 : memref<1015808x64xf32, #tpu.memory_space<hbm>>) dst(%dma_wait3A_157 : memref<64x64xf32, #tpu.memory_space<vmem>>)
    %broadcast_in_dim3A_163 = arith.constant 0.000000e+00 : f32
    %broadcast_in_dim3A_164 = vector.broadcast %broadcast_in_dim3A_163 : f32 to vector<16xf32>
    %scan3A_165 = arith.constant 0 : i32
    %scan3A_166 = arith.constant 16 : i32
    %scan3A_167 = arith.addi %scan3A_165, %scan3A_166 : i32
    %scan3A_168 = arith.constant 1 : i32
    %scan3A_169:2 = scf.for %scan3A_183 = %scan3A_165 to %scan3A_167 step %scan3A_168 iter_args(%scan3A_184 = %broadcast_in_dim3A_164, %scan3A_185 = %broadcast_in_dim3A_164) -> (vector<16xf32>, vector<16xf32>)  : i32 {
      %get3A = arith.index_cast %scan3A_183 : i32 to index
      %get3A_186 = arith.constant 0 : index
      %get3A_187 = tpu.vector_load %arg18[%get3A, %get3A_186] {strides = array<i32>} : memref<16x64xf32, #tpu.memory_space<vmem>>, vector<16xf32>,
      %get3A_188 = arith.index_cast %scan3A_183 : i32 to index
      %get3A_189 = arith.constant 16 : index
      %get3A_190 = tpu.vector_load %arg18[%get3A_188, %get3A_189] {strides = array<i32>} : memref<16x64xf32, #tpu.memory_space<vmem>>, vector<16xf32>,
      %get3A_191 = arith.index_cast %scan3A_183 : i32 to index
      %get3A_192 = arith.constant 32 : index
      %get3A_193 = tpu.vector_load %arg18[%get3A_191, %get3A_192] {strides = array<i32>} : memref<16x64xf32, #tpu.memory_space<vmem>>, vector<16xf32>,
      %get3A_194 = arith.index_cast %scan3A_183 : i32 to index
      %get3A_195 = arith.constant 48 : index
      %get3A_196 = tpu.vector_load %arg18[%get3A_194, %get3A_195] {strides = array<i32>} : memref<16x64xf32, #tpu.memory_space<vmem>>, vector<16xf32>,
      %get3A_197 = arith.index_cast %scan3A_183 : i32 to index
      %get3A_198 = arith.constant 0 : index
      %get3A_199 = tpu.vector_load %arg19[%get3A_197, %get3A_198] {strides = array<i32>} : memref<16x64xf32, #tpu.memory_space<vmem>>, vector<16xf32>,
      %mul3A_200 = arith.mulf %get3A_199, %get3A_187 : vector<16xf32>
      %get3A_201 = arith.index_cast %scan3A_183 : i32 to index
      %get3A_202 = arith.constant 16 : index
      %get3A_203 = tpu.vector_load %arg19[%get3A_201, %get3A_202] {strides = array<i32>} : memref<16x64xf32, #tpu.memory_space<vmem>>, vector<16xf32>,
      %mul3A_204 = arith.mulf %get3A_203, %get3A_190 : vector<16xf32>
      %add3A_205 = arith.addf %mul3A_200, %mul3A_204 : vector<16xf32>
      %get3A_206 = arith.index_cast %scan3A_183 : i32 to index
      %get3A_207 = arith.constant 32 : index
      %get3A_208 = tpu.vector_load %arg19[%get3A_206, %get3A_207] {strides = array<i32>} : memref<16x64xf32, #tpu.memory_space<vmem>>, vector<16xf32>,
      %mul3A_209 = arith.mulf %get3A_208, %get3A_193 : vector<16xf32>
      %add3A_210 = arith.addf %add3A_205, %mul3A_209 : vector<16xf32>
      %get3A_211 = arith.index_cast %scan3A_183 : i32 to index
      %get3A_212 = arith.constant 48 : index
      %get3A_213 = tpu.vector_load %arg19[%get3A_211, %get3A_212] {strides = array<i32>} : memref<16x64xf32, #tpu.memory_space<vmem>>, vector<16xf32>,
      %mul3A_214 = arith.mulf %get3A_213, %get3A_196 : vector<16xf32>
      %add3A_215 = arith.addf %add3A_210, %mul3A_214 : vector<16xf32>
      %and3A = arith.constant 15 : i32
      %and3A_216 = arith.andi %scan3A_183, %and3A : i32
      %eq3A = vector.broadcast %and3A_216 : i32 to vector<16xi32>
      %eq3A_217 = arith.cmpi eq, %iota3A, %eq3A : vector<16xi32>
      %reduce_sum3A = arith.constant true
      %reduce_sum3A_218 = vector.broadcast %reduce_sum3A : i1 to vector<16xi1>
      %reduce_sum3A_219 = tpu.scan <sum>, %add3A_215 masked %reduce_sum3A_218 : vector<16xf32>, vector<16xi1> -> vector<16xf32>
      %reduce_sum3A_220 = vector.extract %reduce_sum3A_219[15] : f32 from vector<16xf32>
      %broadcast_in_dim3A_221 = vector.broadcast %reduce_sum3A_220 : f32 to vector<16xf32>
      %select_n3A = arith.select %eq3A_217, %broadcast_in_dim3A_221, %scan3A_185 : vector<16xi1>, vector<16xf32>
      %add3A_222 = arith.constant 496 : i32
      %add3A_223 = arith.addi %add3A_222, %scan3A_183 : i32
      %sub3A = arith.subi %add3A_223, %and3A_216 : i32
      %swap3A = arith.index_cast %sub3A : i32 to index
      %swap3A_224 = tpu.vector_load %arg23[%swap3A] {strides = array<i32>} : memref<512xf32, #tpu.memory_space<vmem>>, vector<16xf32>,
      tpu.vector_store %arg23[%swap3A], %select_n3A {strides = array<i32>} : memref<512xf32, #tpu.memory_space<vmem>>, vector<16xf32>,
      %mul3A_225 = arith.constant 20 : i32
      %mul3A_226 = arith.muli %scan3A_183, %mul3A_225 : i32
      %add3A_227 = arith.constant 0 : i32
      %add3A_228 = arith.addi %mul3A_226, %add3A_227 : i32
      %get3A_229 = arith.index_cast %add3A_228 : i32 to index
      %get3A_230 = arith.constant 0 : index
      %get3A_231 = tpu.vector_load %arg20[%get3A_229, %get3A_230] {strides = array<i32>} : memref<320x64xf32, #tpu.memory_space<vmem>>, vector<16xf32>,
      %mul3A_232 = arith.mulf %get3A_231, %get3A_187 : vector<16xf32>
      %get3A_233 = arith.index_cast %add3A_228 : i32 to index
      %get3A_234 = arith.constant 16 : index
      %get3A_235 = tpu.vector_load %arg20[%get3A_233, %get3A_234] {strides = array<i32>} : memref<320x64xf32, #tpu.memory_space<vmem>>, vector<16xf32>,
      %mul3A_236 = arith.mulf %get3A_235, %get3A_190 : vector<16xf32>
      %add3A_237 = arith.addf %mul3A_232, %mul3A_236 : vector<16xf32>
      %get3A_238 = arith.index_cast %add3A_228 : i32 to index
      %get3A_239 = arith.constant 32 : index
      %get3A_240 = tpu.vector_load %arg20[%get3A_238, %get3A_239] {strides = array<i32>} : memref<320x64xf32, #tpu.memory_space<vmem>>, vector<16xf32>,
      %mul3A_241 = arith.mulf %get3A_240, %get3A_193 : vector<16xf32>
      %add3A_242 = arith.addf %add3A_237, %mul3A_241 : vector<16xf32>
      %get3A_243 = arith.index_cast %add3A_228 : i32 to index
      %get3A_244 = arith.constant 48 : index
      %get3A_245 = tpu.vector_load %arg20[%get3A_243, %get3A_244] {strides = array<i32>} : memref<320x64xf32, #tpu.memory_space<vmem>>, vector<16xf32>,
      %mul3A_246 = arith.mulf %get3A_245, %get3A_196 : vector<16xf32>
      %add3A_247 = arith.addf %add3A_242, %mul3A_246 : vector<16xf32>
      %and3A_248 = arith.constant 15 : i32
      %and3A_249 = arith.andi %add3A_228, %and3A_248 : i32
      %eq3A_250 = vector.broadcast %and3A_249 : i32 to vector<16xi32>
      %eq3A_251 = arith.cmpi eq, %iota3A, %eq3A_250 : vector<16xi32>
      %reduce_sum3A_252 = arith.constant true
      %reduce_sum3A_253 = vector.broadcast %reduce_sum3A_252 : i1 to vector<16xi1>
      %reduce_sum3A_254 = tpu.scan <sum>, %add3A_247 masked %reduce_sum3A_253 : vector<16xf32>, vector<16xi1> -> vector<16xf32>
      %reduce_sum3A_255 = vector.extract %reduce_sum3A_254[15] : f32 from vector<16xf32>
      %broadcast_in_dim3A_256 = vector.broadcast %reduce_sum3A_255 : f32 to vector<16xf32>
      %select_n3A_257 = arith.select %eq3A_251, %broadcast_in_dim3A_256, %scan3A_184 : vector<16xi1>, vector<16xf32>
      %add3A_258 = arith.constant 9920 : i32
      %add3A_259 = arith.addi %add3A_258, %add3A_228 : i32
      %sub3A_260 = arith.subi %add3A_259, %and3A_249 : i32
      %swap3A_261 = arith.index_cast %sub3A_260 : i32 to index
      %swap3A_262 = tpu.vector_load %arg24[%swap3A_261] {strides = array<i32>} : memref<10240xf32, #tpu.memory_space<vmem>>, vector<16xf32>,
      tpu.vector_store %arg24[%swap3A_261], %select_n3A_257 {strides = array<i32>} : memref<10240xf32, #tpu.memory_space<vmem>>, vector<16xf32>,
      %mul3A_263 = arith.constant 20 : i32
      %mul3A_264 = arith.muli %scan3A_183, %mul3A_263 : i32
      %add3A_265 = arith.constant 1 : i32
      %add3A_266 = arith.addi %mul3A_264, %add3A_265 : i32
      %get3A_267 = arith.index_cast %add3A_266 : i32 to index
      %get3A_268 = arith.constant 0 : index
      %get3A_269 = tpu.vector_load %arg20[%get3A_267, %get3A_268] {strides = array<i32>} : memref<320x64xf32, #tpu.memory_space<vmem>>, vector<16xf32>,
      %mul3A_270 = arith.mulf %get3A_269, %get3A_187 : vector<16xf32>
      %get3A_271 = arith.index_cast %add3A_266 : i32 to index
      %get3A_272 = arith.constant 16 : index
      %get3A_273 = tpu.vector_load %arg20[%get3A_271, %get3A_272] {strides = array<i32>} : memref<320x64xf32, #tpu.memory_space<vmem>>, vector<16xf32>,
      %mul3A_274 = arith.mulf %get3A_273, %get3A_190 : vector<16xf32>
      %add3A_275 = arith.addf %mul3A_270, %mul3A_274 : vector<16xf32>
      %get3A_276 = arith.index_cast %add3A_266 : i32 to index
      %get3A_277 = arith.constant 32 : index
      %get3A_278 = tpu.vector_load %arg20[%get3A_276, %get3A_277] {strides = array<i32>} : memref<320x64xf32, #tpu.memory_space<vmem>>, vector<16xf32>,
      %mul3A_279 = arith.mulf %get3A_278, %get3A_193 : vector<16xf32>
      %add3A_280 = arith.addf %add3A_275, %mul3A_279 : vector<16xf32>
      %get3A_281 = arith.index_cast %add3A_266 : i32 to index
      %get3A_282 = arith.constant 48 : index
      %get3A_283 = tpu.vector_load %arg20[%get3A_281, %get3A_282] {strides = array<i32>} : memref<320x64xf32, #tpu.memory_space<vmem>>, vector<16xf32>,
      %mul3A_284 = arith.mulf %get3A_283, %get3A_196 : vector<16xf32>
      %add3A_285 = arith.addf %add3A_280, %mul3A_284 : vector<16xf32>
      %and3A_286 = arith.constant 15 : i32
      %and3A_287 = arith.andi %add3A_266, %and3A_286 : i32
      %eq3A_288 = vector.broadcast %and3A_287 : i32 to vector<16xi32>
      %eq3A_289 = arith.cmpi eq, %iota3A, %eq3A_288 : vector<16xi32>
      %reduce_sum3A_290 = arith.constant true
      %reduce_sum3A_291 = vector.broadcast %reduce_sum3A_290 : i1 to vector<16xi1>
      %reduce_sum3A_292 = tpu.scan <sum>, %add3A_285 masked %reduce_sum3A_291 : vector<16xf32>, vector<16xi1> -> vector<16xf32>
      %reduce_sum3A_293 = vector.extract %reduce_sum3A_292[15] : f32 from vector<16xf32>
      %broadcast_in_dim3A_294 = vector.broadcast %reduce_sum3A_293 : f32 to vector<16xf32>
      %select_n3A_295 = arith.select %eq3A_289, %broadcast_in_dim3A_294, %select_n3A_257 : vector<16xi1>, vector<16xf32>
      %add3A_296 = arith.constant 9920 : i32
      %add3A_297 = arith.addi %add3A_296, %add3A_266 : i32
      %sub3A_298 = arith.subi %add3A_297, %and3A_287 : i32
      %swap3A_299 = arith.index_cast %sub3A_298 : i32 to index
      %swap3A_300 = tpu.vector_load %arg24[%swap3A_299] {strides = array<i32>} : memref<10240xf32, #tpu.memory_space<vmem>>, vector<16xf32>,
      tpu.vector_store %arg24[%swap3A_299], %select_n3A_295 {strides = array<i32>} : memref<10240xf32, #tpu.memory_space<vmem>>, vector<16xf32>,
      %mul3A_301 = arith.constant 20 : i32
      %mul3A_302 = arith.muli %scan3A_183, %mul3A_301 : i32
      %add3A_303 = arith.constant 2 : i32
      %add3A_304 = arith.addi %mul3A_302, %add3A_303 : i32
      %get3A_305 = arith.index_cast %add3A_304 : i32 to index
      %get3A_306 = arith.constant 0 : index
      %get3A_307 = tpu.vector_load %arg20[%get3A_305, %get3A_306] {strides = array<i32>} : memref<320x64xf32, #tpu.memory_space<vmem>>, vector<16xf32>,
      %mul3A_308 = arith.mulf %get3A_307, %get3A_187 : vector<16xf32>
      %get3A_309 = arith.index_cast %add3A_304 : i32 to index
      %get3A_310 = arith.constant 16 : index
      %get3A_311 = tpu.vector_load %arg20[%get3A_309, %get3A_310] {strides = array<i32>} : memref<320x64xf32, #tpu.memory_space<vmem>>, vector<16xf32>,
      %mul3A_312 = arith.mulf %get3A_311, %get3A_190 : vector<16xf32>
      %add3A_313 = arith.addf %mul3A_308, %mul3A_312 : vector<16xf32>
      %get3A_314 = arith.index_cast %add3A_304 : i32 to index
      %get3A_315 = arith.constant 32 : index
      %get3A_316 = tpu.vector_load %arg20[%get3A_314, %get3A_315] {strides = array<i32>} : memref<320x64xf32, #tpu.memory_space<vmem>>, vector<16xf32>,
      %mul3A_317 = arith.mulf %get3A_316, %get3A_193 : vector<16xf32>
      %add3A_318 = arith.addf %add3A_313, %mul3A_317 : vector<16xf32>
      %get3A_319 = arith.index_cast %add3A_304 : i32 to index
      %get3A_320 = arith.constant 48 : index
      %get3A_321 = tpu.vector_load %arg20[%get3A_319, %get3A_320] {strides = array<i32>} : memref<320x64xf32, #tpu.memory_space<vmem>>, vector<16xf32>,
      %mul3A_322 = arith.mulf %get3A_321, %get3A_196 : vector<16xf32>
      %add3A_323 = arith.addf %add3A_318, %mul3A_322 : vector<16xf32>
      %and3A_324 = arith.constant 15 : i32
      %and3A_325 = arith.andi %add3A_304, %and3A_324 : i32
      %eq3A_326 = vector.broadcast %and3A_325 : i32 to vector<16xi32>
      %eq3A_327 = arith.cmpi eq, %iota3A, %eq3A_326 : vector<16xi32>
      %reduce_sum3A_328 = arith.constant true
      %reduce_sum3A_329 = vector.broadcast %reduce_sum3A_328 : i1 to vector<16xi1>
      %reduce_sum3A_330 = tpu.scan <sum>, %add3A_323 masked %reduce_sum3A_329 : vector<16xf32>, vector<16xi1> -> vector<16xf32>
      %reduce_sum3A_331 = vector.extract %reduce_sum3A_330[15] : f32 from vector<16xf32>
      %broadcast_in_dim3A_332 = vector.broadcast %reduce_sum3A_331 : f32 to vector<16xf32>
      %select_n3A_333 = arith.select %eq3A_327, %broadcast_in_dim3A_332, %select_n3A_295 : vector<16xi1>, vector<16xf32>
      %add3A_334 = arith.constant 9920 : i32
      %add3A_335 = arith.addi %add3A_334, %add3A_304 : i32
      %sub3A_336 = arith.subi %add3A_335, %and3A_325 : i32
      %swap3A_337 = arith.index_cast %sub3A_336 : i32 to index
      %swap3A_338 = tpu.vector_load %arg24[%swap3A_337] {strides = array<i32>} : memref<10240xf32, #tpu.memory_space<vmem>>, vector<16xf32>,
      tpu.vector_store %arg24[%swap3A_337], %select_n3A_333 {strides = array<i32>} : memref<10240xf32, #tpu.memory_space<vmem>>, vector<16xf32>,
      %mul3A_339 = arith.constant 20 : i32
      %mul3A_340 = arith.muli %scan3A_183, %mul3A_339 : i32
      %add3A_341 = arith.constant 3 : i32
      %add3A_342 = arith.addi %mul3A_340, %add3A_341 : i32
      %get3A_343 = arith.index_cast %add3A_342 : i32 to index
      %get3A_344 = arith.constant 0 : index
      %get3A_345 = tpu.vector_load %arg20[%get3A_343, %get3A_344] {strides = array<i32>} : memref<320x64xf32, #tpu.memory_space<vmem>>, vector<16xf32>,
      %mul3A_346 = arith.mulf %get3A_345, %get3A_187 : vector<16xf32>
      %get3A_347 = arith.index_cast %add3A_342 : i32 to index
      %get3A_348 = arith.constant 16 : index
      %get3A_349 = tpu.vector_load %arg20[%get3A_347, %get3A_348] {strides = array<i32>} : memref<320x64xf32, #tpu.memory_space<vmem>>, vector<16xf32>,
      %mul3A_350 = arith.mulf %get3A_349, %get3A_190 : vector<16xf32>
      %add3A_351 = arith.addf %mul3A_346, %mul3A_350 : vector<16xf32>
      %get3A_352 = arith.index_cast %add3A_342 : i32 to index
      %get3A_353 = arith.constant 32 : index
      %get3A_354 = tpu.vector_load %arg20[%get3A_352, %get3A_353] {strides = array<i32>} : memref<320x64xf32, #tpu.memory_space<vmem>>, vector<16xf32>,
      %mul3A_355 = arith.mulf %get3A_354, %get3A_193 : vector<16xf32>
      %add3A_356 = arith.addf %add3A_351, %mul3A_355 : vector<16xf32>
      %get3A_357 = arith.index_cast %add3A_342 : i32 to index
      %get3A_358 = arith.constant 48 : index
      %get3A_359 = tpu.vector_load %arg20[%get3A_357, %get3A_358] {strides = array<i32>} : memref<320x64xf32, #tpu.memory_space<vmem>>, vector<16xf32>,
      %mul3A_360 = arith.mulf %get3A_359, %get3A_196 : vector<16xf32>
      %add3A_361 = arith.addf %add3A_356, %mul3A_360 : vector<16xf32>
      %and3A_362 = arith.constant 15 : i32
      %and3A_363 = arith.andi %add3A_342, %and3A_362 : i32
      %eq3A_364 = vector.broadcast %and3A_363 : i32 to vector<16xi32>
      %eq3A_365 = arith.cmpi eq, %iota3A, %eq3A_364 : vector<16xi32>
      %reduce_sum3A_366 = arith.constant true
      %reduce_sum3A_367 = vector.broadcast %reduce_sum3A_366 : i1 to vector<16xi1>
      %reduce_sum3A_368 = tpu.scan <sum>, %add3A_361 masked %reduce_sum3A_367 : vector<16xf32>, vector<16xi1> -> vector<16xf32>
      %reduce_sum3A_369 = vector.extract %reduce_sum3A_368[15] : f32 from vector<16xf32>
      %broadcast_in_dim3A_370 = vector.broadcast %reduce_sum3A_369 : f32 to vector<16xf32>
      %select_n3A_371 = arith.select %eq3A_365, %broadcast_in_dim3A_370, %select_n3A_333 : vector<16xi1>, vector<16xf32>
      %add3A_372 = arith.constant 9920 : i32
      %add3A_373 = arith.addi %add3A_372, %add3A_342 : i32
      %sub3A_374 = arith.subi %add3A_373, %and3A_363 : i32
      %swap3A_375 = arith.index_cast %sub3A_374 : i32 to index
      %swap3A_376 = tpu.vector_load %arg24[%swap3A_375] {strides = array<i32>} : memref<10240xf32, #tpu.memory_space<vmem>>, vector<16xf32>,
      tpu.vector_store %arg24[%swap3A_375], %select_n3A_371 {strides = array<i32>} : memref<10240xf32, #tpu.memory_space<vmem>>, vector<16xf32>,
      %mul3A_377 = arith.constant 20 : i32
      %mul3A_378 = arith.muli %scan3A_183, %mul3A_377 : i32
      %add3A_379 = arith.constant 4 : i32
      %add3A_380 = arith.addi %mul3A_378, %add3A_379 : i32
      %get3A_381 = arith.index_cast %add3A_380 : i32 to index
      %get3A_382 = arith.constant 0 : index
      %get3A_383 = tpu.vector_load %arg20[%get3A_381, %get3A_382] {strides = array<i32>} : memref<320x64xf32, #tpu.memory_space<vmem>>, vector<16xf32>,
      %mul3A_384 = arith.mulf %get3A_383, %get3A_187 : vector<16xf32>
      %get3A_385 = arith.index_cast %add3A_380 : i32 to index
      %get3A_386 = arith.constant 16 : index
      %get3A_387 = tpu.vector_load %arg20[%get3A_385, %get3A_386] {strides = array<i32>} : memref<320x64xf32, #tpu.memory_space<vmem>>, vector<16xf32>,
      %mul3A_388 = arith.mulf %get3A_387, %get3A_190 : vector<16xf32>
      %add3A_389 = arith.addf %mul3A_384, %mul3A_388 : vector<16xf32>
      %get3A_390 = arith.index_cast %add3A_380 : i32 to index
      %get3A_391 = arith.constant 32 : index
      %get3A_392 = tpu.vector_load %arg20[%get3A_390, %get3A_391] {strides = array<i32>} : memref<320x64xf32, #tpu.memory_space<vmem>>, vector<16xf32>,
      %mul3A_393 = arith.mulf %get3A_392, %get3A_193 : vector<16xf32>
      %add3A_394 = arith.addf %add3A_389, %mul3A_393 : vector<16xf32>
      %get3A_395 = arith.index_cast %add3A_380 : i32 to index
      %get3A_396 = arith.constant 48 : index
      %get3A_397 = tpu.vector_load %arg20[%get3A_395, %get3A_396] {strides = array<i32>} : memref<320x64xf32, #tpu.memory_space<vmem>>, vector<16xf32>,
      %mul3A_398 = arith.mulf %get3A_397, %get3A_196 : vector<16xf32>
      %add3A_399 = arith.addf %add3A_394, %mul3A_398 : vector<16xf32>
      %and3A_400 = arith.constant 15 : i32
      %and3A_401 = arith.andi %add3A_380, %and3A_400 : i32
      %eq3A_402 = vector.broadcast %and3A_401 : i32 to vector<16xi32>
      %eq3A_403 = arith.cmpi eq, %iota3A, %eq3A_402 : vector<16xi32>
      %reduce_sum3A_404 = arith.constant true
      %reduce_sum3A_405 = vector.broadcast %reduce_sum3A_404 : i1 to vector<16xi1>
      %reduce_sum3A_406 = tpu.scan <sum>, %add3A_399 masked %reduce_sum3A_405 : vector<16xf32>, vector<16xi1> -> vector<16xf32>
      %reduce_sum3A_407 = vector.extract %reduce_sum3A_406[15] : f32 from vector<16xf32>
      %broadcast_in_dim3A_408 = vector.broadcast %reduce_sum3A_407 : f32 to vector<16xf32>
      %select_n3A_409 = arith.select %eq3A_403, %broadcast_in_dim3A_408, %select_n3A_371 : vector<16xi1>, vector<16xf32>
      %add3A_410 = arith.constant 9920 : i32
      %add3A_411 = arith.addi %add3A_410, %add3A_380 : i32
      %sub3A_412 = arith.subi %add3A_411, %and3A_401 : i32
      %swap3A_413 = arith.index_cast %sub3A_412 : i32 to index
      %swap3A_414 = tpu.vector_load %arg24[%swap3A_413] {strides = array<i32>} : memref<10240xf32, #tpu.memory_space<vmem>>, vector<16xf32>,
      tpu.vector_store %arg24[%swap3A_413], %select_n3A_409 {strides = array<i32>} : memref<10240xf32, #tpu.memory_space<vmem>>, vector<16xf32>,
      %mul3A_415 = arith.constant 20 : i32
      %mul3A_416 = arith.muli %scan3A_183, %mul3A_415 : i32
      %add3A_417 = arith.constant 5 : i32
      %add3A_418 = arith.addi %mul3A_416, %add3A_417 : i32
      %get3A_419 = arith.index_cast %add3A_418 : i32 to index
      %get3A_420 = arith.constant 0 : index
      %get3A_421 = tpu.vector_load %arg20[%get3A_419, %get3A_420] {strides = array<i32>} : memref<320x64xf32, #tpu.memory_space<vmem>>, vector<16xf32>,
      %mul3A_422 = arith.mulf %get3A_421, %get3A_187 : vector<16xf32>
      %get3A_423 = arith.index_cast %add3A_418 : i32 to index
      %get3A_424 = arith.constant 16 : index
      %get3A_425 = tpu.vector_load %arg20[%get3A_423, %get3A_424] {strides = array<i32>} : memref<320x64xf32, #tpu.memory_space<vmem>>, vector<16xf32>,
      %mul3A_426 = arith.mulf %get3A_425, %get3A_190 : vector<16xf32>
      %add3A_427 = arith.addf %mul3A_422, %mul3A_426 : vector<16xf32>
      %get3A_428 = arith.index_cast %add3A_418 : i32 to index
      %get3A_429 = arith.constant 32 : index
      %get3A_430 = tpu.vector_load %arg20[%get3A_428, %get3A_429] {strides = array<i32>} : memref<320x64xf32, #tpu.memory_space<vmem>>, vector<16xf32>,
      %mul3A_431 = arith.mulf %get3A_430, %get3A_193 : vector<16xf32>
      %add3A_432 = arith.addf %add3A_427, %mul3A_431 : vector<16xf32>
      %get3A_433 = arith.index_cast %add3A_418 : i32 to index
      %get3A_434 = arith.constant 48 : index
      %get3A_435 = tpu.vector_load %arg20[%get3A_433, %get3A_434] {strides = array<i32>} : memref<320x64xf32, #tpu.memory_space<vmem>>, vector<16xf32>,
      %mul3A_436 = arith.mulf %get3A_435, %get3A_196 : vector<16xf32>
      %add3A_437 = arith.addf %add3A_432, %mul3A_436 : vector<16xf32>
      %and3A_438 = arith.constant 15 : i32
      %and3A_439 = arith.andi %add3A_418, %and3A_438 : i32
      %eq3A_440 = vector.broadcast %and3A_439 : i32 to vector<16xi32>
      %eq3A_441 = arith.cmpi eq, %iota3A, %eq3A_440 : vector<16xi32>
      %reduce_sum3A_442 = arith.constant true
      %reduce_sum3A_443 = vector.broadcast %reduce_sum3A_442 : i1 to vector<16xi1>
      %reduce_sum3A_444 = tpu.scan <sum>, %add3A_437 masked %reduce_sum3A_443 : vector<16xf32>, vector<16xi1> -> vector<16xf32>
      %reduce_sum3A_445 = vector.extract %reduce_sum3A_444[15] : f32 from vector<16xf32>
      %broadcast_in_dim3A_446 = vector.broadcast %reduce_sum3A_445 : f32 to vector<16xf32>
      %select_n3A_447 = arith.select %eq3A_441, %broadcast_in_dim3A_446, %select_n3A_409 : vector<16xi1>, vector<16xf32>
      %add3A_448 = arith.constant 9920 : i32
      %add3A_449 = arith.addi %add3A_448, %add3A_418 : i32
      %sub3A_450 = arith.subi %add3A_449, %and3A_439 : i32
      %swap3A_451 = arith.index_cast %sub3A_450 : i32 to index
      %swap3A_452 = tpu.vector_load %arg24[%swap3A_451] {strides = array<i32>} : memref<10240xf32, #tpu.memory_space<vmem>>, vector<16xf32>,
      tpu.vector_store %arg24[%swap3A_451], %select_n3A_447 {strides = array<i32>} : memref<10240xf32, #tpu.memory_space<vmem>>, vector<16xf32>,
      %mul3A_453 = arith.constant 20 : i32
      %mul3A_454 = arith.muli %scan3A_183, %mul3A_453 : i32
      %add3A_455 = arith.constant 6 : i32
      %add3A_456 = arith.addi %mul3A_454, %add3A_455 : i32
      %get3A_457 = arith.index_cast %add3A_456 : i32 to index
      %get3A_458 = arith.constant 0 : index
      %get3A_459 = tpu.vector_load %arg20[%get3A_457, %get3A_458] {strides = array<i32>} : memref<320x64xf32, #tpu.memory_space<vmem>>, vector<16xf32>,
      %mul3A_460 = arith.mulf %get3A_459, %get3A_187 : vector<16xf32>
      %get3A_461 = arith.index_cast %add3A_456 : i32 to index
      %get3A_462 = arith.constant 16 : index
      %get3A_463 = tpu.vector_load %arg20[%get3A_461, %get3A_462] {strides = array<i32>} : memref<320x64xf32, #tpu.memory_space<vmem>>, vector<16xf32>,
      %mul3A_464 = arith.mulf %get3A_463, %get3A_190 : vector<16xf32>
      %add3A_465 = arith.addf %mul3A_460, %mul3A_464 : vector<16xf32>
      %get3A_466 = arith.index_cast %add3A_456 : i32 to index
      %get3A_467 = arith.constant 32 : index
      %get3A_468 = tpu.vector_load %arg20[%get3A_466, %get3A_467] {strides = array<i32>} : memref<320x64xf32, #tpu.memory_space<vmem>>, vector<16xf32>,
      %mul3A_469 = arith.mulf %get3A_468, %get3A_193 : vector<16xf32>
      %add3A_470 = arith.addf %add3A_465, %mul3A_469 : vector<16xf32>
      %get3A_471 = arith.index_cast %add3A_456 : i32 to index
      %get3A_472 = arith.constant 48 : index
      %get3A_473 = tpu.vector_load %arg20[%get3A_471, %get3A_472] {strides = array<i32>} : memref<320x64xf32, #tpu.memory_space<vmem>>, vector<16xf32>,
      %mul3A_474 = arith.mulf %get3A_473, %get3A_196 : vector<16xf32>
      %add3A_475 = arith.addf %add3A_470, %mul3A_474 : vector<16xf32>
      %and3A_476 = arith.constant 15 : i32
      %and3A_477 = arith.andi %add3A_456, %and3A_476 : i32
      %eq3A_478 = vector.broadcast %and3A_477 : i32 to vector<16xi32>
      %eq3A_479 = arith.cmpi eq, %iota3A, %eq3A_478 : vector<16xi32>
      %reduce_sum3A_480 = arith.constant true
      %reduce_sum3A_481 = vector.broadcast %reduce_sum3A_480 : i1 to vector<16xi1>
      %reduce_sum3A_482 = tpu.scan <sum>, %add3A_475 masked %reduce_sum3A_481 : vector<16xf32>, vector<16xi1> -> vector<16xf32>
      %reduce_sum3A_483 = vector.extract %reduce_sum3A_482[15] : f32 from vector<16xf32>
      %broadcast_in_dim3A_484 = vector.broadcast %reduce_sum3A_483 : f32 to vector<16xf32>
      %select_n3A_485 = arith.select %eq3A_479, %broadcast_in_dim3A_484, %select_n3A_447 : vector<16xi1>, vector<16xf32>
      %add3A_486 = arith.constant 9920 : i32
      %add3A_487 = arith.addi %add3A_486, %add3A_456 : i32
      %sub3A_488 = arith.subi %add3A_487, %and3A_477 : i32
      %swap3A_489 = arith.index_cast %sub3A_488 : i32 to index
      %swap3A_490 = tpu.vector_load %arg24[%swap3A_489] {strides = array<i32>} : memref<10240xf32, #tpu.memory_space<vmem>>, vector<16xf32>,
      tpu.vector_store %arg24[%swap3A_489], %select_n3A_485 {strides = array<i32>} : memref<10240xf32, #tpu.memory_space<vmem>>, vector<16xf32>,
      %mul3A_491 = arith.constant 20 : i32
      %mul3A_492 = arith.muli %scan3A_183, %mul3A_491 : i32
      %add3A_493 = arith.constant 7 : i32
      %add3A_494 = arith.addi %mul3A_492, %add3A_493 : i32
      %get3A_495 = arith.index_cast %add3A_494 : i32 to index
      %get3A_496 = arith.constant 0 : index
      %get3A_497 = tpu.vector_load %arg20[%get3A_495, %get3A_496] {strides = array<i32>} : memref<320x64xf32, #tpu.memory_space<vmem>>, vector<16xf32>,
      %mul3A_498 = arith.mulf %get3A_497, %get3A_187 : vector<16xf32>
      %get3A_499 = arith.index_cast %add3A_494 : i32 to index
      %get3A_500 = arith.constant 16 : index
      %get3A_501 = tpu.vector_load %arg20[%get3A_499, %get3A_500] {strides = array<i32>} : memref<320x64xf32, #tpu.memory_space<vmem>>, vector<16xf32>,
      %mul3A_502 = arith.mulf %get3A_501, %get3A_190 : vector<16xf32>
      %add3A_503 = arith.addf %mul3A_498, %mul3A_502 : vector<16xf32>
      %get3A_504 = arith.index_cast %add3A_494 : i32 to index
      %get3A_505 = arith.constant 32 : index
      %get3A_506 = tpu.vector_load %arg20[%get3A_504, %get3A_505] {strides = array<i32>} : memref<320x64xf32, #tpu.memory_space<vmem>>, vector<16xf32>,
      %mul3A_507 = arith.mulf %get3A_506, %get3A_193 : vector<16xf32>
      %add3A_508 = arith.addf %add3A_503, %mul3A_507 : vector<16xf32>
      %get3A_509 = arith.index_cast %add3A_494 : i32 to index
      %get3A_510 = arith.constant 48 : index
      %get3A_511 = tpu.vector_load %arg20[%get3A_509, %get3A_510] {strides = array<i32>} : memref<320x64xf32, #tpu.memory_space<vmem>>, vector<16xf32>,
      %mul3A_512 = arith.mulf %get3A_511, %get3A_196 : vector<16xf32>
      %add3A_513 = arith.addf %add3A_508, %mul3A_512 : vector<16xf32>
      %and3A_514 = arith.constant 15 : i32
      %and3A_515 = arith.andi %add3A_494, %and3A_514 : i32
      %eq3A_516 = vector.broadcast %and3A_515 : i32 to vector<16xi32>
      %eq3A_517 = arith.cmpi eq, %iota3A, %eq3A_516 : vector<16xi32>
      %reduce_sum3A_518 = arith.constant true
      %reduce_sum3A_519 = vector.broadcast %reduce_sum3A_518 : i1 to vector<16xi1>
      %reduce_sum3A_520 = tpu.scan <sum>, %add3A_513 masked %reduce_sum3A_519 : vector<16xf32>, vector<16xi1> -> vector<16xf32>
      %reduce_sum3A_521 = vector.extract %reduce_sum3A_520[15] : f32 from vector<16xf32>
      %broadcast_in_dim3A_522 = vector.broadcast %reduce_sum3A_521 : f32 to vector<16xf32>
      %select_n3A_523 = arith.select %eq3A_517, %broadcast_in_dim3A_522, %select_n3A_485 : vector<16xi1>, vector<16xf32>
      %add3A_524 = arith.constant 9920 : i32
      %add3A_525 = arith.addi %add3A_524, %add3A_494 : i32
      %sub3A_526 = arith.subi %add3A_525, %and3A_515 : i32
      %swap3A_527 = arith.index_cast %sub3A_526 : i32 to index
      %swap3A_528 = tpu.vector_load %arg24[%swap3A_527] {strides = array<i32>} : memref<10240xf32, #tpu.memory_space<vmem>>, vector<16xf32>,
      tpu.vector_store %arg24[%swap3A_527], %select_n3A_523 {strides = array<i32>} : memref<10240xf32, #tpu.memory_space<vmem>>, vector<16xf32>,
      %mul3A_529 = arith.constant 20 : i32
      %mul3A_530 = arith.muli %scan3A_183, %mul3A_529 : i32
      %add3A_531 = arith.constant 8 : i32
      %add3A_532 = arith.addi %mul3A_530, %add3A_531 : i32
      %get3A_533 = arith.index_cast %add3A_532 : i32 to index
      %get3A_534 = arith.constant 0 : index
      %get3A_535 = tpu.vector_load %arg20[%get3A_533, %get3A_534] {strides = array<i32>} : memref<320x64xf32, #tpu.memory_space<vmem>>, vector<16xf32>,
      %mul3A_536 = arith.mulf %get3A_535, %get3A_187 : vector<16xf32>
      %get3A_537 = arith.index_cast %add3A_532 : i32 to index
      %get3A_538 = arith.constant 16 : index
      %get3A_539 = tpu.vector_load %arg20[%get3A_537, %get3A_538] {strides = array<i32>} : memref<320x64xf32, #tpu.memory_space<vmem>>, vector<16xf32>,
      %mul3A_540 = arith.mulf %get3A_539, %get3A_190 : vector<16xf32>
      %add3A_541 = arith.addf %mul3A_536, %mul3A_540 : vector<16xf32>
      %get3A_542 = arith.index_cast %add3A_532 : i32 to index
      %get3A_543 = arith.constant 32 : index
      %get3A_544 = tpu.vector_load %arg20[%get3A_542, %get3A_543] {strides = array<i32>} : memref<320x64xf32, #tpu.memory_space<vmem>>, vector<16xf32>,
      %mul3A_545 = arith.mulf %get3A_544, %get3A_193 : vector<16xf32>
      %add3A_546 = arith.addf %add3A_541, %mul3A_545 : vector<16xf32>
      %get3A_547 = arith.index_cast %add3A_532 : i32 to index
      %get3A_548 = arith.constant 48 : index
      %get3A_549 = tpu.vector_load %arg20[%get3A_547, %get3A_548] {strides = array<i32>} : memref<320x64xf32, #tpu.memory_space<vmem>>, vector<16xf32>,
      %mul3A_550 = arith.mulf %get3A_549, %get3A_196 : vector<16xf32>
      %add3A_551 = arith.addf %add3A_546, %mul3A_550 : vector<16xf32>
      %and3A_552 = arith.constant 15 : i32
      %and3A_553 = arith.andi %add3A_532, %and3A_552 : i32
      %eq3A_554 = vector.broadcast %and3A_553 : i32 to vector<16xi32>
      %eq3A_555 = arith.cmpi eq, %iota3A, %eq3A_554 : vector<16xi32>
      %reduce_sum3A_556 = arith.constant true
      %reduce_sum3A_557 = vector.broadcast %reduce_sum3A_556 : i1 to vector<16xi1>
      %reduce_sum3A_558 = tpu.scan <sum>, %add3A_551 masked %reduce_sum3A_557 : vector<16xf32>, vector<16xi1> -> vector<16xf32>
      %reduce_sum3A_559 = vector.extract %reduce_sum3A_558[15] : f32 from vector<16xf32>
      %broadcast_in_dim3A_560 = vector.broadcast %reduce_sum3A_559 : f32 to vector<16xf32>
      %select_n3A_561 = arith.select %eq3A_555, %broadcast_in_dim3A_560, %select_n3A_523 : vector<16xi1>, vector<16xf32>
      %add3A_562 = arith.constant 9920 : i32
      %add3A_563 = arith.addi %add3A_562, %add3A_532 : i32
      %sub3A_564 = arith.subi %add3A_563, %and3A_553 : i32
      %swap3A_565 = arith.index_cast %sub3A_564 : i32 to index
      %swap3A_566 = tpu.vector_load %arg24[%swap3A_565] {strides = array<i32>} : memref<10240xf32, #tpu.memory_space<vmem>>, vector<16xf32>,
      tpu.vector_store %arg24[%swap3A_565], %select_n3A_561 {strides = array<i32>} : memref<10240xf32, #tpu.memory_space<vmem>>, vector<16xf32>,
      %mul3A_567 = arith.constant 20 : i32
      %mul3A_568 = arith.muli %scan3A_183, %mul3A_567 : i32
      %add3A_569 = arith.constant 9 : i32
      %add3A_570 = arith.addi %mul3A_568, %add3A_569 : i32
      %get3A_571 = arith.index_cast %add3A_570 : i32 to index
      %get3A_572 = arith.constant 0 : index
      %get3A_573 = tpu.vector_load %arg20[%get3A_571, %get3A_572] {strides = array<i32>} : memref<320x64xf32, #tpu.memory_space<vmem>>, vector<16xf32>,
      %mul3A_574 = arith.mulf %get3A_573, %get3A_187 : vector<16xf32>
      %get3A_575 = arith.index_cast %add3A_570 : i32 to index
      %get3A_576 = arith.constant 16 : index
      %get3A_577 = tpu.vector_load %arg20[%get3A_575, %get3A_576] {strides = array<i32>} : memref<320x64xf32, #tpu.memory_space<vmem>>, vector<16xf32>,
      %mul3A_578 = arith.mulf %get3A_577, %get3A_190 : vector<16xf32>
      %add3A_579 = arith.addf %mul3A_574, %mul3A_578 : vector<16xf32>
      %get3A_580 = arith.index_cast %add3A_570 : i32 to index
      %get3A_581 = arith.constant 32 : index
      %get3A_582 = tpu.vector_load %arg20[%get3A_580, %get3A_581] {strides = array<i32>} : memref<320x64xf32, #tpu.memory_space<vmem>>, vector<16xf32>,
      %mul3A_583 = arith.mulf %get3A_582, %get3A_193 : vector<16xf32>
      %add3A_584 = arith.addf %add3A_579, %mul3A_583 : vector<16xf32>
      %get3A_585 = arith.index_cast %add3A_570 : i32 to index
      %get3A_586 = arith.constant 48 : index
      %get3A_587 = tpu.vector_load %arg20[%get3A_585, %get3A_586] {strides = array<i32>} : memref<320x64xf32, #tpu.memory_space<vmem>>, vector<16xf32>,
      %mul3A_588 = arith.mulf %get3A_587, %get3A_196 : vector<16xf32>
      %add3A_589 = arith.addf %add3A_584, %mul3A_588 : vector<16xf32>
      %and3A_590 = arith.constant 15 : i32
      %and3A_591 = arith.andi %add3A_570, %and3A_590 : i32
      %eq3A_592 = vector.broadcast %and3A_591 : i32 to vector<16xi32>
      %eq3A_593 = arith.cmpi eq, %iota3A, %eq3A_592 : vector<16xi32>
      %reduce_sum3A_594 = arith.constant true
      %reduce_sum3A_595 = vector.broadcast %reduce_sum3A_594 : i1 to vector<16xi1>
      %reduce_sum3A_596 = tpu.scan <sum>, %add3A_589 masked %reduce_sum3A_595 : vector<16xf32>, vector<16xi1> -> vector<16xf32>
      %reduce_sum3A_597 = vector.extract %reduce_sum3A_596[15] : f32 from vector<16xf32>
      %broadcast_in_dim3A_598 = vector.broadcast %reduce_sum3A_597 : f32 to vector<16xf32>
      %select_n3A_599 = arith.select %eq3A_593, %broadcast_in_dim3A_598, %select_n3A_561 : vector<16xi1>, vector<16xf32>
      %add3A_600 = arith.constant 9920 : i32
      %add3A_601 = arith.addi %add3A_600, %add3A_570 : i32
      %sub3A_602 = arith.subi %add3A_601, %and3A_591 : i32
      %swap3A_603 = arith.index_cast %sub3A_602 : i32 to index
      %swap3A_604 = tpu.vector_load %arg24[%swap3A_603] {strides = array<i32>} : memref<10240xf32, #tpu.memory_space<vmem>>, vector<16xf32>,
      tpu.vector_store %arg24[%swap3A_603], %select_n3A_599 {strides = array<i32>} : memref<10240xf32, #tpu.memory_space<vmem>>, vector<16xf32>,
      %mul3A_605 = arith.constant 20 : i32
      %mul3A_606 = arith.muli %scan3A_183, %mul3A_605 : i32
      %add3A_607 = arith.constant 10 : i32
      %add3A_608 = arith.addi %mul3A_606, %add3A_607 : i32
      %get3A_609 = arith.index_cast %add3A_608 : i32 to index
      %get3A_610 = arith.constant 0 : index
      %get3A_611 = tpu.vector_load %arg20[%get3A_609, %get3A_610] {strides = array<i32>} : memref<320x64xf32, #tpu.memory_space<vmem>>, vector<16xf32>,
      %mul3A_612 = arith.mulf %get3A_611, %get3A_187 : vector<16xf32>
      %get3A_613 = arith.index_cast %add3A_608 : i32 to index
      %get3A_614 = arith.constant 16 : index
      %get3A_615 = tpu.vector_load %arg20[%get3A_613, %get3A_614] {strides = array<i32>} : memref<320x64xf32, #tpu.memory_space<vmem>>, vector<16xf32>,
      %mul3A_616 = arith.mulf %get3A_615, %get3A_190 : vector<16xf32>
      %add3A_617 = arith.addf %mul3A_612, %mul3A_616 : vector<16xf32>
      %get3A_618 = arith.index_cast %add3A_608 : i32 to index
      %get3A_619 = arith.constant 32 : index
      %get3A_620 = tpu.vector_load %arg20[%get3A_618, %get3A_619] {strides = array<i32>} : memref<320x64xf32, #tpu.memory_space<vmem>>, vector<16xf32>,
      %mul3A_621 = arith.mulf %get3A_620, %get3A_193 : vector<16xf32>
      %add3A_622 = arith.addf %add3A_617, %mul3A_621 : vector<16xf32>
      %get3A_623 = arith.index_cast %add3A_608 : i32 to index
      %get3A_624 = arith.constant 48 : index
      %get3A_625 = tpu.vector_load %arg20[%get3A_623, %get3A_624] {strides = array<i32>} : memref<320x64xf32, #tpu.memory_space<vmem>>, vector<16xf32>,
      %mul3A_626 = arith.mulf %get3A_625, %get3A_196 : vector<16xf32>
      %add3A_627 = arith.addf %add3A_622, %mul3A_626 : vector<16xf32>
      %and3A_628 = arith.constant 15 : i32
      %and3A_629 = arith.andi %add3A_608, %and3A_628 : i32
      %eq3A_630 = vector.broadcast %and3A_629 : i32 to vector<16xi32>
      %eq3A_631 = arith.cmpi eq, %iota3A, %eq3A_630 : vector<16xi32>
      %reduce_sum3A_632 = arith.constant true
      %reduce_sum3A_633 = vector.broadcast %reduce_sum3A_632 : i1 to vector<16xi1>
      %reduce_sum3A_634 = tpu.scan <sum>, %add3A_627 masked %reduce_sum3A_633 : vector<16xf32>, vector<16xi1> -> vector<16xf32>
      %reduce_sum3A_635 = vector.extract %reduce_sum3A_634[15] : f32 from vector<16xf32>
      %broadcast_in_dim3A_636 = vector.broadcast %reduce_sum3A_635 : f32 to vector<16xf32>
      %select_n3A_637 = arith.select %eq3A_631, %broadcast_in_dim3A_636, %select_n3A_599 : vector<16xi1>, vector<16xf32>
      %add3A_638 = arith.constant 9920 : i32
      %add3A_639 = arith.addi %add3A_638, %add3A_608 : i32
      %sub3A_640 = arith.subi %add3A_639, %and3A_629 : i32
      %swap3A_641 = arith.index_cast %sub3A_640 : i32 to index
      %swap3A_642 = tpu.vector_load %arg24[%swap3A_641] {strides = array<i32>} : memref<10240xf32, #tpu.memory_space<vmem>>, vector<16xf32>,
      tpu.vector_store %arg24[%swap3A_641], %select_n3A_637 {strides = array<i32>} : memref<10240xf32, #tpu.memory_space<vmem>>, vector<16xf32>,
      %mul3A_643 = arith.constant 20 : i32
      %mul3A_644 = arith.muli %scan3A_183, %mul3A_643 : i32
      %add3A_645 = arith.constant 11 : i32
      %add3A_646 = arith.addi %mul3A_644, %add3A_645 : i32
      %get3A_647 = arith.index_cast %add3A_646 : i32 to index
      %get3A_648 = arith.constant 0 : index
      %get3A_649 = tpu.vector_load %arg20[%get3A_647, %get3A_648] {strides = array<i32>} : memref<320x64xf32, #tpu.memory_space<vmem>>, vector<16xf32>,
      %mul3A_650 = arith.mulf %get3A_649, %get3A_187 : vector<16xf32>
      %get3A_651 = arith.index_cast %add3A_646 : i32 to index
      %get3A_652 = arith.constant 16 : index
      %get3A_653 = tpu.vector_load %arg20[%get3A_651, %get3A_652] {strides = array<i32>} : memref<320x64xf32, #tpu.memory_space<vmem>>, vector<16xf32>,
      %mul3A_654 = arith.mulf %get3A_653, %get3A_190 : vector<16xf32>
      %add3A_655 = arith.addf %mul3A_650, %mul3A_654 : vector<16xf32>
      %get3A_656 = arith.index_cast %add3A_646 : i32 to index
      %get3A_657 = arith.constant 32 : index
      %get3A_658 = tpu.vector_load %arg20[%get3A_656, %get3A_657] {strides = array<i32>} : memref<320x64xf32, #tpu.memory_space<vmem>>, vector<16xf32>,
      %mul3A_659 = arith.mulf %get3A_658, %get3A_193 : vector<16xf32>
      %add3A_660 = arith.addf %add3A_655, %mul3A_659 : vector<16xf32>
      %get3A_661 = arith.index_cast %add3A_646 : i32 to index
      %get3A_662 = arith.constant 48 : index
      %get3A_663 = tpu.vector_load %arg20[%get3A_661, %get3A_662] {strides = array<i32>} : memref<320x64xf32, #tpu.memory_space<vmem>>, vector<16xf32>,
      %mul3A_664 = arith.mulf %get3A_663, %get3A_196 : vector<16xf32>
      %add3A_665 = arith.addf %add3A_660, %mul3A_664 : vector<16xf32>
      %and3A_666 = arith.constant 15 : i32
      %and3A_667 = arith.andi %add3A_646, %and3A_666 : i32
      %eq3A_668 = vector.broadcast %and3A_667 : i32 to vector<16xi32>
      %eq3A_669 = arith.cmpi eq, %iota3A, %eq3A_668 : vector<16xi32>
      %reduce_sum3A_670 = arith.constant true
      %reduce_sum3A_671 = vector.broadcast %reduce_sum3A_670 : i1 to vector<16xi1>
      %reduce_sum3A_672 = tpu.scan <sum>, %add3A_665 masked %reduce_sum3A_671 : vector<16xf32>, vector<16xi1> -> vector<16xf32>
      %reduce_sum3A_673 = vector.extract %reduce_sum3A_672[15] : f32 from vector<16xf32>
      %broadcast_in_dim3A_674 = vector.broadcast %reduce_sum3A_673 : f32 to vector<16xf32>
      %select_n3A_675 = arith.select %eq3A_669, %broadcast_in_dim3A_674, %select_n3A_637 : vector<16xi1>, vector<16xf32>
      %add3A_676 = arith.constant 9920 : i32
      %add3A_677 = arith.addi %add3A_676, %add3A_646 : i32
      %sub3A_678 = arith.subi %add3A_677, %and3A_667 : i32
      %swap3A_679 = arith.index_cast %sub3A_678 : i32 to index
      %swap3A_680 = tpu.vector_load %arg24[%swap3A_679] {strides = array<i32>} : memref<10240xf32, #tpu.memory_space<vmem>>, vector<16xf32>,
      tpu.vector_store %arg24[%swap3A_679], %select_n3A_675 {strides = array<i32>} : memref<10240xf32, #tpu.memory_space<vmem>>, vector<16xf32>,
      %mul3A_681 = arith.constant 20 : i32
      %mul3A_682 = arith.muli %scan3A_183, %mul3A_681 : i32
      %add3A_683 = arith.constant 12 : i32
      %add3A_684 = arith.addi %mul3A_682, %add3A_683 : i32
      %get3A_685 = arith.index_cast %add3A_684 : i32 to index
      %get3A_686 = arith.constant 0 : index
      %get3A_687 = tpu.vector_load %arg20[%get3A_685, %get3A_686] {strides = array<i32>} : memref<320x64xf32, #tpu.memory_space<vmem>>, vector<16xf32>,
      %mul3A_688 = arith.mulf %get3A_687, %get3A_187 : vector<16xf32>
      %get3A_689 = arith.index_cast %add3A_684 : i32 to index
      %get3A_690 = arith.constant 16 : index
      %get3A_691 = tpu.vector_load %arg20[%get3A_689, %get3A_690] {strides = array<i32>} : memref<320x64xf32, #tpu.memory_space<vmem>>, vector<16xf32>,
      %mul3A_692 = arith.mulf %get3A_691, %get3A_190 : vector<16xf32>
      %add3A_693 = arith.addf %mul3A_688, %mul3A_692 : vector<16xf32>
      %get3A_694 = arith.index_cast %add3A_684 : i32 to index
      %get3A_695 = arith.constant 32 : index
      %get3A_696 = tpu.vector_load %arg20[%get3A_694, %get3A_695] {strides = array<i32>} : memref<320x64xf32, #tpu.memory_space<vmem>>, vector<16xf32>,
      %mul3A_697 = arith.mulf %get3A_696, %get3A_193 : vector<16xf32>
      %add3A_698 = arith.addf %add3A_693, %mul3A_697 : vector<16xf32>
      %get3A_699 = arith.index_cast %add3A_684 : i32 to index
      %get3A_700 = arith.constant 48 : index
      %get3A_701 = tpu.vector_load %arg20[%get3A_699, %get3A_700] {strides = array<i32>} : memref<320x64xf32, #tpu.memory_space<vmem>>, vector<16xf32>,
      %mul3A_702 = arith.mulf %get3A_701, %get3A_196 : vector<16xf32>
      %add3A_703 = arith.addf %add3A_698, %mul3A_702 : vector<16xf32>
      %and3A_704 = arith.constant 15 : i32
      %and3A_705 = arith.andi %add3A_684, %and3A_704 : i32
      %eq3A_706 = vector.broadcast %and3A_705 : i32 to vector<16xi32>
      %eq3A_707 = arith.cmpi eq, %iota3A, %eq3A_706 : vector<16xi32>
      %reduce_sum3A_708 = arith.constant true
      %reduce_sum3A_709 = vector.broadcast %reduce_sum3A_708 : i1 to vector<16xi1>
      %reduce_sum3A_710 = tpu.scan <sum>, %add3A_703 masked %reduce_sum3A_709 : vector<16xf32>, vector<16xi1> -> vector<16xf32>
      %reduce_sum3A_711 = vector.extract %reduce_sum3A_710[15] : f32 from vector<16xf32>
      %broadcast_in_dim3A_712 = vector.broadcast %reduce_sum3A_711 : f32 to vector<16xf32>
      %select_n3A_713 = arith.select %eq3A_707, %broadcast_in_dim3A_712, %select_n3A_675 : vector<16xi1>, vector<16xf32>
      %add3A_714 = arith.constant 9920 : i32
      %add3A_715 = arith.addi %add3A_714, %add3A_684 : i32
      %sub3A_716 = arith.subi %add3A_715, %and3A_705 : i32
      %swap3A_717 = arith.index_cast %sub3A_716 : i32 to index
      %swap3A_718 = tpu.vector_load %arg24[%swap3A_717] {strides = array<i32>} : memref<10240xf32, #tpu.memory_space<vmem>>, vector<16xf32>,
      tpu.vector_store %arg24[%swap3A_717], %select_n3A_713 {strides = array<i32>} : memref<10240xf32, #tpu.memory_space<vmem>>, vector<16xf32>,
      %mul3A_719 = arith.constant 20 : i32
      %mul3A_720 = arith.muli %scan3A_183, %mul3A_719 : i32
      %add3A_721 = arith.constant 13 : i32
      %add3A_722 = arith.addi %mul3A_720, %add3A_721 : i32
      %get3A_723 = arith.index_cast %add3A_722 : i32 to index
      %get3A_724 = arith.constant 0 : index
      %get3A_725 = tpu.vector_load %arg20[%get3A_723, %get3A_724] {strides = array<i32>} : memref<320x64xf32, #tpu.memory_space<vmem>>, vector<16xf32>,
      %mul3A_726 = arith.mulf %get3A_725, %get3A_187 : vector<16xf32>
      %get3A_727 = arith.index_cast %add3A_722 : i32 to index
      %get3A_728 = arith.constant 16 : index
      %get3A_729 = tpu.vector_load %arg20[%get3A_727, %get3A_728] {strides = array<i32>} : memref<320x64xf32, #tpu.memory_space<vmem>>, vector<16xf32>,
      %mul3A_730 = arith.mulf %get3A_729, %get3A_190 : vector<16xf32>
      %add3A_731 = arith.addf %mul3A_726, %mul3A_730 : vector<16xf32>
      %get3A_732 = arith.index_cast %add3A_722 : i32 to index
      %get3A_733 = arith.constant 32 : index
      %get3A_734 = tpu.vector_load %arg20[%get3A_732, %get3A_733] {strides = array<i32>} : memref<320x64xf32, #tpu.memory_space<vmem>>, vector<16xf32>,
      %mul3A_735 = arith.mulf %get3A_734, %get3A_193 : vector<16xf32>
      %add3A_736 = arith.addf %add3A_731, %mul3A_735 : vector<16xf32>
      %get3A_737 = arith.index_cast %add3A_722 : i32 to index
      %get3A_738 = arith.constant 48 : index
      %get3A_739 = tpu.vector_load %arg20[%get3A_737, %get3A_738] {strides = array<i32>} : memref<320x64xf32, #tpu.memory_space<vmem>>, vector<16xf32>,
      %mul3A_740 = arith.mulf %get3A_739, %get3A_196 : vector<16xf32>
      %add3A_741 = arith.addf %add3A_736, %mul3A_740 : vector<16xf32>
      %and3A_742 = arith.constant 15 : i32
      %and3A_743 = arith.andi %add3A_722, %and3A_742 : i32
      %eq3A_744 = vector.broadcast %and3A_743 : i32 to vector<16xi32>
      %eq3A_745 = arith.cmpi eq, %iota3A, %eq3A_744 : vector<16xi32>
      %reduce_sum3A_746 = arith.constant true
      %reduce_sum3A_747 = vector.broadcast %reduce_sum3A_746 : i1 to vector<16xi1>
      %reduce_sum3A_748 = tpu.scan <sum>, %add3A_741 masked %reduce_sum3A_747 : vector<16xf32>, vector<16xi1> -> vector<16xf32>
      %reduce_sum3A_749 = vector.extract %reduce_sum3A_748[15] : f32 from vector<16xf32>
      %broadcast_in_dim3A_750 = vector.broadcast %reduce_sum3A_749 : f32 to vector<16xf32>
      %select_n3A_751 = arith.select %eq3A_745, %broadcast_in_dim3A_750, %select_n3A_713 : vector<16xi1>, vector<16xf32>
      %add3A_752 = arith.constant 9920 : i32
      %add3A_753 = arith.addi %add3A_752, %add3A_722 : i32
      %sub3A_754 = arith.subi %add3A_753, %and3A_743 : i32
      %swap3A_755 = arith.index_cast %sub3A_754 : i32 to index
      %swap3A_756 = tpu.vector_load %arg24[%swap3A_755] {strides = array<i32>} : memref<10240xf32, #tpu.memory_space<vmem>>, vector<16xf32>,
      tpu.vector_store %arg24[%swap3A_755], %select_n3A_751 {strides = array<i32>} : memref<10240xf32, #tpu.memory_space<vmem>>, vector<16xf32>,
      %mul3A_757 = arith.constant 20 : i32
      %mul3A_758 = arith.muli %scan3A_183, %mul3A_757 : i32
      %add3A_759 = arith.constant 14 : i32
      %add3A_760 = arith.addi %mul3A_758, %add3A_759 : i32
      %get3A_761 = arith.index_cast %add3A_760 : i32 to index
      %get3A_762 = arith.constant 0 : index
      %get3A_763 = tpu.vector_load %arg20[%get3A_761, %get3A_762] {strides = array<i32>} : memref<320x64xf32, #tpu.memory_space<vmem>>, vector<16xf32>,
      %mul3A_764 = arith.mulf %get3A_763, %get3A_187 : vector<16xf32>
      %get3A_765 = arith.index_cast %add3A_760 : i32 to index
      %get3A_766 = arith.constant 16 : index
      %get3A_767 = tpu.vector_load %arg20[%get3A_765, %get3A_766] {strides = array<i32>} : memref<320x64xf32, #tpu.memory_space<vmem>>, vector<16xf32>,
      %mul3A_768 = arith.mulf %get3A_767, %get3A_190 : vector<16xf32>
      %add3A_769 = arith.addf %mul3A_764, %mul3A_768 : vector<16xf32>
      %get3A_770 = arith.index_cast %add3A_760 : i32 to index
      %get3A_771 = arith.constant 32 : index
      %get3A_772 = tpu.vector_load %arg20[%get3A_770, %get3A_771] {strides = array<i32>} : memref<320x64xf32, #tpu.memory_space<vmem>>, vector<16xf32>,
      %mul3A_773 = arith.mulf %get3A_772, %get3A_193 : vector<16xf32>
      %add3A_774 = arith.addf %add3A_769, %mul3A_773 : vector<16xf32>
      %get3A_775 = arith.index_cast %add3A_760 : i32 to index
      %get3A_776 = arith.constant 48 : index
      %get3A_777 = tpu.vector_load %arg20[%get3A_775, %get3A_776] {strides = array<i32>} : memref<320x64xf32, #tpu.memory_space<vmem>>, vector<16xf32>,
      %mul3A_778 = arith.mulf %get3A_777, %get3A_196 : vector<16xf32>
      %add3A_779 = arith.addf %add3A_774, %mul3A_778 : vector<16xf32>
      %and3A_780 = arith.constant 15 : i32
      %and3A_781 = arith.andi %add3A_760, %and3A_780 : i32
      %eq3A_782 = vector.broadcast %and3A_781 : i32 to vector<16xi32>
      %eq3A_783 = arith.cmpi eq, %iota3A, %eq3A_782 : vector<16xi32>
      %reduce_sum3A_784 = arith.constant true
      %reduce_sum3A_785 = vector.broadcast %reduce_sum3A_784 : i1 to vector<16xi1>
      %reduce_sum3A_786 = tpu.scan <sum>, %add3A_779 masked %reduce_sum3A_785 : vector<16xf32>, vector<16xi1> -> vector<16xf32>
      %reduce_sum3A_787 = vector.extract %reduce_sum3A_786[15] : f32 from vector<16xf32>
      %broadcast_in_dim3A_788 = vector.broadcast %reduce_sum3A_787 : f32 to vector<16xf32>
      %select_n3A_789 = arith.select %eq3A_783, %broadcast_in_dim3A_788, %select_n3A_751 : vector<16xi1>, vector<16xf32>
      %add3A_790 = arith.constant 9920 : i32
      %add3A_791 = arith.addi %add3A_790, %add3A_760 : i32
      %sub3A_792 = arith.subi %add3A_791, %and3A_781 : i32
      %swap3A_793 = arith.index_cast %sub3A_792 : i32 to index
      %swap3A_794 = tpu.vector_load %arg24[%swap3A_793] {strides = array<i32>} : memref<10240xf32, #tpu.memory_space<vmem>>, vector<16xf32>,
      tpu.vector_store %arg24[%swap3A_793], %select_n3A_789 {strides = array<i32>} : memref<10240xf32, #tpu.memory_space<vmem>>, vector<16xf32>,
      %mul3A_795 = arith.constant 20 : i32
      %mul3A_796 = arith.muli %scan3A_183, %mul3A_795 : i32
      %add3A_797 = arith.constant 15 : i32
      %add3A_798 = arith.addi %mul3A_796, %add3A_797 : i32
      %get3A_799 = arith.index_cast %add3A_798 : i32 to index
      %get3A_800 = arith.constant 0 : index
      %get3A_801 = tpu.vector_load %arg20[%get3A_799, %get3A_800] {strides = array<i32>} : memref<320x64xf32, #tpu.memory_space<vmem>>, vector<16xf32>,
      %mul3A_802 = arith.mulf %get3A_801, %get3A_187 : vector<16xf32>
      %get3A_803 = arith.index_cast %add3A_798 : i32 to index
      %get3A_804 = arith.constant 16 : index
      %get3A_805 = tpu.vector_load %arg20[%get3A_803, %get3A_804] {strides = array<i32>} : memref<320x64xf32, #tpu.memory_space<vmem>>, vector<16xf32>,
      %mul3A_806 = arith.mulf %get3A_805, %get3A_190 : vector<16xf32>
      %add3A_807 = arith.addf %mul3A_802, %mul3A_806 : vector<16xf32>
      %get3A_808 = arith.index_cast %add3A_798 : i32 to index
      %get3A_809 = arith.constant 32 : index
      %get3A_810 = tpu.vector_load %arg20[%get3A_808, %get3A_809] {strides = array<i32>} : memref<320x64xf32, #tpu.memory_space<vmem>>, vector<16xf32>,
      %mul3A_811 = arith.mulf %get3A_810, %get3A_193 : vector<16xf32>
      %add3A_812 = arith.addf %add3A_807, %mul3A_811 : vector<16xf32>
      %get3A_813 = arith.index_cast %add3A_798 : i32 to index
      %get3A_814 = arith.constant 48 : index
      %get3A_815 = tpu.vector_load %arg20[%get3A_813, %get3A_814] {strides = array<i32>} : memref<320x64xf32, #tpu.memory_space<vmem>>, vector<16xf32>,
      %mul3A_816 = arith.mulf %get3A_815, %get3A_196 : vector<16xf32>
      %add3A_817 = arith.addf %add3A_812, %mul3A_816 : vector<16xf32>
      %and3A_818 = arith.constant 15 : i32
      %and3A_819 = arith.andi %add3A_798, %and3A_818 : i32
      %eq3A_820 = vector.broadcast %and3A_819 : i32 to vector<16xi32>
      %eq3A_821 = arith.cmpi eq, %iota3A, %eq3A_820 : vector<16xi32>
      %reduce_sum3A_822 = arith.constant true
      %reduce_sum3A_823 = vector.broadcast %reduce_sum3A_822 : i1 to vector<16xi1>
      %reduce_sum3A_824 = tpu.scan <sum>, %add3A_817 masked %reduce_sum3A_823 : vector<16xf32>, vector<16xi1> -> vector<16xf32>
      %reduce_sum3A_825 = vector.extract %reduce_sum3A_824[15] : f32 from vector<16xf32>
      %broadcast_in_dim3A_826 = vector.broadcast %reduce_sum3A_825 : f32 to vector<16xf32>
      %select_n3A_827 = arith.select %eq3A_821, %broadcast_in_dim3A_826, %select_n3A_789 : vector<16xi1>, vector<16xf32>
      %add3A_828 = arith.constant 9920 : i32
      %add3A_829 = arith.addi %add3A_828, %add3A_798 : i32
      %sub3A_830 = arith.subi %add3A_829, %and3A_819 : i32
      %swap3A_831 = arith.index_cast %sub3A_830 : i32 to index
      %swap3A_832 = tpu.vector_load %arg24[%swap3A_831] {strides = array<i32>} : memref<10240xf32, #tpu.memory_space<vmem>>, vector<16xf32>,
      tpu.vector_store %arg24[%swap3A_831], %select_n3A_827 {strides = array<i32>} : memref<10240xf32, #tpu.memory_space<vmem>>, vector<16xf32>,
      %mul3A_833 = arith.constant 20 : i32
      %mul3A_834 = arith.muli %scan3A_183, %mul3A_833 : i32
      %add3A_835 = arith.constant 16 : i32
      %add3A_836 = arith.addi %mul3A_834, %add3A_835 : i32
      %get3A_837 = arith.index_cast %add3A_836 : i32 to index
      %get3A_838 = arith.constant 0 : index
      %get3A_839 = tpu.vector_load %arg20[%get3A_837, %get3A_838] {strides = array<i32>} : memref<320x64xf32, #tpu.memory_space<vmem>>, vector<16xf32>,
      %mul3A_840 = arith.mulf %get3A_839, %get3A_187 : vector<16xf32>
      %get3A_841 = arith.index_cast %add3A_836 : i32 to index
      %get3A_842 = arith.constant 16 : index
      %get3A_843 = tpu.vector_load %arg20[%get3A_841, %get3A_842] {strides = array<i32>} : memref<320x64xf32, #tpu.memory_space<vmem>>, vector<16xf32>,
      %mul3A_844 = arith.mulf %get3A_843, %get3A_190 : vector<16xf32>
      %add3A_845 = arith.addf %mul3A_840, %mul3A_844 : vector<16xf32>
      %get3A_846 = arith.index_cast %add3A_836 : i32 to index
      %get3A_847 = arith.constant 32 : index
      %get3A_848 = tpu.vector_load %arg20[%get3A_846, %get3A_847] {strides = array<i32>} : memref<320x64xf32, #tpu.memory_space<vmem>>, vector<16xf32>,
      %mul3A_849 = arith.mulf %get3A_848, %get3A_193 : vector<16xf32>
      %add3A_850 = arith.addf %add3A_845, %mul3A_849 : vector<16xf32>
      %get3A_851 = arith.index_cast %add3A_836 : i32 to index
      %get3A_852 = arith.constant 48 : index
      %get3A_853 = tpu.vector_load %arg20[%get3A_851, %get3A_852] {strides = array<i32>} : memref<320x64xf32, #tpu.memory_space<vmem>>, vector<16xf32>,
      %mul3A_854 = arith.mulf %get3A_853, %get3A_196 : vector<16xf32>
      %add3A_855 = arith.addf %add3A_850, %mul3A_854 : vector<16xf32>
      %and3A_856 = arith.constant 15 : i32
      %and3A_857 = arith.andi %add3A_836, %and3A_856 : i32
      %eq3A_858 = vector.broadcast %and3A_857 : i32 to vector<16xi32>
      %eq3A_859 = arith.cmpi eq, %iota3A, %eq3A_858 : vector<16xi32>
      %reduce_sum3A_860 = arith.constant true
      %reduce_sum3A_861 = vector.broadcast %reduce_sum3A_860 : i1 to vector<16xi1>
      %reduce_sum3A_862 = tpu.scan <sum>, %add3A_855 masked %reduce_sum3A_861 : vector<16xf32>, vector<16xi1> -> vector<16xf32>
      %reduce_sum3A_863 = vector.extract %reduce_sum3A_862[15] : f32 from vector<16xf32>
      %broadcast_in_dim3A_864 = vector.broadcast %reduce_sum3A_863 : f32 to vector<16xf32>
      %select_n3A_865 = arith.select %eq3A_859, %broadcast_in_dim3A_864, %select_n3A_827 : vector<16xi1>, vector<16xf32>
      %add3A_866 = arith.constant 9920 : i32
      %add3A_867 = arith.addi %add3A_866, %add3A_836 : i32
      %sub3A_868 = arith.subi %add3A_867, %and3A_857 : i32
      %swap3A_869 = arith.index_cast %sub3A_868 : i32 to index
      %swap3A_870 = tpu.vector_load %arg24[%swap3A_869] {strides = array<i32>} : memref<10240xf32, #tpu.memory_space<vmem>>, vector<16xf32>,
      tpu.vector_store %arg24[%swap3A_869], %select_n3A_865 {strides = array<i32>} : memref<10240xf32, #tpu.memory_space<vmem>>, vector<16xf32>,
      %mul3A_871 = arith.constant 20 : i32
      %mul3A_872 = arith.muli %scan3A_183, %mul3A_871 : i32
      %add3A_873 = arith.constant 17 : i32
      %add3A_874 = arith.addi %mul3A_872, %add3A_873 : i32
      %get3A_875 = arith.index_cast %add3A_874 : i32 to index
      %get3A_876 = arith.constant 0 : index
      %get3A_877 = tpu.vector_load %arg20[%get3A_875, %get3A_876] {strides = array<i32>} : memref<320x64xf32, #tpu.memory_space<vmem>>, vector<16xf32>,
      %mul3A_878 = arith.mulf %get3A_877, %get3A_187 : vector<16xf32>
      %get3A_879 = arith.index_cast %add3A_874 : i32 to index
      %get3A_880 = arith.constant 16 : index
      %get3A_881 = tpu.vector_load %arg20[%get3A_879, %get3A_880] {strides = array<i32>} : memref<320x64xf32, #tpu.memory_space<vmem>>, vector<16xf32>,
      %mul3A_882 = arith.mulf %get3A_881, %get3A_190 : vector<16xf32>
      %add3A_883 = arith.addf %mul3A_878, %mul3A_882 : vector<16xf32>
      %get3A_884 = arith.index_cast %add3A_874 : i32 to index
      %get3A_885 = arith.constant 32 : index
      %get3A_886 = tpu.vector_load %arg20[%get3A_884, %get3A_885] {strides = array<i32>} : memref<320x64xf32, #tpu.memory_space<vmem>>, vector<16xf32>,
      %mul3A_887 = arith.mulf %get3A_886, %get3A_193 : vector<16xf32>
      %add3A_888 = arith.addf %add3A_883, %mul3A_887 : vector<16xf32>
      %get3A_889 = arith.index_cast %add3A_874 : i32 to index
      %get3A_890 = arith.constant 48 : index
      %get3A_891 = tpu.vector_load %arg20[%get3A_889, %get3A_890] {strides = array<i32>} : memref<320x64xf32, #tpu.memory_space<vmem>>, vector<16xf32>,
      %mul3A_892 = arith.mulf %get3A_891, %get3A_196 : vector<16xf32>
      %add3A_893 = arith.addf %add3A_888, %mul3A_892 : vector<16xf32>
      %and3A_894 = arith.constant 15 : i32
      %and3A_895 = arith.andi %add3A_874, %and3A_894 : i32
      %eq3A_896 = vector.broadcast %and3A_895 : i32 to vector<16xi32>
      %eq3A_897 = arith.cmpi eq, %iota3A, %eq3A_896 : vector<16xi32>
      %reduce_sum3A_898 = arith.constant true
      %reduce_sum3A_899 = vector.broadcast %reduce_sum3A_898 : i1 to vector<16xi1>
      %reduce_sum3A_900 = tpu.scan <sum>, %add3A_893 masked %reduce_sum3A_899 : vector<16xf32>, vector<16xi1> -> vector<16xf32>
      %reduce_sum3A_901 = vector.extract %reduce_sum3A_900[15] : f32 from vector<16xf32>
      %broadcast_in_dim3A_902 = vector.broadcast %reduce_sum3A_901 : f32 to vector<16xf32>
      %select_n3A_903 = arith.select %eq3A_897, %broadcast_in_dim3A_902, %select_n3A_865 : vector<16xi1>, vector<16xf32>
      %add3A_904 = arith.constant 9920 : i32
      %add3A_905 = arith.addi %add3A_904, %add3A_874 : i32
      %sub3A_906 = arith.subi %add3A_905, %and3A_895 : i32
      %swap3A_907 = arith.index_cast %sub3A_906 : i32 to index
      %swap3A_908 = tpu.vector_load %arg24[%swap3A_907] {strides = array<i32>} : memref<10240xf32, #tpu.memory_space<vmem>>, vector<16xf32>,
      tpu.vector_store %arg24[%swap3A_907], %select_n3A_903 {strides = array<i32>} : memref<10240xf32, #tpu.memory_space<vmem>>, vector<16xf32>,
      %mul3A_909 = arith.constant 20 : i32
      %mul3A_910 = arith.muli %scan3A_183, %mul3A_909 : i32
      %add3A_911 = arith.constant 18 : i32
      %add3A_912 = arith.addi %mul3A_910, %add3A_911 : i32
      %get3A_913 = arith.index_cast %add3A_912 : i32 to index
      %get3A_914 = arith.constant 0 : index
      %get3A_915 = tpu.vector_load %arg20[%get3A_913, %get3A_914] {strides = array<i32>} : memref<320x64xf32, #tpu.memory_space<vmem>>, vector<16xf32>,
      %mul3A_916 = arith.mulf %get3A_915, %get3A_187 : vector<16xf32>
      %get3A_917 = arith.index_cast %add3A_912 : i32 to index
      %get3A_918 = arith.constant 16 : index
      %get3A_919 = tpu.vector_load %arg20[%get3A_917, %get3A_918] {strides = array<i32>} : memref<320x64xf32, #tpu.memory_space<vmem>>, vector<16xf32>,
      %mul3A_920 = arith.mulf %get3A_919, %get3A_190 : vector<16xf32>
      %add3A_921 = arith.addf %mul3A_916, %mul3A_920 : vector<16xf32>
      %get3A_922 = arith.index_cast %add3A_912 : i32 to index
      %get3A_923 = arith.constant 32 : index
      %get3A_924 = tpu.vector_load %arg20[%get3A_922, %get3A_923] {strides = array<i32>} : memref<320x64xf32, #tpu.memory_space<vmem>>, vector<16xf32>,
      %mul3A_925 = arith.mulf %get3A_924, %get3A_193 : vector<16xf32>
      %add3A_926 = arith.addf %add3A_921, %mul3A_925 : vector<16xf32>
      %get3A_927 = arith.index_cast %add3A_912 : i32 to index
      %get3A_928 = arith.constant 48 : index
      %get3A_929 = tpu.vector_load %arg20[%get3A_927, %get3A_928] {strides = array<i32>} : memref<320x64xf32, #tpu.memory_space<vmem>>, vector<16xf32>,
      %mul3A_930 = arith.mulf %get3A_929, %get3A_196 : vector<16xf32>
      %add3A_931 = arith.addf %add3A_926, %mul3A_930 : vector<16xf32>
      %and3A_932 = arith.constant 15 : i32
      %and3A_933 = arith.andi %add3A_912, %and3A_932 : i32
      %eq3A_934 = vector.broadcast %and3A_933 : i32 to vector<16xi32>
      %eq3A_935 = arith.cmpi eq, %iota3A, %eq3A_934 : vector<16xi32>
      %reduce_sum3A_936 = arith.constant true
      %reduce_sum3A_937 = vector.broadcast %reduce_sum3A_936 : i1 to vector<16xi1>
      %reduce_sum3A_938 = tpu.scan <sum>, %add3A_931 masked %reduce_sum3A_937 : vector<16xf32>, vector<16xi1> -> vector<16xf32>
      %reduce_sum3A_939 = vector.extract %reduce_sum3A_938[15] : f32 from vector<16xf32>
      %broadcast_in_dim3A_940 = vector.broadcast %reduce_sum3A_939 : f32 to vector<16xf32>
      %select_n3A_941 = arith.select %eq3A_935, %broadcast_in_dim3A_940, %select_n3A_903 : vector<16xi1>, vector<16xf32>
      %add3A_942 = arith.constant 9920 : i32
      %add3A_943 = arith.addi %add3A_942, %add3A_912 : i32
      %sub3A_944 = arith.subi %add3A_943, %and3A_933 : i32
      %swap3A_945 = arith.index_cast %sub3A_944 : i32 to index
      %swap3A_946 = tpu.vector_load %arg24[%swap3A_945] {strides = array<i32>} : memref<10240xf32, #tpu.memory_space<vmem>>, vector<16xf32>,
      tpu.vector_store %arg24[%swap3A_945], %select_n3A_941 {strides = array<i32>} : memref<10240xf32, #tpu.memory_space<vmem>>, vector<16xf32>,
      %mul3A_947 = arith.constant 20 : i32
      %mul3A_948 = arith.muli %scan3A_183, %mul3A_947 : i32
      %add3A_949 = arith.constant 19 : i32
      %add3A_950 = arith.addi %mul3A_948, %add3A_949 : i32
      %get3A_951 = arith.index_cast %add3A_950 : i32 to index
      %get3A_952 = arith.constant 0 : index
      %get3A_953 = tpu.vector_load %arg20[%get3A_951, %get3A_952] {strides = array<i32>} : memref<320x64xf32, #tpu.memory_space<vmem>>, vector<16xf32>,
      %mul3A_954 = arith.mulf %get3A_953, %get3A_187 : vector<16xf32>
      %get3A_955 = arith.index_cast %add3A_950 : i32 to index
      %get3A_956 = arith.constant 16 : index
      %get3A_957 = tpu.vector_load %arg20[%get3A_955, %get3A_956] {strides = array<i32>} : memref<320x64xf32, #tpu.memory_space<vmem>>, vector<16xf32>,
      %mul3A_958 = arith.mulf %get3A_957, %get3A_190 : vector<16xf32>
      %add3A_959 = arith.addf %mul3A_954, %mul3A_958 : vector<16xf32>
      %get3A_960 = arith.index_cast %add3A_950 : i32 to index
      %get3A_961 = arith.constant 32 : index
      %get3A_962 = tpu.vector_load %arg20[%get3A_960, %get3A_961] {strides = array<i32>} : memref<320x64xf32, #tpu.memory_space<vmem>>, vector<16xf32>,
      %mul3A_963 = arith.mulf %get3A_962, %get3A_193 : vector<16xf32>
      %add3A_964 = arith.addf %add3A_959, %mul3A_963 : vector<16xf32>
      %get3A_965 = arith.index_cast %add3A_950 : i32 to index
      %get3A_966 = arith.constant 48 : index
      %get3A_967 = tpu.vector_load %arg20[%get3A_965, %get3A_966] {strides = array<i32>} : memref<320x64xf32, #tpu.memory_space<vmem>>, vector<16xf32>,
      %mul3A_968 = arith.mulf %get3A_967, %get3A_196 : vector<16xf32>
      %add3A_969 = arith.addf %add3A_964, %mul3A_968 : vector<16xf32>
      %and3A_970 = arith.constant 15 : i32
      %and3A_971 = arith.andi %add3A_950, %and3A_970 : i32
      %eq3A_972 = vector.broadcast %and3A_971 : i32 to vector<16xi32>
      %eq3A_973 = arith.cmpi eq, %iota3A, %eq3A_972 : vector<16xi32>
      %reduce_sum3A_974 = arith.constant true
      %reduce_sum3A_975 = vector.broadcast %reduce_sum3A_974 : i1 to vector<16xi1>
      %reduce_sum3A_976 = tpu.scan <sum>, %add3A_969 masked %reduce_sum3A_975 : vector<16xf32>, vector<16xi1> -> vector<16xf32>
      %reduce_sum3A_977 = vector.extract %reduce_sum3A_976[15] : f32 from vector<16xf32>
      %broadcast_in_dim3A_978 = vector.broadcast %reduce_sum3A_977 : f32 to vector<16xf32>
      %select_n3A_979 = arith.select %eq3A_973, %broadcast_in_dim3A_978, %select_n3A_941 : vector<16xi1>, vector<16xf32>
      %add3A_980 = arith.constant 9920 : i32
      %add3A_981 = arith.addi %add3A_980, %add3A_950 : i32
      %sub3A_982 = arith.subi %add3A_981, %and3A_971 : i32
      %swap3A_983 = arith.index_cast %sub3A_982 : i32 to index
      %swap3A_984 = tpu.vector_load %arg24[%swap3A_983] {strides = array<i32>} : memref<10240xf32, #tpu.memory_space<vmem>>, vector<16xf32>,
      tpu.vector_store %arg24[%swap3A_983], %select_n3A_979 {strides = array<i32>} : memref<10240xf32, #tpu.memory_space<vmem>>, vector<16xf32>,
      scf.yield %select_n3A_979, %select_n3A : vector<16xf32>, vector<16xf32>
    }
    %scan3A_170 = arith.constant 16 : i32
    %scan3A_171 = arith.constant 0 : i32
    %scan3A_172 = arith.constant 0 : i32
    %scan3A_173 = arith.constant 32 : i32
    %scan3A_174 = arith.addi %scan3A_172, %scan3A_173 : i32
    %scan3A_175 = arith.constant 1 : i32
    scf.for %scan3A_183 = %scan3A_172 to %scan3A_174 step %scan3A_175  : i32 {
      %mul3A_184 = arith.constant 16 : i32
      %mul3A_185 = arith.muli %scan3A_183, %mul3A_184 : i32
      %get3A = arith.index_cast %mul3A_185 : i32 to index
      %get3A_186 = tpu.vector_load %arg23[%get3A] {strides = array<i32>} : memref<512xf32, #tpu.memory_space<vmem>>, vector<16xf32>,
      %neg3A = arith.constant 0.000000e+00 : f32
      %neg3A_187 = vector.broadcast %neg3A : f32 to vector<16xf32>
      %neg3A_188 = arith.subf %neg3A_187, %get3A_186 : vector<16xf32>
      %exp3A = math.exp %neg3A_188 : vector<16xf32>
      %add3A_189 = arith.constant 1.000000e+00 : f32
      %add3A_190 = vector.broadcast %add3A_189 : f32 to vector<16xf32>
      %add3A_191 = arith.addf %add3A_190, %exp3A : vector<16xf32>
      %div3A = arith.constant 1.000000e+00 : f32
      %div3A_192 = vector.broadcast %div3A : f32 to vector<16xf32>
      %div3A_193 = arith.divf %div3A_192, %add3A_191 : vector<16xf32>
      %mul3A_194 = arith.constant 16 : i32
      %mul3A_195 = arith.muli %scan3A_183, %mul3A_194 : i32
      %swap3A = arith.index_cast %mul3A_195 : i32 to index
      %swap3A_196 = tpu.vector_load %arg23[%swap3A] {strides = array<i32>} : memref<512xf32, #tpu.memory_space<vmem>>, vector<16xf32>,
      tpu.vector_store %arg23[%swap3A], %div3A_193 {strides = array<i32>} : memref<512xf32, #tpu.memory_space<vmem>>, vector<16xf32>,
    }
    %scan3A_176 = arith.constant 32 : i32
    %scan3A_177 = arith.constant 0 : i32
    %scan3A_178 = arith.constant 0 : i32
    %scan3A_179 = arith.constant 640 : i32
    %scan3A_180 = arith.addi %scan3A_178, %scan3A_179 : i32
    %scan3A_181 = arith.constant 1 : i32
    scf.for %scan3A_183 = %scan3A_178 to %scan3A_180 step %scan3A_181  : i32 {
      %mul3A_184 = arith.constant 16 : i32
      %mul3A_185 = arith.muli %scan3A_183, %mul3A_184 : i32
      %get3A = arith.index_cast %mul3A_185 : i32 to index
      %get3A_186 = tpu.vector_load %arg24[%get3A] {strides = array<i32>} : memref<10240xf32, #tpu.memory_space<vmem>>, vector<16xf32>,
      %exp3A = math.exp %get3A_186 : vector<16xf32>
      %add3A_187 = arith.constant 1.000000e+00 : f32
      %add3A_188 = vector.broadcast %add3A_187 : f32 to vector<16xf32>
      %add3A_189 = arith.addf %add3A_188, %exp3A : vector<16xf32>
      %div3A = arith.constant 1.000000e+00 : f32
      %div3A_190 = vector.broadcast %div3A : f32 to vector<16xf32>
      %div3A_191 = arith.divf %div3A_190, %add3A_189 : vector<16xf32>
      %mul3A_192 = arith.constant 16 : i32
      %mul3A_193 = arith.muli %scan3A_183, %mul3A_192 : i32
      %swap3A = arith.index_cast %mul3A_193 : i32 to index
      %swap3A_194 = tpu.vector_load %arg24[%swap3A] {strides = array<i32>} : memref<10240xf32, #tpu.memory_space<vmem>>, vector<16xf32>,
      tpu.vector_store %arg24[%swap3A], %div3A_191 {strides = array<i32>} : memref<10240xf32, #tpu.memory_space<vmem>>, vector<16xf32>,
    }
    %scan3A_182 = arith.constant 640 : i32
    "tpu.region"() ({
      %run_scoped3A = tpu.sem_alloc : memref<!tpu.dma_semaphore, #tpu.memory_space<semaphore_mem>>
      %dma_start3A_183 = tpu.memref_slice %arg7[%mul3A_2] : memref<16384xf32, #tpu.memory_space<hbm>> -> memref<512xf32, #tpu.memory_space<hbm>>
      %dma_start3A_184 = tpu.memref_slice %arg7[%mul3A_2] : memref<16384xf32, #tpu.memory_space<hbm>> -> memref<512xf32, #tpu.memory_space<hbm>>
      tpu.enqueue_dma source(%arg23 : memref<512xf32, #tpu.memory_space<vmem>>) target(%dma_start3A_184 : memref<512xf32, #tpu.memory_space<hbm>>) target_semaphore(%run_scoped3A : memref<!tpu.dma_semaphore, #tpu.memory_space<semaphore_mem>>)
      %dma_wait3A_185 = tpu.memref_slice %arg7[%mul3A_2] : memref<16384xf32, #tpu.memory_space<hbm>> -> memref<512xf32, #tpu.memory_space<hbm>>
      %dma_wait3A_186 = tpu.memref_slice %arg7[%mul3A_2] : memref<16384xf32, #tpu.memory_space<hbm>> -> memref<512xf32, #tpu.memory_space<hbm>>
      tpu.wait_dma2 semaphore(%run_scoped3A : memref<!tpu.dma_semaphore, #tpu.memory_space<semaphore_mem>>) src(%arg23 : memref<512xf32, #tpu.memory_space<vmem>>) dst(%dma_wait3A_186 : memref<512xf32, #tpu.memory_space<hbm>>)
      tpu.yield
    }) : () -> ()
    "tpu.region"() ({
      %run_scoped3A = tpu.sem_alloc : memref<!tpu.dma_semaphore, #tpu.memory_space<semaphore_mem>>
      %dma_start3A_183 = tpu.memref_slice %arg8[%mul3A_4] : memref<327680xf32, #tpu.memory_space<hbm>> -> memref<10240xf32, #tpu.memory_space<hbm>>
      %dma_start3A_184 = tpu.memref_slice %arg8[%mul3A_4] : memref<327680xf32, #tpu.memory_space<hbm>> -> memref<10240xf32, #tpu.memory_space<hbm>>
      tpu.enqueue_dma source(%arg24 : memref<10240xf32, #tpu.memory_space<vmem>>) target(%dma_start3A_184 : memref<10240xf32, #tpu.memory_space<hbm>>) target_semaphore(%run_scoped3A : memref<!tpu.dma_semaphore, #tpu.memory_space<semaphore_mem>>)
      %dma_wait3A_185 = tpu.memref_slice %arg8[%mul3A_4] : memref<327680xf32, #tpu.memory_space<hbm>> -> memref<10240xf32, #tpu.memory_space<hbm>>
      %dma_wait3A_186 = tpu.memref_slice %arg8[%mul3A_4] : memref<327680xf32, #tpu.memory_space<hbm>> -> memref<10240xf32, #tpu.memory_space<hbm>>
      tpu.wait_dma2 semaphore(%run_scoped3A : memref<!tpu.dma_semaphore, #tpu.memory_space<semaphore_mem>>) src(%arg24 : memref<10240xf32, #tpu.memory_space<vmem>>) dst(%dma_wait3A_186 : memref<10240xf32, #tpu.memory_space<hbm>>)
      tpu.yield
    }) : () -> ()
    return
  }
}

module attributes {stable_mosaic.version = 14 : i64} {
  func.func @_tr_body(%arg0: i32, %arg1: memref<64x7936xf32, #tpu.memory_space<vmem>>, %arg2: memref<64x7936xf32, #tpu.memory_space<vmem>>, %arg3: memref<7936x128xf32, #tpu.memory_space<vmem>>) attributes {dimension_semantics = [#tpu.dimension_semantics<arbitrary>], iteration_bounds = array<i64: 64>, scalar_prefetch = 0 : i64, scratch_operands = 0 : i64, tpu.core_type = #tpu.core_type<tc>, window_params = [{transform_indices = @transform_0, window_bounds = array<i64: 64, 7936>}, {transform_indices = @transform_1, window_bounds = array<i64: 64, 7936>}, {transform_indices = @transform_2, window_bounds = array<i64: 7936, 128>}]} {
    %get3A = arith.constant 0 : index
    %get3A_0 = arith.constant 0 : index
    %get3A_1 = vector.load %arg1[%get3A, %get3A_0] : memref<64x7936xf32, #tpu.memory_space<vmem>>, vector<64x7936xf32>
    %transpose3A = tpu.transpose %get3A_1, [1, 0] : vector<64x7936xf32> -> vector<7936x64xf32>
    %get3A_2 = arith.constant 0 : index
    %get3A_3 = arith.constant 0 : index
    %get3A_4 = vector.load %arg2[%get3A_2, %get3A_3] : memref<64x7936xf32, #tpu.memory_space<vmem>>, vector<64x7936xf32>
    %transpose3A_5 = tpu.transpose %get3A_4, [1, 0] : vector<64x7936xf32> -> vector<7936x64xf32>
    %concatenate3A = tpu.concatenate %transpose3A, %transpose3A_5 in 1 : vector<7936x64xf32>, vector<7936x64xf32> -> vector<7936x128xf32>
    %swap3A = arith.constant 0 : index
    %swap3A_6 = arith.constant 0 : index
    %swap3A_7 = vector.load %arg3[%swap3A, %swap3A_6] : memref<7936x128xf32, #tpu.memory_space<vmem>>, vector<7936x128xf32>
    tpu.vector_store %arg3[%swap3A, %swap3A_6], %concatenate3A {strides = array<i32>} : memref<7936x128xf32, #tpu.memory_space<vmem>>, vector<7936x128xf32>,
    return
  }
  func.func @transform_0(%arg0: i32) -> (i32, i32) {
    %c0_i32 = arith.constant 0 : i32
    %c0_i32_0 = arith.constant 0 : i32
    return %c0_i32, %arg0 : i32, i32
  }
  func.func @transform_1(%arg0: i32) -> (i32, i32) {
    %add3A = arith.constant 64 : i32
    %add3A_0 = arith.addi %arg0, %add3A : i32
    %min3A = arith.constant 126 : i32
    %min3A_1 = arith.minsi %add3A_0, %min3A : i32
    %c0_i32 = arith.constant 0 : i32
    %c0_i32_2 = arith.constant 0 : i32
    return %c0_i32, %min3A_1 : i32, i32
  }
  func.func @transform_2(%arg0: i32) -> (i32, i32) {
    %c0_i32 = arith.constant 0 : i32
    %c0_i32_0 = arith.constant 0 : i32
    return %arg0, %c0_i32 : i32, i32
  }
}

</mosaic_0001>

<sc_bundles>
// kernel: kernel.5.cloned.1.call-start
scs
__scs_entry_jumppad:
0x0: {  	(pc) =	sbr.rel $0x88, $3  }
0x1: {  	(tag) =	ssettag $0x0;
	lr =	simm.s32 $0x1  }
0x2: {  	[smem:$0x3F9C] =	sst lr;
	_ =	strace $0xD0000000  }
0x3: {  	_ = 	snop  }
0x4: {  	_ = 	snop  }
0x5: {  	_ = 	snop  }
0x6: {  	_ = 	snop  }
0x7: {  	_ = 	snop  }
__scs_overlays_trampoline_lowered:
0x8: {  	[smem:$0x3FAB] =	sst s0  }
0x9: {  	[smem:$0x3FAC] =	sst s1  }
0xa: {  	[smem:$0x3FAD] =	sst s2  }
0xb: {  	[smem:$0x3FAE] =	sst s3  }
0xc: {  	[smem:$0x3FAF] =	sst s4  }
0xd: {  	[smem:$0x3FB0] =	sst s5  }
0xe: {  	[smem:$0x3FB1] =	sst s6  }
0xf: {  	[smem:$0x3FB2] =	sst s7  }
0x10: {  	[smem:$0x3FB3] =	sst s8  }
0x11: {  	[smem:$0x3FB4] =	sst s9;
	s0 =	simm.s32 @!p0 $0x0  }
0x12: {  	s1 =	sld [smem:$0x3F9A];
	s0 =	simm.s32 @p0 $0x1  }
0x13: {  	[smem:$0x3FB5] =	sst s0;
	s0 =	simm.s32 @!p1 $0x0  }
0x14: {  	s2 =	sld [smem:$0x3F99];
	s0 =	simm.s32 @p1 $0x1  }
0x15: {  	[smem:$0x3FB6] =	sst s0;
	s0 =	simm.s32 @!p2 $0x0  }
0x16: {  	s3 =	sld [smem:$0x3FDB];
	s0 =	simm.s32 @p2 $0x1  }
0x17: {  	s4 =	simm.s32 $0x1BF5;
	[smem:$0x3FB8] =	sst s0  }
0x18: {  	s0 =	sld [smem:$0x3F9B];
	_ =	swait.ge [sflag:s4], $0x0  }
0x19: {  	s7 =	sld [smem:$0x3F9C]  }
0x1a: {  	s8 =	sadd.s32 $0xFFFFE003, lr  }
0x1b: {  	s9 =	sadd.s32 $0xFFFFFEF7, lr;
	s5 =	simm.s32 $0xFFFFFFFF;
	p2 =	slt.u32 s8, $0xFFFFF086  }
0x1c: {  	p1 =	slt.u32 s9, $0xF7A;
	s5 =	simm.s32 @!p2 $0x0  }
0x1d: {  	s5 =	simm.s32 @p1 $0x1;
	p0 =	seq.s32 s7, s2  }
0x1e: {  	s7 =	smul.u32 @!p0 $0xF7A, s2;
	p2 =	seq.s32 @!p0 s5, $0x0  }
0x1f: {  	s9 =	smul.u32 $0xF7A, s1;
	s8 =	simm.s32 @!p0 $0x1BF5;
	p2 =	por !p2, p0  }
0x20: {  	[sflag:s8] =	ssyncset.s32 @!p0 $0xFFFFF086;
	s6 =	sadd.s32 @!p0 s3, s7;
	s7 =	simm.s32 @!p0 $0x108  }
0x21: {  	s3 =	sadd.s32 s3, s9;
	s6 =	sadd.s32 @!p0 $0x88, s6;
	s7 =	simm.s32 @p2 $0x1082  }
0x22: {  	[simem:s7], [sflag:s8] =	dma.local @!p0 [hbm:s6], $0xF7A  }
0x23: {  	s9 =	sor.u32 $0xD0000000, s2;
	s6 =	simm.s32 $0x108;
	_ =	swait.ge @!p0 [sflag:s8], $0x0  }
0x24: {  	s3 =	sadd.s32 $0x88, s3;
	s6 =	simm.s32 @!p1 $0x1082;
	[sflag:s4] =	ssyncset.s32 $0xFFFFF086  }
0x25: {  	[simem:s6], [sflag:s4] =	dma.local [hbm:s3], $0xF7A  }
0x26: {  	[smem:$0x3F9C] =	sst s1;
	(tag) =	ssettag s2;
	_ =	strace s9  }
0x27: {  	s1 =	sld [smem:$0x3FAC]  }
0x28: {  	s2 =	sld [smem:$0x3FAD]  }
0x29: {  	s4 =	sld [smem:$0x3FAF]  }
0x2a: {  	p0 =	seq.s32 s5, $0x0;
	s5 =	sld [smem:$0x3FB0]  }
0x2b: {  	s6 =	sld [smem:$0x3FB1]  }
0x2c: {  	s7 =	sld [smem:$0x3FB2]  }
0x2d: {  	s3 =	simm.s32 $0x108;
	s8 =	sld [smem:$0x3FB3]  }
0x2e: {  	s3 =	simm.s32 @!p0 $0x1082;
	s9 =	sld [smem:$0x3FB4]  }
0x2f: {  	lr =	sadd.s32 s0, s3;
	s0 =	sld [smem:$0x3FAB]  }
0x30: {  	s3 =	sld [smem:$0x3FAE]  }
0x31: {  	[smem:$0x3FB7] =	sst s10  }
0x32: {  	s10 =	sld [smem:$0x3FB5];
	_ =	sdelay $0x3  }
0x33: {  	p0 =	seq.s32 s10, $0x1;
	s10 =	sld [smem:$0x3FB7];
	_ =	sdelay $0x3  }
0x34: {  	[smem:$0x3FB7] =	sst s10  }
0x35: {  	s10 =	sld [smem:$0x3FB6];
	_ =	sdelay $0x3  }
0x36: {  	p1 =	seq.s32 s10, $0x1;
	s10 =	sld [smem:$0x3FB7];
	_ =	sdelay $0x3  }
0x37: {  	[smem:$0x3FB7] =	sst s10  }
0x38: {  	s10 =	sld [smem:$0x3FB8]  }
0x39: {  	_ = 	snop;
	(pc) =	sbr.ind lr, $3  }
0x3a: {  	_ = 	snop  }
0x3b: {  	_ = 	snop  }
0x3c: {  	p2 =	seq.s32 s10, $0x1;
	s10 =	sld [smem:$0x3FB7]  }
0x3d: {  	_ =	shalt  }
0x3e: {  	_ =	shalt  }
0x3f: {  	_ =	shalt  }
0x40: {  	_ =	shalt  }
0x41: {  	_ =	shalt  }
0x42: {  	_ =	shalt  }
0x43: {  	_ =	shalt  }
0x44: {  	_ =	shalt  }
0x45: {  	_ =	shalt  }
0x46: {  	_ =	shalt  }
0x47: {  	_ =	shalt  }
0x48: {  	_ =	shalt  }
0x49: {  	_ =	shalt  }
0x4a: {  	_ =	shalt  }
0x4b: {  	_ =	shalt  }
0x4c: {  	_ =	shalt  }
0x4d: {  	_ =	shalt  }
0x4e: {  	_ =	shalt  }
0x4f: {  	_ =	shalt  }
0x50: {  	_ =	shalt  }
0x51: {  	_ =	shalt  }
0x52: {  	_ =	shalt  }
0x53: {  	_ =	shalt  }
0x54: {  	_ =	shalt  }
0x55: {  	_ =	shalt  }
0x56: {  	_ =	shalt  }
0x57: {  	_ =	shalt  }
0x58: {  	_ =	shalt  }
0x59: {  	_ =	shalt  }
0x5a: {  	_ =	shalt  }
0x5b: {  	_ =	shalt  }
0x5c: {  	_ =	shalt  }
0x5d: {  	_ =	shalt  }
0x5e: {  	_ =	shalt  }
0x5f: {  	_ =	shalt  }
0x60: {  	_ =	shalt  }
0x61: {  	_ =	shalt  }
0x62: {  	_ =	shalt  }
0x63: {  	_ =	shalt  }
0x64: {  	_ =	shalt  }
0x65: {  	_ =	shalt  }
0x66: {  	_ =	shalt  }
0x67: {  	_ =	shalt  }
0x68: {  	_ =	shalt  }
0x69: {  	_ =	shalt  }
0x6a: {  	_ =	shalt  }
0x6b: {  	_ =	shalt  }
0x6c: {  	_ =	shalt  }
0x6d: {  	_ =	shalt  }
0x6e: {  	_ =	shalt  }
0x6f: {  	_ =	shalt  }
0x70: {  	_ =	shalt  }
0x71: {  	_ =	shalt  }
0x72: {  	_ =	shalt  }
0x73: {  	_ =	shalt  }
0x74: {  	_ =	shalt  }
0x75: {  	_ =	shalt  }
0x76: {  	_ =	shalt  }
0x77: {  	_ =	shalt  }
0x78: {  	_ =	shalt  }
0x79: {  	_ =	shalt  }
0x7a: {  	_ =	shalt  }
0x7b: {  	_ =	shalt  }
0x7c: {  	_ =	shalt  }
0x7d: {  	_ =	shalt  }
0x7e: {  	_ =	shalt  }
0x7f: {  	_ =	shalt  }
0x80: {  	_ =	shalt  }
0x81: {  	_ =	shalt  }
0x82: {  	_ =	shalt  }
0x83: {  	_ =	shalt  }
0x84: {  	_ =	shalt  }
0x85: {  	_ =	shalt  }
0x86: {  	_ =	shalt  }
0x87: {  	_ =	shalt  }
.Lfunc_end0:
.L_simem_size_0:
called_computation_lowered:
.L_overlay_start_0:
0x88: {  	s2 =	sld [smem:$0x3FD9]  }
0x89: {  	s3 =	sld [smem:$0x3FFE];
	_ =	sdelay $0x1  }
0x8a: {  	s1 =	srdreg.scid  }
0x8b: {  	s0 =	sand.u32 $0x1, s1  }
0x8c: {  	s14 =	sshll.u32 s0, $0xA;
	s2 =	sadd.s32 s3, s2  }
0x8d: {  	s2 =	sadd.s32 s2, s14  }
0x8e: {  	[smem:$0x3FC3] =	sst s2  }
0x8f: {  	_ = 	snop  }
0x90: {  	s2 =	sld [smem:$0x3FD0];
	_ =	sdelay $0x1  }
0x91: {  	s15 =	sld [smem:$0x3FC9]  }
0x92: {  	s5 =	simm.s32 $0xA;
	s6 =	simm.s32 $0x10;
	s4 =	sld [smem:$0x3FC8]  }
0x93: {  	[smem:s6], [sflag:s5] =	dma.local [hbm:s2], $0x1  }
0x94: {  	_ =	swait.eq [sflag:s5], $0x1  }
0x95: {  	[sflag:s5] =	ssyncset.done $0x0  }
0x96: {  	s16 =	sld [smem:$0x10];
	[sflag:s5] =	ssyncadd.s32 $0xFFFFFFFF  }
0x97: {  	s17 =	sld [smem:$0x11];
	(tm) =	ssettm $0x1  }
0x98: {  	s18 =	sld [smem:$0x3FFB];
	_ =	sdelay $0x3  }
0x99: {  	_ =	strace s18  }
0x9a: {  	s6 =	sld [smem:$0x3FFC];
	_ =	sdelay $0x3  }
0x9b: {  	_ =	strace s6  }
0x9c: {  	s6 =	sld [smem:$0x3FFD];
	_ =	sdelay $0x3  }
0x9d: {  	_ =	strace s6  }
0x9e: {  	_ =	strace $0x8FFFFFFF  }
0x9f: {  	s19 =	sld [smem:$0x3FDB];
	_ =	sdelay $0x1  }
0xa0: {  	s7 =	simm.s32 $_scs_section_size  }
0xa1: {  	s8 =	simm.s32 $_size__tile_overlayer_lowered;
	s9 =	simm.s32 $_tile_overlayer_lowered  }
0xa2: {  	s22 =	simm.s32 $0x1BFF;
	s21 =	sshll.u32 s9, $0x1;
	s6 =	sadd.s32 s7, s19  }
0xa3: {  	s10 =	simm.s32 $0x0;
	s20 =	sshll.u32 s8, $0x1;
	s8 =	sadd.s32 s21, s6  }
0xa4: {  	[timem:s10], [sflag:s22] =	dma.local [hbm:s8], s20  }
0xa5: {  	_ =	swait.ge [sflag:s22], s20  }
0xa6: {  	s7 =	ssub.s32 $0x0, s20;
	[sflag:s22] =	ssyncset.done $0x0  }
0xa7: {  	[sflag:s22] =	ssyncadd.s32 s7;
	_ =	sdelay $0x1  }
0xa8: {  	s23 =	simm.s32 $0x1B8B  }
0xa9: {  	_ =	swait.ge [sflag:s23], $0x1  }
0xaa: {  	[sflag:s23] =	ssyncset.done $0x0  }
0xab: {  	s25 =	simm.s32 $0x1B8E;
	s24 =	sld [smem:$0x3FFE];
	[sflag:s23] =	ssyncadd.s32 $0xFFFFFFFF  }
0xac: {  	s26 =	simm.s32 $execute0_lowered;
	[smem:$0x3FD2] =	sst s25  }
0xad: {  	s8 =	sshll.u32 s26, $0x1;
	_ =	strace $0x80000046;
	[dreg:$0x1] =	wrdreg $0xFFFFFFFF  }
0xae: {  	s28 =	simm.s32 $_size_execute0_lowered;
	s6 =	sadd.s32 s6, s8;
	[dreg:$0x0] =	wrdreg $0x0  }
0xaf: {  	s8 =	sshll.u32 s28, $0x1;
	[dreg:$0x2] =	wrdreg s6  }
0xb0: {  	[dreg:$0x3] =	wrdreg s8  }
0xb1: {  	[dreg:$0x4] =	wrdreg $0xC0  }
0xb2: {  	_ =	task [dreg:s10], $0x5FFFF  }
0xb3: {  	[dreg:$0x1] =	wrdreg $0xFFFFFFFF  }
0xb4: {  	[dreg:$0x0] =	wrdreg $0x60  }
0xb5: {  	[dreg:$0x2] =	wrdreg s15  }
0xb6: {  	[dreg:$0x3] =	wrdreg s4  }
0xb7: {  	[dreg:$0x4] =	wrdreg s17  }
0xb8: {  	[dreg:$0x5] =	wrdreg s24  }
0xb9: {  	[dreg:$0x6] =	wrdreg s16  }
0xba: {  	[dreg:$0x7] =	wrdreg $0x9  }
0xbb: {  	_ =	task.clear_ibuf [dreg:s10], $0x8FFFF;
	_ =	strace $0x90000046  }
0xbc: {  	s29 =	simm.s32 $0x9;
	_ =	strace $0x80000048  }
0xbd: {  	_ =	swait.ge [sflag:s29], $0x1  }
0xbe: {  	[sflag:s29] =	ssyncadd.s32 $0xFFFFFFFF  }
0xbf: {  	_ =	strace $0x90000048  }
0xc0: {  	_ =	sfence  }
0xc1: {  	s30 =	sld [smem:$0x0];
	_ =	sdelay $0x2  }
0xc2: {  	s31 =	sshll.u32 s1, $0xD;
	s1 =	sshrl.u32 s1, $0x2  }
0xc3: {  	s3 =	sand.u32 $0x4000, s31;
	s1 =	sadd.s32 s1, s30  }
0xc4: {  	s0 =	sor.u32 s3, s0;
	s1 =	sshll.u32 s1, $0x11  }
0xc5: {  	s0 =	sor.u32 s1, s0  }
0xc6: {  	s0 =	sadd.s32 $0x8F2B, s0  }
0xc7: {  	[sflag:s0] =	ssyncadd.remote.s32 $0x1  }
0xc8: {  	_ =	sfence.sel $0xFFFF  }
0xc9: {  	[dreg:$0x0] =	wrdreg $0xFFFFFFFF;
	(pc) =	sbr.abs _section_cstart, $3  }
0xca: {  	[dreg:$0x1] =	wrdreg $0xFFFFFFFF  }
0xcb: {  	_ =	task.clear_ibuf [dreg:s10], $0x2FFFF;
	_ =	strace $0x9FFFFFFF  }
0xcc: {  	(tm) =	ssettm $0x7FFFFFFF  }
0xcd: {  	_ =	shalt  }
tec
execute0_lowered:
.L_overlay_start_1:
0x0: {  	(tag) =	ssettag $0x1  }
0x1: {  	s0 =	rddreg [dreg:$0x0]  }
0x2: {  	s1 =	rddreg [dreg:$0x1]  }
0x3: {  	s2 =	rddreg [dreg:$0x2]  }
0x4: {  	s5 =	rddreg [dreg:$0x3]  }
0x5: {  	s6 =	rddreg [dreg:$0x4]  }
0x6: {  	s3 =	srdreg.scid;
	s4 =	stileid.u32  }
0x7: {  	s11 =	simm.s32 $0x0;
	s7 =	sand.u32 $0x1, s3;
	s24 =	sshll.u32 s4, $0x1  }
0x8: {  	[smem:$0x7FF] =	sst s11;
	s8 =	sor.u32 s7, s24  }
0x9: {  	s31 =	sadd.s32 $0x800, s5;
	s9 =	smul.u32 $0x500, s8;
	s8 =	sshll.u32 s8, $0x6  }
0xa: {  	s4 =	sadd.s32 $0x7C0800, s5;
	_ =	strace $0x80000047;
	s0 =	sadd.s32 s0, s8  }
0xb: {  	s7 =	ssub.s32 $0x2, s7;
	s25 =	sadd.s32 s1, s8;
	[dreg:$0x7] =	wrdreg s0  }
0xc: {  	s10 =	sshrl.u32 s7, $0x1;
	s28 =	sadd.s32 s6, s8;
	[dreg:$0x8] =	wrdreg s25  }
0xd: {  	s7 =	ssub.s32 s7, s10;
	s26 =	sadd.s32 s2, s9;
	[dreg:$0xa] =	wrdreg s28  }
0xe: {  	s5 =	sadd.s32 s9, s5;
	s30 =	smax.u32 s7, $0x1;
	[dreg:$0x9] =	wrdreg s26  }
0xf: {  	s19 =	simm.s32 $0x80;
	s29 =	sadd.s32 $0xF80800, s5;
	[dreg:$0xc] =	wrdreg s30  }
0x10: {  	v0 =	vimm.s32 $0x0;
	v1 =	vlaneseq.u32;
	s1 =	simm.s32 $0x3;
	s2 =	simm.s32 $0x0;
	[dreg:$0xb] =	wrdreg s29  }
.LBB2_1:
0x11: {  	[dreg:$0xd] =	wrdreg s2  }
0x12: {  	s0 =	rddreg [dreg:$0x7]  }
0x13: {  	[tilespmem:s11], [sflag:$0x3] =	stream.linear.gather [hbm4b:s0+s11], $0x200, $0x38;
	[tilespmem:$0x13230] =	vst v63  }
0x14: {  	_ =	swait.ge [sflag:s1], $0x200  }
0x15: {  	[sflag:s1] =	ssyncset.done $0x0  }
0x16: {  	s28 =	simm.s32 $0x210;
	s26 =	rddreg [dreg:$0x8];
	[sflag:s1] =	ssyncadd.s32 $0xFFFFFE00  }
0x17: {  	[tilespmem:s28], [sflag:$0x3] =	stream.linear.gather [hbm4b:s26+s11], $0x200, $0x38;
	[tilespmem:$0x13230] =	vst v63  }
0x18: {  	_ =	swait.ge [sflag:s1], $0x200  }
0x19: {  	[sflag:s1] =	ssyncset.done $0x0  }
0x1a: {  	s30 =	simm.s32 $0x420;
	s29 =	rddreg [dreg:$0x9];
	[sflag:s1] =	ssyncadd.s32 $0xFFFFFE00  }
0x1b: {  	[tilespmem:s30], [sflag:$0x3] =	stream.linear.gather [hbm4b:s29+s11], $0x2800, $0x38;
	[tilespmem:$0x13230] =	vst v63  }
0x1c: {  	_ =	swait.ge [sflag:s1], $0x2800  }
0x1d: {  	[sflag:s1] =	ssyncset.done $0x0  }
0x1e: {  	[sflag:s1] =	ssyncadd.s32 $0xFFFFD800;
	s1 =	simm.s32 $0x0  }
0x1f: {  	v2 =	vld [tilespmem:s1+$0x210]  }
0x20: {  	v3 =	vld [tilespmem:s1+$0x0];
	_ =	sdelay $0x1  }
0x21: {  	s2 =	simm.s32 $0x40  }
.LBB2_2:
0x22: {  	p0 =	sne.s32 s2, $0x7C0  }
.Ltmp0:
0x23: {  	s5 =	sshra.s32 s2, $0x2;
	s2 =	sadd.s32 $0x40, s2;
	vm0 =	vgt.s32 v2, $0x7BFFF;
	(pc) =	sbr.rel @p0 .LBB2_2-.Ltmp0, $4  }
0x24: {  	v4 =	vshll.u32 v2, $0x1;
	vm1 =	vgt.s32 v3, $0x7BFFF;
	v2 =	vld [tilespmem:s5+$0x210];
	v5 =	vsel vm0, $0xFFF08001, v0  }
0x25: {  	v6 =	vshll.u32 v3, $0x1;
	v3 =	vld [tilespmem:s5+$0x0];
	v7 =	vsel vm1, $0xFFF08001, v0;
	v4 =	vadd.s32 v4, v5  }
0x26: {  	v5 =	vadd.s32 v6, v7;
	[tilespmem:s1+$0x2E30] =	vst v4  }
0x27: {  	[tilespmem:s1+$0x2C30] =	vst v5;
	s1 =	smov.u32 s5  }
0x28: {  	_ = 	snop  }
0x29: {  	vm0 =	vgt.s32 v2, $0x7BFFF  }
0x2a: {  	v2 =	vshll.u32 v2, $0x1;
	vm1 =	vgt.s32 v3, $0x7BFFF;
	v4 =	vsel vm0, $0xFFF08001, v0  }
0x2b: {  	v3 =	vshll.u32 v3, $0x1;
	v5 =	vsel vm1, $0xFFF08001, v0;
	v2 =	vadd.s32 v2, v4  }
0x2c: {  	v3 =	vadd.s32 v3, v5;
	[tilespmem:s1+$0x2E30] =	vst v2  }
0x2d: {  	[tilespmem:s1+$0x2C30] =	vst v3;
	s1 =	simm.s32 $0x0  }
0x2e: {  	s2 =	simm.s32 $0x40;
	v2 =	vld [tilespmem:s1+$0x420]  }
.LBB2_4:
0x2f: {  	_ =	sdelay $0x1  }
0x30: {  	p0 =	sne.s32 s2, $0x9FC0  }
.Ltmp1:
0x31: {  	_ = 	snop;
	(pc) =	sbr.rel @p0 .LBB2_4-.Ltmp1, $4  }
0x32: {  	vm0 =	vgt.s32 v2, $0x7BFFF  }
0x33: {  	v3 =	vshll.u32 v2, $0x1;
	v4 =	vsel vm0, $0xFFF08001, v0  }
0x34: {  	s5 =	sshra.s32 s2, $0x2;
	v3 =	vadd.s32 v3, v4  }
0x35: {  	s2 =	sadd.s32 $0x40, s2;
	v2 =	vld [tilespmem:s5+$0x420];
	[tilespmem:s1+$0x3030] =	vst v3;
	s1 =	smov.u32 s5  }
0x36: {  	_ =	sdelay $0x3  }
0x37: {  	vm0 =	vgt.s32 v2, $0x7BFFF  }
0x38: {  	v2 =	vshll.u32 v2, $0x1;
	v3 =	vsel vm0, $0xFFF08001, v0  }
0x39: {  	v2 =	vadd.s32 v2, v3  }
0x3a: {  	s0 =	simm.s32 $0x10;
	s20 =	simm.s32 $0x2C30;
	s2 =	simm.s32 $0x5830;
	[tilespmem:s1+$0x3030] =	vst v2  }
0x3b: {  	[tilespmem:s2], [sflag:$0x1] =	stream.indirect.gather [hbm4b:s31+s0], $0x40, s20, s0, $0xb8;
	[tilespmem:$0x13230] =	vst v63  }
0x3c: {  	s21 =	simm.s32 $0x2E30;
	s22 =	simm.s32 $0x5C30  }
0x3d: {  	[tilespmem:s22], [sflag:$0x1] =	stream.indirect.gather [hbm4b:s4+s0], $0x40, s21, s0, $0xb8;
	[tilespmem:$0x13230] =	vst v63  }
0x3e: {  	s23 =	simm.s32 $0x3030;
	s24 =	simm.s32 $0x6030;
	s25 =	simm.s32 $0x30B0  }
0x3f: {  	[tilespmem:s24], [sflag:$0x1] =	stream.indirect.gather [hbm4b:s4+s19], $0x40, s23, s19, $0xb8;
	[tilespmem:$0x13230] =	vst v63  }
0x40: {  	s26 =	simm.s32 $0x8030;
	s28 =	simm.s32 $0x40;
	s29 =	simm.s32 $0x3130  }
0x41: {  	[tilespmem:s26], [sflag:$0x1] =	stream.indirect.gather [hbm4b:s4+s19], $0x40, s25, s19, $0xb8;
	[tilespmem:$0x13230] =	vst v63  }
0x42: {  	s30 =	simm.s32 $0xA030;
	s1 =	simm.s32 $0x0;
	s26 =	simm.s32 $0x10A30  }
0x43: {  	[tilespmem:s30], [sflag:$0x1] =	stream.indirect.gather [hbm4b:s4+s28], $0x40, s29, s28, $0xb8;
	[tilespmem:$0x13230] =	vst v63  }
.LBB2_6:
0x44: {  	s2 =	sshllo.u32 s1, $0x1  }
0x45: {  	s13 =	sshll.u32 s2, $0x4  }
0x46: {  	s0 =	simm.s32 $0x10;
	s3 =	simm.s32 $0xB030;
	s5 =	sadd.s32 $0x2C30, s13  }
0x47: {  	[tilespmem:s3], [sflag:$0x2] =	stream.indirect.gather [hbm4b:s31+s0], $0x40, s5, s0, $0xb8;
	[tilespmem:$0x13230] =	vst v63  }
0x48: {  	s21 =	simm.s32 $0xB430;
	s2 =	smul.u32 $0x140, s2;
	s20 =	sadd.s32 $0x2E30, s13  }
0x49: {  	[tilespmem:s21], [sflag:$0x2] =	stream.indirect.gather [hbm4b:s4+s0], $0x40, s20, s0, $0xb8;
	[tilespmem:$0x13230] =	vst v63  }
0x4a: {  	s23 =	simm.s32 $0xB830;
	s22 =	sadd.s32 $0x3030, s2  }
0x4b: {  	[tilespmem:s23], [sflag:$0x2] =	stream.indirect.gather [hbm4b:s4+s19], $0x40, s22, s19, $0xb8;
	[tilespmem:$0x13230] =	vst v63  }
0x4c: {  	s25 =	simm.s32 $0xD830;
	s29 =	simm.s32 $0x40;
	s24 =	sadd.s32 $0x30B0, s2  }
0x4d: {  	[tilespmem:s25], [sflag:$0x2] =	stream.indirect.gather [hbm4b:s4+s19], $0x40, s24, s19, $0xb8;
	[tilespmem:$0x13230] =	vst v63  }
0x4e: {  	s30 =	simm.s32 $0xF830;
	s15 =	simm.s32 $0x1;
	s2 =	sadd.s32 $0x3130, s2  }
0x4f: {  	[tilespmem:s30], [sflag:$0x2] =	stream.indirect.gather [hbm4b:s4+s29], $0x40, s2, s29, $0xb8;
	[tilespmem:$0x13230] =	vst v63  }
0x50: {  	_ =	swait.ge [sflag:s15], $0x400  }
0x51: {  	[sflag:s15] =	ssyncset.done $0x0  }
0x52: {  	[sflag:s15] =	ssyncadd.s32 $0xFFFFFC00  }
0x53: {  	_ =	swait.ge [sflag:s15], $0x400  }
0x54: {  	s14 =	smov.u32 s31;
	s17 =	sshll.u32 s1, $0x1;
	[sflag:s15] =	ssyncset.done $0x0  }
0x55: {  	s6 =	simm.s32 $0x2;
	s7 =	simm.s32 $0x4;
	[sflag:s15] =	ssyncadd.s32 $0xFFFFFC00  }
0x56: {  	s8 =	simm.s32 $0x62B0;
	s9 =	simm.s32 $0x8;
	_ =	swait.ge [sflag:s15], $0x2000  }
0x57: {  	s10 =	simm.s32 $0x3;
	s16 =	simm.s32 $0x0;
	[sflag:s15] =	ssyncset.done $0x0  }
0x58: {  	s18 =	simm.s32 $0x4;
	s12 =	smov.u32 s26;
	[sflag:s15] =	ssyncadd.s32 $0xFFFFE000  }
0x59: {  	s28 =	simm.s32 $0x0;
	s31 =	sshll.u32 s1, $0x7;
	_ =	swait.ge [sflag:s15], $0x2000  }
0x5a: {  	s5 =	simm.s32 $0x5850;
	s11 =	sshrl.u32 s31, $0x2;
	[sflag:s15] =	ssyncset.done $0x0  }
0x5b: {  	s20 =	simm.s32 $0x13;
	s21 =	simm.s32 $0x2;
	[sflag:s15] =	ssyncadd.s32 $0xFFFFE000  }
0x5c: {  	s22 =	simm.s32 $0x5C50;
	s23 =	simm.s32 $0x0;
	_ =	swait.ge [sflag:s15], $0x1000  }
0x5d: {  	s25 =	simm.s32 $0xC;
	s2 =	simm.s32 $0x6;
	[sflag:s15] =	ssyncset.done $0x0  }
0x5e: {  	v2 =	vimm.f32 $0.0e+00;
	v7 =	vimm.f32 $0.0e+00;
	[dreg:$0x6] =	wrdreg s11;
	s11 =	simm.s32 $0x0;
	[sflag:s15] =	ssyncadd.s32 $0xFFFFF000  }
.LBB2_7:
0x5f: {  	v3 =	vld [tilespmem:s5+$0xFFFFFFE0]  }
0x60: {  	v4 =	vld [tilespmem:s5+$0xFFFFFFF0]  }
0x61: {  	v8 =	vld [tilespmem:s22+$0xFFFFFFE0]  }
0x62: {  	v9 =	vld [tilespmem:s22+$0xFFFFFFF0]  }
0x63: {  	v5 =	vld [tilespmem:s5+$0x0]  }
0x64: {  	v10 =	vld [tilespmem:s22+$0x0]  }
0x65: {  	v6 =	vld [tilespmem:s5+$0x10]  }
0x66: {  	v11 =	vld [tilespmem:s22+$0x10]  }
0x67: {  	v8 =	vmul.f32 v8, v3;
	v9 =	vmul.f32 v9, v4;
	_ =	sdelay $0x1  }
0x68: {  	v50 =	vmul.f32 v10, v5;
	v8 =	vadd.f32 v9, v8;
	_ =	sdelay $0x1  }
0x69: {  	v51 =	vmul.f32 v11, v6;
	v8 =	vadd.f32 v50, v8;
	_ =	sdelay $0x1  }
0x6a: {  	v8 =	vadd.f32 v51, v8;
	_ =	sdelay $0x1  }
0x6b: {  	(xrf2) =	vadd.scan.msk.f32 $0xffff, v8;
	_ =	sdelay $0x9  }
0x6c: {  	v8, _, _ =	vpop (xrf2)  }
0x6d: {  	v52 =	vmov s28;
	v8 =	vbroadcast v8, $0xF  }
0x6e: {  	vm0 =	veq.s32 v52, v1  }
0x6f: {  	s29 =	rddreg [dreg:$0x6];
	v2 =	vsel vm0, v8, v2  }
0x70: {  	[tilespmem:s29+$0x10830] =	vst v2  }
0x71: {  	v8 =	vld [tilespmem:s8+$0xFFFFFD80]  }
0x72: {  	v53 =	vld [tilespmem:s8+$0xFFFFFD90];
	_ =	sdelay $0x1  }
0x73: {  	v54 =	vld [tilespmem:s8+$0xFFFFFDA0];
	_ =	sdelay $0x1  }
0x74: {  	v55 =	vld [tilespmem:s8+$0xFFFFFDB0]  }
0x75: {  	v8 =	vmul.f32 v8, v3;
	v9 =	vmul.f32 v53, v4;
	_ =	sdelay $0x1  }
0x76: {  	v56 =	vmul.f32 v54, v5;
	v8 =	vadd.f32 v9, v8;
	_ =	sdelay $0x1  }
0x77: {  	v57 =	vmul.f32 v55, v6;
	v8 =	vadd.f32 v56, v8;
	_ =	sdelay $0x1  }
0x78: {  	v8 =	vadd.f32 v57, v8;
	_ =	sdelay $0x1  }
0x79: {  	(xrf2) =	vadd.scan.msk.f32 $0xffff, v8;
	_ =	sdelay $0x8  }
0x7a: {  	s0 =	sand.u32 $0x3, s11;
	s30 =	sadd.s32 $0xFFFFFFED, s20  }
0x7b: {  	s30 =	sand.u32 $0xC, s30;
	s29 =	sshll.u32 s0, $0x4;
	v8, _, _ =	vpop (xrf2)  }
0x7c: {  	v58 =	vmov s30;
	s29 =	ssub.s32 $0x0, s29;
	v8 =	vbroadcast v8, $0xF  }
0x7d: {  	vm0 =	veq.s32 v58, v1;
	s29 =	sshra.s32 s29, $0x2  }
0x7e: {  	s30 =	sadd.s32 s29, s12;
	v7 =	vsel vm0, v8, v7  }
0x7f: {  	[tilespmem:s30+$0x0] =	vst v7  }
0x80: {  	v8 =	vld [tilespmem:s8+$0xFFFFFDC0]  }
0x81: {  	v59 =	vld [tilespmem:s8+$0xFFFFFDD0];
	_ =	sdelay $0x1  }
0x82: {  	v60 =	vld [tilespmem:s8+$0xFFFFFDE0];
	_ =	sdelay $0x1  }
0x83: {  	v61 =	vld [tilespmem:s8+$0xFFFFFDF0]  }
0x84: {  	v8 =	vmul.f32 v8, v3;
	v9 =	vmul.f32 v59, v4;
	_ =	sdelay $0x1  }
0x85: {  	v62 =	vmul.f32 v60, v5;
	v8 =	vadd.f32 v9, v8;
	_ =	sdelay $0x1  }
0x86: {  	v63 =	vmul.f32 v61, v6;
	v8 =	vadd.f32 v62, v8;
	_ =	sdelay $0x1  }
0x87: {  	v8 =	vadd.f32 v63, v8;
	_ =	sdelay $0x1  }
0x88: {  	(xrf2) =	vadd.scan.msk.f32 $0xffff, v8;
	_ =	sdelay $0x8  }
0x89: {  	s3 =	sand.u32 $0xF, s23;
	s31 =	sadd.s32 $0xFFFFFFEE, s20  }
0x8a: {  	s31 =	sand.u32 $0xD, s31;
	s29 =	sshll.u32 s3, $0x2;
	v8, _, _ =	vpop (xrf2)  }
0x8b: {  	v12 =	vmov s31;
	s29 =	ssub.s32 $0x40, s29;
	v8 =	vbroadcast v8, $0xF  }
0x8c: {  	vm1 =	veq.s32 v12, v1;
	s29 =	sshrl.u32 s29, $0x2  }
0x8d: {  	s29 =	sadd.s32 s29, s12;
	v7 =	vsel vm1, v8, v7  }
0x8e: {  	[tilespmem:s29+$0xFFFFFFF0] =	vst v7  }
0x8f: {  	v8 =	vld [tilespmem:s8+$0xFFFFFE00]  }
0x90: {  	v13 =	vld [tilespmem:s8+$0xFFFFFE10];
	_ =	sdelay $0x1  }
0x91: {  	v14 =	vld [tilespmem:s8+$0xFFFFFE20];
	_ =	sdelay $0x1  }
0x92: {  	v15 =	vld [tilespmem:s8+$0xFFFFFE30]  }
0x93: {  	v8 =	vmul.f32 v8, v3;
	v9 =	vmul.f32 v13, v4;
	_ =	sdelay $0x1  }
0x94: {  	v16 =	vmul.f32 v14, v5;
	v8 =	vadd.f32 v9, v8;
	_ =	sdelay $0x1  }
0x95: {  	v17 =	vmul.f32 v15, v6;
	v8 =	vadd.f32 v16, v8;
	_ =	sdelay $0x1  }
0x96: {  	v8 =	vadd.f32 v17, v8;
	_ =	sdelay $0x1  }
0x97: {  	(xrf2) =	vadd.scan.msk.f32 $0xffff, v8;
	_ =	sdelay $0x8  }
0x98: {  	s24 =	sand.u32 $0x7, s16;
	s0 =	sadd.s32 $0xFFFFFFFF, s20  }
0x99: {  	s31 =	sshll.u32 s24, $0x3;
	s0 =	sand.u32 $0xE, s0;
	v8, _, _ =	vpop (xrf2)  }
0x9a: {  	s31 =	ssub.s32 $0x0, s31;
	v18 =	vmov s0;
	v8 =	vbroadcast v8, $0xF  }
0x9b: {  	s3 =	sshra.s32 s31, $0x2;
	vm1 =	veq.s32 v18, v1  }
0x9c: {  	s31 =	sadd.s32 s3, s12;
	v7 =	vsel vm1, v8, v7  }
0x9d: {  	[tilespmem:s31+$0x0] =	vst v7  }
0x9e: {  	v8 =	vld [tilespmem:s8+$0xFFFFFE40]  }
0x9f: {  	v19 =	vld [tilespmem:s8+$0xFFFFFE50];
	_ =	sdelay $0x1  }
0xa0: {  	v20 =	vld [tilespmem:s8+$0xFFFFFE60];
	_ =	sdelay $0x1  }
0xa1: {  	v21 =	vld [tilespmem:s8+$0xFFFFFE70]  }
0xa2: {  	v8 =	vmul.f32 v8, v3;
	v9 =	vmul.f32 v19, v4;
	_ =	sdelay $0x1  }
0xa3: {  	v22 =	vmul.f32 v20, v5;
	v8 =	vadd.f32 v9, v8;
	_ =	sdelay $0x1  }
0xa4: {  	v23 =	vmul.f32 v21, v6;
	v8 =	vadd.f32 v22, v8;
	_ =	sdelay $0x1  }
0xa5: {  	v8 =	vadd.f32 v23, v8;
	_ =	sdelay $0x1  }
0xa6: {  	(xrf2) =	vadd.scan.msk.f32 $0xffff, v8;
	_ =	sdelay $0x8  }
0xa7: {  	s24 =	sadd.s32 $0xFFFFFFF0, s20  }
0xa8: {  	s0 =	sand.u32 $0xF, s24;
	v8, _, _ =	vpop (xrf2)  }
0xa9: {  	v24 =	vmov s0;
	v8 =	vbroadcast v8, $0xF  }
0xaa: {  	vm2 =	veq.s32 v24, v1  }
0xab: {  	v7 =	vsel vm2, v8, v7  }
0xac: {  	[tilespmem:s29+$0xFFFFFFF0] =	vst v7  }
0xad: {  	v8 =	vld [tilespmem:s8+$0xFFFFFE80]  }
0xae: {  	v25 =	vld [tilespmem:s8+$0xFFFFFE90];
	_ =	sdelay $0x1  }
0xaf: {  	v26 =	vld [tilespmem:s8+$0xFFFFFEA0];
	_ =	sdelay $0x1  }
0xb0: {  	v27 =	vld [tilespmem:s8+$0xFFFFFEB0]  }
0xb1: {  	v8 =	vmul.f32 v8, v3;
	v9 =	vmul.f32 v25, v4;
	_ =	sdelay $0x1  }
0xb2: {  	v28 =	vmul.f32 v26, v5;
	v8 =	vadd.f32 v9, v8;
	_ =	sdelay $0x1  }
0xb3: {  	v29 =	vmul.f32 v27, v6;
	v8 =	vadd.f32 v28, v8;
	_ =	sdelay $0x1  }
0xb4: {  	v8 =	vadd.f32 v29, v8;
	_ =	sdelay $0x1  }
0xb5: {  	(xrf2) =	vadd.scan.msk.f32 $0xffff, v8;
	_ =	sdelay $0x8  }
0xb6: {  	s24 =	sadd.s32 $0xFFFFFFF1, s20;
	s3 =	sand.u32 $0x3, s15  }
0xb7: {  	s24 =	sand.u32 $0xC, s24;
	s0 =	sshll.u32 s3, $0x4;
	v8, _, _ =	vpop (xrf2)  }
0xb8: {  	v30 =	vmov s24;
	s0 =	ssub.s32 $0x0, s0;
	v8 =	vbroadcast v8, $0xF  }
0xb9: {  	vm14 =	veq.s32 v30, v1;
	s0 =	sshra.s32 s0, $0x2  }
0xba: {  	s0 =	sadd.s32 s0, s12;
	v7 =	vsel vm14, v8, v7  }
0xbb: {  	[tilespmem:s0+$0x4] =	vst v7  }
0xbc: {  	v8 =	vld [tilespmem:s8+$0xFFFFFEC0]  }
0xbd: {  	v31 =	vld [tilespmem:s8+$0xFFFFFED0];
	_ =	sdelay $0x1  }
0xbe: {  	v32 =	vld [tilespmem:s8+$0xFFFFFEE0];
	_ =	sdelay $0x1  }
0xbf: {  	v33 =	vld [tilespmem:s8+$0xFFFFFEF0]  }
0xc0: {  	v8 =	vmul.f32 v8, v3;
	v9 =	vmul.f32 v31, v4;
	_ =	sdelay $0x1  }
0xc1: {  	v34 =	vmul.f32 v32, v5;
	v8 =	vadd.f32 v9, v8;
	_ =	sdelay $0x1  }
0xc2: {  	v35 =	vmul.f32 v33, v6;
	v8 =	vadd.f32 v34, v8;
	_ =	sdelay $0x1  }
0xc3: {  	v8 =	vadd.f32 v35, v8;
	_ =	sdelay $0x1  }
0xc4: {  	(xrf2) =	vadd.scan.msk.f32 $0xffff, v8;
	_ =	sdelay $0x8  }
0xc5: {  	s24 =	sand.u32 $0xF, s18;
	s3 =	sadd.s32 $0xFFFFFFF2, s20  }
0xc6: {  	s0 =	sshll.u32 s24, $0x2;
	s24 =	sand.u32 $0xD, s3;
	v8, _, _ =	vpop (xrf2)  }
0xc7: {  	s0 =	ssub.s32 $0x0, s0;
	v36 =	vmov s24;
	v8 =	vbroadcast v8, $0xF  }
0xc8: {  	vm15 =	veq.s32 v36, v1;
	s0 =	sshra.s32 s0, $0x2  }
0xc9: {  	s0 =	sadd.s32 s0, s12;
	v7 =	vsel vm15, v8, v7  }
0xca: {  	[tilespmem:s0+$0x4] =	vst v7  }
0xcb: {  	v8 =	vld [tilespmem:s8+$0xFFFFFF00]  }
0xcc: {  	v37 =	vld [tilespmem:s8+$0xFFFFFF10];
	_ =	sdelay $0x1  }
0xcd: {  	v38 =	vld [tilespmem:s8+$0xFFFFFF20];
	_ =	sdelay $0x1  }
0xce: {  	v39 =	vld [tilespmem:s8+$0xFFFFFF30]  }
0xcf: {  	v8 =	vmul.f32 v8, v3;
	v9 =	vmul.f32 v37, v4;
	_ =	sdelay $0x1  }
0xd0: {  	v40 =	vmul.f32 v38, v5;
	v8 =	vadd.f32 v9, v8;
	_ =	sdelay $0x1  }
0xd1: {  	v41 =	vmul.f32 v39, v6;
	v8 =	vadd.f32 v40, v8;
	_ =	sdelay $0x1  }
0xd2: {  	v8 =	vadd.f32 v41, v8;
	_ =	sdelay $0x1  }
0xd3: {  	(xrf2) =	vadd.scan.msk.f32 $0xffff, v8;
	_ =	sdelay $0x8  }
0xd4: {  	s3 =	sadd.s32 $0xFFFFFFF3, s20;
	s24 =	sand.u32 $0x7, s21  }
0xd5: {  	s3 =	sand.u32 $0xE, s3;
	s24 =	sshll.u32 s24, $0x3;
	v8, _, _ =	vpop (xrf2)  }
0xd6: {  	v42 =	vmov s3;
	s24 =	ssub.s32 $0x0, s24;
	v8 =	vbroadcast v8, $0xF  }
0xd7: {  	vm4 =	veq.s32 v42, v1;
	s24 =	sshra.s32 s24, $0x2  }
0xd8: {  	s3 =	sadd.s32 s24, s12;
	v7 =	vsel vm4, v8, v7  }
0xd9: {  	[tilespmem:s3+$0x4] =	vst v7  }
0xda: {  	v8 =	vld [tilespmem:s8+$0xFFFFFF40]  }
0xdb: {  	v43 =	vld [tilespmem:s8+$0xFFFFFF50];
	_ =	sdelay $0x1  }
0xdc: {  	v44 =	vld [tilespmem:s8+$0xFFFFFF60];
	_ =	sdelay $0x1  }
0xdd: {  	v45 =	vld [tilespmem:s8+$0xFFFFFF70]  }
0xde: {  	v8 =	vmul.f32 v8, v3;
	v9 =	vmul.f32 v43, v4;
	_ =	sdelay $0x1  }
0xdf: {  	v46 =	vmul.f32 v44, v5;
	v8 =	vadd.f32 v9, v8;
	_ =	sdelay $0x1  }
0xe0: {  	v47 =	vmul.f32 v45, v6;
	v8 =	vadd.f32 v46, v8;
	_ =	sdelay $0x1  }
0xe1: {  	v8 =	vadd.f32 v47, v8;
	_ =	sdelay $0x1  }
0xe2: {  	(xrf2) =	vadd.scan.msk.f32 $0xffff, v8;
	_ =	sdelay $0x8  }
0xe3: {  	s24 =	sadd.s32 $0xFFFFFFF4, s20  }
0xe4: {  	s3 =	sand.u32 $0xF, s24;
	v8, _, _ =	vpop (xrf2)  }
0xe5: {  	v48 =	vmov s3;
	v8 =	vbroadcast v8, $0xF  }
0xe6: {  	vm5 =	veq.s32 v48, v1  }
0xe7: {  	v7 =	vsel vm5, v8, v7  }
0xe8: {  	[tilespmem:s0+$0x4] =	vst v7  }
0xe9: {  	v8 =	vld [tilespmem:s8+$0xFFFFFF80]  }
0xea: {  	v49 =	vld [tilespmem:s8+$0xFFFFFF90];
	_ =	sdelay $0x1  }
0xeb: {  	v50 =	vld [tilespmem:s8+$0xFFFFFFA0];
	_ =	sdelay $0x1  }
0xec: {  	v51 =	vld [tilespmem:s8+$0xFFFFFFB0]  }
0xed: {  	v8 =	vmul.f32 v8, v3;
	v9 =	vmul.f32 v49, v4;
	_ =	sdelay $0x1  }
0xee: {  	v52 =	vmul.f32 v50, v5;
	v8 =	vadd.f32 v9, v8;
	_ =	sdelay $0x1  }
0xef: {  	v53 =	vmul.f32 v51, v6;
	v8 =	vadd.f32 v52, v8;
	_ =	sdelay $0x1  }
0xf0: {  	v8 =	vadd.f32 v53, v8;
	_ =	sdelay $0x1  }
0xf1: {  	(xrf2) =	vadd.scan.msk.f32 $0xffff, v8;
	_ =	sdelay $0x8  }
0xf2: {  	s24 =	sadd.s32 $0xFFFFFFF5, s20;
	s3 =	sand.u32 $0x3, s6  }
0xf3: {  	s0 =	sshll.u32 s3, $0x4;
	s3 =	sand.u32 $0xC, s24;
	v8, _, _ =	vpop (xrf2)  }
0xf4: {  	s0 =	ssub.s32 $0x0, s0;
	v54 =	vmov s3;
	v8 =	vbroadcast v8, $0xF  }
0xf5: {  	vm6 =	veq.s32 v54, v1;
	s0 =	sshra.s32 s0, $0x2  }
0xf6: {  	s0 =	sadd.s32 s0, s12;
	v7 =	vsel vm6, v8, v7  }
0xf7: {  	[tilespmem:s0+$0x8] =	vst v7  }
0xf8: {  	v8 =	vld [tilespmem:s8+$0xFFFFFFC0]  }
0xf9: {  	v55 =	vld [tilespmem:s8+$0xFFFFFFD0];
	_ =	sdelay $0x1  }
0xfa: {  	v56 =	vld [tilespmem:s8+$0xFFFFFFE0];
	_ =	sdelay $0x1  }
0xfb: {  	v57 =	vld [tilespmem:s8+$0xFFFFFFF0]  }
0xfc: {  	v8 =	vmul.f32 v8, v3;
	v9 =	vmul.f32 v55, v4;
	_ =	sdelay $0x1  }
0xfd: {  	v58 =	vmul.f32 v56, v5;
	v8 =	vadd.f32 v9, v8;
	_ =	sdelay $0x1  }
0xfe: {  	v59 =	vmul.f32 v57, v6;
	v8 =	vadd.f32 v58, v8;
	_ =	sdelay $0x1  }
0xff: {  	v8 =	vadd.f32 v59, v8;
	_ =	sdelay $0x1  }
0x100: {  	(xrf2) =	vadd.scan.msk.f32 $0xffff, v8;
	_ =	sdelay $0x8  }
0x101: {  	s24 =	sadd.s32 $0xFFFFFFF6, s20;
	s3 =	sand.u32 $0xF, s9  }
0x102: {  	s0 =	sshll.u32 s3, $0x2;
	s3 =	sand.u32 $0xD, s24;
	v8, _, _ =	vpop (xrf2)  }
0x103: {  	s0 =	ssub.s32 $0x0, s0;
	v60 =	vmov s3;
	v8 =	vbroadcast v8, $0xF  }
0x104: {  	vm7 =	veq.s32 v60, v1;
	s0 =	sshra.s32 s0, $0x2  }
0x105: {  	s0 =	sadd.s32 s0, s12;
	v7 =	vsel vm7, v8, v7  }
0x106: {  	[tilespmem:s0+$0x8] =	vst v7  }
0x107: {  	v8 =	vld [tilespmem:s8+$0x0]  }
0x108: {  	v61 =	vld [tilespmem:s8+$0x10];
	_ =	sdelay $0x1  }
0x109: {  	v62 =	vld [tilespmem:s8+$0x20];
	_ =	sdelay $0x1  }
0x10a: {  	v63 =	vld [tilespmem:s8+$0x30]  }
0x10b: {  	v8 =	vmul.f32 v8, v3;
	v9 =	vmul.f32 v61, v4;
	_ =	sdelay $0x1  }
0x10c: {  	v12 =	vmul.f32 v62, v5;
	v8 =	vadd.f32 v9, v8;
	_ =	sdelay $0x1  }
0x10d: {  	v13 =	vmul.f32 v63, v6;
	v8 =	vadd.f32 v12, v8;
	_ =	sdelay $0x1  }
0x10e: {  	v8 =	vadd.f32 v13, v8;
	_ =	sdelay $0x1  }
0x10f: {  	(xrf2) =	vadd.scan.msk.f32 $0xffff, v8;
	_ =	sdelay $0x8  }
0x110: {  	s24 =	sadd.s32 $0xFFFFFFF7, s20;
	s3 =	sand.u32 $0x7, s7  }
0x111: {  	s24 =	sand.u32 $0xE, s24;
	s3 =	sshll.u32 s3, $0x3;
	v8, _, _ =	vpop (xrf2)  }
0x112: {  	v14 =	vmov s24;
	s3 =	ssub.s32 $0x0, s3;
	v8 =	vbroadcast v8, $0xF  }
0x113: {  	vm8 =	veq.s32 v14, v1;
	s3 =	sshra.s32 s3, $0x2  }
0x114: {  	s3 =	sadd.s32 s3, s12;
	v7 =	vsel vm8, v8, v7  }
0x115: {  	[tilespmem:s3+$0x8] =	vst v7  }
0x116: {  	v8 =	vld [tilespmem:s8+$0x40]  }
0x117: {  	v15 =	vld [tilespmem:s8+$0x50];
	_ =	sdelay $0x1  }
0x118: {  	v16 =	vld [tilespmem:s8+$0x60];
	_ =	sdelay $0x1  }
0x119: {  	v17 =	vld [tilespmem:s8+$0x70]  }
0x11a: {  	v8 =	vmul.f32 v8, v3;
	v9 =	vmul.f32 v15, v4;
	_ =	sdelay $0x1  }
0x11b: {  	v18 =	vmul.f32 v16, v5;
	v8 =	vadd.f32 v9, v8;
	_ =	sdelay $0x1  }
0x11c: {  	v19 =	vmul.f32 v17, v6;
	v8 =	vadd.f32 v18, v8;
	_ =	sdelay $0x1  }
0x11d: {  	v8 =	vadd.f32 v19, v8;
	_ =	sdelay $0x1  }
0x11e: {  	(xrf2) =	vadd.scan.msk.f32 $0xffff, v8;
	_ =	sdelay $0x8  }
0x11f: {  	s24 =	sadd.s32 $0xFFFFFFF8, s20  }
0x120: {  	s3 =	sand.u32 $0xF, s24;
	v8, _, _ =	vpop (xrf2)  }
0x121: {  	v20 =	vmov s3;
	v8 =	vbroadcast v8, $0xF  }
0x122: {  	vm9 =	veq.s32 v20, v1  }
0x123: {  	v7 =	vsel vm9, v8, v7  }
0x124: {  	[tilespmem:s0+$0x8] =	vst v7  }
0x125: {  	v8 =	vld [tilespmem:s8+$0x80]  }
0x126: {  	v21 =	vld [tilespmem:s8+$0x90];
	_ =	sdelay $0x1  }
0x127: {  	v22 =	vld [tilespmem:s8+$0xA0];
	_ =	sdelay $0x1  }
0x128: {  	v23 =	vld [tilespmem:s8+$0xB0]  }
0x129: {  	v8 =	vmul.f32 v8, v3;
	v9 =	vmul.f32 v21, v4;
	_ =	sdelay $0x1  }
0x12a: {  	v24 =	vmul.f32 v22, v5;
	v8 =	vadd.f32 v9, v8;
	_ =	sdelay $0x1  }
0x12b: {  	v25 =	vmul.f32 v23, v6;
	v8 =	vadd.f32 v24, v8;
	_ =	sdelay $0x1  }
0x12c: {  	v8 =	vadd.f32 v25, v8;
	_ =	sdelay $0x1  }
0x12d: {  	(xrf2) =	vadd.scan.msk.f32 $0xffff, v8;
	_ =	sdelay $0x8  }
0x12e: {  	s24 =	sadd.s32 $0xFFFFFFF9, s20;
	s3 =	sand.u32 $0x3, s10  }
0x12f: {  	s0 =	sshll.u32 s3, $0x4;
	s3 =	sand.u32 $0xC, s24;
	v8, _, _ =	vpop (xrf2)  }
0x130: {  	s0 =	ssub.s32 $0x0, s0;
	v26 =	vmov s3;
	v8 =	vbroadcast v8, $0xF  }
0x131: {  	vm10 =	veq.s32 v26, v1;
	s0 =	sshra.s32 s0, $0x2  }
0x132: {  	s0 =	sadd.s32 s0, s12;
	v7 =	vsel vm10, v8, v7  }
0x133: {  	[tilespmem:s0+$0xC] =	vst v7  }
0x134: {  	v8 =	vld [tilespmem:s8+$0xC0]  }
0x135: {  	v27 =	vld [tilespmem:s8+$0xD0];
	_ =	sdelay $0x1  }
0x136: {  	v28 =	vld [tilespmem:s8+$0xE0];
	_ =	sdelay $0x1  }
0x137: {  	v29 =	vld [tilespmem:s8+$0xF0]  }
0x138: {  	v8 =	vmul.f32 v8, v3;
	v9 =	vmul.f32 v27, v4;
	_ =	sdelay $0x1  }
0x139: {  	v30 =	vmul.f32 v28, v5;
	v8 =	vadd.f32 v9, v8;
	_ =	sdelay $0x1  }
0x13a: {  	v31 =	vmul.f32 v29, v6;
	v8 =	vadd.f32 v30, v8;
	_ =	sdelay $0x1  }
0x13b: {  	v8 =	vadd.f32 v31, v8;
	_ =	sdelay $0x1  }
0x13c: {  	(xrf2) =	vadd.scan.msk.f32 $0xffff, v8;
	_ =	sdelay $0x8  }
0x13d: {  	s24 =	sadd.s32 $0xFFFFFFFA, s20;
	s3 =	sand.u32 $0xF, s25  }
0x13e: {  	s0 =	sshll.u32 s3, $0x2;
	s3 =	sand.u32 $0xD, s24;
	v8, _, _ =	vpop (xrf2)  }
0x13f: {  	s0 =	ssub.s32 $0x0, s0;
	v32 =	vmov s3;
	v8 =	vbroadcast v8, $0xF  }
0x140: {  	vm11 =	veq.s32 v32, v1;
	s0 =	sshra.s32 s0, $0x2  }
0x141: {  	s0 =	sadd.s32 s0, s12;
	v7 =	vsel vm11, v8, v7  }
0x142: {  	[tilespmem:s0+$0xC] =	vst v7  }
0x143: {  	v8 =	vld [tilespmem:s8+$0x100]  }
0x144: {  	v33 =	vld [tilespmem:s8+$0x110];
	_ =	sdelay $0x1  }
0x145: {  	v34 =	vld [tilespmem:s8+$0x120];
	_ =	sdelay $0x1  }
0x146: {  	v35 =	vld [tilespmem:s8+$0x130]  }
0x147: {  	v8 =	vmul.f32 v8, v3;
	v9 =	vmul.f32 v33, v4;
	_ =	sdelay $0x1  }
0x148: {  	v36 =	vmul.f32 v34, v5;
	v8 =	vadd.f32 v9, v8;
	_ =	sdelay $0x1  }
0x149: {  	v37 =	vmul.f32 v35, v6;
	v8 =	vadd.f32 v36, v8;
	_ =	sdelay $0x1  }
0x14a: {  	v8 =	vadd.f32 v37, v8;
	_ =	sdelay $0x1  }
0x14b: {  	(xrf2) =	vadd.scan.msk.f32 $0xffff, v8;
	_ =	sdelay $0x8  }
0x14c: {  	s24 =	sadd.s32 $0xFFFFFFFB, s20;
	s3 =	sand.u32 $0x7, s2  }
0x14d: {  	s24 =	sand.u32 $0xE, s24;
	s3 =	sshll.u32 s3, $0x3;
	v8, _, _ =	vpop (xrf2)  }
0x14e: {  	v38 =	vmov s24;
	s3 =	ssub.s32 $0x0, s3;
	v8 =	vbroadcast v8, $0xF  }
0x14f: {  	vm12 =	veq.s32 v38, v1;
	s3 =	sshra.s32 s3, $0x2  }
0x150: {  	s3 =	sadd.s32 s3, s12;
	v7 =	vsel vm12, v8, v7  }
0x151: {  	[tilespmem:s3+$0xC] =	vst v7  }
0x152: {  	v8 =	vld [tilespmem:s8+$0x140]  }
0x153: {  	v39 =	vld [tilespmem:s8+$0x150];
	_ =	sdelay $0x1  }
0x154: {  	v40 =	vld [tilespmem:s8+$0x160];
	_ =	sdelay $0x1  }
0x155: {  	v41 =	vld [tilespmem:s8+$0x170]  }
0x156: {  	v8 =	vmul.f32 v8, v3;
	v9 =	vmul.f32 v39, v4;
	_ =	sdelay $0x1  }
0x157: {  	v42 =	vmul.f32 v40, v5;
	v8 =	vadd.f32 v9, v8;
	_ =	sdelay $0x1  }
0x158: {  	v43 =	vmul.f32 v41, v6;
	v8 =	vadd.f32 v42, v8;
	_ =	sdelay $0x1  }
0x159: {  	v8 =	vadd.f32 v43, v8;
	_ =	sdelay $0x1  }
0x15a: {  	(xrf2) =	vadd.scan.msk.f32 $0xffff, v8;
	_ =	sdelay $0x8  }
0x15b: {  	s24 =	sadd.s32 $0xFFFFFFFC, s20  }
0x15c: {  	s3 =	sand.u32 $0xF, s24;
	v8, _, _ =	vpop (xrf2)  }
0x15d: {  	v44 =	vmov s3;
	v8 =	vbroadcast v8, $0xF  }
0x15e: {  	vm13 =	veq.s32 v44, v1  }
0x15f: {  	v7 =	vsel vm13, v8, v7  }
0x160: {  	[tilespmem:s0+$0xC] =	vst v7  }
0x161: {  	v8 =	vld [tilespmem:s8+$0x180]  }
0x162: {  	v45 =	vld [tilespmem:s8+$0x190];
	_ =	sdelay $0x1  }
0x163: {  	v46 =	vld [tilespmem:s8+$0x1A0];
	_ =	sdelay $0x1  }
0x164: {  	v47 =	vld [tilespmem:s8+$0x1B0]  }
0x165: {  	v8 =	vmul.f32 v8, v3;
	v9 =	vmul.f32 v45, v4;
	_ =	sdelay $0x1  }
0x166: {  	v48 =	vmul.f32 v46, v5;
	v8 =	vadd.f32 v9, v8;
	_ =	sdelay $0x1  }
0x167: {  	v49 =	vmul.f32 v47, v6;
	v8 =	vadd.f32 v48, v8;
	_ =	sdelay $0x1  }
0x168: {  	v8 =	vadd.f32 v49, v8;
	_ =	sdelay $0x1  }
0x169: {  	(xrf2) =	vadd.scan.msk.f32 $0xffff, v8;
	_ =	sdelay $0x9  }
0x16a: {  	v8, _, _ =	vpop (xrf2)  }
0x16b: {  	v8 =	vbroadcast v8, $0xF;
	_ =	sdelay $0x1  }
0x16c: {  	v7 =	vsel vm0, v8, v7  }
0x16d: {  	[tilespmem:s30+$0x10] =	vst v7  }
0x16e: {  	v8 =	vld [tilespmem:s8+$0x1C0]  }
0x16f: {  	v50 =	vld [tilespmem:s8+$0x1D0];
	_ =	sdelay $0x1  }
0x170: {  	v51 =	vld [tilespmem:s8+$0x1E0];
	_ =	sdelay $0x1  }
0x171: {  	v52 =	vld [tilespmem:s8+$0x1F0]  }
0x172: {  	v8 =	vmul.f32 v8, v3;
	v9 =	vmul.f32 v50, v4;
	_ =	sdelay $0x1  }
0x173: {  	v53 =	vmul.f32 v51, v5;
	v8 =	vadd.f32 v9, v8;
	_ =	sdelay $0x1  }
0x174: {  	v54 =	vmul.f32 v52, v6;
	v8 =	vadd.f32 v53, v8;
	_ =	sdelay $0x1  }
0x175: {  	v8 =	vadd.f32 v54, v8;
	_ =	sdelay $0x1  }
0x176: {  	(xrf2) =	vadd.scan.msk.f32 $0xffff, v8;
	_ =	sdelay $0x8  }
0x177: {  	s30 =	sadd.s32 $0xFFFFFFFE, s20  }
0x178: {  	s0 =	sand.u32 $0xD, s30;
	v8, _, _ =	vpop (xrf2)  }
0x179: {  	v55 =	vmov s0;
	v8 =	vbroadcast v8, $0xF  }
0x17a: {  	vm14 =	veq.s32 v55, v1  }
0x17b: {  	v7 =	vsel vm14, v8, v7  }
0x17c: {  	[tilespmem:s29+$0x0] =	vst v7  }
0x17d: {  	v8 =	vld [tilespmem:s8+$0x200]  }
0x17e: {  	v56 =	vld [tilespmem:s8+$0x210];
	_ =	sdelay $0x1  }
0x17f: {  	v57 =	vld [tilespmem:s8+$0x220];
	_ =	sdelay $0x1  }
0x180: {  	v58 =	vld [tilespmem:s8+$0x230]  }
0x181: {  	v8 =	vmul.f32 v8, v3;
	v9 =	vmul.f32 v56, v4;
	_ =	sdelay $0x1  }
0x182: {  	v59 =	vmul.f32 v57, v5;
	v8 =	vadd.f32 v9, v8;
	_ =	sdelay $0x1  }
0x183: {  	v60 =	vmul.f32 v58, v6;
	v8 =	vadd.f32 v59, v8;
	_ =	sdelay $0x1  }
0x184: {  	v8 =	vadd.f32 v60, v8;
	_ =	sdelay $0x1  }
0x185: {  	(xrf2) =	vadd.scan.msk.f32 $0xffff, v8;
	_ =	sdelay $0x9  }
0x186: {  	v8, _, _ =	vpop (xrf2)  }
0x187: {  	v8 =	vbroadcast v8, $0xF;
	_ =	sdelay $0x1  }
0x188: {  	v7 =	vsel vm1, v8, v7  }
0x189: {  	[tilespmem:s31+$0x10] =	vst v7  }
0x18a: {  	v8 =	vld [tilespmem:s8+$0x240]  }
0x18b: {  	v61 =	vld [tilespmem:s8+$0x250];
	_ =	sdelay $0x1  }
0x18c: {  	v62 =	vld [tilespmem:s8+$0x260];
	_ =	sdelay $0x1  }
0x18d: {  	v63 =	vld [tilespmem:s8+$0x270]  }
0x18e: {  	v3 =	vmul.f32 v8, v3;
	v4 =	vmul.f32 v61, v4;
	_ =	sdelay $0x1  }
0x18f: {  	v3 =	vadd.f32 v4, v3;
	v4 =	vmul.f32 v62, v5;
	_ =	sdelay $0x1  }
0x190: {  	v3 =	vadd.f32 v4, v3;
	v4 =	vmul.f32 v63, v6;
	_ =	sdelay $0x1  }
0x191: {  	v3 =	vadd.f32 v4, v3;
	_ =	sdelay $0x1  }
0x192: {  	(xrf2) =	vadd.scan.msk.f32 $0xffff, v3;
	_ =	sdelay $0x7  }
0x193: {  	s28 =	sadd.s32 $0x1, s28;
	s22 =	sadd.s32 $0x40, s22;
	s5 =	sadd.s32 $0x40, s5  }
0x194: {  	s23 =	sadd.s32 $0x4, s23;
	s16 =	sadd.s32 $0x2, s16;
	p0 =	sne.s32 s20, $0x13F  }
.Ltmp2:
0x195: {  	s11 =	sadd.s32 $0x1, s11;
	s31 =	sand.u32 $0xF, s20;
	v3, _, _ =	vpop (xrf2);
	(pc) =	sbr.rel @p0 .LBB2_7-.Ltmp2, $4  }
0x196: {  	s15 =	sadd.s32 $0x1, s15;
	s18 =	sadd.s32 $0x4, s18;
	s21 =	sadd.s32 $0x2, s21;
	v4 =	vmov s31;
	v3 =	vbroadcast v3, $0xF  }
0x197: {  	s6 =	sadd.s32 $0x1, s6;
	s9 =	sadd.s32 $0x4, s9;
	s7 =	sadd.s32 $0x2, s7;
	vm15 =	veq.s32 v4, v1  }
0x198: {  	s10 =	sadd.s32 $0x1, s10;
	s25 =	sadd.s32 $0x4, s25;
	s2 =	sadd.s32 $0x2, s2;
	v7 =	vsel vm15, v3, v7  }
0x199: {  	s12 =	sadd.s32 $0x14, s12;
	s20 =	sadd.s32 $0x14, s20;
	s8 =	sadd.s32 $0x500, s8;
	[tilespmem:s29+$0x0] =	vst v7  }
0x19a: {  	s0 =	sadd.s32 $0x2, s17  }
0x19b: {  	s5 =	simm.s32 $0x10;
	s2 =	sshll.u32 s0, $0x4  }
0x19c: {  	s6 =	simm.s32 $0x5830;
	s0 =	smul.u32 $0x500, s0;
	s3 =	sadd.s32 $0x2C30, s2  }
0x19d: {  	[tilespmem:s6], [sflag:$0x1] =	stream.indirect.gather [hbm4b:s14+s5], $0x40, s3, s5, $0xb8;
	[tilespmem:$0x13230] =	vst v63  }
0x19e: {  	s22 =	simm.s32 $0x5C30;
	s2 =	sadd.s32 $0x2E30, s2;
	s0 =	sshra.s32 s0, $0x2  }
0x19f: {  	[tilespmem:s22], [sflag:$0x1] =	stream.indirect.gather [hbm4b:s4+s5], $0x40, s2, s5, $0xb8;
	[tilespmem:$0x13230] =	vst v63  }
0x1a0: {  	s24 =	simm.s32 $0x6030;
	s23 =	sadd.s32 $0x3030, s0  }
0x1a1: {  	[tilespmem:s24], [sflag:$0x1] =	stream.indirect.gather [hbm4b:s4+s19], $0x40, s23, s19, $0xb8;
	[tilespmem:$0x13230] =	vst v63  }
0x1a2: {  	s28 =	simm.s32 $0x8030;
	s29 =	simm.s32 $0x40;
	s25 =	sadd.s32 $0x30B0, s0  }
0x1a3: {  	[tilespmem:s28], [sflag:$0x1] =	stream.indirect.gather [hbm4b:s4+s19], $0x40, s25, s19, $0xb8;
	[tilespmem:$0x13230] =	vst v63  }
0x1a4: {  	s30 =	simm.s32 $0xA030;
	s15 =	simm.s32 $0x2;
	s0 =	sadd.s32 $0x3130, s0  }
0x1a5: {  	[tilespmem:s30], [sflag:$0x1] =	stream.indirect.gather [hbm4b:s4+s29], $0x40, s0, s29, $0xb8;
	[tilespmem:$0x13230] =	vst v63  }
0x1a6: {  	_ =	swait.ge [sflag:s15], $0x400  }
0x1a7: {  	[sflag:s15] =	ssyncset.done $0x0  }
0x1a8: {  	[sflag:s15] =	ssyncadd.s32 $0xFFFFFC00  }
0x1a9: {  	_ =	swait.ge [sflag:s15], $0x400  }
0x1aa: {  	[sflag:s15] =	ssyncset.done $0x0  }
0x1ab: {  	[sflag:s15] =	ssyncadd.s32 $0xFFFFFC00  }
0x1ac: {  	s31 =	smov.u32 s14;
	s7 =	simm.s32 $0xB450;
	_ =	swait.ge [sflag:s15], $0x2000  }
0x1ad: {  	s8 =	simm.s32 $0xB050;
	s9 =	simm.s32 $0x1;
	[sflag:s15] =	ssyncset.done $0x0  }
0x1ae: {  	s10 =	simm.s32 $0x4;
	s17 =	simm.s32 $0x8;
	[sflag:s15] =	ssyncadd.s32 $0xFFFFE000  }
0x1af: {  	s20 =	simm.s32 $0x3;
	s11 =	simm.s32 $0x6;
	_ =	swait.ge [sflag:s15], $0x2000  }
0x1b0: {  	s16 =	simm.s32 $0xC;
	s18 =	simm.s32 $0x4;
	[sflag:s15] =	ssyncset.done $0x0  }
0x1b1: {  	s21 =	simm.s32 $0x0;
	s12 =	simm.s32 $0x0;
	[sflag:s15] =	ssyncadd.s32 $0xFFFFE000  }
0x1b2: {  	s6 =	simm.s32 $0x13;
	s5 =	simm.s32 $0x0;
	_ =	swait.ge [sflag:s15], $0x1000  }
0x1b3: {  	s2 =	simm.s32 $0xBAB0;
	s22 =	simm.s32 $0x2;
	[sflag:s15] =	ssyncset.done $0x0  }
0x1b4: {  	v2 =	vimm.f32 $0.0e+00;
	v7 =	vimm.f32 $0.0e+00;
	s23 =	smov.u32 s26;
	s25 =	simm.s32 $0x0;
	[sflag:s15] =	ssyncadd.s32 $0xFFFFF000  }
.LBB2_9:
0x1b5: {  	v3 =	vld [tilespmem:s8+$0xFFFFFFE0]  }
0x1b6: {  	v4 =	vld [tilespmem:s8+$0xFFFFFFF0]  }
0x1b7: {  	v8 =	vld [tilespmem:s7+$0xFFFFFFE0]  }
0x1b8: {  	v9 =	vld [tilespmem:s7+$0xFFFFFFF0]  }
0x1b9: {  	v5 =	vld [tilespmem:s8+$0x0]  }
0x1ba: {  	v10 =	vld [tilespmem:s7+$0x0]  }
0x1bb: {  	v6 =	vld [tilespmem:s8+$0x10]  }
0x1bc: {  	v11 =	vld [tilespmem:s7+$0x10]  }
0x1bd: {  	v8 =	vmul.f32 v8, v3;
	v9 =	vmul.f32 v9, v4;
	_ =	sdelay $0x1  }
0x1be: {  	v50 =	vmul.f32 v10, v5;
	v8 =	vadd.f32 v9, v8;
	_ =	sdelay $0x1  }
0x1bf: {  	v51 =	vmul.f32 v11, v6;
	v8 =	vadd.f32 v50, v8;
	_ =	sdelay $0x1  }
0x1c0: {  	v8 =	vadd.f32 v51, v8;
	_ =	sdelay $0x1  }
0x1c1: {  	(xrf2) =	vadd.scan.msk.f32 $0xffff, v8;
	_ =	sdelay $0x9  }
0x1c2: {  	v8, _, _ =	vpop (xrf2)  }
0x1c3: {  	v52 =	vmov s25;
	v8 =	vbroadcast v8, $0xF  }
0x1c4: {  	vm0 =	veq.s32 v52, v1  }
0x1c5: {  	v2 =	vsel vm0, v8, v2  }
0x1c6: {  	[tilespmem:s13+$0x10830] =	vst v2  }
0x1c7: {  	v8 =	vld [tilespmem:s2+$0xFFFFFD80]  }
0x1c8: {  	v53 =	vld [tilespmem:s2+$0xFFFFFD90];
	_ =	sdelay $0x1  }
0x1c9: {  	v54 =	vld [tilespmem:s2+$0xFFFFFDA0];
	_ =	sdelay $0x1  }
0x1ca: {  	v55 =	vld [tilespmem:s2+$0xFFFFFDB0]  }
0x1cb: {  	v8 =	vmul.f32 v8, v3;
	v9 =	vmul.f32 v53, v4;
	_ =	sdelay $0x1  }
0x1cc: {  	v56 =	vmul.f32 v54, v5;
	v8 =	vadd.f32 v9, v8;
	_ =	sdelay $0x1  }
0x1cd: {  	v57 =	vmul.f32 v55, v6;
	v8 =	vadd.f32 v56, v8;
	_ =	sdelay $0x1  }
0x1ce: {  	v8 =	vadd.f32 v57, v8;
	_ =	sdelay $0x1  }
0x1cf: {  	(xrf2) =	vadd.scan.msk.f32 $0xffff, v8;
	_ =	sdelay $0x8  }
0x1d0: {  	s0 =	sand.u32 $0x3, s21;
	s3 =	sadd.s32 $0xFFFFFFED, s6  }
0x1d1: {  	s0 =	sshll.u32 s0, $0x4;
	s3 =	sand.u32 $0xC, s3;
	v8, _, _ =	vpop (xrf2)  }
0x1d2: {  	s0 =	ssub.s32 $0x0, s0;
	v58 =	vmov s3;
	v8 =	vbroadcast v8, $0xF  }
0x1d3: {  	s0 =	sshra.s32 s0, $0x2;
	vm0 =	veq.s32 v58, v1  }
0x1d4: {  	s29 =	sadd.s32 s0, s23;
	v7 =	vsel vm0, v8, v7  }
0x1d5: {  	[tilespmem:s29+$0x140] =	vst v7  }
0x1d6: {  	v8 =	vld [tilespmem:s2+$0xFFFFFDC0]  }
0x1d7: {  	v59 =	vld [tilespmem:s2+$0xFFFFFDD0];
	_ =	sdelay $0x1  }
0x1d8: {  	v60 =	vld [tilespmem:s2+$0xFFFFFDE0];
	_ =	sdelay $0x1  }
0x1d9: {  	v61 =	vld [tilespmem:s2+$0xFFFFFDF0]  }
0x1da: {  	v8 =	vmul.f32 v8, v3;
	v9 =	vmul.f32 v59, v4;
	_ =	sdelay $0x1  }
0x1db: {  	v62 =	vmul.f32 v60, v5;
	v8 =	vadd.f32 v9, v8;
	_ =	sdelay $0x1  }
0x1dc: {  	v63 =	vmul.f32 v61, v6;
	v8 =	vadd.f32 v62, v8;
	_ =	sdelay $0x1  }
0x1dd: {  	v8 =	vadd.f32 v63, v8;
	_ =	sdelay $0x1  }
0x1de: {  	(xrf2) =	vadd.scan.msk.f32 $0xffff, v8;
	_ =	sdelay $0x8  }
0x1df: {  	s14 =	sadd.s32 $0xFFFFFFEE, s6;
	s3 =	sand.u32 $0xF, s12  }
0x1e0: {  	s0 =	sshll.u32 s3, $0x2;
	s3 =	sand.u32 $0xD, s14;
	v8, _, _ =	vpop (xrf2)  }
0x1e1: {  	s0 =	ssub.s32 $0x540, s0;
	v12 =	vmov s3;
	v8 =	vbroadcast v8, $0xF  }
0x1e2: {  	vm1 =	veq.s32 v12, v1;
	s0 =	sshrl.u32 s0, $0x2  }
0x1e3: {  	s28 =	sadd.s32 s0, s23;
	v7 =	vsel vm1, v8, v7  }
0x1e4: {  	[tilespmem:s28+$0xFFFFFFF0] =	vst v7  }
0x1e5: {  	v8 =	vld [tilespmem:s2+$0xFFFFFE00]  }
0x1e6: {  	v13 =	vld [tilespmem:s2+$0xFFFFFE10];
	_ =	sdelay $0x1  }
0x1e7: {  	v14 =	vld [tilespmem:s2+$0xFFFFFE20];
	_ =	sdelay $0x1  }
0x1e8: {  	v15 =	vld [tilespmem:s2+$0xFFFFFE30]  }
0x1e9: {  	v8 =	vmul.f32 v8, v3;
	v9 =	vmul.f32 v13, v4;
	_ =	sdelay $0x1  }
0x1ea: {  	v16 =	vmul.f32 v14, v5;
	v8 =	vadd.f32 v9, v8;
	_ =	sdelay $0x1  }
0x1eb: {  	v17 =	vmul.f32 v15, v6;
	v8 =	vadd.f32 v16, v8;
	_ =	sdelay $0x1  }
0x1ec: {  	v8 =	vadd.f32 v17, v8;
	_ =	sdelay $0x1  }
0x1ed: {  	(xrf2) =	vadd.scan.msk.f32 $0xffff, v8;
	_ =	sdelay $0x8  }
0x1ee: {  	s24 =	sand.u32 $0x7, s5;
	s30 =	sadd.s32 $0xFFFFFFFF, s6  }
0x1ef: {  	s3 =	sand.u32 $0xE, s30;
	s0 =	sshll.u32 s24, $0x3;
	v8, _, _ =	vpop (xrf2)  }
0x1f0: {  	v18 =	vmov s3;
	s0 =	ssub.s32 $0x0, s0;
	v8 =	vbroadcast v8, $0xF  }
0x1f1: {  	s0 =	sshra.s32 s0, $0x2;
	vm1 =	veq.s32 v18, v1  }
0x1f2: {  	s30 =	sadd.s32 s0, s23;
	v7 =	vsel vm1, v8, v7  }
0x1f3: {  	[tilespmem:s30+$0x140] =	vst v7  }
0x1f4: {  	v8 =	vld [tilespmem:s2+$0xFFFFFE40]  }
0x1f5: {  	v19 =	vld [tilespmem:s2+$0xFFFFFE50];
	_ =	sdelay $0x1  }
0x1f6: {  	v20 =	vld [tilespmem:s2+$0xFFFFFE60];
	_ =	sdelay $0x1  }
0x1f7: {  	v21 =	vld [tilespmem:s2+$0xFFFFFE70]  }
0x1f8: {  	v8 =	vmul.f32 v8, v3;
	v9 =	vmul.f32 v19, v4;
	_ =	sdelay $0x1  }
0x1f9: {  	v22 =	vmul.f32 v20, v5;
	v8 =	vadd.f32 v9, v8;
	_ =	sdelay $0x1  }
0x1fa: {  	v23 =	vmul.f32 v21, v6;
	v8 =	vadd.f32 v22, v8;
	_ =	sdelay $0x1  }
0x1fb: {  	v8 =	vadd.f32 v23, v8;
	_ =	sdelay $0x1  }
0x1fc: {  	(xrf2) =	vadd.scan.msk.f32 $0xffff, v8;
	_ =	sdelay $0x8  }
0x1fd: {  	s3 =	sadd.s32 $0xFFFFFFF0, s6  }
0x1fe: {  	s0 =	sand.u32 $0xF, s3;
	v8, _, _ =	vpop (xrf2)  }
0x1ff: {  	v24 =	vmov s0;
	v8 =	vbroadcast v8, $0xF  }
0x200: {  	vm2 =	veq.s32 v24, v1  }
0x201: {  	v7 =	vsel vm2, v8, v7  }
0x202: {  	[tilespmem:s28+$0xFFFFFFF0] =	vst v7  }
0x203: {  	v8 =	vld [tilespmem:s2+$0xFFFFFE80]  }
0x204: {  	v25 =	vld [tilespmem:s2+$0xFFFFFE90];
	_ =	sdelay $0x1  }
0x205: {  	v26 =	vld [tilespmem:s2+$0xFFFFFEA0];
	_ =	sdelay $0x1  }
0x206: {  	v27 =	vld [tilespmem:s2+$0xFFFFFEB0]  }
0x207: {  	v8 =	vmul.f32 v8, v3;
	v9 =	vmul.f32 v25, v4;
	_ =	sdelay $0x1  }
0x208: {  	v28 =	vmul.f32 v26, v5;
	v8 =	vadd.f32 v9, v8;
	_ =	sdelay $0x1  }
0x209: {  	v29 =	vmul.f32 v27, v6;
	v8 =	vadd.f32 v28, v8;
	_ =	sdelay $0x1  }
0x20a: {  	v8 =	vadd.f32 v29, v8;
	_ =	sdelay $0x1  }
0x20b: {  	(xrf2) =	vadd.scan.msk.f32 $0xffff, v8;
	_ =	sdelay $0x8  }
0x20c: {  	s14 =	sand.u32 $0x3, s9;
	s24 =	sadd.s32 $0xFFFFFFF1, s6  }
0x20d: {  	s3 =	sand.u32 $0xC, s24;
	s0 =	sshll.u32 s14, $0x4;
	v8, _, _ =	vpop (xrf2)  }
0x20e: {  	v30 =	vmov s3;
	s0 =	ssub.s32 $0x0, s0;
	v8 =	vbroadcast v8, $0xF  }
0x20f: {  	vm14 =	veq.s32 v30, v1;
	s0 =	sshra.s32 s0, $0x2  }
0x210: {  	s0 =	sadd.s32 s0, s23;
	v7 =	vsel vm14, v8, v7  }
0x211: {  	[tilespmem:s0+$0x144] =	vst v7  }
0x212: {  	v8 =	vld [tilespmem:s2+$0xFFFFFEC0]  }
0x213: {  	v31 =	vld [tilespmem:s2+$0xFFFFFED0];
	_ =	sdelay $0x1  }
0x214: {  	v32 =	vld [tilespmem:s2+$0xFFFFFEE0];
	_ =	sdelay $0x1  }
0x215: {  	v33 =	vld [tilespmem:s2+$0xFFFFFEF0]  }
0x216: {  	v8 =	vmul.f32 v8, v3;
	v9 =	vmul.f32 v31, v4;
	_ =	sdelay $0x1  }
0x217: {  	v34 =	vmul.f32 v32, v5;
	v8 =	vadd.f32 v9, v8;
	_ =	sdelay $0x1  }
0x218: {  	v35 =	vmul.f32 v33, v6;
	v8 =	vadd.f32 v34, v8;
	_ =	sdelay $0x1  }
0x219: {  	v8 =	vadd.f32 v35, v8;
	_ =	sdelay $0x1  }
0x21a: {  	(xrf2) =	vadd.scan.msk.f32 $0xffff, v8;
	_ =	sdelay $0x8  }
0x21b: {  	s24 =	sadd.s32 $0xFFFFFFF2, s6;
	s14 =	sand.u32 $0xF, s18  }
0x21c: {  	s3 =	sand.u32 $0xD, s24;
	s0 =	sshll.u32 s14, $0x2;
	v8, _, _ =	vpop (xrf2)  }
0x21d: {  	v36 =	vmov s3;
	s0 =	ssub.s32 $0x0, s0;
	v8 =	vbroadcast v8, $0xF  }
0x21e: {  	vm15 =	veq.s32 v36, v1;
	s0 =	sshra.s32 s0, $0x2  }
0x21f: {  	s0 =	sadd.s32 s0, s23;
	v7 =	vsel vm15, v8, v7  }
0x220: {  	[tilespmem:s0+$0x144] =	vst v7  }
0x221: {  	v8 =	vld [tilespmem:s2+$0xFFFFFF00]  }
0x222: {  	v37 =	vld [tilespmem:s2+$0xFFFFFF10];
	_ =	sdelay $0x1  }
0x223: {  	v38 =	vld [tilespmem:s2+$0xFFFFFF20];
	_ =	sdelay $0x1  }
0x224: {  	v39 =	vld [tilespmem:s2+$0xFFFFFF30]  }
0x225: {  	v8 =	vmul.f32 v8, v3;
	v9 =	vmul.f32 v37, v4;
	_ =	sdelay $0x1  }
0x226: {  	v40 =	vmul.f32 v38, v5;
	v8 =	vadd.f32 v9, v8;
	_ =	sdelay $0x1  }
0x227: {  	v41 =	vmul.f32 v39, v6;
	v8 =	vadd.f32 v40, v8;
	_ =	sdelay $0x1  }
0x228: {  	v8 =	vadd.f32 v41, v8;
	_ =	sdelay $0x1  }
0x229: {  	(xrf2) =	vadd.scan.msk.f32 $0xffff, v8;
	_ =	sdelay $0x8  }
0x22a: {  	s24 =	sadd.s32 $0xFFFFFFF3, s6;
	s14 =	sand.u32 $0x7, s22  }
0x22b: {  	s24 =	sand.u32 $0xE, s24;
	s3 =	sshll.u32 s14, $0x3;
	v8, _, _ =	vpop (xrf2)  }
0x22c: {  	v42 =	vmov s24;
	s3 =	ssub.s32 $0x0, s3;
	v8 =	vbroadcast v8, $0xF  }
0x22d: {  	vm4 =	veq.s32 v42, v1;
	s3 =	sshra.s32 s3, $0x2  }
0x22e: {  	s3 =	sadd.s32 s3, s23;
	v7 =	vsel vm4, v8, v7  }
0x22f: {  	[tilespmem:s3+$0x144] =	vst v7  }
0x230: {  	v8 =	vld [tilespmem:s2+$0xFFFFFF40]  }
0x231: {  	v43 =	vld [tilespmem:s2+$0xFFFFFF50];
	_ =	sdelay $0x1  }
0x232: {  	v44 =	vld [tilespmem:s2+$0xFFFFFF60];
	_ =	sdelay $0x1  }
0x233: {  	v45 =	vld [tilespmem:s2+$0xFFFFFF70]  }
0x234: {  	v8 =	vmul.f32 v8, v3;
	v9 =	vmul.f32 v43, v4;
	_ =	sdelay $0x1  }
0x235: {  	v46 =	vmul.f32 v44, v5;
	v8 =	vadd.f32 v9, v8;
	_ =	sdelay $0x1  }
0x236: {  	v47 =	vmul.f32 v45, v6;
	v8 =	vadd.f32 v46, v8;
	_ =	sdelay $0x1  }
0x237: {  	v8 =	vadd.f32 v47, v8;
	_ =	sdelay $0x1  }
0x238: {  	(xrf2) =	vadd.scan.msk.f32 $0xffff, v8;
	_ =	sdelay $0x8  }
0x239: {  	s24 =	sadd.s32 $0xFFFFFFF4, s6  }
0x23a: {  	s3 =	sand.u32 $0xF, s24;
	v8, _, _ =	vpop (xrf2)  }
0x23b: {  	v48 =	vmov s3;
	v8 =	vbroadcast v8, $0xF  }
0x23c: {  	vm5 =	veq.s32 v48, v1  }
0x23d: {  	v7 =	vsel vm5, v8, v7  }
0x23e: {  	[tilespmem:s0+$0x144] =	vst v7  }
0x23f: {  	v8 =	vld [tilespmem:s2+$0xFFFFFF80]  }
0x240: {  	v49 =	vld [tilespmem:s2+$0xFFFFFF90];
	_ =	sdelay $0x1  }
0x241: {  	v50 =	vld [tilespmem:s2+$0xFFFFFFA0];
	_ =	sdelay $0x1  }
0x242: {  	v51 =	vld [tilespmem:s2+$0xFFFFFFB0]  }
0x243: {  	v8 =	vmul.f32 v8, v3;
	v9 =	vmul.f32 v49, v4;
	_ =	sdelay $0x1  }
0x244: {  	v52 =	vmul.f32 v50, v5;
	v8 =	vadd.f32 v9, v8;
	_ =	sdelay $0x1  }
0x245: {  	v53 =	vmul.f32 v51, v6;
	v8 =	vadd.f32 v52, v8;
	_ =	sdelay $0x1  }
0x246: {  	v8 =	vadd.f32 v53, v8;
	_ =	sdelay $0x1  }
0x247: {  	(xrf2) =	vadd.scan.msk.f32 $0xffff, v8;
	_ =	sdelay $0x8  }
0x248: {  	s14 =	sand.u32 $0x3, s15;
	s24 =	sadd.s32 $0xFFFFFFF5, s6  }
0x249: {  	s3 =	sand.u32 $0xC, s24;
	s0 =	sshll.u32 s14, $0x4;
	v8, _, _ =	vpop (xrf2)  }
0x24a: {  	v54 =	vmov s3;
	s0 =	ssub.s32 $0x0, s0;
	v8 =	vbroadcast v8, $0xF  }
0x24b: {  	vm6 =	veq.s32 v54, v1;
	s0 =	sshra.s32 s0, $0x2  }
0x24c: {  	s0 =	sadd.s32 s0, s23;
	v7 =	vsel vm6, v8, v7  }
0x24d: {  	[tilespmem:s0+$0x148] =	vst v7  }
0x24e: {  	v8 =	vld [tilespmem:s2+$0xFFFFFFC0]  }
0x24f: {  	v55 =	vld [tilespmem:s2+$0xFFFFFFD0];
	_ =	sdelay $0x1  }
0x250: {  	v56 =	vld [tilespmem:s2+$0xFFFFFFE0];
	_ =	sdelay $0x1  }
0x251: {  	v57 =	vld [tilespmem:s2+$0xFFFFFFF0]  }
0x252: {  	v8 =	vmul.f32 v8, v3;
	v9 =	vmul.f32 v55, v4;
	_ =	sdelay $0x1  }
0x253: {  	v58 =	vmul.f32 v56, v5;
	v8 =	vadd.f32 v9, v8;
	_ =	sdelay $0x1  }
0x254: {  	v59 =	vmul.f32 v57, v6;
	v8 =	vadd.f32 v58, v8;
	_ =	sdelay $0x1  }
0x255: {  	v8 =	vadd.f32 v59, v8;
	_ =	sdelay $0x1  }
0x256: {  	(xrf2) =	vadd.scan.msk.f32 $0xffff, v8;
	_ =	sdelay $0x8  }
0x257: {  	s3 =	sand.u32 $0xF, s17;
	s14 =	sadd.s32 $0xFFFFFFF6, s6  }
0x258: {  	s0 =	sshll.u32 s3, $0x2;
	s3 =	sand.u32 $0xD, s14;
	v8, _, _ =	vpop (xrf2)  }
0x259: {  	s0 =	ssub.s32 $0x0, s0;
	v60 =	vmov s3;
	v8 =	vbroadcast v8, $0xF  }
0x25a: {  	vm7 =	veq.s32 v60, v1;
	s0 =	sshra.s32 s0, $0x2  }
0x25b: {  	s0 =	sadd.s32 s0, s23;
	v7 =	vsel vm7, v8, v7  }
0x25c: {  	[tilespmem:s0+$0x148] =	vst v7  }
0x25d: {  	v8 =	vld [tilespmem:s2+$0x0]  }
0x25e: {  	v61 =	vld [tilespmem:s2+$0x10];
	_ =	sdelay $0x1  }
0x25f: {  	v62 =	vld [tilespmem:s2+$0x20];
	_ =	sdelay $0x1  }
0x260: {  	v63 =	vld [tilespmem:s2+$0x30]  }
0x261: {  	v8 =	vmul.f32 v8, v3;
	v9 =	vmul.f32 v61, v4;
	_ =	sdelay $0x1  }
0x262: {  	v12 =	vmul.f32 v62, v5;
	v8 =	vadd.f32 v9, v8;
	_ =	sdelay $0x1  }
0x263: {  	v13 =	vmul.f32 v63, v6;
	v8 =	vadd.f32 v12, v8;
	_ =	sdelay $0x1  }
0x264: {  	v8 =	vadd.f32 v13, v8;
	_ =	sdelay $0x1  }
0x265: {  	(xrf2) =	vadd.scan.msk.f32 $0xffff, v8;
	_ =	sdelay $0x8  }
0x266: {  	s24 =	sand.u32 $0x7, s10;
	s14 =	sadd.s32 $0xFFFFFFF7, s6  }
0x267: {  	s3 =	sshll.u32 s24, $0x3;
	s24 =	sand.u32 $0xE, s14;
	v8, _, _ =	vpop (xrf2)  }
0x268: {  	s3 =	ssub.s32 $0x0, s3;
	v14 =	vmov s24;
	v8 =	vbroadcast v8, $0xF  }
0x269: {  	vm8 =	veq.s32 v14, v1;
	s3 =	sshra.s32 s3, $0x2  }
0x26a: {  	s3 =	sadd.s32 s3, s23;
	v7 =	vsel vm8, v8, v7  }
0x26b: {  	[tilespmem:s3+$0x148] =	vst v7  }
0x26c: {  	v8 =	vld [tilespmem:s2+$0x40]  }
0x26d: {  	v15 =	vld [tilespmem:s2+$0x50];
	_ =	sdelay $0x1  }
0x26e: {  	v16 =	vld [tilespmem:s2+$0x60];
	_ =	sdelay $0x1  }
0x26f: {  	v17 =	vld [tilespmem:s2+$0x70]  }
0x270: {  	v8 =	vmul.f32 v8, v3;
	v9 =	vmul.f32 v15, v4;
	_ =	sdelay $0x1  }
0x271: {  	v18 =	vmul.f32 v16, v5;
	v8 =	vadd.f32 v9, v8;
	_ =	sdelay $0x1  }
0x272: {  	v19 =	vmul.f32 v17, v6;
	v8 =	vadd.f32 v18, v8;
	_ =	sdelay $0x1  }
0x273: {  	v8 =	vadd.f32 v19, v8;
	_ =	sdelay $0x1  }
0x274: {  	(xrf2) =	vadd.scan.msk.f32 $0xffff, v8;
	_ =	sdelay $0x8  }
0x275: {  	s24 =	sadd.s32 $0xFFFFFFF8, s6  }
0x276: {  	s3 =	sand.u32 $0xF, s24;
	v8, _, _ =	vpop (xrf2)  }
0x277: {  	v20 =	vmov s3;
	v8 =	vbroadcast v8, $0xF  }
0x278: {  	vm9 =	veq.s32 v20, v1  }
0x279: {  	v7 =	vsel vm9, v8, v7  }
0x27a: {  	[tilespmem:s0+$0x148] =	vst v7  }
0x27b: {  	v8 =	vld [tilespmem:s2+$0x80]  }
0x27c: {  	v21 =	vld [tilespmem:s2+$0x90];
	_ =	sdelay $0x1  }
0x27d: {  	v22 =	vld [tilespmem:s2+$0xA0];
	_ =	sdelay $0x1  }
0x27e: {  	v23 =	vld [tilespmem:s2+$0xB0]  }
0x27f: {  	v8 =	vmul.f32 v8, v3;
	v9 =	vmul.f32 v21, v4;
	_ =	sdelay $0x1  }
0x280: {  	v24 =	vmul.f32 v22, v5;
	v8 =	vadd.f32 v9, v8;
	_ =	sdelay $0x1  }
0x281: {  	v25 =	vmul.f32 v23, v6;
	v8 =	vadd.f32 v24, v8;
	_ =	sdelay $0x1  }
0x282: {  	v8 =	vadd.f32 v25, v8;
	_ =	sdelay $0x1  }
0x283: {  	(xrf2) =	vadd.scan.msk.f32 $0xffff, v8;
	_ =	sdelay $0x8  }
0x284: {  	s14 =	sand.u32 $0x3, s20;
	s24 =	sadd.s32 $0xFFFFFFF9, s6  }
0x285: {  	s3 =	sand.u32 $0xC, s24;
	s0 =	sshll.u32 s14, $0x4;
	v8, _, _ =	vpop (xrf2)  }
0x286: {  	v26 =	vmov s3;
	s0 =	ssub.s32 $0x0, s0;
	v8 =	vbroadcast v8, $0xF  }
0x287: {  	vm10 =	veq.s32 v26, v1;
	s0 =	sshra.s32 s0, $0x2  }
0x288: {  	s0 =	sadd.s32 s0, s23;
	v7 =	vsel vm10, v8, v7  }
0x289: {  	[tilespmem:s0+$0x14C] =	vst v7  }
0x28a: {  	v8 =	vld [tilespmem:s2+$0xC0]  }
0x28b: {  	v27 =	vld [tilespmem:s2+$0xD0];
	_ =	sdelay $0x1  }
0x28c: {  	v28 =	vld [tilespmem:s2+$0xE0];
	_ =	sdelay $0x1  }
0x28d: {  	v29 =	vld [tilespmem:s2+$0xF0]  }
0x28e: {  	v8 =	vmul.f32 v8, v3;
	v9 =	vmul.f32 v27, v4;
	_ =	sdelay $0x1  }
0x28f: {  	v30 =	vmul.f32 v28, v5;
	v8 =	vadd.f32 v9, v8;
	_ =	sdelay $0x1  }
0x290: {  	v31 =	vmul.f32 v29, v6;
	v8 =	vadd.f32 v30, v8;
	_ =	sdelay $0x1  }
0x291: {  	v8 =	vadd.f32 v31, v8;
	_ =	sdelay $0x1  }
0x292: {  	(xrf2) =	vadd.scan.msk.f32 $0xffff, v8;
	_ =	sdelay $0x8  }
0x293: {  	s3 =	sand.u32 $0xF, s16;
	s14 =	sadd.s32 $0xFFFFFFFA, s6  }
0x294: {  	s0 =	sshll.u32 s3, $0x2;
	s3 =	sand.u32 $0xD, s14;
	v8, _, _ =	vpop (xrf2)  }
0x295: {  	s0 =	ssub.s32 $0x0, s0;
	v32 =	vmov s3;
	v8 =	vbroadcast v8, $0xF  }
0x296: {  	vm11 =	veq.s32 v32, v1;
	s0 =	sshra.s32 s0, $0x2  }
0x297: {  	s0 =	sadd.s32 s0, s23;
	v7 =	vsel vm11, v8, v7  }
0x298: {  	[tilespmem:s0+$0x14C] =	vst v7  }
0x299: {  	v8 =	vld [tilespmem:s2+$0x100]  }
0x29a: {  	v33 =	vld [tilespmem:s2+$0x110];
	_ =	sdelay $0x1  }
0x29b: {  	v34 =	vld [tilespmem:s2+$0x120];
	_ =	sdelay $0x1  }
0x29c: {  	v35 =	vld [tilespmem:s2+$0x130]  }
0x29d: {  	v8 =	vmul.f32 v8, v3;
	v9 =	vmul.f32 v33, v4;
	_ =	sdelay $0x1  }
0x29e: {  	v36 =	vmul.f32 v34, v5;
	v8 =	vadd.f32 v9, v8;
	_ =	sdelay $0x1  }
0x29f: {  	v37 =	vmul.f32 v35, v6;
	v8 =	vadd.f32 v36, v8;
	_ =	sdelay $0x1  }
0x2a0: {  	v8 =	vadd.f32 v37, v8;
	_ =	sdelay $0x1  }
0x2a1: {  	(xrf2) =	vadd.scan.msk.f32 $0xffff, v8;
	_ =	sdelay $0x8  }
0x2a2: {  	s24 =	sand.u32 $0x7, s11;
	s14 =	sadd.s32 $0xFFFFFFFB, s6  }
0x2a3: {  	s3 =	sshll.u32 s24, $0x3;
	s24 =	sand.u32 $0xE, s14;
	v8, _, _ =	vpop (xrf2)  }
0x2a4: {  	v38 =	vmov s24;
	s3 =	ssub.s32 $0x0, s3;
	v8 =	vbroadcast v8, $0xF  }
0x2a5: {  	vm12 =	veq.s32 v38, v1;
	s3 =	sshra.s32 s3, $0x2  }
0x2a6: {  	s3 =	sadd.s32 s3, s23;
	v7 =	vsel vm12, v8, v7  }
0x2a7: {  	[tilespmem:s3+$0x14C] =	vst v7  }
0x2a8: {  	v8 =	vld [tilespmem:s2+$0x140]  }
0x2a9: {  	v39 =	vld [tilespmem:s2+$0x150];
	_ =	sdelay $0x1  }
0x2aa: {  	v40 =	vld [tilespmem:s2+$0x160];
	_ =	sdelay $0x1  }
0x2ab: {  	v41 =	vld [tilespmem:s2+$0x170]  }
0x2ac: {  	v8 =	vmul.f32 v8, v3;
	v9 =	vmul.f32 v39, v4;
	_ =	sdelay $0x1  }
0x2ad: {  	v42 =	vmul.f32 v40, v5;
	v8 =	vadd.f32 v9, v8;
	_ =	sdelay $0x1  }
0x2ae: {  	v43 =	vmul.f32 v41, v6;
	v8 =	vadd.f32 v42, v8;
	_ =	sdelay $0x1  }
0x2af: {  	v8 =	vadd.f32 v43, v8;
	_ =	sdelay $0x1  }
0x2b0: {  	(xrf2) =	vadd.scan.msk.f32 $0xffff, v8;
	_ =	sdelay $0x8  }
0x2b1: {  	s24 =	sadd.s32 $0xFFFFFFFC, s6  }
0x2b2: {  	s3 =	sand.u32 $0xF, s24;
	v8, _, _ =	vpop (xrf2)  }
0x2b3: {  	v44 =	vmov s3;
	v8 =	vbroadcast v8, $0xF  }
0x2b4: {  	vm13 =	veq.s32 v44, v1  }
0x2b5: {  	v7 =	vsel vm13, v8, v7  }
0x2b6: {  	[tilespmem:s0+$0x14C] =	vst v7  }
0x2b7: {  	v8 =	vld [tilespmem:s2+$0x180]  }
0x2b8: {  	v45 =	vld [tilespmem:s2+$0x190];
	_ =	sdelay $0x1  }
0x2b9: {  	v46 =	vld [tilespmem:s2+$0x1A0];
	_ =	sdelay $0x1  }
0x2ba: {  	v47 =	vld [tilespmem:s2+$0x1B0]  }
0x2bb: {  	v8 =	vmul.f32 v8, v3;
	v9 =	vmul.f32 v45, v4;
	_ =	sdelay $0x1  }
0x2bc: {  	v48 =	vmul.f32 v46, v5;
	v8 =	vadd.f32 v9, v8;
	_ =	sdelay $0x1  }
0x2bd: {  	v49 =	vmul.f32 v47, v6;
	v8 =	vadd.f32 v48, v8;
	_ =	sdelay $0x1  }
0x2be: {  	v8 =	vadd.f32 v49, v8;
	_ =	sdelay $0x1  }
0x2bf: {  	(xrf2) =	vadd.scan.msk.f32 $0xffff, v8;
	_ =	sdelay $0x9  }
0x2c0: {  	v8, _, _ =	vpop (xrf2)  }
0x2c1: {  	v8 =	vbroadcast v8, $0xF;
	_ =	sdelay $0x1  }
0x2c2: {  	v7 =	vsel vm0, v8, v7  }
0x2c3: {  	[tilespmem:s29+$0x150] =	vst v7  }
0x2c4: {  	v8 =	vld [tilespmem:s2+$0x1C0]  }
0x2c5: {  	v50 =	vld [tilespmem:s2+$0x1D0];
	_ =	sdelay $0x1  }
0x2c6: {  	v51 =	vld [tilespmem:s2+$0x1E0];
	_ =	sdelay $0x1  }
0x2c7: {  	v52 =	vld [tilespmem:s2+$0x1F0]  }
0x2c8: {  	v8 =	vmul.f32 v8, v3;
	v9 =	vmul.f32 v50, v4;
	_ =	sdelay $0x1  }
0x2c9: {  	v53 =	vmul.f32 v51, v5;
	v8 =	vadd.f32 v9, v8;
	_ =	sdelay $0x1  }
0x2ca: {  	v54 =	vmul.f32 v52, v6;
	v8 =	vadd.f32 v53, v8;
	_ =	sdelay $0x1  }
0x2cb: {  	v8 =	vadd.f32 v54, v8;
	_ =	sdelay $0x1  }
0x2cc: {  	(xrf2) =	vadd.scan.msk.f32 $0xffff, v8;
	_ =	sdelay $0x8  }
0x2cd: {  	s29 =	sadd.s32 $0xFFFFFFFE, s6  }
0x2ce: {  	s0 =	sand.u32 $0xD, s29;
	v8, _, _ =	vpop (xrf2)  }
0x2cf: {  	v55 =	vmov s0;
	v8 =	vbroadcast v8, $0xF  }
0x2d0: {  	vm14 =	veq.s32 v55, v1  }
0x2d1: {  	v7 =	vsel vm14, v8, v7  }
0x2d2: {  	[tilespmem:s28+$0x0] =	vst v7  }
0x2d3: {  	v8 =	vld [tilespmem:s2+$0x200]  }
0x2d4: {  	v56 =	vld [tilespmem:s2+$0x210];
	_ =	sdelay $0x1  }
0x2d5: {  	v57 =	vld [tilespmem:s2+$0x220];
	_ =	sdelay $0x1  }
0x2d6: {  	v58 =	vld [tilespmem:s2+$0x230]  }
0x2d7: {  	v8 =	vmul.f32 v8, v3;
	v9 =	vmul.f32 v56, v4;
	_ =	sdelay $0x1  }
0x2d8: {  	v59 =	vmul.f32 v57, v5;
	v8 =	vadd.f32 v9, v8;
	_ =	sdelay $0x1  }
0x2d9: {  	v60 =	vmul.f32 v58, v6;
	v8 =	vadd.f32 v59, v8;
	_ =	sdelay $0x1  }
0x2da: {  	v8 =	vadd.f32 v60, v8;
	_ =	sdelay $0x1  }
0x2db: {  	(xrf2) =	vadd.scan.msk.f32 $0xffff, v8;
	_ =	sdelay $0x9  }
0x2dc: {  	v8, _, _ =	vpop (xrf2)  }
0x2dd: {  	v8 =	vbroadcast v8, $0xF;
	_ =	sdelay $0x1  }
0x2de: {  	v7 =	vsel vm1, v8, v7  }
0x2df: {  	[tilespmem:s30+$0x150] =	vst v7  }
0x2e0: {  	v8 =	vld [tilespmem:s2+$0x240]  }
0x2e1: {  	v61 =	vld [tilespmem:s2+$0x250];
	_ =	sdelay $0x1  }
0x2e2: {  	v62 =	vld [tilespmem:s2+$0x260];
	_ =	sdelay $0x1  }
0x2e3: {  	v63 =	vld [tilespmem:s2+$0x270]  }
0x2e4: {  	v3 =	vmul.f32 v8, v3;
	v4 =	vmul.f32 v61, v4;
	_ =	sdelay $0x1  }
0x2e5: {  	v3 =	vadd.f32 v4, v3;
	v4 =	vmul.f32 v62, v5;
	_ =	sdelay $0x1  }
0x2e6: {  	v3 =	vadd.f32 v4, v3;
	v4 =	vmul.f32 v63, v6;
	_ =	sdelay $0x1  }
0x2e7: {  	v3 =	vadd.f32 v4, v3;
	_ =	sdelay $0x1  }
0x2e8: {  	(xrf2) =	vadd.scan.msk.f32 $0xffff, v3;
	_ =	sdelay $0x7  }
0x2e9: {  	s25 =	sadd.s32 $0x1, s25;
	s7 =	sadd.s32 $0x40, s7;
	s8 =	sadd.s32 $0x40, s8  }
0x2ea: {  	s21 =	sadd.s32 $0x1, s21;
	s5 =	sadd.s32 $0x2, s5;
	p0 =	sne.s32 s6, $0x13F  }
.Ltmp3:
0x2eb: {  	s12 =	sadd.s32 $0x4, s12;
	s30 =	sand.u32 $0xF, s6;
	v3, _, _ =	vpop (xrf2);
	(pc) =	sbr.rel @p0 .LBB2_9-.Ltmp3, $4  }
0x2ec: {  	s9 =	sadd.s32 $0x1, s9;
	s18 =	sadd.s32 $0x4, s18;
	s22 =	sadd.s32 $0x2, s22;
	v4 =	vmov s30;
	v3 =	vbroadcast v3, $0xF  }
0x2ed: {  	s15 =	sadd.s32 $0x1, s15;
	s10 =	sadd.s32 $0x2, s10;
	s17 =	sadd.s32 $0x4, s17;
	vm15 =	veq.s32 v4, v1  }
0x2ee: {  	s20 =	sadd.s32 $0x1, s20;
	s11 =	sadd.s32 $0x2, s11;
	s16 =	sadd.s32 $0x4, s16;
	v7 =	vsel vm15, v3, v7  }
0x2ef: {  	s23 =	sadd.s32 $0x14, s23;
	s6 =	sadd.s32 $0x14, s6;
	s2 =	sadd.s32 $0x500, s2;
	[tilespmem:s28+$0x0] =	vst v7  }
0x2f0: {  	s1 =	sadd.s32 $0x1, s1  }
0x2f1: {  	p0 =	sne.s32 s1, $0xF  }
.Ltmp4:
0x2f2: {  	_ = 	snop;
	(pc) =	sbr.rel @p0 .LBB2_6-.Ltmp4, $2  }
0x2f3: {  	_ =	sdelay $0x2  }
0x2f4: {  	s26 =	sadd.s32 $0x280, s26  }
0x2f5: {  	s0 =	simm.s32 $0x10;
	s1 =	simm.s32 $0xB030;
	s2 =	simm.s32 $0x2E20  }
0x2f6: {  	[tilespmem:s1], [sflag:$0x2] =	stream.indirect.gather [hbm4b:s31+s0], $0x40, s2, s0, $0xb8;
	[tilespmem:$0x13230] =	vst v63  }
0x2f7: {  	s21 =	simm.s32 $0xB430;
	s22 =	simm.s32 $0x3020  }
0x2f8: {  	[tilespmem:s21], [sflag:$0x2] =	stream.indirect.gather [hbm4b:s4+s0], $0x40, s22, s0, $0xb8;
	[tilespmem:$0x13230] =	vst v63  }
0x2f9: {  	s23 =	simm.s32 $0xB830;
	s24 =	simm.s32 $0x56F0  }
0x2fa: {  	[tilespmem:s23], [sflag:$0x2] =	stream.indirect.gather [hbm4b:s4+s19], $0x40, s24, s19, $0xb8;
	[tilespmem:$0x13230] =	vst v63  }
0x2fb: {  	s25 =	simm.s32 $0xD830;
	s26 =	simm.s32 $0x5770;
	s28 =	simm.s32 $0x40  }
0x2fc: {  	[tilespmem:s25], [sflag:$0x2] =	stream.indirect.gather [hbm4b:s4+s19], $0x40, s26, s19, $0xb8;
	[tilespmem:$0x13230] =	vst v63  }
0x2fd: {  	s29 =	simm.s32 $0xF830;
	s30 =	simm.s32 $0x57F0;
	s1 =	simm.s32 $0x1  }
0x2fe: {  	[tilespmem:s29], [sflag:$0x2] =	stream.indirect.gather [hbm4b:s4+s28], $0x40, s30, s28, $0xb8;
	[tilespmem:$0x13230] =	vst v63  }
0x2ff: {  	_ =	swait.ge [sflag:s1], $0x400  }
0x300: {  	[sflag:s1] =	ssyncset.done $0x0  }
0x301: {  	[sflag:s1] =	ssyncadd.s32 $0xFFFFFC00  }
0x302: {  	_ =	swait.ge [sflag:s1], $0x400  }
0x303: {  	[sflag:s1] =	ssyncset.done $0x0  }
0x304: {  	[sflag:s1] =	ssyncadd.s32 $0xFFFFFC00  }
0x305: {  	_ =	swait.ge [sflag:s1], $0x2000  }
0x306: {  	s5 =	simm.s32 $0x5C50;
	s6 =	simm.s32 $0x5850;
	[sflag:s1] =	ssyncset.done $0x0  }
0x307: {  	s7 =	simm.s32 $0x10A30;
	s8 =	simm.s32 $0x0;
	[sflag:s1] =	ssyncadd.s32 $0xFFFFE000  }
0x308: {  	s9 =	simm.s32 $0x4;
	s10 =	simm.s32 $0x8;
	_ =	swait.ge [sflag:s1], $0x2000  }
0x309: {  	s11 =	simm.s32 $0x3;
	s12 =	simm.s32 $0x62B0;
	[sflag:s1] =	ssyncset.done $0x0  }
0x30a: {  	s13 =	simm.s32 $0x6;
	s15 =	simm.s32 $0xC;
	[sflag:s1] =	ssyncadd.s32 $0xFFFFE000  }
0x30b: {  	s16 =	simm.s32 $0x4;
	s17 =	simm.s32 $0x2;
	_ =	swait.ge [sflag:s1], $0x1000  }
0x30c: {  	s18 =	simm.s32 $0x0;
	s20 =	simm.s32 $0x0;
	[sflag:s1] =	ssyncset.done $0x0  }
0x30d: {  	v2 =	vimm.f32 $0.0e+00;
	v7 =	vimm.f32 $0.0e+00;
	s2 =	simm.s32 $0x2;
	s21 =	simm.s32 $0x0;
	[sflag:s1] =	ssyncadd.s32 $0xFFFFF000  }
.LBB2_12:
0x30e: {  	v3 =	vld [tilespmem:s6+$0xFFFFFFE0]  }
0x30f: {  	v4 =	vld [tilespmem:s6+$0xFFFFFFF0]  }
0x310: {  	v8 =	vld [tilespmem:s5+$0xFFFFFFE0]  }
0x311: {  	v9 =	vld [tilespmem:s5+$0xFFFFFFF0]  }
0x312: {  	v5 =	vld [tilespmem:s6+$0x0]  }
0x313: {  	v10 =	vld [tilespmem:s5+$0x0]  }
0x314: {  	v6 =	vld [tilespmem:s6+$0x10]  }
0x315: {  	v11 =	vld [tilespmem:s5+$0x10]  }
0x316: {  	v8 =	vmul.f32 v8, v3;
	v9 =	vmul.f32 v9, v4;
	_ =	sdelay $0x1  }
0x317: {  	v49 =	vmul.f32 v10, v5;
	v8 =	vadd.f32 v9, v8;
	_ =	sdelay $0x1  }
0x318: {  	v50 =	vmul.f32 v11, v6;
	v8 =	vadd.f32 v49, v8;
	_ =	sdelay $0x1  }
0x319: {  	v8 =	vadd.f32 v50, v8;
	_ =	sdelay $0x1  }
0x31a: {  	(xrf2) =	vadd.scan.msk.f32 $0xffff, v8;
	_ =	sdelay $0x9  }
0x31b: {  	v8, _, _ =	vpop (xrf2)  }
0x31c: {  	v51 =	vmov s21;
	v8 =	vbroadcast v8, $0xF  }
0x31d: {  	vm0 =	veq.s32 v51, v1  }
0x31e: {  	v2 =	vsel vm0, v8, v2  }
0x31f: {  	[tilespmem:$0x10A10] =	vst v2  }
0x320: {  	v8 =	vld [tilespmem:s12+$0xFFFFFD80]  }
0x321: {  	v52 =	vld [tilespmem:s12+$0xFFFFFD90];
	_ =	sdelay $0x1  }
0x322: {  	v53 =	vld [tilespmem:s12+$0xFFFFFDA0];
	_ =	sdelay $0x1  }
0x323: {  	v54 =	vld [tilespmem:s12+$0xFFFFFDB0]  }
0x324: {  	v8 =	vmul.f32 v8, v3;
	v9 =	vmul.f32 v52, v4;
	_ =	sdelay $0x1  }
0x325: {  	v55 =	vmul.f32 v53, v5;
	v8 =	vadd.f32 v9, v8;
	_ =	sdelay $0x1  }
0x326: {  	v56 =	vmul.f32 v54, v6;
	v8 =	vadd.f32 v55, v8;
	_ =	sdelay $0x1  }
0x327: {  	v8 =	vadd.f32 v56, v8;
	_ =	sdelay $0x1  }
0x328: {  	(xrf2) =	vadd.scan.msk.f32 $0xffff, v8;
	_ =	sdelay $0x9  }
0x329: {  	s0 =	sand.u32 $0xC, s8;
	v8, _, _ =	vpop (xrf2)  }
0x32a: {  	v57 =	vmov s0;
	v8 =	vbroadcast v8, $0xF  }
0x32b: {  	vm0 =	veq.s32 v57, v1  }
0x32c: {  	s23 =	sand.u32 $0x1F0, s8;
	v7 =	vsel vm0, v8, v7  }
0x32d: {  	[tilespmem:s23+$0x12FB0] =	vst v7  }
0x32e: {  	v8 =	vld [tilespmem:s12+$0xFFFFFDC0]  }
0x32f: {  	v58 =	vld [tilespmem:s12+$0xFFFFFDD0];
	_ =	sdelay $0x1  }
0x330: {  	v59 =	vld [tilespmem:s12+$0xFFFFFDE0];
	_ =	sdelay $0x1  }
0x331: {  	v60 =	vld [tilespmem:s12+$0xFFFFFDF0]  }
0x332: {  	v8 =	vmul.f32 v8, v3;
	v9 =	vmul.f32 v58, v4;
	_ =	sdelay $0x1  }
0x333: {  	v61 =	vmul.f32 v59, v5;
	v8 =	vadd.f32 v9, v8;
	_ =	sdelay $0x1  }
0x334: {  	v62 =	vmul.f32 v60, v6;
	v8 =	vadd.f32 v61, v8;
	_ =	sdelay $0x1  }
0x335: {  	v8 =	vadd.f32 v62, v8;
	_ =	sdelay $0x1  }
0x336: {  	(xrf2) =	vadd.scan.msk.f32 $0xffff, v8;
	_ =	sdelay $0x8  }
0x337: {  	s28 =	sand.u32 $0xF, s18;
	s3 =	sadd.s32 $0x1, s8  }
0x338: {  	s0 =	sshll.u32 s28, $0x2;
	s3 =	sand.u32 $0xD, s3;
	v8, _, _ =	vpop (xrf2)  }
0x339: {  	s0 =	ssub.s32 $0x9640, s0;
	v63 =	vmov s3;
	v8 =	vbroadcast v8, $0xF  }
0x33a: {  	vm1 =	veq.s32 v63, v1;
	s0 =	sshrl.u32 s0, $0x2  }
0x33b: {  	s22 =	sadd.s32 s0, s7;
	v7 =	vsel vm1, v8, v7  }
0x33c: {  	[tilespmem:s22+$0xFFFFFFF0] =	vst v7  }
0x33d: {  	v8 =	vld [tilespmem:s12+$0xFFFFFE00]  }
0x33e: {  	v12 =	vld [tilespmem:s12+$0xFFFFFE10];
	_ =	sdelay $0x1  }
0x33f: {  	v13 =	vld [tilespmem:s12+$0xFFFFFE20];
	_ =	sdelay $0x1  }
0x340: {  	v14 =	vld [tilespmem:s12+$0xFFFFFE30]  }
0x341: {  	v8 =	vmul.f32 v8, v3;
	v9 =	vmul.f32 v12, v4;
	_ =	sdelay $0x1  }
0x342: {  	v15 =	vmul.f32 v13, v5;
	v8 =	vadd.f32 v9, v8;
	_ =	sdelay $0x1  }
0x343: {  	v16 =	vmul.f32 v14, v6;
	v8 =	vadd.f32 v15, v8;
	_ =	sdelay $0x1  }
0x344: {  	v8 =	vadd.f32 v16, v8;
	_ =	sdelay $0x1  }
0x345: {  	(xrf2) =	vadd.scan.msk.f32 $0xffff, v8;
	_ =	sdelay $0x8  }
0x346: {  	s29 =	sand.u32 $0x7, s20;
	s30 =	sadd.s32 $0x2, s8  }
0x347: {  	s3 =	sand.u32 $0xE, s30;
	s0 =	sshll.u32 s29, $0x3;
	v8, _, _ =	vpop (xrf2)  }
0x348: {  	v17 =	vmov s3;
	s0 =	ssub.s32 $0x0, s0;
	v8 =	vbroadcast v8, $0xF  }
0x349: {  	vm11 =	veq.s32 v17, v1;
	s0 =	sshra.s32 s0, $0x2  }
0x34a: {  	s25 =	sadd.s32 s0, s7;
	v7 =	vsel vm11, v8, v7  }
0x34b: {  	[tilespmem:s25+$0x2580] =	vst v7  }
0x34c: {  	v8 =	vld [tilespmem:s12+$0xFFFFFE40]  }
0x34d: {  	v18 =	vld [tilespmem:s12+$0xFFFFFE50];
	_ =	sdelay $0x1  }
0x34e: {  	v19 =	vld [tilespmem:s12+$0xFFFFFE60];
	_ =	sdelay $0x1  }
0x34f: {  	v20 =	vld [tilespmem:s12+$0xFFFFFE70]  }
0x350: {  	v8 =	vmul.f32 v8, v3;
	v9 =	vmul.f32 v18, v4;
	_ =	sdelay $0x1  }
0x351: {  	v21 =	vmul.f32 v19, v5;
	v8 =	vadd.f32 v9, v8;
	_ =	sdelay $0x1  }
0x352: {  	v22 =	vmul.f32 v20, v6;
	v8 =	vadd.f32 v21, v8;
	_ =	sdelay $0x1  }
0x353: {  	v8 =	vadd.f32 v22, v8;
	_ =	sdelay $0x1  }
0x354: {  	(xrf2) =	vadd.scan.msk.f32 $0xffff, v8;
	_ =	sdelay $0x8  }
0x355: {  	s3 =	sadd.s32 $0x3, s8  }
0x356: {  	s0 =	sand.u32 $0xF, s3;
	v8, _, _ =	vpop (xrf2)  }
0x357: {  	v23 =	vmov s0;
	v8 =	vbroadcast v8, $0xF  }
0x358: {  	vm12 =	veq.s32 v23, v1  }
0x359: {  	v7 =	vsel vm12, v8, v7  }
0x35a: {  	[tilespmem:s22+$0xFFFFFFF0] =	vst v7  }
0x35b: {  	v8 =	vld [tilespmem:s12+$0xFFFFFE80]  }
0x35c: {  	v24 =	vld [tilespmem:s12+$0xFFFFFE90];
	_ =	sdelay $0x1  }
0x35d: {  	v25 =	vld [tilespmem:s12+$0xFFFFFEA0];
	_ =	sdelay $0x1  }
0x35e: {  	v26 =	vld [tilespmem:s12+$0xFFFFFEB0]  }
0x35f: {  	v8 =	vmul.f32 v8, v3;
	v9 =	vmul.f32 v24, v4;
	_ =	sdelay $0x1  }
0x360: {  	v27 =	vmul.f32 v25, v5;
	v8 =	vadd.f32 v9, v8;
	_ =	sdelay $0x1  }
0x361: {  	v28 =	vmul.f32 v26, v6;
	v8 =	vadd.f32 v27, v8;
	_ =	sdelay $0x1  }
0x362: {  	v8 =	vadd.f32 v28, v8;
	_ =	sdelay $0x1  }
0x363: {  	(xrf2) =	vadd.scan.msk.f32 $0xffff, v8;
	_ =	sdelay $0x8  }
0x364: {  	s14 =	sand.u32 $0x3, s1;
	s24 =	sadd.s32 $0x4, s8  }
0x365: {  	s3 =	sand.u32 $0xC, s24;
	s0 =	sshll.u32 s14, $0x4;
	v8, _, _ =	vpop (xrf2)  }
0x366: {  	v29 =	vmov s3;
	s0 =	ssub.s32 $0x0, s0;
	v8 =	vbroadcast v8, $0xF  }
0x367: {  	vm13 =	veq.s32 v29, v1;
	s0 =	sshra.s32 s0, $0x2  }
0x368: {  	s0 =	sadd.s32 s0, s7;
	v7 =	vsel vm13, v8, v7  }
0x369: {  	[tilespmem:s0+$0x2584] =	vst v7  }
0x36a: {  	v8 =	vld [tilespmem:s12+$0xFFFFFEC0]  }
0x36b: {  	v30 =	vld [tilespmem:s12+$0xFFFFFED0];
	_ =	sdelay $0x1  }
0x36c: {  	v31 =	vld [tilespmem:s12+$0xFFFFFEE0];
	_ =	sdelay $0x1  }
0x36d: {  	v32 =	vld [tilespmem:s12+$0xFFFFFEF0]  }
0x36e: {  	v8 =	vmul.f32 v8, v3;
	v9 =	vmul.f32 v30, v4;
	_ =	sdelay $0x1  }
0x36f: {  	v33 =	vmul.f32 v31, v5;
	v8 =	vadd.f32 v9, v8;
	_ =	sdelay $0x1  }
0x370: {  	v34 =	vmul.f32 v32, v6;
	v8 =	vadd.f32 v33, v8;
	_ =	sdelay $0x1  }
0x371: {  	v8 =	vadd.f32 v34, v8;
	_ =	sdelay $0x1  }
0x372: {  	(xrf2) =	vadd.scan.msk.f32 $0xffff, v8;
	_ =	sdelay $0x8  }
0x373: {  	s26 =	sand.u32 $0xF, s16;
	s28 =	sadd.s32 $0x5, s8  }
0x374: {  	s3 =	sand.u32 $0xD, s28;
	s0 =	sshll.u32 s26, $0x2;
	v8, _, _ =	vpop (xrf2)  }
0x375: {  	v35 =	vmov s3;
	s0 =	ssub.s32 $0x0, s0;
	v8 =	vbroadcast v8, $0xF  }
0x376: {  	vm14 =	veq.s32 v35, v1;
	s0 =	sshra.s32 s0, $0x2  }
0x377: {  	s0 =	sadd.s32 s0, s7;
	v7 =	vsel vm14, v8, v7  }
0x378: {  	[tilespmem:s0+$0x2584] =	vst v7  }
0x379: {  	v8 =	vld [tilespmem:s12+$0xFFFFFF00]  }
0x37a: {  	v36 =	vld [tilespmem:s12+$0xFFFFFF10];
	_ =	sdelay $0x1  }
0x37b: {  	v37 =	vld [tilespmem:s12+$0xFFFFFF20];
	_ =	sdelay $0x1  }
0x37c: {  	v38 =	vld [tilespmem:s12+$0xFFFFFF30]  }
0x37d: {  	v8 =	vmul.f32 v8, v3;
	v9 =	vmul.f32 v36, v4;
	_ =	sdelay $0x1  }
0x37e: {  	v39 =	vmul.f32 v37, v5;
	v8 =	vadd.f32 v9, v8;
	_ =	sdelay $0x1  }
0x37f: {  	v40 =	vmul.f32 v38, v6;
	v8 =	vadd.f32 v39, v8;
	_ =	sdelay $0x1  }
0x380: {  	v8 =	vadd.f32 v40, v8;
	_ =	sdelay $0x1  }
0x381: {  	(xrf2) =	vadd.scan.msk.f32 $0xffff, v8;
	_ =	sdelay $0x8  }
0x382: {  	s29 =	sand.u32 $0x7, s17;
	s24 =	sadd.s32 $0x6, s8  }
0x383: {  	s24 =	sand.u32 $0xE, s24;
	s3 =	sshll.u32 s29, $0x3;
	v8, _, _ =	vpop (xrf2)  }
0x384: {  	v41 =	vmov s24;
	s3 =	ssub.s32 $0x0, s3;
	v8 =	vbroadcast v8, $0xF  }
0x385: {  	vm15 =	veq.s32 v41, v1;
	s3 =	sshra.s32 s3, $0x2  }
0x386: {  	s3 =	sadd.s32 s3, s7;
	v7 =	vsel vm15, v8, v7  }
0x387: {  	[tilespmem:s3+$0x2584] =	vst v7  }
0x388: {  	v8 =	vld [tilespmem:s12+$0xFFFFFF40]  }
0x389: {  	v42 =	vld [tilespmem:s12+$0xFFFFFF50];
	_ =	sdelay $0x1  }
0x38a: {  	v43 =	vld [tilespmem:s12+$0xFFFFFF60];
	_ =	sdelay $0x1  }
0x38b: {  	v44 =	vld [tilespmem:s12+$0xFFFFFF70]  }
0x38c: {  	v8 =	vmul.f32 v8, v3;
	v9 =	vmul.f32 v42, v4;
	_ =	sdelay $0x1  }
0x38d: {  	v45 =	vmul.f32 v43, v5;
	v8 =	vadd.f32 v9, v8;
	_ =	sdelay $0x1  }
0x38e: {  	v46 =	vmul.f32 v44, v6;
	v8 =	vadd.f32 v45, v8;
	_ =	sdelay $0x1  }
0x38f: {  	v8 =	vadd.f32 v46, v8;
	_ =	sdelay $0x1  }
0x390: {  	(xrf2) =	vadd.scan.msk.f32 $0xffff, v8;
	_ =	sdelay $0x8  }
0x391: {  	s30 =	sadd.s32 $0x7, s8  }
0x392: {  	s3 =	sand.u32 $0xF, s30;
	v8, _, _ =	vpop (xrf2)  }
0x393: {  	v47 =	vmov s3;
	v8 =	vbroadcast v8, $0xF  }
0x394: {  	vm4 =	veq.s32 v47, v1  }
0x395: {  	v7 =	vsel vm4, v8, v7  }
0x396: {  	[tilespmem:s0+$0x2584] =	vst v7  }
0x397: {  	v8 =	vld [tilespmem:s12+$0xFFFFFF80]  }
0x398: {  	v48 =	vld [tilespmem:s12+$0xFFFFFF90];
	_ =	sdelay $0x1  }
0x399: {  	v49 =	vld [tilespmem:s12+$0xFFFFFFA0];
	_ =	sdelay $0x1  }
0x39a: {  	v50 =	vld [tilespmem:s12+$0xFFFFFFB0]  }
0x39b: {  	v8 =	vmul.f32 v8, v3;
	v9 =	vmul.f32 v48, v4;
	_ =	sdelay $0x1  }
0x39c: {  	v51 =	vmul.f32 v49, v5;
	v8 =	vadd.f32 v9, v8;
	_ =	sdelay $0x1  }
0x39d: {  	v52 =	vmul.f32 v50, v6;
	v8 =	vadd.f32 v51, v8;
	_ =	sdelay $0x1  }
0x39e: {  	v8 =	vadd.f32 v52, v8;
	_ =	sdelay $0x1  }
0x39f: {  	(xrf2) =	vadd.scan.msk.f32 $0xffff, v8;
	_ =	sdelay $0x8  }
0x3a0: {  	s14 =	sand.u32 $0x3, s2;
	s24 =	sadd.s32 $0x8, s8  }
0x3a1: {  	s3 =	sand.u32 $0xC, s24;
	s0 =	sshll.u32 s14, $0x4;
	v8, _, _ =	vpop (xrf2)  }
0x3a2: {  	v53 =	vmov s3;
	s0 =	ssub.s32 $0x0, s0;
	v8 =	vbroadcast v8, $0xF  }
0x3a3: {  	vm5 =	veq.s32 v53, v1;
	s0 =	sshra.s32 s0, $0x2  }
0x3a4: {  	s0 =	sadd.s32 s0, s7;
	v7 =	vsel vm5, v8, v7  }
0x3a5: {  	[tilespmem:s0+$0x2588] =	vst v7  }
0x3a6: {  	v8 =	vld [tilespmem:s12+$0xFFFFFFC0]  }
0x3a7: {  	v54 =	vld [tilespmem:s12+$0xFFFFFFD0];
	_ =	sdelay $0x1  }
0x3a8: {  	v55 =	vld [tilespmem:s12+$0xFFFFFFE0];
	_ =	sdelay $0x1  }
0x3a9: {  	v56 =	vld [tilespmem:s12+$0xFFFFFFF0]  }
0x3aa: {  	v8 =	vmul.f32 v8, v3;
	v9 =	vmul.f32 v54, v4;
	_ =	sdelay $0x1  }
0x3ab: {  	v57 =	vmul.f32 v55, v5;
	v8 =	vadd.f32 v9, v8;
	_ =	sdelay $0x1  }
0x3ac: {  	v58 =	vmul.f32 v56, v6;
	v8 =	vadd.f32 v57, v8;
	_ =	sdelay $0x1  }
0x3ad: {  	v8 =	vadd.f32 v58, v8;
	_ =	sdelay $0x1  }
0x3ae: {  	(xrf2) =	vadd.scan.msk.f32 $0xffff, v8;
	_ =	sdelay $0x8  }
0x3af: {  	s28 =	sadd.s32 $0x9, s8;
	s26 =	sand.u32 $0xF, s10  }
0x3b0: {  	s3 =	sand.u32 $0xD, s28;
	s0 =	sshll.u32 s26, $0x2;
	v8, _, _ =	vpop (xrf2)  }
0x3b1: {  	v59 =	vmov s3;
	s0 =	ssub.s32 $0x0, s0;
	v8 =	vbroadcast v8, $0xF  }
0x3b2: {  	vm6 =	veq.s32 v59, v1;
	s0 =	sshra.s32 s0, $0x2  }
0x3b3: {  	s0 =	sadd.s32 s0, s7;
	v7 =	vsel vm6, v8, v7  }
0x3b4: {  	[tilespmem:s0+$0x2588] =	vst v7  }
0x3b5: {  	v8 =	vld [tilespmem:s12+$0x0]  }
0x3b6: {  	v60 =	vld [tilespmem:s12+$0x10];
	_ =	sdelay $0x1  }
0x3b7: {  	v61 =	vld [tilespmem:s12+$0x20];
	_ =	sdelay $0x1  }
0x3b8: {  	v62 =	vld [tilespmem:s12+$0x30]  }
0x3b9: {  	v8 =	vmul.f32 v8, v3;
	v9 =	vmul.f32 v60, v4;
	_ =	sdelay $0x1  }
0x3ba: {  	v63 =	vmul.f32 v61, v5;
	v8 =	vadd.f32 v9, v8;
	_ =	sdelay $0x1  }
0x3bb: {  	v12 =	vmul.f32 v62, v6;
	v8 =	vadd.f32 v63, v8;
	_ =	sdelay $0x1  }
0x3bc: {  	v8 =	vadd.f32 v12, v8;
	_ =	sdelay $0x1  }
0x3bd: {  	(xrf2) =	vadd.scan.msk.f32 $0xffff, v8;
	_ =	sdelay $0x8  }
0x3be: {  	s29 =	sand.u32 $0x7, s9;
	s30 =	sadd.s32 $0xA, s8  }
0x3bf: {  	s24 =	sand.u32 $0xE, s30;
	s3 =	sshll.u32 s29, $0x3;
	v8, _, _ =	vpop (xrf2)  }
0x3c0: {  	v13 =	vmov s24;
	s3 =	ssub.s32 $0x0, s3;
	v8 =	vbroadcast v8, $0xF  }
0x3c1: {  	vm7 =	veq.s32 v13, v1;
	s3 =	sshra.s32 s3, $0x2  }
0x3c2: {  	s3 =	sadd.s32 s3, s7;
	v7 =	vsel vm7, v8, v7  }
0x3c3: {  	[tilespmem:s3+$0x2588] =	vst v7  }
0x3c4: {  	v8 =	vld [tilespmem:s12+$0x40]  }
0x3c5: {  	v14 =	vld [tilespmem:s12+$0x50];
	_ =	sdelay $0x1  }
0x3c6: {  	v15 =	vld [tilespmem:s12+$0x60];
	_ =	sdelay $0x1  }
0x3c7: {  	v16 =	vld [tilespmem:s12+$0x70]  }
0x3c8: {  	v8 =	vmul.f32 v8, v3;
	v9 =	vmul.f32 v14, v4;
	_ =	sdelay $0x1  }
0x3c9: {  	v17 =	vmul.f32 v15, v5;
	v8 =	vadd.f32 v9, v8;
	_ =	sdelay $0x1  }
0x3ca: {  	v18 =	vmul.f32 v16, v6;
	v8 =	vadd.f32 v17, v8;
	_ =	sdelay $0x1  }
0x3cb: {  	v8 =	vadd.f32 v18, v8;
	_ =	sdelay $0x1  }
0x3cc: {  	(xrf2) =	vadd.scan.msk.f32 $0xffff, v8;
	_ =	sdelay $0x8  }
0x3cd: {  	s14 =	sadd.s32 $0xB, s8  }
0x3ce: {  	s3 =	sand.u32 $0xF, s14;
	v8, _, _ =	vpop (xrf2)  }
0x3cf: {  	v19 =	vmov s3;
	v8 =	vbroadcast v8, $0xF  }
0x3d0: {  	vm8 =	veq.s32 v19, v1  }
0x3d1: {  	v7 =	vsel vm8, v8, v7  }
0x3d2: {  	[tilespmem:s0+$0x2588] =	vst v7  }
0x3d3: {  	v8 =	vld [tilespmem:s12+$0x80]  }
0x3d4: {  	v20 =	vld [tilespmem:s12+$0x90];
	_ =	sdelay $0x1  }
0x3d5: {  	v21 =	vld [tilespmem:s12+$0xA0];
	_ =	sdelay $0x1  }
0x3d6: {  	v22 =	vld [tilespmem:s12+$0xB0]  }
0x3d7: {  	v8 =	vmul.f32 v8, v3;
	v9 =	vmul.f32 v20, v4;
	_ =	sdelay $0x1  }
0x3d8: {  	v23 =	vmul.f32 v21, v5;
	v8 =	vadd.f32 v9, v8;
	_ =	sdelay $0x1  }
0x3d9: {  	v24 =	vmul.f32 v22, v6;
	v8 =	vadd.f32 v23, v8;
	_ =	sdelay $0x1  }
0x3da: {  	v8 =	vadd.f32 v24, v8;
	_ =	sdelay $0x1  }
0x3db: {  	(xrf2) =	vadd.scan.msk.f32 $0xffff, v8;
	_ =	sdelay $0x8  }
0x3dc: {  	s24 =	sand.u32 $0x3, s11;
	s26 =	sadd.s32 $0xC, s8  }
0x3dd: {  	s3 =	sand.u32 $0xC, s26;
	s0 =	sshll.u32 s24, $0x4;
	v8, _, _ =	vpop (xrf2)  }
0x3de: {  	v25 =	vmov s3;
	s0 =	ssub.s32 $0x0, s0;
	v8 =	vbroadcast v8, $0xF  }
0x3df: {  	vm9 =	veq.s32 v25, v1;
	s0 =	sshra.s32 s0, $0x2  }
0x3e0: {  	s0 =	sadd.s32 s0, s7;
	v7 =	vsel vm9, v8, v7  }
0x3e1: {  	[tilespmem:s0+$0x258C] =	vst v7  }
0x3e2: {  	v8 =	vld [tilespmem:s12+$0xC0]  }
0x3e3: {  	v26 =	vld [tilespmem:s12+$0xD0];
	_ =	sdelay $0x1  }
0x3e4: {  	v27 =	vld [tilespmem:s12+$0xE0];
	_ =	sdelay $0x1  }
0x3e5: {  	v28 =	vld [tilespmem:s12+$0xF0]  }
0x3e6: {  	v8 =	vmul.f32 v8, v3;
	v9 =	vmul.f32 v26, v4;
	_ =	sdelay $0x1  }
0x3e7: {  	v29 =	vmul.f32 v27, v5;
	v8 =	vadd.f32 v9, v8;
	_ =	sdelay $0x1  }
0x3e8: {  	v30 =	vmul.f32 v28, v6;
	v8 =	vadd.f32 v29, v8;
	_ =	sdelay $0x1  }
0x3e9: {  	v8 =	vadd.f32 v30, v8;
	_ =	sdelay $0x1  }
0x3ea: {  	(xrf2) =	vadd.scan.msk.f32 $0xffff, v8;
	_ =	sdelay $0x8  }
0x3eb: {  	s28 =	sand.u32 $0xF, s15;
	s29 =	sadd.s32 $0xD, s8  }
0x3ec: {  	s3 =	sand.u32 $0xD, s29;
	s0 =	sshll.u32 s28, $0x2;
	v8, _, _ =	vpop (xrf2)  }
0x3ed: {  	v31 =	vmov s3;
	s0 =	ssub.s32 $0x0, s0;
	v8 =	vbroadcast v8, $0xF  }
0x3ee: {  	vm10 =	veq.s32 v31, v1;
	s0 =	sshra.s32 s0, $0x2  }
0x3ef: {  	s0 =	sadd.s32 s0, s7;
	v7 =	vsel vm10, v8, v7  }
0x3f0: {  	[tilespmem:s0+$0x258C] =	vst v7  }
0x3f1: {  	v8 =	vld [tilespmem:s12+$0x100]  }
0x3f2: {  	v32 =	vld [tilespmem:s12+$0x110];
	_ =	sdelay $0x1  }
0x3f3: {  	v33 =	vld [tilespmem:s12+$0x120];
	_ =	sdelay $0x1  }
0x3f4: {  	v34 =	vld [tilespmem:s12+$0x130]  }
0x3f5: {  	v8 =	vmul.f32 v8, v3;
	v9 =	vmul.f32 v32, v4;
	_ =	sdelay $0x1  }
0x3f6: {  	v35 =	vmul.f32 v33, v5;
	v8 =	vadd.f32 v9, v8;
	_ =	sdelay $0x1  }
0x3f7: {  	v36 =	vmul.f32 v34, v6;
	v8 =	vadd.f32 v35, v8;
	_ =	sdelay $0x1  }
0x3f8: {  	v8 =	vadd.f32 v36, v8;
	_ =	sdelay $0x1  }
0x3f9: {  	(xrf2) =	vadd.scan.msk.f32 $0xffff, v8;
	_ =	sdelay $0x8  }
0x3fa: {  	s30 =	sand.u32 $0x7, s13;
	s14 =	sadd.s32 $0xE, s8  }
0x3fb: {  	s3 =	sshll.u32 s30, $0x3;
	s24 =	sand.u32 $0xE, s14;
	v8, _, _ =	vpop (xrf2)  }
0x3fc: {  	s3 =	ssub.s32 $0x0, s3;
	v37 =	vmov s24;
	v8 =	vbroadcast v8, $0xF  }
0x3fd: {  	s3 =	sshra.s32 s3, $0x2;
	vm11 =	veq.s32 v37, v1  }
0x3fe: {  	s3 =	sadd.s32 s3, s7;
	v7 =	vsel vm11, v8, v7  }
0x3ff: {  	[tilespmem:s3+$0x258C] =	vst v7  }
0x400: {  	v8 =	vld [tilespmem:s12+$0x140]  }
0x401: {  	v38 =	vld [tilespmem:s12+$0x150];
	_ =	sdelay $0x1  }
0x402: {  	v39 =	vld [tilespmem:s12+$0x160];
	_ =	sdelay $0x1  }
0x403: {  	v40 =	vld [tilespmem:s12+$0x170]  }
0x404: {  	v8 =	vmul.f32 v8, v3;
	v9 =	vmul.f32 v38, v4;
	_ =	sdelay $0x1  }
0x405: {  	v41 =	vmul.f32 v39, v5;
	v8 =	vadd.f32 v9, v8;
	_ =	sdelay $0x1  }
0x406: {  	v42 =	vmul.f32 v40, v6;
	v8 =	vadd.f32 v41, v8;
	_ =	sdelay $0x1  }
0x407: {  	v8 =	vadd.f32 v42, v8;
	_ =	sdelay $0x1  }
0x408: {  	(xrf2) =	vadd.scan.msk.f32 $0xffff, v8;
	_ =	sdelay $0x8  }
0x409: {  	s26 =	sadd.s32 $0xFFFFFFFF, s8  }
0x40a: {  	s3 =	sand.u32 $0xF, s26;
	v8, _, _ =	vpop (xrf2)  }
0x40b: {  	v43 =	vmov s3;
	v8 =	vbroadcast v8, $0xF  }
0x40c: {  	vm12 =	veq.s32 v43, v1  }
0x40d: {  	v7 =	vsel vm12, v8, v7  }
0x40e: {  	[tilespmem:s0+$0x258C] =	vst v7  }
0x40f: {  	v8 =	vld [tilespmem:s12+$0x180]  }
0x410: {  	v44 =	vld [tilespmem:s12+$0x190];
	_ =	sdelay $0x1  }
0x411: {  	v45 =	vld [tilespmem:s12+$0x1A0];
	_ =	sdelay $0x1  }
0x412: {  	v46 =	vld [tilespmem:s12+$0x1B0]  }
0x413: {  	v8 =	vmul.f32 v8, v3;
	v9 =	vmul.f32 v44, v4;
	_ =	sdelay $0x1  }
0x414: {  	v47 =	vmul.f32 v45, v5;
	v8 =	vadd.f32 v9, v8;
	_ =	sdelay $0x1  }
0x415: {  	v48 =	vmul.f32 v46, v6;
	v8 =	vadd.f32 v47, v8;
	_ =	sdelay $0x1  }
0x416: {  	v8 =	vadd.f32 v48, v8;
	_ =	sdelay $0x1  }
0x417: {  	(xrf2) =	vadd.scan.msk.f32 $0xffff, v8;
	_ =	sdelay $0x9  }
0x418: {  	v8, _, _ =	vpop (xrf2)  }
0x419: {  	v8 =	vbroadcast v8, $0xF;
	_ =	sdelay $0x1  }
0x41a: {  	v7 =	vsel vm0, v8, v7  }
0x41b: {  	[tilespmem:s23+$0x12FC0] =	vst v7  }
0x41c: {  	v8 =	vld [tilespmem:s12+$0x1C0]  }
0x41d: {  	v49 =	vld [tilespmem:s12+$0x1D0];
	_ =	sdelay $0x1  }
0x41e: {  	v50 =	vld [tilespmem:s12+$0x1E0];
	_ =	sdelay $0x1  }
0x41f: {  	v51 =	vld [tilespmem:s12+$0x1F0]  }
0x420: {  	v8 =	vmul.f32 v8, v3;
	v9 =	vmul.f32 v49, v4;
	_ =	sdelay $0x1  }
0x421: {  	v52 =	vmul.f32 v50, v5;
	v8 =	vadd.f32 v9, v8;
	_ =	sdelay $0x1  }
0x422: {  	v53 =	vmul.f32 v51, v6;
	v8 =	vadd.f32 v52, v8;
	_ =	sdelay $0x1  }
0x423: {  	v8 =	vadd.f32 v53, v8;
	_ =	sdelay $0x1  }
0x424: {  	(xrf2) =	vadd.scan.msk.f32 $0xffff, v8;
	_ =	sdelay $0x8  }
0x425: {  	s28 =	sadd.s32 $0x11, s8  }
0x426: {  	s0 =	sand.u32 $0xD, s28;
	v8, _, _ =	vpop (xrf2)  }
0x427: {  	v54 =	vmov s0;
	v8 =	vbroadcast v8, $0xF  }
0x428: {  	vm13 =	veq.s32 v54, v1  }
0x429: {  	v7 =	vsel vm13, v8, v7  }
0x42a: {  	[tilespmem:s22+$0x0] =	vst v7  }
0x42b: {  	v8 =	vld [tilespmem:s12+$0x200]  }
0x42c: {  	v55 =	vld [tilespmem:s12+$0x210];
	_ =	sdelay $0x1  }
0x42d: {  	v56 =	vld [tilespmem:s12+$0x220];
	_ =	sdelay $0x1  }
0x42e: {  	v57 =	vld [tilespmem:s12+$0x230]  }
0x42f: {  	v8 =	vmul.f32 v8, v3;
	v9 =	vmul.f32 v55, v4;
	_ =	sdelay $0x1  }
0x430: {  	v58 =	vmul.f32 v56, v5;
	v8 =	vadd.f32 v9, v8;
	_ =	sdelay $0x1  }
0x431: {  	v59 =	vmul.f32 v57, v6;
	v8 =	vadd.f32 v58, v8;
	_ =	sdelay $0x1  }
0x432: {  	v8 =	vadd.f32 v59, v8;
	_ =	sdelay $0x1  }
0x433: {  	(xrf2) =	vadd.scan.msk.f32 $0xffff, v8;
	_ =	sdelay $0x8  }
0x434: {  	s29 =	sadd.s32 $0x12, s8  }
0x435: {  	s0 =	sand.u32 $0xE, s29;
	v8, _, _ =	vpop (xrf2)  }
0x436: {  	v60 =	vmov s0;
	v8 =	vbroadcast v8, $0xF  }
0x437: {  	vm14 =	veq.s32 v60, v1  }
0x438: {  	v7 =	vsel vm14, v8, v7  }
0x439: {  	[tilespmem:s25+$0x2590] =	vst v7  }
0x43a: {  	v8 =	vld [tilespmem:s12+$0x240]  }
0x43b: {  	v61 =	vld [tilespmem:s12+$0x250];
	_ =	sdelay $0x1  }
0x43c: {  	v62 =	vld [tilespmem:s12+$0x260];
	_ =	sdelay $0x1  }
0x43d: {  	v63 =	vld [tilespmem:s12+$0x270]  }
0x43e: {  	v3 =	vmul.f32 v8, v3;
	v4 =	vmul.f32 v61, v4;
	_ =	sdelay $0x1  }
0x43f: {  	v3 =	vadd.f32 v4, v3;
	v4 =	vmul.f32 v62, v5;
	_ =	sdelay $0x1  }
0x440: {  	v3 =	vadd.f32 v4, v3;
	v4 =	vmul.f32 v63, v6;
	_ =	sdelay $0x1  }
0x441: {  	v3 =	vadd.f32 v4, v3;
	_ =	sdelay $0x1  }
0x442: {  	(xrf2) =	vadd.scan.msk.f32 $0xffff, v3;
	_ =	sdelay $0x7  }
0x443: {  	s21 =	sadd.s32 $0x1, s21;
	s5 =	sadd.s32 $0x40, s5;
	s6 =	sadd.s32 $0x40, s6  }
0x444: {  	s20 =	sadd.s32 $0x2, s20;
	p0 =	sne.s32 s8, $0x12C;
	s30 =	sadd.s32 $0x13, s8  }
.Ltmp5:
0x445: {  	s18 =	sadd.s32 $0x4, s18;
	s0 =	sand.u32 $0xF, s30;
	v3, _, _ =	vpop (xrf2);
	(pc) =	sbr.rel @p0 .LBB2_12-.Ltmp5, $4  }
0x446: {  	s1 =	sadd.s32 $0x1, s1;
	s16 =	sadd.s32 $0x4, s16;
	s17 =	sadd.s32 $0x2, s17;
	v4 =	vmov s0;
	v3 =	vbroadcast v3, $0xF  }
0x447: {  	s2 =	sadd.s32 $0x1, s2;
	s9 =	sadd.s32 $0x2, s9;
	s10 =	sadd.s32 $0x4, s10;
	vm15 =	veq.s32 v4, v1  }
0x448: {  	s13 =	sadd.s32 $0x2, s13;
	s11 =	sadd.s32 $0x1, s11;
	s15 =	sadd.s32 $0x4, s15;
	v7 =	vsel vm15, v3, v7  }
0x449: {  	s8 =	sadd.s32 $0x14, s8;
	s7 =	sadd.s32 $0x14, s7;
	s12 =	sadd.s32 $0x500, s12;
	[tilespmem:s22+$0x0] =	vst v7  }
0x44a: {  	s1 =	simm.s32 $0x2  }
0x44b: {  	_ =	swait.ge [sflag:s1], $0x400  }
0x44c: {  	[sflag:s1] =	ssyncset.done $0x0  }
0x44d: {  	[sflag:s1] =	ssyncadd.s32 $0xFFFFFC00  }
0x44e: {  	_ =	swait.ge [sflag:s1], $0x400  }
0x44f: {  	[sflag:s1] =	ssyncset.done $0x0  }
0x450: {  	[sflag:s1] =	ssyncadd.s32 $0xFFFFFC00  }
0x451: {  	s5 =	simm.s32 $0xB450;
	_ =	swait.ge [sflag:s1], $0x2000  }
0x452: {  	s7 =	simm.s32 $0xB050;
	s8 =	simm.s32 $0x10A30;
	[sflag:s1] =	ssyncset.done $0x0  }
0x453: {  	s6 =	simm.s32 $0x0;
	s9 =	simm.s32 $0x1;
	[sflag:s1] =	ssyncadd.s32 $0xFFFFE000  }
0x454: {  	s2 =	simm.s32 $0x4;
	s10 =	simm.s32 $0x8;
	_ =	swait.ge [sflag:s1], $0x2000  }
0x455: {  	s12 =	simm.s32 $0x3;
	s11 =	simm.s32 $0xBAB0;
	[sflag:s1] =	ssyncset.done $0x0  }
0x456: {  	s13 =	simm.s32 $0x6;
	s15 =	simm.s32 $0xC;
	[sflag:s1] =	ssyncadd.s32 $0xFFFFE000  }
0x457: {  	s16 =	simm.s32 $0x4;
	s17 =	simm.s32 $0x2;
	_ =	swait.ge [sflag:s1], $0x1000  }
0x458: {  	s18 =	simm.s32 $0x0;
	s20 =	simm.s32 $0x0;
	[sflag:s1] =	ssyncset.done $0x0  }
0x459: {  	v2 =	vimm.f32 $0.0e+00;
	s21 =	simm.s32 $0x0;
	v7 =	vimm.f32 $0.0e+00;
	s22 =	simm.s32 $0x0;
	[sflag:s1] =	ssyncadd.s32 $0xFFFFF000  }
.LBB2_14:
0x45a: {  	v3 =	vld [tilespmem:s7+$0xFFFFFFE0]  }
0x45b: {  	v4 =	vld [tilespmem:s7+$0xFFFFFFF0]  }
0x45c: {  	v8 =	vld [tilespmem:s5+$0xFFFFFFE0]  }
0x45d: {  	v9 =	vld [tilespmem:s5+$0xFFFFFFF0]  }
0x45e: {  	v5 =	vld [tilespmem:s7+$0x0]  }
0x45f: {  	v10 =	vld [tilespmem:s5+$0x0]  }
0x460: {  	v6 =	vld [tilespmem:s7+$0x10]  }
0x461: {  	v11 =	vld [tilespmem:s5+$0x10]  }
0x462: {  	v8 =	vmul.f32 v8, v3;
	v9 =	vmul.f32 v9, v4;
	_ =	sdelay $0x1  }
0x463: {  	v49 =	vmul.f32 v10, v5;
	v8 =	vadd.f32 v9, v8;
	_ =	sdelay $0x1  }
0x464: {  	v50 =	vmul.f32 v11, v6;
	v8 =	vadd.f32 v49, v8;
	_ =	sdelay $0x1  }
0x465: {  	v8 =	vadd.f32 v50, v8;
	_ =	sdelay $0x1  }
0x466: {  	(xrf2) =	vadd.scan.msk.f32 $0xffff, v8;
	_ =	sdelay $0x9  }
0x467: {  	v8, _, _ =	vpop (xrf2)  }
0x468: {  	v51 =	vmov s22;
	v8 =	vbroadcast v8, $0xF  }
0x469: {  	vm0 =	veq.s32 v51, v1  }
0x46a: {  	v2 =	vsel vm0, v8, v2  }
0x46b: {  	[tilespmem:$0x10A20] =	vst v2  }
0x46c: {  	v8 =	vld [tilespmem:s11+$0xFFFFFD80]  }
0x46d: {  	v52 =	vld [tilespmem:s11+$0xFFFFFD90];
	_ =	sdelay $0x1  }
0x46e: {  	v53 =	vld [tilespmem:s11+$0xFFFFFDA0];
	_ =	sdelay $0x1  }
0x46f: {  	v54 =	vld [tilespmem:s11+$0xFFFFFDB0]  }
0x470: {  	v8 =	vmul.f32 v8, v3;
	v9 =	vmul.f32 v52, v4;
	_ =	sdelay $0x1  }
0x471: {  	v55 =	vmul.f32 v53, v5;
	v8 =	vadd.f32 v9, v8;
	_ =	sdelay $0x1  }
0x472: {  	v56 =	vmul.f32 v54, v6;
	v8 =	vadd.f32 v55, v8;
	_ =	sdelay $0x1  }
0x473: {  	v8 =	vadd.f32 v56, v8;
	_ =	sdelay $0x1  }
0x474: {  	(xrf2) =	vadd.scan.msk.f32 $0xffff, v8;
	_ =	sdelay $0x9  }
0x475: {  	s0 =	sand.u32 $0xC, s18;
	v8, _, _ =	vpop (xrf2)  }
0x476: {  	v57 =	vmov s0;
	v8 =	vbroadcast v8, $0xF  }
0x477: {  	vm0 =	veq.s32 v57, v1  }
0x478: {  	s25 =	sand.u32 $0x1F0, s18;
	v7 =	vsel vm0, v8, v7  }
0x479: {  	[tilespmem:s25+$0x130F0] =	vst v7  }
0x47a: {  	v8 =	vld [tilespmem:s11+$0xFFFFFDC0]  }
0x47b: {  	v58 =	vld [tilespmem:s11+$0xFFFFFDD0];
	_ =	sdelay $0x1  }
0x47c: {  	v59 =	vld [tilespmem:s11+$0xFFFFFDE0];
	_ =	sdelay $0x1  }
0x47d: {  	v60 =	vld [tilespmem:s11+$0xFFFFFDF0]  }
0x47e: {  	v8 =	vmul.f32 v8, v3;
	v9 =	vmul.f32 v58, v4;
	_ =	sdelay $0x1  }
0x47f: {  	v61 =	vmul.f32 v59, v5;
	v8 =	vadd.f32 v9, v8;
	_ =	sdelay $0x1  }
0x480: {  	v62 =	vmul.f32 v60, v6;
	v8 =	vadd.f32 v61, v8;
	_ =	sdelay $0x1  }
0x481: {  	v8 =	vadd.f32 v62, v8;
	_ =	sdelay $0x1  }
0x482: {  	(xrf2) =	vadd.scan.msk.f32 $0xffff, v8;
	_ =	sdelay $0x8  }
0x483: {  	s28 =	sand.u32 $0xF, s20;
	s3 =	sadd.s32 $0x1, s18  }
0x484: {  	s0 =	sshll.u32 s28, $0x2;
	s3 =	sand.u32 $0xD, s3;
	v8, _, _ =	vpop (xrf2)  }
0x485: {  	s0 =	ssub.s32 $0x9B40, s0;
	v63 =	vmov s3;
	v8 =	vbroadcast v8, $0xF  }
0x486: {  	vm1 =	veq.s32 v63, v1;
	s0 =	sshrl.u32 s0, $0x2  }
0x487: {  	s23 =	sadd.s32 s0, s8;
	v7 =	vsel vm1, v8, v7  }
0x488: {  	[tilespmem:s23+$0xFFFFFFF0] =	vst v7  }
0x489: {  	v8 =	vld [tilespmem:s11+$0xFFFFFE00]  }
0x48a: {  	v12 =	vld [tilespmem:s11+$0xFFFFFE10];
	_ =	sdelay $0x1  }
0x48b: {  	v13 =	vld [tilespmem:s11+$0xFFFFFE20];
	_ =	sdelay $0x1  }
0x48c: {  	v14 =	vld [tilespmem:s11+$0xFFFFFE30]  }
0x48d: {  	v8 =	vmul.f32 v8, v3;
	v9 =	vmul.f32 v12, v4;
	_ =	sdelay $0x1  }
0x48e: {  	v15 =	vmul.f32 v13, v5;
	v8 =	vadd.f32 v9, v8;
	_ =	sdelay $0x1  }
0x48f: {  	v16 =	vmul.f32 v14, v6;
	v8 =	vadd.f32 v15, v8;
	_ =	sdelay $0x1  }
0x490: {  	v8 =	vadd.f32 v16, v8;
	_ =	sdelay $0x1  }
0x491: {  	(xrf2) =	vadd.scan.msk.f32 $0xffff, v8;
	_ =	sdelay $0x8  }
0x492: {  	s29 =	sand.u32 $0x7, s21;
	s30 =	sadd.s32 $0x2, s18  }
0x493: {  	s3 =	sand.u32 $0xE, s30;
	s0 =	sshll.u32 s29, $0x3;
	v8, _, _ =	vpop (xrf2)  }
0x494: {  	v17 =	vmov s3;
	s0 =	ssub.s32 $0x0, s0;
	v8 =	vbroadcast v8, $0xF  }
0x495: {  	vm11 =	veq.s32 v17, v1;
	s0 =	sshra.s32 s0, $0x2  }
0x496: {  	s26 =	sadd.s32 s0, s8;
	v7 =	vsel vm11, v8, v7  }
0x497: {  	[tilespmem:s26+$0x26C0] =	vst v7  }
0x498: {  	v8 =	vld [tilespmem:s11+$0xFFFFFE40]  }
0x499: {  	v18 =	vld [tilespmem:s11+$0xFFFFFE50];
	_ =	sdelay $0x1  }
0x49a: {  	v19 =	vld [tilespmem:s11+$0xFFFFFE60];
	_ =	sdelay $0x1  }
0x49b: {  	v20 =	vld [tilespmem:s11+$0xFFFFFE70]  }
0x49c: {  	v8 =	vmul.f32 v8, v3;
	v9 =	vmul.f32 v18, v4;
	_ =	sdelay $0x1  }
0x49d: {  	v21 =	vmul.f32 v19, v5;
	v8 =	vadd.f32 v9, v8;
	_ =	sdelay $0x1  }
0x49e: {  	v22 =	vmul.f32 v20, v6;
	v8 =	vadd.f32 v21, v8;
	_ =	sdelay $0x1  }
0x49f: {  	v8 =	vadd.f32 v22, v8;
	_ =	sdelay $0x1  }
0x4a0: {  	(xrf2) =	vadd.scan.msk.f32 $0xffff, v8;
	_ =	sdelay $0x8  }
0x4a1: {  	s14 =	sadd.s32 $0x3, s18  }
0x4a2: {  	s0 =	sand.u32 $0xF, s14;
	v8, _, _ =	vpop (xrf2)  }
0x4a3: {  	v23 =	vmov s0;
	v8 =	vbroadcast v8, $0xF  }
0x4a4: {  	vm12 =	veq.s32 v23, v1  }
0x4a5: {  	v7 =	vsel vm12, v8, v7  }
0x4a6: {  	[tilespmem:s23+$0xFFFFFFF0] =	vst v7  }
0x4a7: {  	v8 =	vld [tilespmem:s11+$0xFFFFFE80]  }
0x4a8: {  	v24 =	vld [tilespmem:s11+$0xFFFFFE90];
	_ =	sdelay $0x1  }
0x4a9: {  	v25 =	vld [tilespmem:s11+$0xFFFFFEA0];
	_ =	sdelay $0x1  }
0x4aa: {  	v26 =	vld [tilespmem:s11+$0xFFFFFEB0]  }
0x4ab: {  	v8 =	vmul.f32 v8, v3;
	v9 =	vmul.f32 v24, v4;
	_ =	sdelay $0x1  }
0x4ac: {  	v27 =	vmul.f32 v25, v5;
	v8 =	vadd.f32 v9, v8;
	_ =	sdelay $0x1  }
0x4ad: {  	v28 =	vmul.f32 v26, v6;
	v8 =	vadd.f32 v27, v8;
	_ =	sdelay $0x1  }
0x4ae: {  	v8 =	vadd.f32 v28, v8;
	_ =	sdelay $0x1  }
0x4af: {  	(xrf2) =	vadd.scan.msk.f32 $0xffff, v8;
	_ =	sdelay $0x8  }
0x4b0: {  	s24 =	sand.u32 $0x3, s9;
	s28 =	sadd.s32 $0x4, s18  }
0x4b1: {  	s3 =	sand.u32 $0xC, s28;
	s0 =	sshll.u32 s24, $0x4;
	v8, _, _ =	vpop (xrf2)  }
0x4b2: {  	v29 =	vmov s3;
	s0 =	ssub.s32 $0x0, s0;
	v8 =	vbroadcast v8, $0xF  }
0x4b3: {  	vm13 =	veq.s32 v29, v1;
	s0 =	sshra.s32 s0, $0x2  }
0x4b4: {  	s0 =	sadd.s32 s0, s8;
	v7 =	vsel vm13, v8, v7  }
0x4b5: {  	[tilespmem:s0+$0x26C4] =	vst v7  }
0x4b6: {  	v8 =	vld [tilespmem:s11+$0xFFFFFEC0]  }
0x4b7: {  	v30 =	vld [tilespmem:s11+$0xFFFFFED0];
	_ =	sdelay $0x1  }
0x4b8: {  	v31 =	vld [tilespmem:s11+$0xFFFFFEE0];
	_ =	sdelay $0x1  }
0x4b9: {  	v32 =	vld [tilespmem:s11+$0xFFFFFEF0]  }
0x4ba: {  	v8 =	vmul.f32 v8, v3;
	v9 =	vmul.f32 v30, v4;
	_ =	sdelay $0x1  }
0x4bb: {  	v33 =	vmul.f32 v31, v5;
	v8 =	vadd.f32 v9, v8;
	_ =	sdelay $0x1  }
0x4bc: {  	v34 =	vmul.f32 v32, v6;
	v8 =	vadd.f32 v33, v8;
	_ =	sdelay $0x1  }
0x4bd: {  	v8 =	vadd.f32 v34, v8;
	_ =	sdelay $0x1  }
0x4be: {  	(xrf2) =	vadd.scan.msk.f32 $0xffff, v8;
	_ =	sdelay $0x8  }
0x4bf: {  	s30 =	sadd.s32 $0x5, s18;
	s29 =	sand.u32 $0xF, s16  }
0x4c0: {  	s3 =	sand.u32 $0xD, s30;
	s0 =	sshll.u32 s29, $0x2;
	v8, _, _ =	vpop (xrf2)  }
0x4c1: {  	v35 =	vmov s3;
	s0 =	ssub.s32 $0x0, s0;
	v8 =	vbroadcast v8, $0xF  }
0x4c2: {  	vm14 =	veq.s32 v35, v1;
	s0 =	sshra.s32 s0, $0x2  }
0x4c3: {  	s0 =	sadd.s32 s0, s8;
	v7 =	vsel vm14, v8, v7  }
0x4c4: {  	[tilespmem:s0+$0x26C4] =	vst v7  }
0x4c5: {  	v8 =	vld [tilespmem:s11+$0xFFFFFF00]  }
0x4c6: {  	v36 =	vld [tilespmem:s11+$0xFFFFFF10];
	_ =	sdelay $0x1  }
0x4c7: {  	v37 =	vld [tilespmem:s11+$0xFFFFFF20];
	_ =	sdelay $0x1  }
0x4c8: {  	v38 =	vld [tilespmem:s11+$0xFFFFFF30]  }
0x4c9: {  	v8 =	vmul.f32 v8, v3;
	v9 =	vmul.f32 v36, v4;
	_ =	sdelay $0x1  }
0x4ca: {  	v39 =	vmul.f32 v37, v5;
	v8 =	vadd.f32 v9, v8;
	_ =	sdelay $0x1  }
0x4cb: {  	v40 =	vmul.f32 v38, v6;
	v8 =	vadd.f32 v39, v8;
	_ =	sdelay $0x1  }
0x4cc: {  	v8 =	vadd.f32 v40, v8;
	_ =	sdelay $0x1  }
0x4cd: {  	(xrf2) =	vadd.scan.msk.f32 $0xffff, v8;
	_ =	sdelay $0x8  }
0x4ce: {  	s14 =	sand.u32 $0x7, s17;
	s24 =	sadd.s32 $0x6, s18  }
0x4cf: {  	s3 =	sshll.u32 s14, $0x3;
	s24 =	sand.u32 $0xE, s24;
	v8, _, _ =	vpop (xrf2)  }
0x4d0: {  	s3 =	ssub.s32 $0x0, s3;
	v41 =	vmov s24;
	v8 =	vbroadcast v8, $0xF  }
0x4d1: {  	s3 =	sshra.s32 s3, $0x2;
	vm15 =	veq.s32 v41, v1  }
0x4d2: {  	s3 =	sadd.s32 s3, s8;
	v7 =	vsel vm15, v8, v7  }
0x4d3: {  	[tilespmem:s3+$0x26C4] =	vst v7  }
0x4d4: {  	v8 =	vld [tilespmem:s11+$0xFFFFFF40]  }
0x4d5: {  	v42 =	vld [tilespmem:s11+$0xFFFFFF50];
	_ =	sdelay $0x1  }
0x4d6: {  	v43 =	vld [tilespmem:s11+$0xFFFFFF60];
	_ =	sdelay $0x1  }
0x4d7: {  	v44 =	vld [tilespmem:s11+$0xFFFFFF70]  }
0x4d8: {  	v8 =	vmul.f32 v8, v3;
	v9 =	vmul.f32 v42, v4;
	_ =	sdelay $0x1  }
0x4d9: {  	v45 =	vmul.f32 v43, v5;
	v8 =	vadd.f32 v9, v8;
	_ =	sdelay $0x1  }
0x4da: {  	v46 =	vmul.f32 v44, v6;
	v8 =	vadd.f32 v45, v8;
	_ =	sdelay $0x1  }
0x4db: {  	v8 =	vadd.f32 v46, v8;
	_ =	sdelay $0x1  }
0x4dc: {  	(xrf2) =	vadd.scan.msk.f32 $0xffff, v8;
	_ =	sdelay $0x8  }
0x4dd: {  	s28 =	sadd.s32 $0x7, s18  }
0x4de: {  	s3 =	sand.u32 $0xF, s28;
	v8, _, _ =	vpop (xrf2)  }
0x4df: {  	v47 =	vmov s3;
	v8 =	vbroadcast v8, $0xF  }
0x4e0: {  	vm4 =	veq.s32 v47, v1  }
0x4e1: {  	v7 =	vsel vm4, v8, v7  }
0x4e2: {  	[tilespmem:s0+$0x26C4] =	vst v7  }
0x4e3: {  	v8 =	vld [tilespmem:s11+$0xFFFFFF80]  }
0x4e4: {  	v48 =	vld [tilespmem:s11+$0xFFFFFF90];
	_ =	sdelay $0x1  }
0x4e5: {  	v49 =	vld [tilespmem:s11+$0xFFFFFFA0];
	_ =	sdelay $0x1  }
0x4e6: {  	v50 =	vld [tilespmem:s11+$0xFFFFFFB0]  }
0x4e7: {  	v8 =	vmul.f32 v8, v3;
	v9 =	vmul.f32 v48, v4;
	_ =	sdelay $0x1  }
0x4e8: {  	v51 =	vmul.f32 v49, v5;
	v8 =	vadd.f32 v9, v8;
	_ =	sdelay $0x1  }
0x4e9: {  	v52 =	vmul.f32 v50, v6;
	v8 =	vadd.f32 v51, v8;
	_ =	sdelay $0x1  }
0x4ea: {  	v8 =	vadd.f32 v52, v8;
	_ =	sdelay $0x1  }
0x4eb: {  	(xrf2) =	vadd.scan.msk.f32 $0xffff, v8;
	_ =	sdelay $0x8  }
0x4ec: {  	s30 =	sadd.s32 $0x8, s18;
	s29 =	sand.u32 $0x3, s1  }
0x4ed: {  	s3 =	sand.u32 $0xC, s30;
	s0 =	sshll.u32 s29, $0x4;
	v8, _, _ =	vpop (xrf2)  }
0x4ee: {  	v53 =	vmov s3;
	s0 =	ssub.s32 $0x0, s0;
	v8 =	vbroadcast v8, $0xF  }
0x4ef: {  	vm5 =	veq.s32 v53, v1;
	s0 =	sshra.s32 s0, $0x2  }
0x4f0: {  	s0 =	sadd.s32 s0, s8;
	v7 =	vsel vm5, v8, v7  }
0x4f1: {  	[tilespmem:s0+$0x26C8] =	vst v7  }
0x4f2: {  	v8 =	vld [tilespmem:s11+$0xFFFFFFC0]  }
0x4f3: {  	v54 =	vld [tilespmem:s11+$0xFFFFFFD0];
	_ =	sdelay $0x1  }
0x4f4: {  	v55 =	vld [tilespmem:s11+$0xFFFFFFE0];
	_ =	sdelay $0x1  }
0x4f5: {  	v56 =	vld [tilespmem:s11+$0xFFFFFFF0]  }
0x4f6: {  	v8 =	vmul.f32 v8, v3;
	v9 =	vmul.f32 v54, v4;
	_ =	sdelay $0x1  }
0x4f7: {  	v57 =	vmul.f32 v55, v5;
	v8 =	vadd.f32 v9, v8;
	_ =	sdelay $0x1  }
0x4f8: {  	v58 =	vmul.f32 v56, v6;
	v8 =	vadd.f32 v57, v8;
	_ =	sdelay $0x1  }
0x4f9: {  	v8 =	vadd.f32 v58, v8;
	_ =	sdelay $0x1  }
0x4fa: {  	(xrf2) =	vadd.scan.msk.f32 $0xffff, v8;
	_ =	sdelay $0x8  }
0x4fb: {  	s14 =	sand.u32 $0xF, s10;
	s24 =	sadd.s32 $0x9, s18  }
0x4fc: {  	s3 =	sand.u32 $0xD, s24;
	s0 =	sshll.u32 s14, $0x2;
	v8, _, _ =	vpop (xrf2)  }
0x4fd: {  	v59 =	vmov s3;
	s0 =	ssub.s32 $0x0, s0;
	v8 =	vbroadcast v8, $0xF  }
0x4fe: {  	vm6 =	veq.s32 v59, v1;
	s0 =	sshra.s32 s0, $0x2  }
0x4ff: {  	s0 =	sadd.s32 s0, s8;
	v7 =	vsel vm6, v8, v7  }
0x500: {  	[tilespmem:s0+$0x26C8] =	vst v7  }
0x501: {  	v8 =	vld [tilespmem:s11+$0x0]  }
0x502: {  	v60 =	vld [tilespmem:s11+$0x10];
	_ =	sdelay $0x1  }
0x503: {  	v61 =	vld [tilespmem:s11+$0x20];
	_ =	sdelay $0x1  }
0x504: {  	v62 =	vld [tilespmem:s11+$0x30]  }
0x505: {  	v8 =	vmul.f32 v8, v3;
	v9 =	vmul.f32 v60, v4;
	_ =	sdelay $0x1  }
0x506: {  	v63 =	vmul.f32 v61, v5;
	v8 =	vadd.f32 v9, v8;
	_ =	sdelay $0x1  }
0x507: {  	v12 =	vmul.f32 v62, v6;
	v8 =	vadd.f32 v63, v8;
	_ =	sdelay $0x1  }
0x508: {  	v8 =	vadd.f32 v12, v8;
	_ =	sdelay $0x1  }
0x509: {  	(xrf2) =	vadd.scan.msk.f32 $0xffff, v8;
	_ =	sdelay $0x8  }
0x50a: {  	s28 =	sand.u32 $0x7, s2;
	s29 =	sadd.s32 $0xA, s18  }
0x50b: {  	s3 =	sshll.u32 s28, $0x3;
	s24 =	sand.u32 $0xE, s29;
	v8, _, _ =	vpop (xrf2)  }
0x50c: {  	s3 =	ssub.s32 $0x0, s3;
	v13 =	vmov s24;
	v8 =	vbroadcast v8, $0xF  }
0x50d: {  	s3 =	sshra.s32 s3, $0x2;
	vm7 =	veq.s32 v13, v1  }
0x50e: {  	s3 =	sadd.s32 s3, s8;
	v7 =	vsel vm7, v8, v7  }
0x50f: {  	[tilespmem:s3+$0x26C8] =	vst v7  }
0x510: {  	v8 =	vld [tilespmem:s11+$0x40]  }
0x511: {  	v14 =	vld [tilespmem:s11+$0x50];
	_ =	sdelay $0x1  }
0x512: {  	v15 =	vld [tilespmem:s11+$0x60];
	_ =	sdelay $0x1  }
0x513: {  	v16 =	vld [tilespmem:s11+$0x70]  }
0x514: {  	v8 =	vmul.f32 v8, v3;
	v9 =	vmul.f32 v14, v4;
	_ =	sdelay $0x1  }
0x515: {  	v17 =	vmul.f32 v15, v5;
	v8 =	vadd.f32 v9, v8;
	_ =	sdelay $0x1  }
0x516: {  	v18 =	vmul.f32 v16, v6;
	v8 =	vadd.f32 v17, v8;
	_ =	sdelay $0x1  }
0x517: {  	v8 =	vadd.f32 v18, v8;
	_ =	sdelay $0x1  }
0x518: {  	(xrf2) =	vadd.scan.msk.f32 $0xffff, v8;
	_ =	sdelay $0x8  }
0x519: {  	s30 =	sadd.s32 $0xB, s18  }
0x51a: {  	s3 =	sand.u32 $0xF, s30;
	v8, _, _ =	vpop (xrf2)  }
0x51b: {  	v19 =	vmov s3;
	v8 =	vbroadcast v8, $0xF  }
0x51c: {  	vm8 =	veq.s32 v19, v1  }
0x51d: {  	v7 =	vsel vm8, v8, v7  }
0x51e: {  	[tilespmem:s0+$0x26C8] =	vst v7  }
0x51f: {  	v8 =	vld [tilespmem:s11+$0x80]  }
0x520: {  	v20 =	vld [tilespmem:s11+$0x90];
	_ =	sdelay $0x1  }
0x521: {  	v21 =	vld [tilespmem:s11+$0xA0];
	_ =	sdelay $0x1  }
0x522: {  	v22 =	vld [tilespmem:s11+$0xB0]  }
0x523: {  	v8 =	vmul.f32 v8, v3;
	v9 =	vmul.f32 v20, v4;
	_ =	sdelay $0x1  }
0x524: {  	v23 =	vmul.f32 v21, v5;
	v8 =	vadd.f32 v9, v8;
	_ =	sdelay $0x1  }
0x525: {  	v24 =	vmul.f32 v22, v6;
	v8 =	vadd.f32 v23, v8;
	_ =	sdelay $0x1  }
0x526: {  	v8 =	vadd.f32 v24, v8;
	_ =	sdelay $0x1  }
0x527: {  	(xrf2) =	vadd.scan.msk.f32 $0xffff, v8;
	_ =	sdelay $0x8  }
0x528: {  	s24 =	sadd.s32 $0xC, s18;
	s14 =	sand.u32 $0x3, s12  }
0x529: {  	s3 =	sand.u32 $0xC, s24;
	s0 =	sshll.u32 s14, $0x4;
	v8, _, _ =	vpop (xrf2)  }
0x52a: {  	v25 =	vmov s3;
	s0 =	ssub.s32 $0x0, s0;
	v8 =	vbroadcast v8, $0xF  }
0x52b: {  	vm9 =	veq.s32 v25, v1;
	s0 =	sshra.s32 s0, $0x2  }
0x52c: {  	s0 =	sadd.s32 s0, s8;
	v7 =	vsel vm9, v8, v7  }
0x52d: {  	[tilespmem:s0+$0x26CC] =	vst v7  }
0x52e: {  	v8 =	vld [tilespmem:s11+$0xC0]  }
0x52f: {  	v26 =	vld [tilespmem:s11+$0xD0];
	_ =	sdelay $0x1  }
0x530: {  	v27 =	vld [tilespmem:s11+$0xE0];
	_ =	sdelay $0x1  }
0x531: {  	v28 =	vld [tilespmem:s11+$0xF0]  }
0x532: {  	v8 =	vmul.f32 v8, v3;
	v9 =	vmul.f32 v26, v4;
	_ =	sdelay $0x1  }
0x533: {  	v29 =	vmul.f32 v27, v5;
	v8 =	vadd.f32 v9, v8;
	_ =	sdelay $0x1  }
0x534: {  	v30 =	vmul.f32 v28, v6;
	v8 =	vadd.f32 v29, v8;
	_ =	sdelay $0x1  }
0x535: {  	v8 =	vadd.f32 v30, v8;
	_ =	sdelay $0x1  }
0x536: {  	(xrf2) =	vadd.scan.msk.f32 $0xffff, v8;
	_ =	sdelay $0x8  }
0x537: {  	s28 =	sand.u32 $0xF, s15;
	s29 =	sadd.s32 $0xD, s18  }
0x538: {  	s3 =	sand.u32 $0xD, s29;
	s0 =	sshll.u32 s28, $0x2;
	v8, _, _ =	vpop (xrf2)  }
0x539: {  	v31 =	vmov s3;
	s0 =	ssub.s32 $0x0, s0;
	v8 =	vbroadcast v8, $0xF  }
0x53a: {  	vm10 =	veq.s32 v31, v1;
	s0 =	sshra.s32 s0, $0x2  }
0x53b: {  	s0 =	sadd.s32 s0, s8;
	v7 =	vsel vm10, v8, v7  }
0x53c: {  	[tilespmem:s0+$0x26CC] =	vst v7  }
0x53d: {  	v8 =	vld [tilespmem:s11+$0x100]  }
0x53e: {  	v32 =	vld [tilespmem:s11+$0x110];
	_ =	sdelay $0x1  }
0x53f: {  	v33 =	vld [tilespmem:s11+$0x120];
	_ =	sdelay $0x1  }
0x540: {  	v34 =	vld [tilespmem:s11+$0x130]  }
0x541: {  	v8 =	vmul.f32 v8, v3;
	v9 =	vmul.f32 v32, v4;
	_ =	sdelay $0x1  }
0x542: {  	v35 =	vmul.f32 v33, v5;
	v8 =	vadd.f32 v9, v8;
	_ =	sdelay $0x1  }
0x543: {  	v36 =	vmul.f32 v34, v6;
	v8 =	vadd.f32 v35, v8;
	_ =	sdelay $0x1  }
0x544: {  	v8 =	vadd.f32 v36, v8;
	_ =	sdelay $0x1  }
0x545: {  	(xrf2) =	vadd.scan.msk.f32 $0xffff, v8;
	_ =	sdelay $0x8  }
0x546: {  	s30 =	sand.u32 $0x7, s13;
	s14 =	sadd.s32 $0xE, s18  }
0x547: {  	s3 =	sshll.u32 s30, $0x3;
	s24 =	sand.u32 $0xE, s14;
	v8, _, _ =	vpop (xrf2)  }
0x548: {  	s3 =	ssub.s32 $0x0, s3;
	v37 =	vmov s24;
	v8 =	vbroadcast v8, $0xF  }
0x549: {  	s3 =	sshra.s32 s3, $0x2;
	vm11 =	veq.s32 v37, v1  }
0x54a: {  	s3 =	sadd.s32 s3, s8;
	v7 =	vsel vm11, v8, v7  }
0x54b: {  	[tilespmem:s3+$0x26CC] =	vst v7  }
0x54c: {  	v8 =	vld [tilespmem:s11+$0x140]  }
0x54d: {  	v38 =	vld [tilespmem:s11+$0x150];
	_ =	sdelay $0x1  }
0x54e: {  	v39 =	vld [tilespmem:s11+$0x160];
	_ =	sdelay $0x1  }
0x54f: {  	v40 =	vld [tilespmem:s11+$0x170]  }
0x550: {  	v8 =	vmul.f32 v8, v3;
	v9 =	vmul.f32 v38, v4;
	_ =	sdelay $0x1  }
0x551: {  	v41 =	vmul.f32 v39, v5;
	v8 =	vadd.f32 v9, v8;
	_ =	sdelay $0x1  }
0x552: {  	v42 =	vmul.f32 v40, v6;
	v8 =	vadd.f32 v41, v8;
	_ =	sdelay $0x1  }
0x553: {  	v8 =	vadd.f32 v42, v8;
	_ =	sdelay $0x1  }
0x554: {  	(xrf2) =	vadd.scan.msk.f32 $0xffff, v8;
	_ =	sdelay $0x8  }
0x555: {  	s24 =	sadd.s32 $0xFFFFFFFF, s18  }
0x556: {  	s3 =	sand.u32 $0xF, s24;
	v8, _, _ =	vpop (xrf2)  }
0x557: {  	v43 =	vmov s3;
	v8 =	vbroadcast v8, $0xF  }
0x558: {  	vm12 =	veq.s32 v43, v1  }
0x559: {  	v7 =	vsel vm12, v8, v7  }
0x55a: {  	[tilespmem:s0+$0x26CC] =	vst v7  }
0x55b: {  	v8 =	vld [tilespmem:s11+$0x180]  }
0x55c: {  	v44 =	vld [tilespmem:s11+$0x190];
	_ =	sdelay $0x1  }
0x55d: {  	v45 =	vld [tilespmem:s11+$0x1A0];
	_ =	sdelay $0x1  }
0x55e: {  	v46 =	vld [tilespmem:s11+$0x1B0]  }
0x55f: {  	v8 =	vmul.f32 v8, v3;
	v9 =	vmul.f32 v44, v4;
	_ =	sdelay $0x1  }
0x560: {  	v47 =	vmul.f32 v45, v5;
	v8 =	vadd.f32 v9, v8;
	_ =	sdelay $0x1  }
0x561: {  	v48 =	vmul.f32 v46, v6;
	v8 =	vadd.f32 v47, v8;
	_ =	sdelay $0x1  }
0x562: {  	v8 =	vadd.f32 v48, v8;
	_ =	sdelay $0x1  }
0x563: {  	(xrf2) =	vadd.scan.msk.f32 $0xffff, v8;
	_ =	sdelay $0x9  }
0x564: {  	v8, _, _ =	vpop (xrf2)  }
0x565: {  	v8 =	vbroadcast v8, $0xF;
	_ =	sdelay $0x1  }
0x566: {  	v7 =	vsel vm0, v8, v7  }
0x567: {  	[tilespmem:s25+$0x13100] =	vst v7  }
0x568: {  	v8 =	vld [tilespmem:s11+$0x1C0]  }
0x569: {  	v49 =	vld [tilespmem:s11+$0x1D0];
	_ =	sdelay $0x1  }
0x56a: {  	v50 =	vld [tilespmem:s11+$0x1E0];
	_ =	sdelay $0x1  }
0x56b: {  	v51 =	vld [tilespmem:s11+$0x1F0]  }
0x56c: {  	v8 =	vmul.f32 v8, v3;
	v9 =	vmul.f32 v49, v4;
	_ =	sdelay $0x1  }
0x56d: {  	v52 =	vmul.f32 v50, v5;
	v8 =	vadd.f32 v9, v8;
	_ =	sdelay $0x1  }
0x56e: {  	v53 =	vmul.f32 v51, v6;
	v8 =	vadd.f32 v52, v8;
	_ =	sdelay $0x1  }
0x56f: {  	v8 =	vadd.f32 v53, v8;
	_ =	sdelay $0x1  }
0x570: {  	(xrf2) =	vadd.scan.msk.f32 $0xffff, v8;
	_ =	sdelay $0x8  }
0x571: {  	s28 =	sadd.s32 $0x11, s18  }
0x572: {  	s0 =	sand.u32 $0xD, s28;
	v8, _, _ =	vpop (xrf2)  }
0x573: {  	v54 =	vmov s0;
	v8 =	vbroadcast v8, $0xF  }
0x574: {  	vm13 =	veq.s32 v54, v1  }
0x575: {  	v7 =	vsel vm13, v8, v7  }
0x576: {  	[tilespmem:s23+$0x0] =	vst v7  }
0x577: {  	v8 =	vld [tilespmem:s11+$0x200]  }
0x578: {  	v55 =	vld [tilespmem:s11+$0x210];
	_ =	sdelay $0x1  }
0x579: {  	v56 =	vld [tilespmem:s11+$0x220];
	_ =	sdelay $0x1  }
0x57a: {  	v57 =	vld [tilespmem:s11+$0x230]  }
0x57b: {  	v8 =	vmul.f32 v8, v3;
	v9 =	vmul.f32 v55, v4;
	_ =	sdelay $0x1  }
0x57c: {  	v58 =	vmul.f32 v56, v5;
	v8 =	vadd.f32 v9, v8;
	_ =	sdelay $0x1  }
0x57d: {  	v59 =	vmul.f32 v57, v6;
	v8 =	vadd.f32 v58, v8;
	_ =	sdelay $0x1  }
0x57e: {  	v8 =	vadd.f32 v59, v8;
	_ =	sdelay $0x1  }
0x57f: {  	(xrf2) =	vadd.scan.msk.f32 $0xffff, v8;
	_ =	sdelay $0x8  }
0x580: {  	s29 =	sadd.s32 $0x12, s18  }
0x581: {  	s0 =	sand.u32 $0xE, s29;
	v8, _, _ =	vpop (xrf2)  }
0x582: {  	v60 =	vmov s0;
	v8 =	vbroadcast v8, $0xF  }
0x583: {  	vm14 =	veq.s32 v60, v1  }
0x584: {  	v7 =	vsel vm14, v8, v7  }
0x585: {  	[tilespmem:s26+$0x26D0] =	vst v7  }
0x586: {  	v8 =	vld [tilespmem:s11+$0x240]  }
0x587: {  	v61 =	vld [tilespmem:s11+$0x250];
	_ =	sdelay $0x1  }
0x588: {  	v62 =	vld [tilespmem:s11+$0x260];
	_ =	sdelay $0x1  }
0x589: {  	v63 =	vld [tilespmem:s11+$0x270]  }
0x58a: {  	v3 =	vmul.f32 v8, v3;
	v4 =	vmul.f32 v61, v4;
	_ =	sdelay $0x1  }
0x58b: {  	v3 =	vadd.f32 v4, v3;
	v4 =	vmul.f32 v62, v5;
	_ =	sdelay $0x1  }
0x58c: {  	v3 =	vadd.f32 v4, v3;
	v4 =	vmul.f32 v63, v6;
	_ =	sdelay $0x1  }
0x58d: {  	v3 =	vadd.f32 v4, v3;
	_ =	sdelay $0x1  }
0x58e: {  	(xrf2) =	vadd.scan.msk.f32 $0xffff, v3;
	_ =	sdelay $0x7  }
0x58f: {  	s22 =	sadd.s32 $0x1, s22;
	s5 =	sadd.s32 $0x40, s5;
	s7 =	sadd.s32 $0x40, s7  }
0x590: {  	s21 =	sadd.s32 $0x2, s21;
	p0 =	sne.s32 s18, $0x12C;
	s30 =	sadd.s32 $0x13, s18  }
.Ltmp6:
0x591: {  	s20 =	sadd.s32 $0x4, s20;
	s0 =	sand.u32 $0xF, s30;
	v3, _, _ =	vpop (xrf2);
	(pc) =	sbr.rel @p0 .LBB2_14-.Ltmp6, $4  }
0x592: {  	s9 =	sadd.s32 $0x1, s9;
	s16 =	sadd.s32 $0x4, s16;
	s17 =	sadd.s32 $0x2, s17;
	v4 =	vmov s0;
	v3 =	vbroadcast v3, $0xF  }
0x593: {  	s10 =	sadd.s32 $0x4, s10;
	s1 =	sadd.s32 $0x1, s1;
	s2 =	sadd.s32 $0x2, s2;
	vm15 =	veq.s32 v4, v1  }
0x594: {  	s15 =	sadd.s32 $0x4, s15;
	s12 =	sadd.s32 $0x1, s12;
	s13 =	sadd.s32 $0x2, s13;
	v7 =	vsel vm15, v3, v7  }
0x595: {  	s18 =	sadd.s32 $0x14, s18;
	s8 =	sadd.s32 $0x14, s8;
	s11 =	sadd.s32 $0x500, s11;
	[tilespmem:s23+$0x0] =	vst v7  }
0x596: {  	s1 =	sshra.s32 s6, $0x2;
	s2 =	sadd.s32 $0x40, s6  }
.LBB2_16:
0x597: {  	p0 =	sne.s32 s2, $0x7C0;
	v2 =	vld [tilespmem:s1+$0x10830];
	_ =	sdelay $0x4  }
0x598: {  	v2 =	vsub.f32 $0.0e+00, v2;
	_ =	sdelay $0x1  }
0x599: {  	v2 =	vmul.f32 $1.442695020e+00, v2;
	_ =	sdelay $0x1  }
0x59a: {  	(erf) = vpow2.f32 v2;
	_ =	sdelay $0x8  }
0x59b: {  	v2 =	vpop (erf)  }
0x59c: {  	v2 =	vadd.f32 $1.000000000e+00, v2;
	_ =	sdelay $0x1  }
0x59d: {  	(erf) = vrcp.f32 v2;
	_ =	sdelay $0x5  }
.Ltmp7:
0x59e: {  	(pc) =	sbr.rel @p0 .LBB2_16-.Ltmp7, $3  }
0x59f: {  	_ =	sdelay $0x1  }
0x5a0: {  	v2 =	vpop (erf)  }
0x5a1: {  	[tilespmem:s1+$0x10830] =	vst v2;
	s1 =	sshra.s32 s2, $0x2;
	s2 =	sadd.s32 $0x40, s2  }
0x5a2: {  	v2 =	vld [tilespmem:s1+$0x10830];
	_ =	sdelay $0x4  }
0x5a3: {  	v2 =	vsub.f32 $0.0e+00, v2;
	_ =	sdelay $0x1  }
0x5a4: {  	v2 =	vmul.f32 $1.442695020e+00, v2;
	_ =	sdelay $0x1  }
0x5a5: {  	(erf) = vpow2.f32 v2;
	_ =	sdelay $0x8  }
0x5a6: {  	v2 =	vpop (erf)  }
0x5a7: {  	v2 =	vadd.f32 $1.000000000e+00, v2;
	_ =	sdelay $0x1  }
0x5a8: {  	(erf) = vrcp.f32 v2;
	_ =	sdelay $0x8  }
0x5a9: {  	v2 =	vpop (erf)  }
0x5aa: {  	s2 =	simm.s32 $0x40;
	s11 =	simm.s32 $0x0;
	[tilespmem:s1+$0x10830] =	vst v2;
	s1 =	simm.s32 $0x0  }
.LBB2_18:
0x5ab: {  	p0 =	sne.s32 s2, $0x9FC0;
	v2 =	vld [tilespmem:s1+$0x10A30];
	_ =	sdelay $0x4  }
0x5ac: {  	v2 =	vmul.f32 $1.442695020e+00, v2;
	_ =	sdelay $0x1  }
0x5ad: {  	(erf) = vpow2.f32 v2;
	_ =	sdelay $0x8  }
0x5ae: {  	v2 =	vpop (erf)  }
0x5af: {  	v2 =	vadd.f32 $1.000000000e+00, v2;
	_ =	sdelay $0x1  }
0x5b0: {  	(erf) = vrcp.f32 v2;
	_ =	sdelay $0x5  }
.Ltmp8:
0x5b1: {  	(pc) =	sbr.rel @p0 .LBB2_18-.Ltmp8, $3  }
0x5b2: {  	_ =	sdelay $0x1  }
0x5b3: {  	v2 =	vpop (erf)  }
0x5b4: {  	[tilespmem:s1+$0x10A30] =	vst v2;
	s1 =	sshra.s32 s2, $0x2;
	s2 =	sadd.s32 $0x40, s2  }
0x5b5: {  	v2 =	vld [tilespmem:s1+$0x10A30];
	_ =	sdelay $0x4  }
0x5b6: {  	v2 =	vmul.f32 $1.442695020e+00, v2;
	_ =	sdelay $0x1  }
0x5b7: {  	(erf) = vpow2.f32 v2;
	_ =	sdelay $0x8  }
0x5b8: {  	v2 =	vpop (erf)  }
0x5b9: {  	v2 =	vadd.f32 $1.000000000e+00, v2;
	_ =	sdelay $0x1  }
0x5ba: {  	(erf) = vrcp.f32 v2;
	_ =	sdelay $0x8  }
0x5bb: {  	v2 =	vpop (erf)  }
0x5bc: {  	s0 =	rddreg [dreg:$0xa];
	s26 =	simm.s32 $0x10830;
	[tilespmem:s1+$0x10A30] =	vst v2;
	s1 =	simm.s32 $0x3  }
0x5bd: {  	[hbm4b:s0+s11] =	stream.linear.scatter [tilespmem:s26], [sflag:$0x3], $0x200, $0x38;
	[tilespmem:$0x13230] =	vst v63  }
0x5be: {  	_ =	swait.ge [sflag:s1], $0x200  }
0x5bf: {  	[sflag:s1] =	ssyncset.done $0x0  }
0x5c0: {  	s2 =	simm.s32 $0x10A30;
	s28 =	rddreg [dreg:$0xb];
	[sflag:s1] =	ssyncadd.s32 $0xFFFFFE00  }
0x5c1: {  	[hbm4b:s28+s11] =	stream.linear.scatter [tilespmem:s2], [sflag:$0x3], $0x2800, $0x38;
	[tilespmem:$0x13230] =	vst v63  }
0x5c2: {  	_ =	swait.ge [sflag:s1], $0x2800  }
0x5c3: {  	s29 =	rddreg [dreg:$0xd]  }
0x5c4: {  	s30 =	rddreg [dreg:$0xc];
	s2 =	sadd.s32 $0x1, s29  }
0x5c5: {  	p0 =	sne.s32 s2, s30  }
.Ltmp9:
0x5c6: {  	_ = 	snop;
	(pc) =	sbr.rel @p0 .LBB2_1-.Ltmp9, $3  }
0x5c7: {  	_ =	sdelay $0x1  }
0x5c8: {  	[sflag:s1] =	ssyncset.done $0x0  }
0x5c9: {  	[sflag:s1] =	ssyncadd.s32 $0xFFFFD800  }
0x5ca: {  	_ =	sfence.sel $0x180000  }
0x5cb: {  	[bflag:$0x0] =	sbarrier.arrive $0xFFFF  }
0x5cc: {  	_ =	strace $0x90000047  }
0x5cd: {  	s0 =	stileid.u32;
	[bflag:$0x2] =	sbarrier.arrive $0xFFFF  }
0x5ce: {  	p0 =	sne.s32 s0, $0x0;
	s0 =	rddreg [dreg:$0x5]  }
0x5cf: {  	s0 =	sadd.s32 @!p0 $0x100000, s0  }
0x5d0: {  	[sflag:s0] =	ssyncadd.tile.s32 @!p0 $0x1;
	_ =	shalt  }
.Lfunc_end2:
_tile_overlayer_lowered:
.L_overlay_start_2:
0x5d1: {  	(tag) =	ssettag $0x2  }
0x5d2: {  	s0 =	rddreg [dreg:$0x0];
	s2 =	stileid.u32  }
0x5d3: {  	s1 =	rddreg [dreg:$0x1];
	p0 =	sne.s32 s2, $0x0  }
0x5d4: {  	s3 =	rddreg [dreg:$0x2];
	[bflag:$0x3] =	sbarrier.arrive $0xFFFF;
	s2 =	simm.s32 @!p0 $0x1C03  }
0x5d5: {  	[timem:s3], [sflag:s2] =	dma.local @!p0 [hbm:s0], s1  }
0x5d6: {  	s0 =	simm.s32 @!p0 $0x3  }
0x5d7: {  	_ =	swait.ge @!p0 [sflag:s0], s1  }
0x5d8: {  	s1 =	ssub.s32 @!p0 $0x0, s1;
	[sflag:s0] =	ssyncset.done @!p0 $0x0  }
0x5d9: {  	[sflag:s0] =	ssyncadd.s32 @!p0 s1  }
0x5da: {  	[bflag:$0x3] =	sbarrier.arrive $0xFFFF  }
0x5db: {  	_ =	shalt  }

</sc_bundles>
